<compile_context>
chip_gen: v7x
topology: tpu7x:2x2x1
jax: 0.10.2.dev20260603
libtpu: 0.0.44.dev20260713+nightly
codegen_flags: <defaults>
</compile_context>

<pallas_src>
import functools

import jax
import jax.numpy as jnp
from jax import lax
from jax.experimental import pallas as pl
from jax.experimental.pallas import tpu as pltpu
from jax.experimental.pallas import tpu_sc as plsc

V = 1_000_000
B = 16384
L = 50
D = 64
LANES = 16
NC = 2
NS = 16
NW = NC * NS

COLS = 128
FLAT = COLS * D
VFULL = (V // COLS) * COLS
NGRP = VFULL // COLS
NITER = 246
VTAIL = V - VFULL

BPW = B // NW
GB = 8
GPI = GB * L
NG = BPW // GB

_mesh = plsc.VectorSubcoreMesh(core_axis_name="c", subcore_axis_name="s")


@functools.partial(
    pl.kernel,
    mesh=_mesh,
    out_type=jax.ShapeDtypeStruct((V * D,), jnp.float32),
    scratch_types=[
        pltpu.VMEM((D, COLS), jnp.float32),
        pltpu.VMEM((D, COLS), jnp.float32),
        pltpu.VMEM((FLAT,), jnp.float32),
        pltpu.VMEM((FLAT,), jnp.float32),
        pltpu.SemaphoreType.DMA,
        pltpu.SemaphoreType.DMA,
        pltpu.SemaphoreType.DMA,
        pltpu.SemaphoreType.DMA,
    ],
    compiler_params=pltpu.CompilerParams(
        use_tc_tiling_on_sc=True, needs_layout_passes=False),
)
def _relayout(tt_hbm, tail_hbm, out_hbm, in0, in1, fb0, fb1, si0, si1, so0, so1):
    wid = lax.axis_index("s") * NC + lax.axis_index("c")

    def grp(k):
        return jnp.minimum(wid + k * NW, NGRP - 1)

    def in_copy(g, buf, sem):
        return pltpu.make_async_copy(
            tt_hbm.at[:, pl.ds(g * COLS, COLS)], buf, sem)

    def out_copy(g, fb, sem):
        return pltpu.make_async_copy(
            fb, out_hbm.at[pl.ds(g * FLAT, FLAT)], sem)

    iota = lax.iota(jnp.int32, LANES)
    rot = [(iota + d) & (LANES - 1) for d in range(LANES)]
    rot64 = [rot[d] * D + iota for d in range(LANES)]

    def transpose(buf, fb):
        @plsc.parallel_loop(0, (D // LANES) * (COLS // LANES), unroll=4)
        def blk_body(blk):
            r0 = (blk >> 3) << 4
            l0 = (blk & 7) << 4
            row = iota + r0
            sbase = l0 * D + r0
            for d in range(LANES):
                val = plsc.load_gather(buf, [row, rot[d] + l0])
                plsc.store_scatter(fb, [rot64[d] + sbase], val)

    in_copy(grp(0), in0, si0).start()
    in_copy(grp(1), in1, si1).start()

    def body(i, carry):
        k = 2 * i
        g0, g1, g2, g3 = grp(k), grp(k + 1), grp(k + 2), grp(k + 3)
        in_copy(g0, in0, si0).wait()

        @pl.when(k >= 2)
        def _():
            out_copy(grp(k - 2), fb0, so0).wait()
        transpose(in0, fb0)
        out_copy(g0, fb0, so0).start()

        @pl.when(k + 2 < NITER)
        def _():
            in_copy(g2, in0, si0).start()
        in_copy(g1, in1, si1).wait()

        @pl.when(k >= 2)
        def _():
            out_copy(grp(k - 1), fb1, so1).wait()
        transpose(in1, fb1)
        out_copy(g1, fb1, so1).start()

        @pl.when(k + 3 < NITER)
        def _():
            in_copy(g3, in1, si1).start()
        return carry

    lax.fori_loop(0, NITER // 2, body, 0)
    out_copy(grp(NITER - 2), fb0, so0).wait()
    out_copy(grp(NITER - 1), fb1, so1).wait()

    @pl.when(wid == NW - 1)
    def _():
        pltpu.sync_copy(tail_hbm, fb0.at[pl.ds(0, VTAIL * D)])
        pltpu.sync_copy(fb0.at[pl.ds(0, VTAIL * D)],
                        out_hbm.at[pl.ds(VFULL * D, VTAIL * D)])


@functools.partial(
    pl.kernel,
    mesh=_mesh,
    out_type=jax.ShapeDtypeStruct((B, D), jnp.float32),
    scratch_types=[
        pltpu.VMEM((BPW * L,), jnp.int32),
        pltpu.VMEM((GPI, D), jnp.float32),
        pltpu.VMEM((GPI, D), jnp.float32),
        pltpu.VMEM((GB, D), jnp.float32),
        pltpu.VMEM((GB, D), jnp.float32),
        pltpu.SemaphoreType.DMA,
        pltpu.SemaphoreType.DMA,
        pltpu.SemaphoreType.DMA,
        pltpu.SemaphoreType.DMA,
    ],
    compiler_params=pltpu.CompilerParams(use_tc_tiling_on_sc=False),
)
def _gather_sum(qf_hbm, table_hbm, tok_hbm, out_hbm, idx_v, rows0, rows1,
                stage0, stage1, sem0, sem1, semo0, semo1):
    del tok_hbm
    wid = lax.axis_index("s") * NC + lax.axis_index("c")
    base = wid * BPW
    NCOL = D // LANES

    pltpu.sync_copy(qf_hbm.at[pl.ds(base * L, BPW * L)], idx_v)

    def gather(g, buf, sem):
        return pltpu.make_async_copy(
            table_hbm.at[idx_v.at[pl.ds(g * GPI, GPI)]], buf, sem)

    def out_copy(g, stg, sem):
        return pltpu.make_async_copy(
            stg, out_hbm.at[pl.ds(base + g * GB, GB)], sem)

    def compute(g, buf, stg, semo):
        @pl.when(g >= 2)
        def _():
            out_copy(g - 2, stg, semo).wait()

        def body(l, accs):
            new = []
            for j in range(GB):
                r = j * L + l
                for c in range(NCOL):
                    new.append(accs[j * NCOL + c]
                               + buf[r, pl.ds(c * LANES, LANES)])
            return tuple(new)

        accs = lax.fori_loop(
            0, L, body,
            tuple(jnp.zeros((LANES,), jnp.float32)
                  for _ in range(GB * NCOL)))
        for j in range(GB):
            for c in range(NCOL):
                stg[j, pl.ds(c * LANES, LANES)] = accs[j * NCOL + c]
        out_copy(g, stg, semo).start()

    gather(0, rows0, sem0).start()

    def body(i, carry):
        g = 2 * i
        gather(g + 1, rows1, sem1).start()
        gather(g, rows0, sem0).wait()
        compute(g, rows0, stage0, semo0)

        @pl.when(g + 2 < NG)
        def _():
            gather(g + 2, rows0, sem0).start()

        gather(g + 1, rows1, sem1).wait()
        compute(g + 1, rows1, stage1, semo1)
        return carry

    lax.fori_loop(0, NG // 2, body, 0)

    out_copy(NG - 2, stage0, semo0).wait()
    out_copy(NG - 1, stage1, semo1).wait()


def _fence_body(x_ref, o_ref):
    o_ref[...] = x_ref[...]


def _fence(tl):
    return pl.pallas_call(
        _fence_body,
        grid=(1,),
        in_specs=[pl.BlockSpec((1024,), lambda i: (0,))],
        out_specs=pl.BlockSpec((1024,), lambda i: (0,)),
        out_shape=jax.ShapeDtypeStruct((1024,), jnp.float32),
    )(tl)


def _mm_body(x_ref, w_ref, o_ref):
    o_ref[...] = lax.dot_general(
        x_ref[...], w_ref[...],
        dimension_numbers=(((1,), (1,)), ((), ())),
        preferred_element_type=jnp.float32)


def _linear(x, w):
    return pl.pallas_call(
        _mm_body,
        grid=(8,),
        in_specs=[
            pl.BlockSpec((B // 8, D), lambda i: (i, 0)),
            pl.BlockSpec((D, D), lambda i: (0, 0)),
        ],
        out_specs=pl.BlockSpec((B // 8, D), lambda i: (i, 0)),
        out_shape=jax.ShapeDtypeStruct((B, D), jnp.float32),
    )(x, w)


def kernel(query, table, W):
    qf = jnp.reshape(query.astype(jnp.int32), (B * L,))
    tt = table.T
    tail = table[VFULL:, :].reshape(VTAIL * D)
    tl = _relayout(tt, tail)
    tok = _fence(tl)
    summed = _gather_sum(qf, tl.reshape(V, D), tok)
    return _linear(summed, W)

# --- scband reference (transcript-rebuilt; emitter-appended) ---
"""Pipeline reference for scband-query-encoder-83631603187860 (READ-ONLY COPY).

The authoritative reference and input builder live on the scoring server;
editing this copy changes nothing except your own understanding.
"""

import jax, jax.numpy as jnp
import numpy as np

VOCAB = 1000000
EMBED_DIM = 64
BATCH = 16384
HIST_LEN = 50


def setup_inputs(seed: int = 0) -> dict:
    key = jax.random.key(seed)
    k_idx, k_tab, k_w = jax.random.split(key, 3)
    query = jax.random.randint(k_idx, (BATCH, HIST_LEN), 0, VOCAB, dtype=jnp.int64 if jax.config.jax_enable_x64 else jnp.int32)
    table = jax.random.normal(k_tab, (VOCAB, EMBED_DIM), dtype=jnp.float32)
    # nn.Linear(query_embed_len, query_embed_len, bias=False): weight shape [out, in]
    W = jax.random.normal(k_w, (EMBED_DIM, EMBED_DIM), dtype=jnp.float32) * (1.0 / np.sqrt(EMBED_DIM))
    return {"query": query, "table": table, "W": W}


def reference(query, table, W):
    # embedding lookup: [B, L, D]
    query_tokens = jnp.take(table, query, axis=0)
    # sum over sequence dim (dim=1): [B, D]
    summed = jnp.sum(query_tokens, axis=1)
    # Linear without bias: y = x @ W.T
    out = summed @ W.T
    return out

if __name__ == "__main__":
    import jax
    _d = setup_inputs()
    print(jax.jit(kernel)(*tuple(_d.values())))

</pallas_src>

<mosaic_0001>
#map = affine_map<(d0, d1) -> (0, 0)>
#map1 = affine_map<(d0, d1) -> (0)>
module attributes {stable_mosaic.version = 14 : i64} {
  func.func @_relayout(%arg0: i32, %arg1: i32, %arg2: memref<64x1000000xf32, #tpu.memory_space<hbm>>, %arg3: memref<4096xf32, #tpu.memory_space<hbm>>, %arg4: memref<64000000xf32, #tpu.memory_space<hbm>>, %arg5: memref<64x128xf32, #tpu.memory_space<vmem>>, %arg6: memref<64x128xf32, #tpu.memory_space<vmem>>, %arg7: memref<8192xf32, #tpu.memory_space<vmem>>, %arg8: memref<8192xf32, #tpu.memory_space<vmem>>, %arg9: memref<!tpu.dma_semaphore, #tpu.memory_space<semaphore_mem>>, %arg10: memref<!tpu.dma_semaphore, #tpu.memory_space<semaphore_mem>>, %arg11: memref<!tpu.dma_semaphore, #tpu.memory_space<semaphore_mem>>, %arg12: memref<!tpu.dma_semaphore, #tpu.memory_space<semaphore_mem>>) attributes {dimension_semantics = [#tpu.dimension_semantics<core_parallel>, #tpu.dimension_semantics<subcore_parallel>], iteration_bounds = array<i64: 2, 16>, scalar_prefetch = 0 : i64, scratch_operands = 8 : i64, tpu.core_type = #tpu.core_type<sc_vector_subcore>, window_params = [{transform_indices = #map}, {transform_indices = #map1}, {transform_indices = #map1}]} {
    %mul3A = arith.constant 2 : i32
    %mul3A_0 = arith.muli %arg1, %mul3A : i32
    %add3A = arith.addi %mul3A_0, %arg0 : i32
    %iota3A = tpu.iota {dimensions = array<i32: 0>} : vector<16xi32>
    %add3A_1 = arith.constant 0 : i32
    %add3A_2 = vector.broadcast %add3A_1 : i32 to vector<16xi32>
    %add3A_3 = arith.addi %iota3A, %add3A_2 : vector<16xi32>
    %and3A = arith.constant 15 : i32
    %and3A_4 = vector.broadcast %and3A : i32 to vector<16xi32>
    %and3A_5 = arith.andi %add3A_3, %and3A_4 : vector<16xi32>
    %add3A_6 = arith.constant 1 : i32
    %add3A_7 = vector.broadcast %add3A_6 : i32 to vector<16xi32>
    %add3A_8 = arith.addi %iota3A, %add3A_7 : vector<16xi32>
    %and3A_9 = arith.constant 15 : i32
    %and3A_10 = vector.broadcast %and3A_9 : i32 to vector<16xi32>
    %and3A_11 = arith.andi %add3A_8, %and3A_10 : vector<16xi32>
    %add3A_12 = arith.constant 2 : i32
    %add3A_13 = vector.broadcast %add3A_12 : i32 to vector<16xi32>
    %add3A_14 = arith.addi %iota3A, %add3A_13 : vector<16xi32>
    %and3A_15 = arith.constant 15 : i32
    %and3A_16 = vector.broadcast %and3A_15 : i32 to vector<16xi32>
    %and3A_17 = arith.andi %add3A_14, %and3A_16 : vector<16xi32>
    %add3A_18 = arith.constant 3 : i32
    %add3A_19 = vector.broadcast %add3A_18 : i32 to vector<16xi32>
    %add3A_20 = arith.addi %iota3A, %add3A_19 : vector<16xi32>
    %and3A_21 = arith.constant 15 : i32
    %and3A_22 = vector.broadcast %and3A_21 : i32 to vector<16xi32>
    %and3A_23 = arith.andi %add3A_20, %and3A_22 : vector<16xi32>
    %add3A_24 = arith.constant 4 : i32
    %add3A_25 = vector.broadcast %add3A_24 : i32 to vector<16xi32>
    %add3A_26 = arith.addi %iota3A, %add3A_25 : vector<16xi32>
    %and3A_27 = arith.constant 15 : i32
    %and3A_28 = vector.broadcast %and3A_27 : i32 to vector<16xi32>
    %and3A_29 = arith.andi %add3A_26, %and3A_28 : vector<16xi32>
    %add3A_30 = arith.constant 5 : i32
    %add3A_31 = vector.broadcast %add3A_30 : i32 to vector<16xi32>
    %add3A_32 = arith.addi %iota3A, %add3A_31 : vector<16xi32>
    %and3A_33 = arith.constant 15 : i32
    %and3A_34 = vector.broadcast %and3A_33 : i32 to vector<16xi32>
    %and3A_35 = arith.andi %add3A_32, %and3A_34 : vector<16xi32>
    %add3A_36 = arith.constant 6 : i32
    %add3A_37 = vector.broadcast %add3A_36 : i32 to vector<16xi32>
    %add3A_38 = arith.addi %iota3A, %add3A_37 : vector<16xi32>
    %and3A_39 = arith.constant 15 : i32
    %and3A_40 = vector.broadcast %and3A_39 : i32 to vector<16xi32>
    %and3A_41 = arith.andi %add3A_38, %and3A_40 : vector<16xi32>
    %add3A_42 = arith.constant 7 : i32
    %add3A_43 = vector.broadcast %add3A_42 : i32 to vector<16xi32>
    %add3A_44 = arith.addi %iota3A, %add3A_43 : vector<16xi32>
    %and3A_45 = arith.constant 15 : i32
    %and3A_46 = vector.broadcast %and3A_45 : i32 to vector<16xi32>
    %and3A_47 = arith.andi %add3A_44, %and3A_46 : vector<16xi32>
    %add3A_48 = arith.constant 8 : i32
    %add3A_49 = vector.broadcast %add3A_48 : i32 to vector<16xi32>
    %add3A_50 = arith.addi %iota3A, %add3A_49 : vector<16xi32>
    %and3A_51 = arith.constant 15 : i32
    %and3A_52 = vector.broadcast %and3A_51 : i32 to vector<16xi32>
    %and3A_53 = arith.andi %add3A_50, %and3A_52 : vector<16xi32>
    %add3A_54 = arith.constant 9 : i32
    %add3A_55 = vector.broadcast %add3A_54 : i32 to vector<16xi32>
    %add3A_56 = arith.addi %iota3A, %add3A_55 : vector<16xi32>
    %and3A_57 = arith.constant 15 : i32
    %and3A_58 = vector.broadcast %and3A_57 : i32 to vector<16xi32>
    %and3A_59 = arith.andi %add3A_56, %and3A_58 : vector<16xi32>
    %add3A_60 = arith.constant 10 : i32
    %add3A_61 = vector.broadcast %add3A_60 : i32 to vector<16xi32>
    %add3A_62 = arith.addi %iota3A, %add3A_61 : vector<16xi32>
    %and3A_63 = arith.constant 15 : i32
    %and3A_64 = vector.broadcast %and3A_63 : i32 to vector<16xi32>
    %and3A_65 = arith.andi %add3A_62, %and3A_64 : vector<16xi32>
    %add3A_66 = arith.constant 11 : i32
    %add3A_67 = vector.broadcast %add3A_66 : i32 to vector<16xi32>
    %add3A_68 = arith.addi %iota3A, %add3A_67 : vector<16xi32>
    %and3A_69 = arith.constant 15 : i32
    %and3A_70 = vector.broadcast %and3A_69 : i32 to vector<16xi32>
    %and3A_71 = arith.andi %add3A_68, %and3A_70 : vector<16xi32>
    %add3A_72 = arith.constant 12 : i32
    %add3A_73 = vector.broadcast %add3A_72 : i32 to vector<16xi32>
    %add3A_74 = arith.addi %iota3A, %add3A_73 : vector<16xi32>
    %and3A_75 = arith.constant 15 : i32
    %and3A_76 = vector.broadcast %and3A_75 : i32 to vector<16xi32>
    %and3A_77 = arith.andi %add3A_74, %and3A_76 : vector<16xi32>
    %add3A_78 = arith.constant 13 : i32
    %add3A_79 = vector.broadcast %add3A_78 : i32 to vector<16xi32>
    %add3A_80 = arith.addi %iota3A, %add3A_79 : vector<16xi32>
    %and3A_81 = arith.constant 15 : i32
    %and3A_82 = vector.broadcast %and3A_81 : i32 to vector<16xi32>
    %and3A_83 = arith.andi %add3A_80, %and3A_82 : vector<16xi32>
    %add3A_84 = arith.constant 14 : i32
    %add3A_85 = vector.broadcast %add3A_84 : i32 to vector<16xi32>
    %add3A_86 = arith.addi %iota3A, %add3A_85 : vector<16xi32>
    %and3A_87 = arith.constant 15 : i32
    %and3A_88 = vector.broadcast %and3A_87 : i32 to vector<16xi32>
    %and3A_89 = arith.andi %add3A_86, %and3A_88 : vector<16xi32>
    %add3A_90 = arith.constant 15 : i32
    %add3A_91 = vector.broadcast %add3A_90 : i32 to vector<16xi32>
    %add3A_92 = arith.addi %iota3A, %add3A_91 : vector<16xi32>
    %and3A_93 = arith.constant 15 : i32
    %and3A_94 = vector.broadcast %and3A_93 : i32 to vector<16xi32>
    %and3A_95 = arith.andi %add3A_92, %and3A_94 : vector<16xi32>
    %mul3A_96 = arith.constant 64 : i32
    %mul3A_97 = vector.broadcast %mul3A_96 : i32 to vector<16xi32>
    %mul3A_98 = arith.muli %and3A_5, %mul3A_97 : vector<16xi32>
    %add3A_99 = arith.addi %mul3A_98, %iota3A : vector<16xi32>
    %mul3A_100 = arith.constant 64 : i32
    %mul3A_101 = vector.broadcast %mul3A_100 : i32 to vector<16xi32>
    %mul3A_102 = arith.muli %and3A_11, %mul3A_101 : vector<16xi32>
    %add3A_103 = arith.addi %mul3A_102, %iota3A : vector<16xi32>
    %mul3A_104 = arith.constant 64 : i32
    %mul3A_105 = vector.broadcast %mul3A_104 : i32 to vector<16xi32>
    %mul3A_106 = arith.muli %and3A_17, %mul3A_105 : vector<16xi32>
    %add3A_107 = arith.addi %mul3A_106, %iota3A : vector<16xi32>
    %mul3A_108 = arith.constant 64 : i32
    %mul3A_109 = vector.broadcast %mul3A_108 : i32 to vector<16xi32>
    %mul3A_110 = arith.muli %and3A_23, %mul3A_109 : vector<16xi32>
    %add3A_111 = arith.addi %mul3A_110, %iota3A : vector<16xi32>
    %mul3A_112 = arith.constant 64 : i32
    %mul3A_113 = vector.broadcast %mul3A_112 : i32 to vector<16xi32>
    %mul3A_114 = arith.muli %and3A_29, %mul3A_113 : vector<16xi32>
    %add3A_115 = arith.addi %mul3A_114, %iota3A : vector<16xi32>
    %mul3A_116 = arith.constant 64 : i32
    %mul3A_117 = vector.broadcast %mul3A_116 : i32 to vector<16xi32>
    %mul3A_118 = arith.muli %and3A_35, %mul3A_117 : vector<16xi32>
    %add3A_119 = arith.addi %mul3A_118, %iota3A : vector<16xi32>
    %mul3A_120 = arith.constant 64 : i32
    %mul3A_121 = vector.broadcast %mul3A_120 : i32 to vector<16xi32>
    %mul3A_122 = arith.muli %and3A_41, %mul3A_121 : vector<16xi32>
    %add3A_123 = arith.addi %mul3A_122, %iota3A : vector<16xi32>
    %mul3A_124 = arith.constant 64 : i32
    %mul3A_125 = vector.broadcast %mul3A_124 : i32 to vector<16xi32>
    %mul3A_126 = arith.muli %and3A_47, %mul3A_125 : vector<16xi32>
    %add3A_127 = arith.addi %mul3A_126, %iota3A : vector<16xi32>
    %mul3A_128 = arith.constant 64 : i32
    %mul3A_129 = vector.broadcast %mul3A_128 : i32 to vector<16xi32>
    %mul3A_130 = arith.muli %and3A_53, %mul3A_129 : vector<16xi32>
    %add3A_131 = arith.addi %mul3A_130, %iota3A : vector<16xi32>
    %mul3A_132 = arith.constant 64 : i32
    %mul3A_133 = vector.broadcast %mul3A_132 : i32 to vector<16xi32>
    %mul3A_134 = arith.muli %and3A_59, %mul3A_133 : vector<16xi32>
    %add3A_135 = arith.addi %mul3A_134, %iota3A : vector<16xi32>
    %mul3A_136 = arith.constant 64 : i32
    %mul3A_137 = vector.broadcast %mul3A_136 : i32 to vector<16xi32>
    %mul3A_138 = arith.muli %and3A_65, %mul3A_137 : vector<16xi32>
    %add3A_139 = arith.addi %mul3A_138, %iota3A : vector<16xi32>
    %mul3A_140 = arith.constant 64 : i32
    %mul3A_141 = vector.broadcast %mul3A_140 : i32 to vector<16xi32>
    %mul3A_142 = arith.muli %and3A_71, %mul3A_141 : vector<16xi32>
    %add3A_143 = arith.addi %mul3A_142, %iota3A : vector<16xi32>
    %mul3A_144 = arith.constant 64 : i32
    %mul3A_145 = vector.broadcast %mul3A_144 : i32 to vector<16xi32>
    %mul3A_146 = arith.muli %and3A_77, %mul3A_145 : vector<16xi32>
    %add3A_147 = arith.addi %mul3A_146, %iota3A : vector<16xi32>
    %mul3A_148 = arith.constant 64 : i32
    %mul3A_149 = vector.broadcast %mul3A_148 : i32 to vector<16xi32>
    %mul3A_150 = arith.muli %and3A_83, %mul3A_149 : vector<16xi32>
    %add3A_151 = arith.addi %mul3A_150, %iota3A : vector<16xi32>
    %mul3A_152 = arith.constant 64 : i32
    %mul3A_153 = vector.broadcast %mul3A_152 : i32 to vector<16xi32>
    %mul3A_154 = arith.muli %and3A_89, %mul3A_153 : vector<16xi32>
    %add3A_155 = arith.addi %mul3A_154, %iota3A : vector<16xi32>
    %mul3A_156 = arith.constant 64 : i32
    %mul3A_157 = vector.broadcast %mul3A_156 : i32 to vector<16xi32>
    %mul3A_158 = arith.muli %and3A_95, %mul3A_157 : vector<16xi32>
    %add3A_159 = arith.addi %mul3A_158, %iota3A : vector<16xi32>
    %add3A_160 = arith.constant 0 : i32
    %add3A_161 = arith.addi %add3A, %add3A_160 : i32
    %min3A = arith.constant 7811 : i32
    %min3A_162 = arith.minsi %add3A_161, %min3A : i32
    %mul3A_163 = arith.constant 128 : i32
    %mul3A_164 = arith.muli %min3A_162, %mul3A_163 : i32
    %dma_start3A = arith.constant 0 : i32
    %dma_start3A_165 = tpu.memref_slice %arg2[%dma_start3A, %mul3A_164] : memref<64x1000000xf32, #tpu.memory_space<hbm>> -> memref<64x128xf32, #tpu.memory_space<hbm>>
    %dma_start3A_166 = arith.constant 0 : i32
    %dma_start3A_167 = tpu.memref_slice %arg2[%dma_start3A_166, %mul3A_164] : memref<64x1000000xf32, #tpu.memory_space<hbm>> -> memref<64x128xf32, #tpu.memory_space<hbm>>
    tpu.enqueue_dma source(%dma_start3A_167 : memref<64x128xf32, #tpu.memory_space<hbm>>) target(%arg5 : memref<64x128xf32, #tpu.memory_space<vmem>>) target_semaphore(%arg9 : memref<!tpu.dma_semaphore, #tpu.memory_space<semaphore_mem>>)
    %add3A_168 = arith.constant 32 : i32
    %add3A_169 = arith.addi %add3A, %add3A_168 : i32
    %min3A_170 = arith.constant 7811 : i32
    %min3A_171 = arith.minsi %add3A_169, %min3A_170 : i32
    %mul3A_172 = arith.constant 128 : i32
    %mul3A_173 = arith.muli %min3A_171, %mul3A_172 : i32
    %dma_start3A_174 = arith.constant 0 : i32
    %dma_start3A_175 = tpu.memref_slice %arg2[%dma_start3A_174, %mul3A_173] : memref<64x1000000xf32, #tpu.memory_space<hbm>> -> memref<64x128xf32, #tpu.memory_space<hbm>>
    %dma_start3A_176 = arith.constant 0 : i32
    %dma_start3A_177 = tpu.memref_slice %arg2[%dma_start3A_176, %mul3A_173] : memref<64x1000000xf32, #tpu.memory_space<hbm>> -> memref<64x128xf32, #tpu.memory_space<hbm>>
    tpu.enqueue_dma source(%dma_start3A_177 : memref<64x128xf32, #tpu.memory_space<hbm>>) target(%arg6 : memref<64x128xf32, #tpu.memory_space<vmem>>) target_semaphore(%arg10 : memref<!tpu.dma_semaphore, #tpu.memory_space<semaphore_mem>>)
    %scan3A = arith.constant 0 : i32
    %scan3A_178 = arith.constant 0 : i32
    %scan3A_179 = arith.constant 123 : i32
    %scan3A_180 = arith.addi %scan3A_178, %scan3A_179 : i32
    %scan3A_181 = arith.constant 1 : i32
    scf.for %scan3A_200 = %scan3A_178 to %scan3A_180 step %scan3A_181  : i32 {
      %mul3A_201 = arith.constant 2 : i32
      %mul3A_202 = arith.muli %mul3A_201, %scan3A_200 : i32
      %mul3A_203 = arith.constant 32 : i32
      %mul3A_204 = arith.muli %mul3A_202, %mul3A_203 : i32
      %add3A_205 = arith.addi %add3A, %mul3A_204 : i32
      %min3A_206 = arith.constant 7811 : i32
      %min3A_207 = arith.minsi %add3A_205, %min3A_206 : i32
      %add3A_208 = arith.constant 1 : i32
      %add3A_209 = arith.addi %mul3A_202, %add3A_208 : i32
      %mul3A_210 = arith.constant 32 : i32
      %mul3A_211 = arith.muli %add3A_209, %mul3A_210 : i32
      %add3A_212 = arith.addi %add3A, %mul3A_211 : i32
      %min3A_213 = arith.constant 7811 : i32
      %min3A_214 = arith.minsi %add3A_212, %min3A_213 : i32
      %add3A_215 = arith.constant 2 : i32
      %add3A_216 = arith.addi %mul3A_202, %add3A_215 : i32
      %mul3A_217 = arith.constant 32 : i32
      %mul3A_218 = arith.muli %add3A_216, %mul3A_217 : i32
      %add3A_219 = arith.addi %add3A, %mul3A_218 : i32
      %min3A_220 = arith.constant 7811 : i32
      %min3A_221 = arith.minsi %add3A_219, %min3A_220 : i32
      %add3A_222 = arith.constant 3 : i32
      %add3A_223 = arith.addi %mul3A_202, %add3A_222 : i32
      %mul3A_224 = arith.constant 32 : i32
      %mul3A_225 = arith.muli %add3A_223, %mul3A_224 : i32
      %add3A_226 = arith.addi %add3A, %mul3A_225 : i32
      %min3A_227 = arith.constant 7811 : i32
      %min3A_228 = arith.minsi %add3A_226, %min3A_227 : i32
      %mul3A_229 = arith.constant 128 : i32
      %mul3A_230 = arith.muli %min3A_207, %mul3A_229 : i32
      %dma_wait3A_231 = arith.constant 0 : i32
      %dma_wait3A_232 = tpu.memref_slice %arg2[%dma_wait3A_231, %mul3A_230] : memref<64x1000000xf32, #tpu.memory_space<hbm>> -> memref<64x128xf32, #tpu.memory_space<hbm>>
      %dma_wait3A_233 = arith.constant 0 : i32
      %dma_wait3A_234 = tpu.memref_slice %arg2[%dma_wait3A_233, %mul3A_230] : memref<64x1000000xf32, #tpu.memory_space<hbm>> -> memref<64x128xf32, #tpu.memory_space<hbm>>
      tpu.wait_dma2 semaphore(%arg9 : memref<!tpu.dma_semaphore, #tpu.memory_space<semaphore_mem>>) src(%dma_wait3A_234 : memref<64x128xf32, #tpu.memory_space<hbm>>) dst(%arg5 : memref<64x128xf32, #tpu.memory_space<vmem>>)
      %ge3A = arith.constant 2 : i32
      %ge3A_235 = arith.cmpi sge, %mul3A_202, %ge3A : i32
      %convert_element_type3A_236 = arith.extui %ge3A_235 : i1 to i32
      %cond3A_237 = arith.constant 0 : i32
      %cond3A_238 = arith.cmpi ne, %convert_element_type3A_236, %cond3A_237 : i32
      scf.if %cond3A_238 {
        %sub3A = arith.constant 2 : i32
        %sub3A_276 = arith.subi %mul3A_202, %sub3A : i32
        %mul3A_277 = arith.constant 32 : i32
        %mul3A_278 = arith.muli %sub3A_276, %mul3A_277 : i32
        %add3A_279 = arith.addi %add3A, %mul3A_278 : i32
        %min3A_280 = arith.constant 7811 : i32
        %min3A_281 = arith.minsi %add3A_279, %min3A_280 : i32
        %mul3A_282 = arith.constant 8192 : i32
        %mul3A_283 = arith.muli %min3A_281, %mul3A_282 : i32
        %dma_wait3A_284 = tpu.memref_slice %arg4[%mul3A_283] : memref<64000000xf32, #tpu.memory_space<hbm>> -> memref<8192xf32, #tpu.memory_space<hbm>>
        %dma_wait3A_285 = tpu.memref_slice %arg4[%mul3A_283] : memref<64000000xf32, #tpu.memory_space<hbm>> -> memref<8192xf32, #tpu.memory_space<hbm>>
        tpu.wait_dma2 semaphore(%arg11 : memref<!tpu.dma_semaphore, #tpu.memory_space<semaphore_mem>>) src(%arg7 : memref<8192xf32, #tpu.memory_space<vmem>>) dst(%dma_wait3A_285 : memref<8192xf32, #tpu.memory_space<hbm>>)
      } else {
      }
      %parallel_loop3A = arith.constant 0 : i32
      %parallel_loop3A_239 = arith.constant 32 : i32
      %parallel_loop3A_240 = arith.constant 1 : i32
      scf.for %parallel_loop3A_276 = %parallel_loop3A to %parallel_loop3A_239 step %parallel_loop3A_240  : i32 {
        %parallel_loop3A_277 = arith.constant 3 : i32
        %parallel_loop3A_278 = arith.shrsi %parallel_loop3A_276, %parallel_loop3A_277 : i32
        %parallel_loop3A_279 = arith.constant 4 : i32
        %parallel_loop3A_280 = arith.shli %parallel_loop3A_278, %parallel_loop3A_279 : i32
        %parallel_loop3A_281 = arith.constant 7 : i32
        %parallel_loop3A_282 = arith.andi %parallel_loop3A_276, %parallel_loop3A_281 : i32
        %parallel_loop3A_283 = arith.constant 4 : i32
        %parallel_loop3A_284 = arith.shli %parallel_loop3A_282, %parallel_loop3A_283 : i32
        %parallel_loop3A_285 = vector.broadcast %parallel_loop3A_280 : i32 to vector<16xi32>
        %parallel_loop3A_286 = arith.addi %iota3A, %parallel_loop3A_285 : vector<16xi32>
        %parallel_loop3A_287 = arith.constant 64 : i32
        %parallel_loop3A_288 = arith.muli %parallel_loop3A_284, %parallel_loop3A_287 : i32
        %parallel_loop3A_289 = arith.addi %parallel_loop3A_288, %parallel_loop3A_280 : i32
        %parallel_loop3A_290 = vector.broadcast %parallel_loop3A_284 : i32 to vector<16xi32>
        %parallel_loop3A_291 = arith.addi %and3A_5, %parallel_loop3A_290 : vector<16xi32>
        %parallel_loop3A_292 = tpu.vector_load_idx %arg5[%parallel_loop3A_286, %parallel_loop3A_291] : memref<64x128xf32, #tpu.memory_space<vmem>>[vector<16xi32>, vector<16xi32>], vector<16xf32>,
        %parallel_loop3A_293 = vector.broadcast %parallel_loop3A_289 : i32 to vector<16xi32>
        %parallel_loop3A_294 = arith.addi %add3A_99, %parallel_loop3A_293 : vector<16xi32>
        tpu.vector_store_idx %arg7[%parallel_loop3A_294], %parallel_loop3A_292 : memref<8192xf32, #tpu.memory_space<vmem>>[vector<16xi32>], vector<16xf32>,
        %parallel_loop3A_295 = vector.broadcast %parallel_loop3A_284 : i32 to vector<16xi32>
        %parallel_loop3A_296 = arith.addi %and3A_11, %parallel_loop3A_295 : vector<16xi32>
        %parallel_loop3A_297 = tpu.vector_load_idx %arg5[%parallel_loop3A_286, %parallel_loop3A_296] : memref<64x128xf32, #tpu.memory_space<vmem>>[vector<16xi32>, vector<16xi32>], vector<16xf32>,
        %parallel_loop3A_298 = vector.broadcast %parallel_loop3A_289 : i32 to vector<16xi32>
        %parallel_loop3A_299 = arith.addi %add3A_103, %parallel_loop3A_298 : vector<16xi32>
        tpu.vector_store_idx %arg7[%parallel_loop3A_299], %parallel_loop3A_297 : memref<8192xf32, #tpu.memory_space<vmem>>[vector<16xi32>], vector<16xf32>,
        %parallel_loop3A_300 = vector.broadcast %parallel_loop3A_284 : i32 to vector<16xi32>
        %parallel_loop3A_301 = arith.addi %and3A_17, %parallel_loop3A_300 : vector<16xi32>
        %parallel_loop3A_302 = tpu.vector_load_idx %arg5[%parallel_loop3A_286, %parallel_loop3A_301] : memref<64x128xf32, #tpu.memory_space<vmem>>[vector<16xi32>, vector<16xi32>], vector<16xf32>,
        %parallel_loop3A_303 = vector.broadcast %parallel_loop3A_289 : i32 to vector<16xi32>
        %parallel_loop3A_304 = arith.addi %add3A_107, %parallel_loop3A_303 : vector<16xi32>
        tpu.vector_store_idx %arg7[%parallel_loop3A_304], %parallel_loop3A_302 : memref<8192xf32, #tpu.memory_space<vmem>>[vector<16xi32>], vector<16xf32>,
        %parallel_loop3A_305 = vector.broadcast %parallel_loop3A_284 : i32 to vector<16xi32>
        %parallel_loop3A_306 = arith.addi %and3A_23, %parallel_loop3A_305 : vector<16xi32>
        %parallel_loop3A_307 = tpu.vector_load_idx %arg5[%parallel_loop3A_286, %parallel_loop3A_306] : memref<64x128xf32, #tpu.memory_space<vmem>>[vector<16xi32>, vector<16xi32>], vector<16xf32>,
        %parallel_loop3A_308 = vector.broadcast %parallel_loop3A_289 : i32 to vector<16xi32>
        %parallel_loop3A_309 = arith.addi %add3A_111, %parallel_loop3A_308 : vector<16xi32>
        tpu.vector_store_idx %arg7[%parallel_loop3A_309], %parallel_loop3A_307 : memref<8192xf32, #tpu.memory_space<vmem>>[vector<16xi32>], vector<16xf32>,
        %parallel_loop3A_310 = vector.broadcast %parallel_loop3A_284 : i32 to vector<16xi32>
        %parallel_loop3A_311 = arith.addi %and3A_29, %parallel_loop3A_310 : vector<16xi32>
        %parallel_loop3A_312 = tpu.vector_load_idx %arg5[%parallel_loop3A_286, %parallel_loop3A_311] : memref<64x128xf32, #tpu.memory_space<vmem>>[vector<16xi32>, vector<16xi32>], vector<16xf32>,
        %parallel_loop3A_313 = vector.broadcast %parallel_loop3A_289 : i32 to vector<16xi32>
        %parallel_loop3A_314 = arith.addi %add3A_115, %parallel_loop3A_313 : vector<16xi32>
        tpu.vector_store_idx %arg7[%parallel_loop3A_314], %parallel_loop3A_312 : memref<8192xf32, #tpu.memory_space<vmem>>[vector<16xi32>], vector<16xf32>,
        %parallel_loop3A_315 = vector.broadcast %parallel_loop3A_284 : i32 to vector<16xi32>
        %parallel_loop3A_316 = arith.addi %and3A_35, %parallel_loop3A_315 : vector<16xi32>
        %parallel_loop3A_317 = tpu.vector_load_idx %arg5[%parallel_loop3A_286, %parallel_loop3A_316] : memref<64x128xf32, #tpu.memory_space<vmem>>[vector<16xi32>, vector<16xi32>], vector<16xf32>,
        %parallel_loop3A_318 = vector.broadcast %parallel_loop3A_289 : i32 to vector<16xi32>
        %parallel_loop3A_319 = arith.addi %add3A_119, %parallel_loop3A_318 : vector<16xi32>
        tpu.vector_store_idx %arg7[%parallel_loop3A_319], %parallel_loop3A_317 : memref<8192xf32, #tpu.memory_space<vmem>>[vector<16xi32>], vector<16xf32>,
        %parallel_loop3A_320 = vector.broadcast %parallel_loop3A_284 : i32 to vector<16xi32>
        %parallel_loop3A_321 = arith.addi %and3A_41, %parallel_loop3A_320 : vector<16xi32>
        %parallel_loop3A_322 = tpu.vector_load_idx %arg5[%parallel_loop3A_286, %parallel_loop3A_321] : memref<64x128xf32, #tpu.memory_space<vmem>>[vector<16xi32>, vector<16xi32>], vector<16xf32>,
        %parallel_loop3A_323 = vector.broadcast %parallel_loop3A_289 : i32 to vector<16xi32>
        %parallel_loop3A_324 = arith.addi %add3A_123, %parallel_loop3A_323 : vector<16xi32>
        tpu.vector_store_idx %arg7[%parallel_loop3A_324], %parallel_loop3A_322 : memref<8192xf32, #tpu.memory_space<vmem>>[vector<16xi32>], vector<16xf32>,
        %parallel_loop3A_325 = vector.broadcast %parallel_loop3A_284 : i32 to vector<16xi32>
        %parallel_loop3A_326 = arith.addi %and3A_47, %parallel_loop3A_325 : vector<16xi32>
        %parallel_loop3A_327 = tpu.vector_load_idx %arg5[%parallel_loop3A_286, %parallel_loop3A_326] : memref<64x128xf32, #tpu.memory_space<vmem>>[vector<16xi32>, vector<16xi32>], vector<16xf32>,
        %parallel_loop3A_328 = vector.broadcast %parallel_loop3A_289 : i32 to vector<16xi32>
        %parallel_loop3A_329 = arith.addi %add3A_127, %parallel_loop3A_328 : vector<16xi32>
        tpu.vector_store_idx %arg7[%parallel_loop3A_329], %parallel_loop3A_327 : memref<8192xf32, #tpu.memory_space<vmem>>[vector<16xi32>], vector<16xf32>,
        %parallel_loop3A_330 = vector.broadcast %parallel_loop3A_284 : i32 to vector<16xi32>
        %parallel_loop3A_331 = arith.addi %and3A_53, %parallel_loop3A_330 : vector<16xi32>
        %parallel_loop3A_332 = tpu.vector_load_idx %arg5[%parallel_loop3A_286, %parallel_loop3A_331] : memref<64x128xf32, #tpu.memory_space<vmem>>[vector<16xi32>, vector<16xi32>], vector<16xf32>,
        %parallel_loop3A_333 = vector.broadcast %parallel_loop3A_289 : i32 to vector<16xi32>
        %parallel_loop3A_334 = arith.addi %add3A_131, %parallel_loop3A_333 : vector<16xi32>
        tpu.vector_store_idx %arg7[%parallel_loop3A_334], %parallel_loop3A_332 : memref<8192xf32, #tpu.memory_space<vmem>>[vector<16xi32>], vector<16xf32>,
        %parallel_loop3A_335 = vector.broadcast %parallel_loop3A_284 : i32 to vector<16xi32>
        %parallel_loop3A_336 = arith.addi %and3A_59, %parallel_loop3A_335 : vector<16xi32>
        %parallel_loop3A_337 = tpu.vector_load_idx %arg5[%parallel_loop3A_286, %parallel_loop3A_336] : memref<64x128xf32, #tpu.memory_space<vmem>>[vector<16xi32>, vector<16xi32>], vector<16xf32>,
        %parallel_loop3A_338 = vector.broadcast %parallel_loop3A_289 : i32 to vector<16xi32>
        %parallel_loop3A_339 = arith.addi %add3A_135, %parallel_loop3A_338 : vector<16xi32>
        tpu.vector_store_idx %arg7[%parallel_loop3A_339], %parallel_loop3A_337 : memref<8192xf32, #tpu.memory_space<vmem>>[vector<16xi32>], vector<16xf32>,
        %parallel_loop3A_340 = vector.broadcast %parallel_loop3A_284 : i32 to vector<16xi32>
        %parallel_loop3A_341 = arith.addi %and3A_65, %parallel_loop3A_340 : vector<16xi32>
        %parallel_loop3A_342 = tpu.vector_load_idx %arg5[%parallel_loop3A_286, %parallel_loop3A_341] : memref<64x128xf32, #tpu.memory_space<vmem>>[vector<16xi32>, vector<16xi32>], vector<16xf32>,
        %parallel_loop3A_343 = vector.broadcast %parallel_loop3A_289 : i32 to vector<16xi32>
        %parallel_loop3A_344 = arith.addi %add3A_139, %parallel_loop3A_343 : vector<16xi32>
        tpu.vector_store_idx %arg7[%parallel_loop3A_344], %parallel_loop3A_342 : memref<8192xf32, #tpu.memory_space<vmem>>[vector<16xi32>], vector<16xf32>,
        %parallel_loop3A_345 = vector.broadcast %parallel_loop3A_284 : i32 to vector<16xi32>
        %parallel_loop3A_346 = arith.addi %and3A_71, %parallel_loop3A_345 : vector<16xi32>
        %parallel_loop3A_347 = tpu.vector_load_idx %arg5[%parallel_loop3A_286, %parallel_loop3A_346] : memref<64x128xf32, #tpu.memory_space<vmem>>[vector<16xi32>, vector<16xi32>], vector<16xf32>,
        %parallel_loop3A_348 = vector.broadcast %parallel_loop3A_289 : i32 to vector<16xi32>
        %parallel_loop3A_349 = arith.addi %add3A_143, %parallel_loop3A_348 : vector<16xi32>
        tpu.vector_store_idx %arg7[%parallel_loop3A_349], %parallel_loop3A_347 : memref<8192xf32, #tpu.memory_space<vmem>>[vector<16xi32>], vector<16xf32>,
        %parallel_loop3A_350 = vector.broadcast %parallel_loop3A_284 : i32 to vector<16xi32>
        %parallel_loop3A_351 = arith.addi %and3A_77, %parallel_loop3A_350 : vector<16xi32>
        %parallel_loop3A_352 = tpu.vector_load_idx %arg5[%parallel_loop3A_286, %parallel_loop3A_351] : memref<64x128xf32, #tpu.memory_space<vmem>>[vector<16xi32>, vector<16xi32>], vector<16xf32>,
        %parallel_loop3A_353 = vector.broadcast %parallel_loop3A_289 : i32 to vector<16xi32>
        %parallel_loop3A_354 = arith.addi %add3A_147, %parallel_loop3A_353 : vector<16xi32>
        tpu.vector_store_idx %arg7[%parallel_loop3A_354], %parallel_loop3A_352 : memref<8192xf32, #tpu.memory_space<vmem>>[vector<16xi32>], vector<16xf32>,
        %parallel_loop3A_355 = vector.broadcast %parallel_loop3A_284 : i32 to vector<16xi32>
        %parallel_loop3A_356 = arith.addi %and3A_83, %parallel_loop3A_355 : vector<16xi32>
        %parallel_loop3A_357 = tpu.vector_load_idx %arg5[%parallel_loop3A_286, %parallel_loop3A_356] : memref<64x128xf32, #tpu.memory_space<vmem>>[vector<16xi32>, vector<16xi32>], vector<16xf32>,
        %parallel_loop3A_358 = vector.broadcast %parallel_loop3A_289 : i32 to vector<16xi32>
        %parallel_loop3A_359 = arith.addi %add3A_151, %parallel_loop3A_358 : vector<16xi32>
        tpu.vector_store_idx %arg7[%parallel_loop3A_359], %parallel_loop3A_357 : memref<8192xf32, #tpu.memory_space<vmem>>[vector<16xi32>], vector<16xf32>,
        %parallel_loop3A_360 = vector.broadcast %parallel_loop3A_284 : i32 to vector<16xi32>
        %parallel_loop3A_361 = arith.addi %and3A_89, %parallel_loop3A_360 : vector<16xi32>
        %parallel_loop3A_362 = tpu.vector_load_idx %arg5[%parallel_loop3A_286, %parallel_loop3A_361] : memref<64x128xf32, #tpu.memory_space<vmem>>[vector<16xi32>, vector<16xi32>], vector<16xf32>,
        %parallel_loop3A_363 = vector.broadcast %parallel_loop3A_289 : i32 to vector<16xi32>
        %parallel_loop3A_364 = arith.addi %add3A_155, %parallel_loop3A_363 : vector<16xi32>
        tpu.vector_store_idx %arg7[%parallel_loop3A_364], %parallel_loop3A_362 : memref<8192xf32, #tpu.memory_space<vmem>>[vector<16xi32>], vector<16xf32>,
        %parallel_loop3A_365 = vector.broadcast %parallel_loop3A_284 : i32 to vector<16xi32>
        %parallel_loop3A_366 = arith.addi %and3A_95, %parallel_loop3A_365 : vector<16xi32>
        %parallel_loop3A_367 = tpu.vector_load_idx %arg5[%parallel_loop3A_286, %parallel_loop3A_366] : memref<64x128xf32, #tpu.memory_space<vmem>>[vector<16xi32>, vector<16xi32>], vector<16xf32>,
        %parallel_loop3A_368 = vector.broadcast %parallel_loop3A_289 : i32 to vector<16xi32>
        %parallel_loop3A_369 = arith.addi %add3A_159, %parallel_loop3A_368 : vector<16xi32>
        tpu.vector_store_idx %arg7[%parallel_loop3A_369], %parallel_loop3A_367 : memref<8192xf32, #tpu.memory_space<vmem>>[vector<16xi32>], vector<16xf32>,
      } {sc.loop_unroll_factor = 4 : i64, sc.parallel_access}
      %mul3A_241 = arith.constant 8192 : i32
      %mul3A_242 = arith.muli %min3A_207, %mul3A_241 : i32
      %dma_start3A_243 = tpu.memref_slice %arg4[%mul3A_242] : memref<64000000xf32, #tpu.memory_space<hbm>> -> memref<8192xf32, #tpu.memory_space<hbm>>
      %dma_start3A_244 = tpu.memref_slice %arg4[%mul3A_242] : memref<64000000xf32, #tpu.memory_space<hbm>> -> memref<8192xf32, #tpu.memory_space<hbm>>
      tpu.enqueue_dma source(%arg7 : memref<8192xf32, #tpu.memory_space<vmem>>) target(%dma_start3A_244 : memref<8192xf32, #tpu.memory_space<hbm>>) target_semaphore(%arg11 : memref<!tpu.dma_semaphore, #tpu.memory_space<semaphore_mem>>)
      %add3A_245 = arith.constant 2 : i32
      %add3A_246 = arith.addi %mul3A_202, %add3A_245 : i32
      %lt3A = arith.constant 246 : i32
      %lt3A_247 = arith.cmpi slt, %add3A_246, %lt3A : i32
      %convert_element_type3A_248 = arith.extui %lt3A_247 : i1 to i32
      %cond3A_249 = arith.constant 0 : i32
      %cond3A_250 = arith.cmpi ne, %convert_element_type3A_248, %cond3A_249 : i32
      scf.if %cond3A_250 {
        %mul3A_276 = arith.constant 128 : i32
        %mul3A_277 = arith.muli %min3A_221, %mul3A_276 : i32
        %dma_start3A_278 = arith.constant 0 : i32
        %dma_start3A_279 = tpu.memref_slice %arg2[%dma_start3A_278, %mul3A_277] : memref<64x1000000xf32, #tpu.memory_space<hbm>> -> memref<64x128xf32, #tpu.memory_space<hbm>>
        %dma_start3A_280 = arith.constant 0 : i32
        %dma_start3A_281 = tpu.memref_slice %arg2[%dma_start3A_280, %mul3A_277] : memref<64x1000000xf32, #tpu.memory_space<hbm>> -> memref<64x128xf32, #tpu.memory_space<hbm>>
        tpu.enqueue_dma source(%dma_start3A_281 : memref<64x128xf32, #tpu.memory_space<hbm>>) target(%arg5 : memref<64x128xf32, #tpu.memory_space<vmem>>) target_semaphore(%arg9 : memref<!tpu.dma_semaphore, #tpu.memory_space<semaphore_mem>>)
      } else {
      }
      %mul3A_251 = arith.constant 128 : i32
      %mul3A_252 = arith.muli %min3A_214, %mul3A_251 : i32
      %dma_wait3A_253 = arith.constant 0 : i32
      %dma_wait3A_254 = tpu.memref_slice %arg2[%dma_wait3A_253, %mul3A_252] : memref<64x1000000xf32, #tpu.memory_space<hbm>> -> memref<64x128xf32, #tpu.memory_space<hbm>>
      %dma_wait3A_255 = arith.constant 0 : i32
      %dma_wait3A_256 = tpu.memref_slice %arg2[%dma_wait3A_255, %mul3A_252] : memref<64x1000000xf32, #tpu.memory_space<hbm>> -> memref<64x128xf32, #tpu.memory_space<hbm>>
      tpu.wait_dma2 semaphore(%arg10 : memref<!tpu.dma_semaphore, #tpu.memory_space<semaphore_mem>>) src(%dma_wait3A_256 : memref<64x128xf32, #tpu.memory_space<hbm>>) dst(%arg6 : memref<64x128xf32, #tpu.memory_space<vmem>>)
      %ge3A_257 = arith.constant 2 : i32
      %ge3A_258 = arith.cmpi sge, %mul3A_202, %ge3A_257 : i32
      %convert_element_type3A_259 = arith.extui %ge3A_258 : i1 to i32
      %cond3A_260 = arith.constant 0 : i32
      %cond3A_261 = arith.cmpi ne, %convert_element_type3A_259, %cond3A_260 : i32
      scf.if %cond3A_261 {
        %sub3A = arith.constant 1 : i32
        %sub3A_276 = arith.subi %mul3A_202, %sub3A : i32
        %mul3A_277 = arith.constant 32 : i32
        %mul3A_278 = arith.muli %sub3A_276, %mul3A_277 : i32
        %add3A_279 = arith.addi %add3A, %mul3A_278 : i32
        %min3A_280 = arith.constant 7811 : i32
        %min3A_281 = arith.minsi %add3A_279, %min3A_280 : i32
        %mul3A_282 = arith.constant 8192 : i32
        %mul3A_283 = arith.muli %min3A_281, %mul3A_282 : i32
        %dma_wait3A_284 = tpu.memref_slice %arg4[%mul3A_283] : memref<64000000xf32, #tpu.memory_space<hbm>> -> memref<8192xf32, #tpu.memory_space<hbm>>
        %dma_wait3A_285 = tpu.memref_slice %arg4[%mul3A_283] : memref<64000000xf32, #tpu.memory_space<hbm>> -> memref<8192xf32, #tpu.memory_space<hbm>>
        tpu.wait_dma2 semaphore(%arg12 : memref<!tpu.dma_semaphore, #tpu.memory_space<semaphore_mem>>) src(%arg8 : memref<8192xf32, #tpu.memory_space<vmem>>) dst(%dma_wait3A_285 : memref<8192xf32, #tpu.memory_space<hbm>>)
      } else {
      }
      %parallel_loop3A_262 = arith.constant 0 : i32
      %parallel_loop3A_263 = arith.constant 32 : i32
      %parallel_loop3A_264 = arith.constant 1 : i32
      scf.for %parallel_loop3A_276 = %parallel_loop3A_262 to %parallel_loop3A_263 step %parallel_loop3A_264  : i32 {
        %parallel_loop3A_277 = arith.constant 3 : i32
        %parallel_loop3A_278 = arith.shrsi %parallel_loop3A_276, %parallel_loop3A_277 : i32
        %parallel_loop3A_279 = arith.constant 4 : i32
        %parallel_loop3A_280 = arith.shli %parallel_loop3A_278, %parallel_loop3A_279 : i32
        %parallel_loop3A_281 = arith.constant 7 : i32
        %parallel_loop3A_282 = arith.andi %parallel_loop3A_276, %parallel_loop3A_281 : i32
        %parallel_loop3A_283 = arith.constant 4 : i32
        %parallel_loop3A_284 = arith.shli %parallel_loop3A_282, %parallel_loop3A_283 : i32
        %parallel_loop3A_285 = vector.broadcast %parallel_loop3A_280 : i32 to vector<16xi32>
        %parallel_loop3A_286 = arith.addi %iota3A, %parallel_loop3A_285 : vector<16xi32>
        %parallel_loop3A_287 = arith.constant 64 : i32
        %parallel_loop3A_288 = arith.muli %parallel_loop3A_284, %parallel_loop3A_287 : i32
        %parallel_loop3A_289 = arith.addi %parallel_loop3A_288, %parallel_loop3A_280 : i32
        %parallel_loop3A_290 = vector.broadcast %parallel_loop3A_284 : i32 to vector<16xi32>
        %parallel_loop3A_291 = arith.addi %and3A_5, %parallel_loop3A_290 : vector<16xi32>
        %parallel_loop3A_292 = tpu.vector_load_idx %arg6[%parallel_loop3A_286, %parallel_loop3A_291] : memref<64x128xf32, #tpu.memory_space<vmem>>[vector<16xi32>, vector<16xi32>], vector<16xf32>,
        %parallel_loop3A_293 = vector.broadcast %parallel_loop3A_289 : i32 to vector<16xi32>
        %parallel_loop3A_294 = arith.addi %add3A_99, %parallel_loop3A_293 : vector<16xi32>
        tpu.vector_store_idx %arg8[%parallel_loop3A_294], %parallel_loop3A_292 : memref<8192xf32, #tpu.memory_space<vmem>>[vector<16xi32>], vector<16xf32>,
        %parallel_loop3A_295 = vector.broadcast %parallel_loop3A_284 : i32 to vector<16xi32>
        %parallel_loop3A_296 = arith.addi %and3A_11, %parallel_loop3A_295 : vector<16xi32>
        %parallel_loop3A_297 = tpu.vector_load_idx %arg6[%parallel_loop3A_286, %parallel_loop3A_296] : memref<64x128xf32, #tpu.memory_space<vmem>>[vector<16xi32>, vector<16xi32>], vector<16xf32>,
        %parallel_loop3A_298 = vector.broadcast %parallel_loop3A_289 : i32 to vector<16xi32>
        %parallel_loop3A_299 = arith.addi %add3A_103, %parallel_loop3A_298 : vector<16xi32>
        tpu.vector_store_idx %arg8[%parallel_loop3A_299], %parallel_loop3A_297 : memref<8192xf32, #tpu.memory_space<vmem>>[vector<16xi32>], vector<16xf32>,
        %parallel_loop3A_300 = vector.broadcast %parallel_loop3A_284 : i32 to vector<16xi32>
        %parallel_loop3A_301 = arith.addi %and3A_17, %parallel_loop3A_300 : vector<16xi32>
        %parallel_loop3A_302 = tpu.vector_load_idx %arg6[%parallel_loop3A_286, %parallel_loop3A_301] : memref<64x128xf32, #tpu.memory_space<vmem>>[vector<16xi32>, vector<16xi32>], vector<16xf32>,
        %parallel_loop3A_303 = vector.broadcast %parallel_loop3A_289 : i32 to vector<16xi32>
        %parallel_loop3A_304 = arith.addi %add3A_107, %parallel_loop3A_303 : vector<16xi32>
        tpu.vector_store_idx %arg8[%parallel_loop3A_304], %parallel_loop3A_302 : memref<8192xf32, #tpu.memory_space<vmem>>[vector<16xi32>], vector<16xf32>,
        %parallel_loop3A_305 = vector.broadcast %parallel_loop3A_284 : i32 to vector<16xi32>
        %parallel_loop3A_306 = arith.addi %and3A_23, %parallel_loop3A_305 : vector<16xi32>
        %parallel_loop3A_307 = tpu.vector_load_idx %arg6[%parallel_loop3A_286, %parallel_loop3A_306] : memref<64x128xf32, #tpu.memory_space<vmem>>[vector<16xi32>, vector<16xi32>], vector<16xf32>,
        %parallel_loop3A_308 = vector.broadcast %parallel_loop3A_289 : i32 to vector<16xi32>
        %parallel_loop3A_309 = arith.addi %add3A_111, %parallel_loop3A_308 : vector<16xi32>
        tpu.vector_store_idx %arg8[%parallel_loop3A_309], %parallel_loop3A_307 : memref<8192xf32, #tpu.memory_space<vmem>>[vector<16xi32>], vector<16xf32>,
        %parallel_loop3A_310 = vector.broadcast %parallel_loop3A_284 : i32 to vector<16xi32>
        %parallel_loop3A_311 = arith.addi %and3A_29, %parallel_loop3A_310 : vector<16xi32>
        %parallel_loop3A_312 = tpu.vector_load_idx %arg6[%parallel_loop3A_286, %parallel_loop3A_311] : memref<64x128xf32, #tpu.memory_space<vmem>>[vector<16xi32>, vector<16xi32>], vector<16xf32>,
        %parallel_loop3A_313 = vector.broadcast %parallel_loop3A_289 : i32 to vector<16xi32>
        %parallel_loop3A_314 = arith.addi %add3A_115, %parallel_loop3A_313 : vector<16xi32>
        tpu.vector_store_idx %arg8[%parallel_loop3A_314], %parallel_loop3A_312 : memref<8192xf32, #tpu.memory_space<vmem>>[vector<16xi32>], vector<16xf32>,
        %parallel_loop3A_315 = vector.broadcast %parallel_loop3A_284 : i32 to vector<16xi32>
        %parallel_loop3A_316 = arith.addi %and3A_35, %parallel_loop3A_315 : vector<16xi32>
        %parallel_loop3A_317 = tpu.vector_load_idx %arg6[%parallel_loop3A_286, %parallel_loop3A_316] : memref<64x128xf32, #tpu.memory_space<vmem>>[vector<16xi32>, vector<16xi32>], vector<16xf32>,
        %parallel_loop3A_318 = vector.broadcast %parallel_loop3A_289 : i32 to vector<16xi32>
        %parallel_loop3A_319 = arith.addi %add3A_119, %parallel_loop3A_318 : vector<16xi32>
        tpu.vector_store_idx %arg8[%parallel_loop3A_319], %parallel_loop3A_317 : memref<8192xf32, #tpu.memory_space<vmem>>[vector<16xi32>], vector<16xf32>,
        %parallel_loop3A_320 = vector.broadcast %parallel_loop3A_284 : i32 to vector<16xi32>
        %parallel_loop3A_321 = arith.addi %and3A_41, %parallel_loop3A_320 : vector<16xi32>
        %parallel_loop3A_322 = tpu.vector_load_idx %arg6[%parallel_loop3A_286, %parallel_loop3A_321] : memref<64x128xf32, #tpu.memory_space<vmem>>[vector<16xi32>, vector<16xi32>], vector<16xf32>,
        %parallel_loop3A_323 = vector.broadcast %parallel_loop3A_289 : i32 to vector<16xi32>
        %parallel_loop3A_324 = arith.addi %add3A_123, %parallel_loop3A_323 : vector<16xi32>
        tpu.vector_store_idx %arg8[%parallel_loop3A_324], %parallel_loop3A_322 : memref<8192xf32, #tpu.memory_space<vmem>>[vector<16xi32>], vector<16xf32>,
        %parallel_loop3A_325 = vector.broadcast %parallel_loop3A_284 : i32 to vector<16xi32>
        %parallel_loop3A_326 = arith.addi %and3A_47, %parallel_loop3A_325 : vector<16xi32>
        %parallel_loop3A_327 = tpu.vector_load_idx %arg6[%parallel_loop3A_286, %parallel_loop3A_326] : memref<64x128xf32, #tpu.memory_space<vmem>>[vector<16xi32>, vector<16xi32>], vector<16xf32>,
        %parallel_loop3A_328 = vector.broadcast %parallel_loop3A_289 : i32 to vector<16xi32>
        %parallel_loop3A_329 = arith.addi %add3A_127, %parallel_loop3A_328 : vector<16xi32>
        tpu.vector_store_idx %arg8[%parallel_loop3A_329], %parallel_loop3A_327 : memref<8192xf32, #tpu.memory_space<vmem>>[vector<16xi32>], vector<16xf32>,
        %parallel_loop3A_330 = vector.broadcast %parallel_loop3A_284 : i32 to vector<16xi32>
        %parallel_loop3A_331 = arith.addi %and3A_53, %parallel_loop3A_330 : vector<16xi32>
        %parallel_loop3A_332 = tpu.vector_load_idx %arg6[%parallel_loop3A_286, %parallel_loop3A_331] : memref<64x128xf32, #tpu.memory_space<vmem>>[vector<16xi32>, vector<16xi32>], vector<16xf32>,
        %parallel_loop3A_333 = vector.broadcast %parallel_loop3A_289 : i32 to vector<16xi32>
        %parallel_loop3A_334 = arith.addi %add3A_131, %parallel_loop3A_333 : vector<16xi32>
        tpu.vector_store_idx %arg8[%parallel_loop3A_334], %parallel_loop3A_332 : memref<8192xf32, #tpu.memory_space<vmem>>[vector<16xi32>], vector<16xf32>,
        %parallel_loop3A_335 = vector.broadcast %parallel_loop3A_284 : i32 to vector<16xi32>
        %parallel_loop3A_336 = arith.addi %and3A_59, %parallel_loop3A_335 : vector<16xi32>
        %parallel_loop3A_337 = tpu.vector_load_idx %arg6[%parallel_loop3A_286, %parallel_loop3A_336] : memref<64x128xf32, #tpu.memory_space<vmem>>[vector<16xi32>, vector<16xi32>], vector<16xf32>,
        %parallel_loop3A_338 = vector.broadcast %parallel_loop3A_289 : i32 to vector<16xi32>
        %parallel_loop3A_339 = arith.addi %add3A_135, %parallel_loop3A_338 : vector<16xi32>
        tpu.vector_store_idx %arg8[%parallel_loop3A_339], %parallel_loop3A_337 : memref<8192xf32, #tpu.memory_space<vmem>>[vector<16xi32>], vector<16xf32>,
        %parallel_loop3A_340 = vector.broadcast %parallel_loop3A_284 : i32 to vector<16xi32>
        %parallel_loop3A_341 = arith.addi %and3A_65, %parallel_loop3A_340 : vector<16xi32>
        %parallel_loop3A_342 = tpu.vector_load_idx %arg6[%parallel_loop3A_286, %parallel_loop3A_341] : memref<64x128xf32, #tpu.memory_space<vmem>>[vector<16xi32>, vector<16xi32>], vector<16xf32>,
        %parallel_loop3A_343 = vector.broadcast %parallel_loop3A_289 : i32 to vector<16xi32>
        %parallel_loop3A_344 = arith.addi %add3A_139, %parallel_loop3A_343 : vector<16xi32>
        tpu.vector_store_idx %arg8[%parallel_loop3A_344], %parallel_loop3A_342 : memref<8192xf32, #tpu.memory_space<vmem>>[vector<16xi32>], vector<16xf32>,
        %parallel_loop3A_345 = vector.broadcast %parallel_loop3A_284 : i32 to vector<16xi32>
        %parallel_loop3A_346 = arith.addi %and3A_71, %parallel_loop3A_345 : vector<16xi32>
        %parallel_loop3A_347 = tpu.vector_load_idx %arg6[%parallel_loop3A_286, %parallel_loop3A_346] : memref<64x128xf32, #tpu.memory_space<vmem>>[vector<16xi32>, vector<16xi32>], vector<16xf32>,
        %parallel_loop3A_348 = vector.broadcast %parallel_loop3A_289 : i32 to vector<16xi32>
        %parallel_loop3A_349 = arith.addi %add3A_143, %parallel_loop3A_348 : vector<16xi32>
        tpu.vector_store_idx %arg8[%parallel_loop3A_349], %parallel_loop3A_347 : memref<8192xf32, #tpu.memory_space<vmem>>[vector<16xi32>], vector<16xf32>,
        %parallel_loop3A_350 = vector.broadcast %parallel_loop3A_284 : i32 to vector<16xi32>
        %parallel_loop3A_351 = arith.addi %and3A_77, %parallel_loop3A_350 : vector<16xi32>
        %parallel_loop3A_352 = tpu.vector_load_idx %arg6[%parallel_loop3A_286, %parallel_loop3A_351] : memref<64x128xf32, #tpu.memory_space<vmem>>[vector<16xi32>, vector<16xi32>], vector<16xf32>,
        %parallel_loop3A_353 = vector.broadcast %parallel_loop3A_289 : i32 to vector<16xi32>
        %parallel_loop3A_354 = arith.addi %add3A_147, %parallel_loop3A_353 : vector<16xi32>
        tpu.vector_store_idx %arg8[%parallel_loop3A_354], %parallel_loop3A_352 : memref<8192xf32, #tpu.memory_space<vmem>>[vector<16xi32>], vector<16xf32>,
        %parallel_loop3A_355 = vector.broadcast %parallel_loop3A_284 : i32 to vector<16xi32>
        %parallel_loop3A_356 = arith.addi %and3A_83, %parallel_loop3A_355 : vector<16xi32>
        %parallel_loop3A_357 = tpu.vector_load_idx %arg6[%parallel_loop3A_286, %parallel_loop3A_356] : memref<64x128xf32, #tpu.memory_space<vmem>>[vector<16xi32>, vector<16xi32>], vector<16xf32>,
        %parallel_loop3A_358 = vector.broadcast %parallel_loop3A_289 : i32 to vector<16xi32>
        %parallel_loop3A_359 = arith.addi %add3A_151, %parallel_loop3A_358 : vector<16xi32>
        tpu.vector_store_idx %arg8[%parallel_loop3A_359], %parallel_loop3A_357 : memref<8192xf32, #tpu.memory_space<vmem>>[vector<16xi32>], vector<16xf32>,
        %parallel_loop3A_360 = vector.broadcast %parallel_loop3A_284 : i32 to vector<16xi32>
        %parallel_loop3A_361 = arith.addi %and3A_89, %parallel_loop3A_360 : vector<16xi32>
        %parallel_loop3A_362 = tpu.vector_load_idx %arg6[%parallel_loop3A_286, %parallel_loop3A_361] : memref<64x128xf32, #tpu.memory_space<vmem>>[vector<16xi32>, vector<16xi32>], vector<16xf32>,
        %parallel_loop3A_363 = vector.broadcast %parallel_loop3A_289 : i32 to vector<16xi32>
        %parallel_loop3A_364 = arith.addi %add3A_155, %parallel_loop3A_363 : vector<16xi32>
        tpu.vector_store_idx %arg8[%parallel_loop3A_364], %parallel_loop3A_362 : memref<8192xf32, #tpu.memory_space<vmem>>[vector<16xi32>], vector<16xf32>,
        %parallel_loop3A_365 = vector.broadcast %parallel_loop3A_284 : i32 to vector<16xi32>
        %parallel_loop3A_366 = arith.addi %and3A_95, %parallel_loop3A_365 : vector<16xi32>
        %parallel_loop3A_367 = tpu.vector_load_idx %arg6[%parallel_loop3A_286, %parallel_loop3A_366] : memref<64x128xf32, #tpu.memory_space<vmem>>[vector<16xi32>, vector<16xi32>], vector<16xf32>,
        %parallel_loop3A_368 = vector.broadcast %parallel_loop3A_289 : i32 to vector<16xi32>
        %parallel_loop3A_369 = arith.addi %add3A_159, %parallel_loop3A_368 : vector<16xi32>
        tpu.vector_store_idx %arg8[%parallel_loop3A_369], %parallel_loop3A_367 : memref<8192xf32, #tpu.memory_space<vmem>>[vector<16xi32>], vector<16xf32>,
      } {sc.loop_unroll_factor = 4 : i64, sc.parallel_access}
      %mul3A_265 = arith.constant 8192 : i32
      %mul3A_266 = arith.muli %min3A_214, %mul3A_265 : i32
      %dma_start3A_267 = tpu.memref_slice %arg4[%mul3A_266] : memref<64000000xf32, #tpu.memory_space<hbm>> -> memref<8192xf32, #tpu.memory_space<hbm>>
      %dma_start3A_268 = tpu.memref_slice %arg4[%mul3A_266] : memref<64000000xf32, #tpu.memory_space<hbm>> -> memref<8192xf32, #tpu.memory_space<hbm>>
      tpu.enqueue_dma source(%arg8 : memref<8192xf32, #tpu.memory_space<vmem>>) target(%dma_start3A_268 : memref<8192xf32, #tpu.memory_space<hbm>>) target_semaphore(%arg12 : memref<!tpu.dma_semaphore, #tpu.memory_space<semaphore_mem>>)
      %add3A_269 = arith.constant 3 : i32
      %add3A_270 = arith.addi %mul3A_202, %add3A_269 : i32
      %lt3A_271 = arith.constant 246 : i32
      %lt3A_272 = arith.cmpi slt, %add3A_270, %lt3A_271 : i32
      %convert_element_type3A_273 = arith.extui %lt3A_272 : i1 to i32
      %cond3A_274 = arith.constant 0 : i32
      %cond3A_275 = arith.cmpi ne, %convert_element_type3A_273, %cond3A_274 : i32
      scf.if %cond3A_275 {
        %mul3A_276 = arith.constant 128 : i32
        %mul3A_277 = arith.muli %min3A_228, %mul3A_276 : i32
        %dma_start3A_278 = arith.constant 0 : i32
        %dma_start3A_279 = tpu.memref_slice %arg2[%dma_start3A_278, %mul3A_277] : memref<64x1000000xf32, #tpu.memory_space<hbm>> -> memref<64x128xf32, #tpu.memory_space<hbm>>
        %dma_start3A_280 = arith.constant 0 : i32
        %dma_start3A_281 = tpu.memref_slice %arg2[%dma_start3A_280, %mul3A_277] : memref<64x1000000xf32, #tpu.memory_space<hbm>> -> memref<64x128xf32, #tpu.memory_space<hbm>>
        tpu.enqueue_dma source(%dma_start3A_281 : memref<64x128xf32, #tpu.memory_space<hbm>>) target(%arg6 : memref<64x128xf32, #tpu.memory_space<vmem>>) target_semaphore(%arg10 : memref<!tpu.dma_semaphore, #tpu.memory_space<semaphore_mem>>)
      } else {
      }
    }
    %scan3A_182 = arith.constant 123 : i32
    %add3A_183 = arith.constant 7808 : i32
    %add3A_184 = arith.addi %add3A, %add3A_183 : i32
    %min3A_185 = arith.constant 7811 : i32
    %min3A_186 = arith.minsi %add3A_184, %min3A_185 : i32
    %mul3A_187 = arith.constant 8192 : i32
    %mul3A_188 = arith.muli %min3A_186, %mul3A_187 : i32
    %dma_wait3A = tpu.memref_slice %arg4[%mul3A_188] : memref<64000000xf32, #tpu.memory_space<hbm>> -> memref<8192xf32, #tpu.memory_space<hbm>>
    %dma_wait3A_189 = tpu.memref_slice %arg4[%mul3A_188] : memref<64000000xf32, #tpu.memory_space<hbm>> -> memref<8192xf32, #tpu.memory_space<hbm>>
    tpu.wait_dma2 semaphore(%arg11 : memref<!tpu.dma_semaphore, #tpu.memory_space<semaphore_mem>>) src(%arg7 : memref<8192xf32, #tpu.memory_space<vmem>>) dst(%dma_wait3A_189 : memref<8192xf32, #tpu.memory_space<hbm>>)
    %add3A_190 = arith.constant 7840 : i32
    %add3A_191 = arith.addi %add3A, %add3A_190 : i32
    %min3A_192 = arith.constant 7811 : i32
    %min3A_193 = arith.minsi %add3A_191, %min3A_192 : i32
    %mul3A_194 = arith.constant 8192 : i32
    %mul3A_195 = arith.muli %min3A_193, %mul3A_194 : i32
    %dma_wait3A_196 = tpu.memref_slice %arg4[%mul3A_195] : memref<64000000xf32, #tpu.memory_space<hbm>> -> memref<8192xf32, #tpu.memory_space<hbm>>
    %dma_wait3A_197 = tpu.memref_slice %arg4[%mul3A_195] : memref<64000000xf32, #tpu.memory_space<hbm>> -> memref<8192xf32, #tpu.memory_space<hbm>>
    tpu.wait_dma2 semaphore(%arg12 : memref<!tpu.dma_semaphore, #tpu.memory_space<semaphore_mem>>) src(%arg8 : memref<8192xf32, #tpu.memory_space<vmem>>) dst(%dma_wait3A_197 : memref<8192xf32, #tpu.memory_space<hbm>>)
    %eq3A = arith.constant 31 : i32
    %eq3A_198 = arith.cmpi eq, %add3A, %eq3A : i32
    %convert_element_type3A = arith.extui %eq3A_198 : i1 to i32
    %cond3A = arith.constant 0 : i32
    %cond3A_199 = arith.cmpi ne, %convert_element_type3A, %cond3A : i32
    scf.if %cond3A_199 {
      "tpu.region"() ({
        %run_scoped3A = tpu.sem_alloc : memref<!tpu.dma_semaphore, #tpu.memory_space<semaphore_mem>>
        %dma_start3A_200 = arith.constant 0 : i32
        %dma_start3A_201 = tpu.memref_slice %arg7[%dma_start3A_200] : memref<8192xf32, #tpu.memory_space<vmem>> -> memref<4096xf32, #tpu.memory_space<vmem>>
        %dma_start3A_202 = arith.constant 0 : i32
        %dma_start3A_203 = tpu.memref_slice %arg7[%dma_start3A_202] : memref<8192xf32, #tpu.memory_space<vmem>> -> memref<4096xf32, #tpu.memory_space<vmem>>
        tpu.enqueue_dma source(%arg3 : memref<4096xf32, #tpu.memory_space<hbm>>) target(%dma_start3A_203 : memref<4096xf32, #tpu.memory_space<vmem>>) target_semaphore(%run_scoped3A : memref<!tpu.dma_semaphore, #tpu.memory_space<semaphore_mem>>)
        %dma_wait3A_204 = arith.constant 0 : i32
        %dma_wait3A_205 = tpu.memref_slice %arg7[%dma_wait3A_204] : memref<8192xf32, #tpu.memory_space<vmem>> -> memref<4096xf32, #tpu.memory_space<vmem>>
        %dma_wait3A_206 = arith.constant 0 : i32
        %dma_wait3A_207 = tpu.memref_slice %arg7[%dma_wait3A_206] : memref<8192xf32, #tpu.memory_space<vmem>> -> memref<4096xf32, #tpu.memory_space<vmem>>
        tpu.wait_dma2 semaphore(%run_scoped3A : memref<!tpu.dma_semaphore, #tpu.memory_space<semaphore_mem>>) src(%arg3 : memref<4096xf32, #tpu.memory_space<hbm>>) dst(%dma_wait3A_207 : memref<4096xf32, #tpu.memory_space<vmem>>)
        tpu.yield
      }) : () -> ()
      "tpu.region"() ({
        %run_scoped3A = tpu.sem_alloc : memref<!tpu.dma_semaphore, #tpu.memory_space<semaphore_mem>>
        %dma_start3A_200 = arith.constant 0 : i32
        %dma_start3A_201 = tpu.memref_slice %arg7[%dma_start3A_200] : memref<8192xf32, #tpu.memory_space<vmem>> -> memref<4096xf32, #tpu.memory_space<vmem>>
        %dma_start3A_202 = arith.constant 63995904 : i32
        %dma_start3A_203 = tpu.memref_slice %arg4[%dma_start3A_202] : memref<64000000xf32, #tpu.memory_space<hbm>> -> memref<4096xf32, #tpu.memory_space<hbm>>
        %dma_start3A_204 = arith.constant 63995904 : i32
        %dma_start3A_205 = tpu.memref_slice %arg4[%dma_start3A_204] : memref<64000000xf32, #tpu.memory_space<hbm>> -> memref<4096xf32, #tpu.memory_space<hbm>>
        %dma_start3A_206 = arith.constant 0 : i32
        %dma_start3A_207 = tpu.memref_slice %arg7[%dma_start3A_206] : memref<8192xf32, #tpu.memory_space<vmem>> -> memref<4096xf32, #tpu.memory_space<vmem>>
        tpu.enqueue_dma source(%dma_start3A_207 : memref<4096xf32, #tpu.memory_space<vmem>>) target(%dma_start3A_205 : memref<4096xf32, #tpu.memory_space<hbm>>) target_semaphore(%run_scoped3A : memref<!tpu.dma_semaphore, #tpu.memory_space<semaphore_mem>>)
        %dma_wait3A_208 = arith.constant 0 : i32
        %dma_wait3A_209 = tpu.memref_slice %arg7[%dma_wait3A_208] : memref<8192xf32, #tpu.memory_space<vmem>> -> memref<4096xf32, #tpu.memory_space<vmem>>
        %dma_wait3A_210 = arith.constant 63995904 : i32
        %dma_wait3A_211 = tpu.memref_slice %arg4[%dma_wait3A_210] : memref<64000000xf32, #tpu.memory_space<hbm>> -> memref<4096xf32, #tpu.memory_space<hbm>>
        %dma_wait3A_212 = arith.constant 63995904 : i32
        %dma_wait3A_213 = tpu.memref_slice %arg4[%dma_wait3A_212] : memref<64000000xf32, #tpu.memory_space<hbm>> -> memref<4096xf32, #tpu.memory_space<hbm>>
        %dma_wait3A_214 = arith.constant 0 : i32
        %dma_wait3A_215 = tpu.memref_slice %arg7[%dma_wait3A_214] : memref<8192xf32, #tpu.memory_space<vmem>> -> memref<4096xf32, #tpu.memory_space<vmem>>
        tpu.wait_dma2 semaphore(%run_scoped3A : memref<!tpu.dma_semaphore, #tpu.memory_space<semaphore_mem>>) src(%dma_wait3A_215 : memref<4096xf32, #tpu.memory_space<vmem>>) dst(%dma_wait3A_213 : memref<4096xf32, #tpu.memory_space<hbm>>)
        tpu.yield
      }) : () -> ()
    } else {
    }
    return
  }
}

#map = affine_map<(d0, d1) -> (0)>
#map1 = affine_map<(d0, d1) -> (0, 0)>
module attributes {stable_mosaic.version = 14 : i64} {
  func.func @_gather_sum(%arg0: i32, %arg1: i32, %arg2: memref<819200xi32, #tpu.memory_space<hbm>>, %arg3: memref<1000000x64xf32, #tpu.memory_space<hbm>>, %arg4: memref<1024xf32, #tpu.memory_space<hbm>>, %arg5: memref<16384x64xf32, #tpu.memory_space<hbm>>, %arg6: memref<25600xi32, #tpu.memory_space<vmem>>, %arg7: memref<400x64xf32, #tpu.memory_space<vmem>>, %arg8: memref<400x64xf32, #tpu.memory_space<vmem>>, %arg9: memref<8x64xf32, #tpu.memory_space<vmem>>, %arg10: memref<8x64xf32, #tpu.memory_space<vmem>>, %arg11: memref<!tpu.dma_semaphore, #tpu.memory_space<semaphore_mem>>, %arg12: memref<!tpu.dma_semaphore, #tpu.memory_space<semaphore_mem>>, %arg13: memref<!tpu.dma_semaphore, #tpu.memory_space<semaphore_mem>>, %arg14: memref<!tpu.dma_semaphore, #tpu.memory_space<semaphore_mem>>) attributes {dimension_semantics = [#tpu.dimension_semantics<core_parallel>, #tpu.dimension_semantics<subcore_parallel>], iteration_bounds = array<i64: 2, 16>, scalar_prefetch = 0 : i64, scratch_operands = 9 : i64, tpu.core_type = #tpu.core_type<sc_vector_subcore>, window_params = [{transform_indices = #map}, {transform_indices = #map1}, {transform_indices = #map}, {transform_indices = #map1}]} {
    %mul3A = arith.constant 2 : i32
    %mul3A_0 = arith.muli %arg1, %mul3A : i32
    %add3A = arith.addi %mul3A_0, %arg0 : i32
    %mul3A_1 = arith.constant 512 : i32
    %mul3A_2 = arith.muli %add3A, %mul3A_1 : i32
    %mul3A_3 = arith.constant 50 : i32
    %mul3A_4 = arith.muli %mul3A_2, %mul3A_3 : i32
    "tpu.region"() ({
      %run_scoped3A = tpu.sem_alloc : memref<!tpu.dma_semaphore, #tpu.memory_space<semaphore_mem>>
      %dma_start3A_25 = tpu.memref_slice %arg2[%mul3A_4] : memref<819200xi32, #tpu.memory_space<hbm>> -> memref<25600xi32, #tpu.memory_space<hbm>>
      %dma_start3A_26 = tpu.memref_slice %arg2[%mul3A_4] : memref<819200xi32, #tpu.memory_space<hbm>> -> memref<25600xi32, #tpu.memory_space<hbm>>
      tpu.enqueue_dma source(%dma_start3A_26 : memref<25600xi32, #tpu.memory_space<hbm>>) target(%arg6 : memref<25600xi32, #tpu.memory_space<vmem>>) target_semaphore(%run_scoped3A : memref<!tpu.dma_semaphore, #tpu.memory_space<semaphore_mem>>)
      %dma_wait3A_27 = tpu.memref_slice %arg2[%mul3A_4] : memref<819200xi32, #tpu.memory_space<hbm>> -> memref<25600xi32, #tpu.memory_space<hbm>>
      %dma_wait3A_28 = tpu.memref_slice %arg2[%mul3A_4] : memref<819200xi32, #tpu.memory_space<hbm>> -> memref<25600xi32, #tpu.memory_space<hbm>>
      tpu.wait_dma2 semaphore(%run_scoped3A : memref<!tpu.dma_semaphore, #tpu.memory_space<semaphore_mem>>) src(%dma_wait3A_28 : memref<25600xi32, #tpu.memory_space<hbm>>) dst(%arg6 : memref<25600xi32, #tpu.memory_space<vmem>>)
      tpu.yield
    }) : () -> ()
    %dma_start3A = arith.constant 0 : i32
    %dma_start3A_5 = tpu.memref_slice %arg6[%dma_start3A] : memref<25600xi32, #tpu.memory_space<vmem>> -> memref<400xi32, #tpu.memory_space<vmem>>
    %dma_start3A_6 = arith.constant 0 : i32
    %dma_start3A_7 = arith.constant 0 : i32
    %dma_start3A_8 = tpu.memref_slice %arg3[%dma_start3A_6, %dma_start3A_7] : memref<1000000x64xf32, #tpu.memory_space<hbm>> -> memref<1000000x64xf32, #tpu.memory_space<hbm>>
    tpu.enqueue_indirect_dma source(%dma_start3A_8 : memref<1000000x64xf32, #tpu.memory_space<hbm>>) target(%arg7 : memref<400x64xf32, #tpu.memory_space<vmem>>) offsets(%dma_start3A_5 : memref<400xi32, #tpu.memory_space<vmem>>) semaphore(%arg11 : memref<!tpu.dma_semaphore, #tpu.memory_space<semaphore_mem>>)
    %scan3A = arith.constant 0 : i32
    %scan3A_9 = arith.constant 0 : i32
    %scan3A_10 = arith.constant 32 : i32
    %scan3A_11 = arith.addi %scan3A_9, %scan3A_10 : i32
    %scan3A_12 = arith.constant 1 : i32
    scf.for %scan3A_25 = %scan3A_9 to %scan3A_11 step %scan3A_12  : i32 {
      %mul3A_26 = arith.constant 2 : i32
      %mul3A_27 = arith.muli %mul3A_26, %scan3A_25 : i32
      %add3A_28 = arith.constant 1 : i32
      %add3A_29 = arith.addi %mul3A_27, %add3A_28 : i32
      %mul3A_30 = arith.constant 400 : i32
      %mul3A_31 = arith.muli %add3A_29, %mul3A_30 : i32
      %dma_start3A_32 = tpu.memref_slice %arg6[%mul3A_31] : memref<25600xi32, #tpu.memory_space<vmem>> -> memref<400xi32, #tpu.memory_space<vmem>>
      %dma_start3A_33 = arith.constant 0 : i32
      %dma_start3A_34 = arith.constant 0 : i32
      %dma_start3A_35 = tpu.memref_slice %arg3[%dma_start3A_33, %dma_start3A_34] : memref<1000000x64xf32, #tpu.memory_space<hbm>> -> memref<1000000x64xf32, #tpu.memory_space<hbm>>
      tpu.enqueue_indirect_dma source(%dma_start3A_35 : memref<1000000x64xf32, #tpu.memory_space<hbm>>) target(%arg8 : memref<400x64xf32, #tpu.memory_space<vmem>>) offsets(%dma_start3A_32 : memref<400xi32, #tpu.memory_space<vmem>>) semaphore(%arg12 : memref<!tpu.dma_semaphore, #tpu.memory_space<semaphore_mem>>)
      %mul3A_36 = arith.constant 400 : i32
      %mul3A_37 = arith.muli %mul3A_27, %mul3A_36 : i32
      %dma_wait3A_38 = tpu.memref_slice %arg6[%mul3A_37] : memref<25600xi32, #tpu.memory_space<vmem>> -> memref<400xi32, #tpu.memory_space<vmem>>
      %dma_wait3A_39 = arith.constant 0 : i32
      %dma_wait3A_40 = arith.constant 0 : i32
      %dma_wait3A_41 = tpu.memref_slice %arg3[%dma_wait3A_39, %dma_wait3A_40] : memref<1000000x64xf32, #tpu.memory_space<hbm>> -> memref<1000000x64xf32, #tpu.memory_space<hbm>>
      tpu.wait_indirect_dma semaphore(%arg11 : memref<!tpu.dma_semaphore, #tpu.memory_space<semaphore_mem>>) src(%dma_wait3A_41 : memref<1000000x64xf32, #tpu.memory_space<hbm>>) dst(%arg7 : memref<400x64xf32, #tpu.memory_space<vmem>>)
      %ge3A = arith.constant 2 : i32
      %ge3A_42 = arith.cmpi sge, %mul3A_27, %ge3A : i32
      %convert_element_type3A = arith.extui %ge3A_42 : i1 to i32
      %cond3A = arith.constant 0 : i32
      %cond3A_43 = arith.cmpi ne, %convert_element_type3A, %cond3A : i32
      scf.if %cond3A_43 {
        %sub3A = arith.constant 2 : i32
        %sub3A_601 = arith.subi %mul3A_27, %sub3A : i32
        %mul3A_602 = arith.constant 8 : i32
        %mul3A_603 = arith.muli %sub3A_601, %mul3A_602 : i32
        %add3A_604 = arith.addi %mul3A_2, %mul3A_603 : i32
        %dma_wait3A_605 = arith.constant 0 : i32
        %dma_wait3A_606 = tpu.memref_slice %arg5[%add3A_604, %dma_wait3A_605] : memref<16384x64xf32, #tpu.memory_space<hbm>> -> memref<8x64xf32, #tpu.memory_space<hbm>>
        %dma_wait3A_607 = arith.constant 0 : i32
        %dma_wait3A_608 = tpu.memref_slice %arg5[%add3A_604, %dma_wait3A_607] : memref<16384x64xf32, #tpu.memory_space<hbm>> -> memref<8x64xf32, #tpu.memory_space<hbm>>
        tpu.wait_dma2 semaphore(%arg13 : memref<!tpu.dma_semaphore, #tpu.memory_space<semaphore_mem>>) src(%arg9 : memref<8x64xf32, #tpu.memory_space<vmem>>) dst(%dma_wait3A_608 : memref<8x64xf32, #tpu.memory_space<hbm>>)
      } else {
      }
      %broadcast_in_dim3A = arith.constant 0.000000e+00 : f32
      %broadcast_in_dim3A_44 = vector.broadcast %broadcast_in_dim3A : f32 to vector<16xf32>
      %broadcast_in_dim3A_45 = arith.constant 0.000000e+00 : f32
      %broadcast_in_dim3A_46 = vector.broadcast %broadcast_in_dim3A_45 : f32 to vector<16xf32>
      %broadcast_in_dim3A_47 = arith.constant 0.000000e+00 : f32
      %broadcast_in_dim3A_48 = vector.broadcast %broadcast_in_dim3A_47 : f32 to vector<16xf32>
      %broadcast_in_dim3A_49 = arith.constant 0.000000e+00 : f32
      %broadcast_in_dim3A_50 = vector.broadcast %broadcast_in_dim3A_49 : f32 to vector<16xf32>
      %broadcast_in_dim3A_51 = arith.constant 0.000000e+00 : f32
      %broadcast_in_dim3A_52 = vector.broadcast %broadcast_in_dim3A_51 : f32 to vector<16xf32>
      %broadcast_in_dim3A_53 = arith.constant 0.000000e+00 : f32
      %broadcast_in_dim3A_54 = vector.broadcast %broadcast_in_dim3A_53 : f32 to vector<16xf32>
      %broadcast_in_dim3A_55 = arith.constant 0.000000e+00 : f32
      %broadcast_in_dim3A_56 = vector.broadcast %broadcast_in_dim3A_55 : f32 to vector<16xf32>
      %broadcast_in_dim3A_57 = arith.constant 0.000000e+00 : f32
      %broadcast_in_dim3A_58 = vector.broadcast %broadcast_in_dim3A_57 : f32 to vector<16xf32>
      %broadcast_in_dim3A_59 = arith.constant 0.000000e+00 : f32
      %broadcast_in_dim3A_60 = vector.broadcast %broadcast_in_dim3A_59 : f32 to vector<16xf32>
      %broadcast_in_dim3A_61 = arith.constant 0.000000e+00 : f32
      %broadcast_in_dim3A_62 = vector.broadcast %broadcast_in_dim3A_61 : f32 to vector<16xf32>
      %broadcast_in_dim3A_63 = arith.constant 0.000000e+00 : f32
      %broadcast_in_dim3A_64 = vector.broadcast %broadcast_in_dim3A_63 : f32 to vector<16xf32>
      %broadcast_in_dim3A_65 = arith.constant 0.000000e+00 : f32
      %broadcast_in_dim3A_66 = vector.broadcast %broadcast_in_dim3A_65 : f32 to vector<16xf32>
      %broadcast_in_dim3A_67 = arith.constant 0.000000e+00 : f32
      %broadcast_in_dim3A_68 = vector.broadcast %broadcast_in_dim3A_67 : f32 to vector<16xf32>
      %broadcast_in_dim3A_69 = arith.constant 0.000000e+00 : f32
      %broadcast_in_dim3A_70 = vector.broadcast %broadcast_in_dim3A_69 : f32 to vector<16xf32>
      %broadcast_in_dim3A_71 = arith.constant 0.000000e+00 : f32
      %broadcast_in_dim3A_72 = vector.broadcast %broadcast_in_dim3A_71 : f32 to vector<16xf32>
      %broadcast_in_dim3A_73 = arith.constant 0.000000e+00 : f32
      %broadcast_in_dim3A_74 = vector.broadcast %broadcast_in_dim3A_73 : f32 to vector<16xf32>
      %broadcast_in_dim3A_75 = arith.constant 0.000000e+00 : f32
      %broadcast_in_dim3A_76 = vector.broadcast %broadcast_in_dim3A_75 : f32 to vector<16xf32>
      %broadcast_in_dim3A_77 = arith.constant 0.000000e+00 : f32
      %broadcast_in_dim3A_78 = vector.broadcast %broadcast_in_dim3A_77 : f32 to vector<16xf32>
      %broadcast_in_dim3A_79 = arith.constant 0.000000e+00 : f32
      %broadcast_in_dim3A_80 = vector.broadcast %broadcast_in_dim3A_79 : f32 to vector<16xf32>
      %broadcast_in_dim3A_81 = arith.constant 0.000000e+00 : f32
      %broadcast_in_dim3A_82 = vector.broadcast %broadcast_in_dim3A_81 : f32 to vector<16xf32>
      %broadcast_in_dim3A_83 = arith.constant 0.000000e+00 : f32
      %broadcast_in_dim3A_84 = vector.broadcast %broadcast_in_dim3A_83 : f32 to vector<16xf32>
      %broadcast_in_dim3A_85 = arith.constant 0.000000e+00 : f32
      %broadcast_in_dim3A_86 = vector.broadcast %broadcast_in_dim3A_85 : f32 to vector<16xf32>
      %broadcast_in_dim3A_87 = arith.constant 0.000000e+00 : f32
      %broadcast_in_dim3A_88 = vector.broadcast %broadcast_in_dim3A_87 : f32 to vector<16xf32>
      %broadcast_in_dim3A_89 = arith.constant 0.000000e+00 : f32
      %broadcast_in_dim3A_90 = vector.broadcast %broadcast_in_dim3A_89 : f32 to vector<16xf32>
      %broadcast_in_dim3A_91 = arith.constant 0.000000e+00 : f32
      %broadcast_in_dim3A_92 = vector.broadcast %broadcast_in_dim3A_91 : f32 to vector<16xf32>
      %broadcast_in_dim3A_93 = arith.constant 0.000000e+00 : f32
      %broadcast_in_dim3A_94 = vector.broadcast %broadcast_in_dim3A_93 : f32 to vector<16xf32>
      %broadcast_in_dim3A_95 = arith.constant 0.000000e+00 : f32
      %broadcast_in_dim3A_96 = vector.broadcast %broadcast_in_dim3A_95 : f32 to vector<16xf32>
      %broadcast_in_dim3A_97 = arith.constant 0.000000e+00 : f32
      %broadcast_in_dim3A_98 = vector.broadcast %broadcast_in_dim3A_97 : f32 to vector<16xf32>
      %broadcast_in_dim3A_99 = arith.constant 0.000000e+00 : f32
      %broadcast_in_dim3A_100 = vector.broadcast %broadcast_in_dim3A_99 : f32 to vector<16xf32>
      %broadcast_in_dim3A_101 = arith.constant 0.000000e+00 : f32
      %broadcast_in_dim3A_102 = vector.broadcast %broadcast_in_dim3A_101 : f32 to vector<16xf32>
      %broadcast_in_dim3A_103 = arith.constant 0.000000e+00 : f32
      %broadcast_in_dim3A_104 = vector.broadcast %broadcast_in_dim3A_103 : f32 to vector<16xf32>
      %broadcast_in_dim3A_105 = arith.constant 0.000000e+00 : f32
      %broadcast_in_dim3A_106 = vector.broadcast %broadcast_in_dim3A_105 : f32 to vector<16xf32>
      %scan3A_107 = arith.constant 0 : i32
      %scan3A_108 = arith.constant 50 : i32
      %scan3A_109 = arith.addi %scan3A_107, %scan3A_108 : i32
      %scan3A_110 = arith.constant 1 : i32
      %scan3A_111:32 = scf.for %scan3A_601 = %scan3A_107 to %scan3A_109 step %scan3A_110 iter_args(%scan3A_602 = %broadcast_in_dim3A_44, %scan3A_603 = %broadcast_in_dim3A_46, %scan3A_604 = %broadcast_in_dim3A_48, %scan3A_605 = %broadcast_in_dim3A_50, %scan3A_606 = %broadcast_in_dim3A_52, %scan3A_607 = %broadcast_in_dim3A_54, %scan3A_608 = %broadcast_in_dim3A_56, %scan3A_609 = %broadcast_in_dim3A_58, %scan3A_610 = %broadcast_in_dim3A_60, %scan3A_611 = %broadcast_in_dim3A_62, %scan3A_612 = %broadcast_in_dim3A_64, %scan3A_613 = %broadcast_in_dim3A_66, %scan3A_614 = %broadcast_in_dim3A_68, %scan3A_615 = %broadcast_in_dim3A_70, %scan3A_616 = %broadcast_in_dim3A_72, %scan3A_617 = %broadcast_in_dim3A_74, %scan3A_618 = %broadcast_in_dim3A_76, %scan3A_619 = %broadcast_in_dim3A_78, %scan3A_620 = %broadcast_in_dim3A_80, %scan3A_621 = %broadcast_in_dim3A_82, %scan3A_622 = %broadcast_in_dim3A_84, %scan3A_623 = %broadcast_in_dim3A_86, %scan3A_624 = %broadcast_in_dim3A_88, %scan3A_625 = %broadcast_in_dim3A_90, %scan3A_626 = %broadcast_in_dim3A_92, %scan3A_627 = %broadcast_in_dim3A_94, %scan3A_628 = %broadcast_in_dim3A_96, %scan3A_629 = %broadcast_in_dim3A_98, %scan3A_630 = %broadcast_in_dim3A_100, %scan3A_631 = %broadcast_in_dim3A_102, %scan3A_632 = %broadcast_in_dim3A_104, %scan3A_633 = %broadcast_in_dim3A_106) -> (vector<16xf32>, vector<16xf32>, vector<16xf32>, vector<16xf32>, vector<16xf32>, vector<16xf32>, vector<16xf32>, vector<16xf32>, vector<16xf32>, vector<16xf32>, vector<16xf32>, vector<16xf32>, vector<16xf32>, vector<16xf32>, vector<16xf32>, vector<16xf32>, vector<16xf32>, vector<16xf32>, vector<16xf32>, vector<16xf32>, vector<16xf32>, vector<16xf32>, vector<16xf32>, vector<16xf32>, vector<16xf32>, vector<16xf32>, vector<16xf32>, vector<16xf32>, vector<16xf32>, vector<16xf32>, vector<16xf32>, vector<16xf32>)  : i32 {
        %add3A_634 = arith.constant 0 : i32
        %add3A_635 = arith.addi %add3A_634, %scan3A_601 : i32
        %get3A = arith.index_cast %add3A_635 : i32 to index
        %get3A_636 = arith.constant 0 : index
        %get3A_637 = tpu.vector_load %arg7[%get3A, %get3A_636] {strides = array<i32>} : memref<400x64xf32, #tpu.memory_space<vmem>>, vector<1x16xf32>,
        %get3A_638 = vector.shape_cast %get3A_637 : vector<1x16xf32> to vector<16xf32>
        %add3A_639 = arith.addf %scan3A_602, %get3A_638 : vector<16xf32>
        %get3A_640 = arith.index_cast %add3A_635 : i32 to index
        %get3A_641 = arith.constant 16 : index
        %get3A_642 = tpu.vector_load %arg7[%get3A_640, %get3A_641] {strides = array<i32>} : memref<400x64xf32, #tpu.memory_space<vmem>>, vector<1x16xf32>,
        %get3A_643 = vector.shape_cast %get3A_642 : vector<1x16xf32> to vector<16xf32>
        %add3A_644 = arith.addf %scan3A_603, %get3A_643 : vector<16xf32>
        %get3A_645 = arith.index_cast %add3A_635 : i32 to index
        %get3A_646 = arith.constant 32 : index
        %get3A_647 = tpu.vector_load %arg7[%get3A_645, %get3A_646] {strides = array<i32>} : memref<400x64xf32, #tpu.memory_space<vmem>>, vector<1x16xf32>,
        %get3A_648 = vector.shape_cast %get3A_647 : vector<1x16xf32> to vector<16xf32>
        %add3A_649 = arith.addf %scan3A_604, %get3A_648 : vector<16xf32>
        %get3A_650 = arith.index_cast %add3A_635 : i32 to index
        %get3A_651 = arith.constant 48 : index
        %get3A_652 = tpu.vector_load %arg7[%get3A_650, %get3A_651] {strides = array<i32>} : memref<400x64xf32, #tpu.memory_space<vmem>>, vector<1x16xf32>,
        %get3A_653 = vector.shape_cast %get3A_652 : vector<1x16xf32> to vector<16xf32>
        %add3A_654 = arith.addf %scan3A_605, %get3A_653 : vector<16xf32>
        %add3A_655 = arith.constant 50 : i32
        %add3A_656 = arith.addi %add3A_655, %scan3A_601 : i32
        %get3A_657 = arith.index_cast %add3A_656 : i32 to index
        %get3A_658 = arith.constant 0 : index
        %get3A_659 = tpu.vector_load %arg7[%get3A_657, %get3A_658] {strides = array<i32>} : memref<400x64xf32, #tpu.memory_space<vmem>>, vector<1x16xf32>,
        %get3A_660 = vector.shape_cast %get3A_659 : vector<1x16xf32> to vector<16xf32>
        %add3A_661 = arith.addf %scan3A_606, %get3A_660 : vector<16xf32>
        %get3A_662 = arith.index_cast %add3A_656 : i32 to index
        %get3A_663 = arith.constant 16 : index
        %get3A_664 = tpu.vector_load %arg7[%get3A_662, %get3A_663] {strides = array<i32>} : memref<400x64xf32, #tpu.memory_space<vmem>>, vector<1x16xf32>,
        %get3A_665 = vector.shape_cast %get3A_664 : vector<1x16xf32> to vector<16xf32>
        %add3A_666 = arith.addf %scan3A_607, %get3A_665 : vector<16xf32>
        %get3A_667 = arith.index_cast %add3A_656 : i32 to index
        %get3A_668 = arith.constant 32 : index
        %get3A_669 = tpu.vector_load %arg7[%get3A_667, %get3A_668] {strides = array<i32>} : memref<400x64xf32, #tpu.memory_space<vmem>>, vector<1x16xf32>,
        %get3A_670 = vector.shape_cast %get3A_669 : vector<1x16xf32> to vector<16xf32>
        %add3A_671 = arith.addf %scan3A_608, %get3A_670 : vector<16xf32>
        %get3A_672 = arith.index_cast %add3A_656 : i32 to index
        %get3A_673 = arith.constant 48 : index
        %get3A_674 = tpu.vector_load %arg7[%get3A_672, %get3A_673] {strides = array<i32>} : memref<400x64xf32, #tpu.memory_space<vmem>>, vector<1x16xf32>,
        %get3A_675 = vector.shape_cast %get3A_674 : vector<1x16xf32> to vector<16xf32>
        %add3A_676 = arith.addf %scan3A_609, %get3A_675 : vector<16xf32>
        %add3A_677 = arith.constant 100 : i32
        %add3A_678 = arith.addi %add3A_677, %scan3A_601 : i32
        %get3A_679 = arith.index_cast %add3A_678 : i32 to index
        %get3A_680 = arith.constant 0 : index
        %get3A_681 = tpu.vector_load %arg7[%get3A_679, %get3A_680] {strides = array<i32>} : memref<400x64xf32, #tpu.memory_space<vmem>>, vector<1x16xf32>,
        %get3A_682 = vector.shape_cast %get3A_681 : vector<1x16xf32> to vector<16xf32>
        %add3A_683 = arith.addf %scan3A_610, %get3A_682 : vector<16xf32>
        %get3A_684 = arith.index_cast %add3A_678 : i32 to index
        %get3A_685 = arith.constant 16 : index
        %get3A_686 = tpu.vector_load %arg7[%get3A_684, %get3A_685] {strides = array<i32>} : memref<400x64xf32, #tpu.memory_space<vmem>>, vector<1x16xf32>,
        %get3A_687 = vector.shape_cast %get3A_686 : vector<1x16xf32> to vector<16xf32>
        %add3A_688 = arith.addf %scan3A_611, %get3A_687 : vector<16xf32>
        %get3A_689 = arith.index_cast %add3A_678 : i32 to index
        %get3A_690 = arith.constant 32 : index
        %get3A_691 = tpu.vector_load %arg7[%get3A_689, %get3A_690] {strides = array<i32>} : memref<400x64xf32, #tpu.memory_space<vmem>>, vector<1x16xf32>,
        %get3A_692 = vector.shape_cast %get3A_691 : vector<1x16xf32> to vector<16xf32>
        %add3A_693 = arith.addf %scan3A_612, %get3A_692 : vector<16xf32>
        %get3A_694 = arith.index_cast %add3A_678 : i32 to index
        %get3A_695 = arith.constant 48 : index
        %get3A_696 = tpu.vector_load %arg7[%get3A_694, %get3A_695] {strides = array<i32>} : memref<400x64xf32, #tpu.memory_space<vmem>>, vector<1x16xf32>,
        %get3A_697 = vector.shape_cast %get3A_696 : vector<1x16xf32> to vector<16xf32>
        %add3A_698 = arith.addf %scan3A_613, %get3A_697 : vector<16xf32>
        %add3A_699 = arith.constant 150 : i32
        %add3A_700 = arith.addi %add3A_699, %scan3A_601 : i32
        %get3A_701 = arith.index_cast %add3A_700 : i32 to index
        %get3A_702 = arith.constant 0 : index
        %get3A_703 = tpu.vector_load %arg7[%get3A_701, %get3A_702] {strides = array<i32>} : memref<400x64xf32, #tpu.memory_space<vmem>>, vector<1x16xf32>,
        %get3A_704 = vector.shape_cast %get3A_703 : vector<1x16xf32> to vector<16xf32>
        %add3A_705 = arith.addf %scan3A_614, %get3A_704 : vector<16xf32>
        %get3A_706 = arith.index_cast %add3A_700 : i32 to index
        %get3A_707 = arith.constant 16 : index
        %get3A_708 = tpu.vector_load %arg7[%get3A_706, %get3A_707] {strides = array<i32>} : memref<400x64xf32, #tpu.memory_space<vmem>>, vector<1x16xf32>,
        %get3A_709 = vector.shape_cast %get3A_708 : vector<1x16xf32> to vector<16xf32>
        %add3A_710 = arith.addf %scan3A_615, %get3A_709 : vector<16xf32>
        %get3A_711 = arith.index_cast %add3A_700 : i32 to index
        %get3A_712 = arith.constant 32 : index
        %get3A_713 = tpu.vector_load %arg7[%get3A_711, %get3A_712] {strides = array<i32>} : memref<400x64xf32, #tpu.memory_space<vmem>>, vector<1x16xf32>,
        %get3A_714 = vector.shape_cast %get3A_713 : vector<1x16xf32> to vector<16xf32>
        %add3A_715 = arith.addf %scan3A_616, %get3A_714 : vector<16xf32>
        %get3A_716 = arith.index_cast %add3A_700 : i32 to index
        %get3A_717 = arith.constant 48 : index
        %get3A_718 = tpu.vector_load %arg7[%get3A_716, %get3A_717] {strides = array<i32>} : memref<400x64xf32, #tpu.memory_space<vmem>>, vector<1x16xf32>,
        %get3A_719 = vector.shape_cast %get3A_718 : vector<1x16xf32> to vector<16xf32>
        %add3A_720 = arith.addf %scan3A_617, %get3A_719 : vector<16xf32>
        %add3A_721 = arith.constant 200 : i32
        %add3A_722 = arith.addi %add3A_721, %scan3A_601 : i32
        %get3A_723 = arith.index_cast %add3A_722 : i32 to index
        %get3A_724 = arith.constant 0 : index
        %get3A_725 = tpu.vector_load %arg7[%get3A_723, %get3A_724] {strides = array<i32>} : memref<400x64xf32, #tpu.memory_space<vmem>>, vector<1x16xf32>,
        %get3A_726 = vector.shape_cast %get3A_725 : vector<1x16xf32> to vector<16xf32>
        %add3A_727 = arith.addf %scan3A_618, %get3A_726 : vector<16xf32>
        %get3A_728 = arith.index_cast %add3A_722 : i32 to index
        %get3A_729 = arith.constant 16 : index
        %get3A_730 = tpu.vector_load %arg7[%get3A_728, %get3A_729] {strides = array<i32>} : memref<400x64xf32, #tpu.memory_space<vmem>>, vector<1x16xf32>,
        %get3A_731 = vector.shape_cast %get3A_730 : vector<1x16xf32> to vector<16xf32>
        %add3A_732 = arith.addf %scan3A_619, %get3A_731 : vector<16xf32>
        %get3A_733 = arith.index_cast %add3A_722 : i32 to index
        %get3A_734 = arith.constant 32 : index
        %get3A_735 = tpu.vector_load %arg7[%get3A_733, %get3A_734] {strides = array<i32>} : memref<400x64xf32, #tpu.memory_space<vmem>>, vector<1x16xf32>,
        %get3A_736 = vector.shape_cast %get3A_735 : vector<1x16xf32> to vector<16xf32>
        %add3A_737 = arith.addf %scan3A_620, %get3A_736 : vector<16xf32>
        %get3A_738 = arith.index_cast %add3A_722 : i32 to index
        %get3A_739 = arith.constant 48 : index
        %get3A_740 = tpu.vector_load %arg7[%get3A_738, %get3A_739] {strides = array<i32>} : memref<400x64xf32, #tpu.memory_space<vmem>>, vector<1x16xf32>,
        %get3A_741 = vector.shape_cast %get3A_740 : vector<1x16xf32> to vector<16xf32>
        %add3A_742 = arith.addf %scan3A_621, %get3A_741 : vector<16xf32>
        %add3A_743 = arith.constant 250 : i32
        %add3A_744 = arith.addi %add3A_743, %scan3A_601 : i32
        %get3A_745 = arith.index_cast %add3A_744 : i32 to index
        %get3A_746 = arith.constant 0 : index
        %get3A_747 = tpu.vector_load %arg7[%get3A_745, %get3A_746] {strides = array<i32>} : memref<400x64xf32, #tpu.memory_space<vmem>>, vector<1x16xf32>,
        %get3A_748 = vector.shape_cast %get3A_747 : vector<1x16xf32> to vector<16xf32>
        %add3A_749 = arith.addf %scan3A_622, %get3A_748 : vector<16xf32>
        %get3A_750 = arith.index_cast %add3A_744 : i32 to index
        %get3A_751 = arith.constant 16 : index
        %get3A_752 = tpu.vector_load %arg7[%get3A_750, %get3A_751] {strides = array<i32>} : memref<400x64xf32, #tpu.memory_space<vmem>>, vector<1x16xf32>,
        %get3A_753 = vector.shape_cast %get3A_752 : vector<1x16xf32> to vector<16xf32>
        %add3A_754 = arith.addf %scan3A_623, %get3A_753 : vector<16xf32>
        %get3A_755 = arith.index_cast %add3A_744 : i32 to index
        %get3A_756 = arith.constant 32 : index
        %get3A_757 = tpu.vector_load %arg7[%get3A_755, %get3A_756] {strides = array<i32>} : memref<400x64xf32, #tpu.memory_space<vmem>>, vector<1x16xf32>,
        %get3A_758 = vector.shape_cast %get3A_757 : vector<1x16xf32> to vector<16xf32>
        %add3A_759 = arith.addf %scan3A_624, %get3A_758 : vector<16xf32>
        %get3A_760 = arith.index_cast %add3A_744 : i32 to index
        %get3A_761 = arith.constant 48 : index
        %get3A_762 = tpu.vector_load %arg7[%get3A_760, %get3A_761] {strides = array<i32>} : memref<400x64xf32, #tpu.memory_space<vmem>>, vector<1x16xf32>,
        %get3A_763 = vector.shape_cast %get3A_762 : vector<1x16xf32> to vector<16xf32>
        %add3A_764 = arith.addf %scan3A_625, %get3A_763 : vector<16xf32>
        %add3A_765 = arith.constant 300 : i32
        %add3A_766 = arith.addi %add3A_765, %scan3A_601 : i32
        %get3A_767 = arith.index_cast %add3A_766 : i32 to index
        %get3A_768 = arith.constant 0 : index
        %get3A_769 = tpu.vector_load %arg7[%get3A_767, %get3A_768] {strides = array<i32>} : memref<400x64xf32, #tpu.memory_space<vmem>>, vector<1x16xf32>,
        %get3A_770 = vector.shape_cast %get3A_769 : vector<1x16xf32> to vector<16xf32>
        %add3A_771 = arith.addf %scan3A_626, %get3A_770 : vector<16xf32>
        %get3A_772 = arith.index_cast %add3A_766 : i32 to index
        %get3A_773 = arith.constant 16 : index
        %get3A_774 = tpu.vector_load %arg7[%get3A_772, %get3A_773] {strides = array<i32>} : memref<400x64xf32, #tpu.memory_space<vmem>>, vector<1x16xf32>,
        %get3A_775 = vector.shape_cast %get3A_774 : vector<1x16xf32> to vector<16xf32>
        %add3A_776 = arith.addf %scan3A_627, %get3A_775 : vector<16xf32>
        %get3A_777 = arith.index_cast %add3A_766 : i32 to index
        %get3A_778 = arith.constant 32 : index
        %get3A_779 = tpu.vector_load %arg7[%get3A_777, %get3A_778] {strides = array<i32>} : memref<400x64xf32, #tpu.memory_space<vmem>>, vector<1x16xf32>,
        %get3A_780 = vector.shape_cast %get3A_779 : vector<1x16xf32> to vector<16xf32>
        %add3A_781 = arith.addf %scan3A_628, %get3A_780 : vector<16xf32>
        %get3A_782 = arith.index_cast %add3A_766 : i32 to index
        %get3A_783 = arith.constant 48 : index
        %get3A_784 = tpu.vector_load %arg7[%get3A_782, %get3A_783] {strides = array<i32>} : memref<400x64xf32, #tpu.memory_space<vmem>>, vector<1x16xf32>,
        %get3A_785 = vector.shape_cast %get3A_784 : vector<1x16xf32> to vector<16xf32>
        %add3A_786 = arith.addf %scan3A_629, %get3A_785 : vector<16xf32>
        %add3A_787 = arith.constant 350 : i32
        %add3A_788 = arith.addi %add3A_787, %scan3A_601 : i32
        %get3A_789 = arith.index_cast %add3A_788 : i32 to index
        %get3A_790 = arith.constant 0 : index
        %get3A_791 = tpu.vector_load %arg7[%get3A_789, %get3A_790] {strides = array<i32>} : memref<400x64xf32, #tpu.memory_space<vmem>>, vector<1x16xf32>,
        %get3A_792 = vector.shape_cast %get3A_791 : vector<1x16xf32> to vector<16xf32>
        %add3A_793 = arith.addf %scan3A_630, %get3A_792 : vector<16xf32>
        %get3A_794 = arith.index_cast %add3A_788 : i32 to index
        %get3A_795 = arith.constant 16 : index
        %get3A_796 = tpu.vector_load %arg7[%get3A_794, %get3A_795] {strides = array<i32>} : memref<400x64xf32, #tpu.memory_space<vmem>>, vector<1x16xf32>,
        %get3A_797 = vector.shape_cast %get3A_796 : vector<1x16xf32> to vector<16xf32>
        %add3A_798 = arith.addf %scan3A_631, %get3A_797 : vector<16xf32>
        %get3A_799 = arith.index_cast %add3A_788 : i32 to index
        %get3A_800 = arith.constant 32 : index
        %get3A_801 = tpu.vector_load %arg7[%get3A_799, %get3A_800] {strides = array<i32>} : memref<400x64xf32, #tpu.memory_space<vmem>>, vector<1x16xf32>,
        %get3A_802 = vector.shape_cast %get3A_801 : vector<1x16xf32> to vector<16xf32>
        %add3A_803 = arith.addf %scan3A_632, %get3A_802 : vector<16xf32>
        %get3A_804 = arith.index_cast %add3A_788 : i32 to index
        %get3A_805 = arith.constant 48 : index
        %get3A_806 = tpu.vector_load %arg7[%get3A_804, %get3A_805] {strides = array<i32>} : memref<400x64xf32, #tpu.memory_space<vmem>>, vector<1x16xf32>,
        %get3A_807 = vector.shape_cast %get3A_806 : vector<1x16xf32> to vector<16xf32>
        %add3A_808 = arith.addf %scan3A_633, %get3A_807 : vector<16xf32>
        scf.yield %add3A_639, %add3A_644, %add3A_649, %add3A_654, %add3A_661, %add3A_666, %add3A_671, %add3A_676, %add3A_683, %add3A_688, %add3A_693, %add3A_698, %add3A_705, %add3A_710, %add3A_715, %add3A_720, %add3A_727, %add3A_732, %add3A_737, %add3A_742, %add3A_749, %add3A_754, %add3A_759, %add3A_764, %add3A_771, %add3A_776, %add3A_781, %add3A_786, %add3A_793, %add3A_798, %add3A_803, %add3A_808 : vector<16xf32>, vector<16xf32>, vector<16xf32>, vector<16xf32>, vector<16xf32>, vector<16xf32>, vector<16xf32>, vector<16xf32>, vector<16xf32>, vector<16xf32>, vector<16xf32>, vector<16xf32>, vector<16xf32>, vector<16xf32>, vector<16xf32>, vector<16xf32>, vector<16xf32>, vector<16xf32>, vector<16xf32>, vector<16xf32>, vector<16xf32>, vector<16xf32>, vector<16xf32>, vector<16xf32>, vector<16xf32>, vector<16xf32>, vector<16xf32>, vector<16xf32>, vector<16xf32>, vector<16xf32>, vector<16xf32>, vector<16xf32>
      }
      %scan3A_112 = arith.constant 50 : i32
      %swap3A = arith.constant 0 : i32
      %swap3A_113 = arith.index_cast %swap3A : i32 to index
      %swap3A_114 = arith.constant 0 : index
      %swap3A_115 = tpu.vector_load %arg9[%swap3A_113, %swap3A_114] {strides = array<i32>} : memref<8x64xf32, #tpu.memory_space<vmem>>, vector<1x16xf32>,
      %swap3A_116 = vector.shape_cast %swap3A_115 : vector<1x16xf32> to vector<16xf32>
      %swap3A_117 = vector.shape_cast %scan3A_111#0 : vector<16xf32> to vector<1x16xf32>
      tpu.vector_store %arg9[%swap3A_113, %swap3A_114], %swap3A_117 {strides = array<i32>} : memref<8x64xf32, #tpu.memory_space<vmem>>, vector<1x16xf32>,
      %swap3A_118 = arith.constant 0 : i32
      %swap3A_119 = arith.index_cast %swap3A_118 : i32 to index
      %swap3A_120 = arith.constant 16 : index
      %swap3A_121 = tpu.vector_load %arg9[%swap3A_119, %swap3A_120] {strides = array<i32>} : memref<8x64xf32, #tpu.memory_space<vmem>>, vector<1x16xf32>,
      %swap3A_122 = vector.shape_cast %swap3A_121 : vector<1x16xf32> to vector<16xf32>
      %swap3A_123 = vector.shape_cast %scan3A_111#1 : vector<16xf32> to vector<1x16xf32>
      tpu.vector_store %arg9[%swap3A_119, %swap3A_120], %swap3A_123 {strides = array<i32>} : memref<8x64xf32, #tpu.memory_space<vmem>>, vector<1x16xf32>,
      %swap3A_124 = arith.constant 0 : i32
      %swap3A_125 = arith.index_cast %swap3A_124 : i32 to index
      %swap3A_126 = arith.constant 32 : index
      %swap3A_127 = tpu.vector_load %arg9[%swap3A_125, %swap3A_126] {strides = array<i32>} : memref<8x64xf32, #tpu.memory_space<vmem>>, vector<1x16xf32>,
      %swap3A_128 = vector.shape_cast %swap3A_127 : vector<1x16xf32> to vector<16xf32>
      %swap3A_129 = vector.shape_cast %scan3A_111#2 : vector<16xf32> to vector<1x16xf32>
      tpu.vector_store %arg9[%swap3A_125, %swap3A_126], %swap3A_129 {strides = array<i32>} : memref<8x64xf32, #tpu.memory_space<vmem>>, vector<1x16xf32>,
      %swap3A_130 = arith.constant 0 : i32
      %swap3A_131 = arith.index_cast %swap3A_130 : i32 to index
      %swap3A_132 = arith.constant 48 : index
      %swap3A_133 = tpu.vector_load %arg9[%swap3A_131, %swap3A_132] {strides = array<i32>} : memref<8x64xf32, #tpu.memory_space<vmem>>, vector<1x16xf32>,
      %swap3A_134 = vector.shape_cast %swap3A_133 : vector<1x16xf32> to vector<16xf32>
      %swap3A_135 = vector.shape_cast %scan3A_111#3 : vector<16xf32> to vector<1x16xf32>
      tpu.vector_store %arg9[%swap3A_131, %swap3A_132], %swap3A_135 {strides = array<i32>} : memref<8x64xf32, #tpu.memory_space<vmem>>, vector<1x16xf32>,
      %swap3A_136 = arith.constant 1 : i32
      %swap3A_137 = arith.index_cast %swap3A_136 : i32 to index
      %swap3A_138 = arith.constant 0 : index
      %swap3A_139 = tpu.vector_load %arg9[%swap3A_137, %swap3A_138] {strides = array<i32>} : memref<8x64xf32, #tpu.memory_space<vmem>>, vector<1x16xf32>,
      %swap3A_140 = vector.shape_cast %swap3A_139 : vector<1x16xf32> to vector<16xf32>
      %swap3A_141 = vector.shape_cast %scan3A_111#4 : vector<16xf32> to vector<1x16xf32>
      tpu.vector_store %arg9[%swap3A_137, %swap3A_138], %swap3A_141 {strides = array<i32>} : memref<8x64xf32, #tpu.memory_space<vmem>>, vector<1x16xf32>,
      %swap3A_142 = arith.constant 1 : i32
      %swap3A_143 = arith.index_cast %swap3A_142 : i32 to index
      %swap3A_144 = arith.constant 16 : index
      %swap3A_145 = tpu.vector_load %arg9[%swap3A_143, %swap3A_144] {strides = array<i32>} : memref<8x64xf32, #tpu.memory_space<vmem>>, vector<1x16xf32>,
      %swap3A_146 = vector.shape_cast %swap3A_145 : vector<1x16xf32> to vector<16xf32>
      %swap3A_147 = vector.shape_cast %scan3A_111#5 : vector<16xf32> to vector<1x16xf32>
      tpu.vector_store %arg9[%swap3A_143, %swap3A_144], %swap3A_147 {strides = array<i32>} : memref<8x64xf32, #tpu.memory_space<vmem>>, vector<1x16xf32>,
      %swap3A_148 = arith.constant 1 : i32
      %swap3A_149 = arith.index_cast %swap3A_148 : i32 to index
      %swap3A_150 = arith.constant 32 : index
      %swap3A_151 = tpu.vector_load %arg9[%swap3A_149, %swap3A_150] {strides = array<i32>} : memref<8x64xf32, #tpu.memory_space<vmem>>, vector<1x16xf32>,
      %swap3A_152 = vector.shape_cast %swap3A_151 : vector<1x16xf32> to vector<16xf32>
      %swap3A_153 = vector.shape_cast %scan3A_111#6 : vector<16xf32> to vector<1x16xf32>
      tpu.vector_store %arg9[%swap3A_149, %swap3A_150], %swap3A_153 {strides = array<i32>} : memref<8x64xf32, #tpu.memory_space<vmem>>, vector<1x16xf32>,
      %swap3A_154 = arith.constant 1 : i32
      %swap3A_155 = arith.index_cast %swap3A_154 : i32 to index
      %swap3A_156 = arith.constant 48 : index
      %swap3A_157 = tpu.vector_load %arg9[%swap3A_155, %swap3A_156] {strides = array<i32>} : memref<8x64xf32, #tpu.memory_space<vmem>>, vector<1x16xf32>,
      %swap3A_158 = vector.shape_cast %swap3A_157 : vector<1x16xf32> to vector<16xf32>
      %swap3A_159 = vector.shape_cast %scan3A_111#7 : vector<16xf32> to vector<1x16xf32>
      tpu.vector_store %arg9[%swap3A_155, %swap3A_156], %swap3A_159 {strides = array<i32>} : memref<8x64xf32, #tpu.memory_space<vmem>>, vector<1x16xf32>,
      %swap3A_160 = arith.constant 2 : i32
      %swap3A_161 = arith.index_cast %swap3A_160 : i32 to index
      %swap3A_162 = arith.constant 0 : index
      %swap3A_163 = tpu.vector_load %arg9[%swap3A_161, %swap3A_162] {strides = array<i32>} : memref<8x64xf32, #tpu.memory_space<vmem>>, vector<1x16xf32>,
      %swap3A_164 = vector.shape_cast %swap3A_163 : vector<1x16xf32> to vector<16xf32>
      %swap3A_165 = vector.shape_cast %scan3A_111#8 : vector<16xf32> to vector<1x16xf32>
      tpu.vector_store %arg9[%swap3A_161, %swap3A_162], %swap3A_165 {strides = array<i32>} : memref<8x64xf32, #tpu.memory_space<vmem>>, vector<1x16xf32>,
      %swap3A_166 = arith.constant 2 : i32
      %swap3A_167 = arith.index_cast %swap3A_166 : i32 to index
      %swap3A_168 = arith.constant 16 : index
      %swap3A_169 = tpu.vector_load %arg9[%swap3A_167, %swap3A_168] {strides = array<i32>} : memref<8x64xf32, #tpu.memory_space<vmem>>, vector<1x16xf32>,
      %swap3A_170 = vector.shape_cast %swap3A_169 : vector<1x16xf32> to vector<16xf32>
      %swap3A_171 = vector.shape_cast %scan3A_111#9 : vector<16xf32> to vector<1x16xf32>
      tpu.vector_store %arg9[%swap3A_167, %swap3A_168], %swap3A_171 {strides = array<i32>} : memref<8x64xf32, #tpu.memory_space<vmem>>, vector<1x16xf32>,
      %swap3A_172 = arith.constant 2 : i32
      %swap3A_173 = arith.index_cast %swap3A_172 : i32 to index
      %swap3A_174 = arith.constant 32 : index
      %swap3A_175 = tpu.vector_load %arg9[%swap3A_173, %swap3A_174] {strides = array<i32>} : memref<8x64xf32, #tpu.memory_space<vmem>>, vector<1x16xf32>,
      %swap3A_176 = vector.shape_cast %swap3A_175 : vector<1x16xf32> to vector<16xf32>
      %swap3A_177 = vector.shape_cast %scan3A_111#10 : vector<16xf32> to vector<1x16xf32>
      tpu.vector_store %arg9[%swap3A_173, %swap3A_174], %swap3A_177 {strides = array<i32>} : memref<8x64xf32, #tpu.memory_space<vmem>>, vector<1x16xf32>,
      %swap3A_178 = arith.constant 2 : i32
      %swap3A_179 = arith.index_cast %swap3A_178 : i32 to index
      %swap3A_180 = arith.constant 48 : index
      %swap3A_181 = tpu.vector_load %arg9[%swap3A_179, %swap3A_180] {strides = array<i32>} : memref<8x64xf32, #tpu.memory_space<vmem>>, vector<1x16xf32>,
      %swap3A_182 = vector.shape_cast %swap3A_181 : vector<1x16xf32> to vector<16xf32>
      %swap3A_183 = vector.shape_cast %scan3A_111#11 : vector<16xf32> to vector<1x16xf32>
      tpu.vector_store %arg9[%swap3A_179, %swap3A_180], %swap3A_183 {strides = array<i32>} : memref<8x64xf32, #tpu.memory_space<vmem>>, vector<1x16xf32>,
      %swap3A_184 = arith.constant 3 : i32
      %swap3A_185 = arith.index_cast %swap3A_184 : i32 to index
      %swap3A_186 = arith.constant 0 : index
      %swap3A_187 = tpu.vector_load %arg9[%swap3A_185, %swap3A_186] {strides = array<i32>} : memref<8x64xf32, #tpu.memory_space<vmem>>, vector<1x16xf32>,
      %swap3A_188 = vector.shape_cast %swap3A_187 : vector<1x16xf32> to vector<16xf32>
      %swap3A_189 = vector.shape_cast %scan3A_111#12 : vector<16xf32> to vector<1x16xf32>
      tpu.vector_store %arg9[%swap3A_185, %swap3A_186], %swap3A_189 {strides = array<i32>} : memref<8x64xf32, #tpu.memory_space<vmem>>, vector<1x16xf32>,
      %swap3A_190 = arith.constant 3 : i32
      %swap3A_191 = arith.index_cast %swap3A_190 : i32 to index
      %swap3A_192 = arith.constant 16 : index
      %swap3A_193 = tpu.vector_load %arg9[%swap3A_191, %swap3A_192] {strides = array<i32>} : memref<8x64xf32, #tpu.memory_space<vmem>>, vector<1x16xf32>,
      %swap3A_194 = vector.shape_cast %swap3A_193 : vector<1x16xf32> to vector<16xf32>
      %swap3A_195 = vector.shape_cast %scan3A_111#13 : vector<16xf32> to vector<1x16xf32>
      tpu.vector_store %arg9[%swap3A_191, %swap3A_192], %swap3A_195 {strides = array<i32>} : memref<8x64xf32, #tpu.memory_space<vmem>>, vector<1x16xf32>,
      %swap3A_196 = arith.constant 3 : i32
      %swap3A_197 = arith.index_cast %swap3A_196 : i32 to index
      %swap3A_198 = arith.constant 32 : index
      %swap3A_199 = tpu.vector_load %arg9[%swap3A_197, %swap3A_198] {strides = array<i32>} : memref<8x64xf32, #tpu.memory_space<vmem>>, vector<1x16xf32>,
      %swap3A_200 = vector.shape_cast %swap3A_199 : vector<1x16xf32> to vector<16xf32>
      %swap3A_201 = vector.shape_cast %scan3A_111#14 : vector<16xf32> to vector<1x16xf32>
      tpu.vector_store %arg9[%swap3A_197, %swap3A_198], %swap3A_201 {strides = array<i32>} : memref<8x64xf32, #tpu.memory_space<vmem>>, vector<1x16xf32>,
      %swap3A_202 = arith.constant 3 : i32
      %swap3A_203 = arith.index_cast %swap3A_202 : i32 to index
      %swap3A_204 = arith.constant 48 : index
      %swap3A_205 = tpu.vector_load %arg9[%swap3A_203, %swap3A_204] {strides = array<i32>} : memref<8x64xf32, #tpu.memory_space<vmem>>, vector<1x16xf32>,
      %swap3A_206 = vector.shape_cast %swap3A_205 : vector<1x16xf32> to vector<16xf32>
      %swap3A_207 = vector.shape_cast %scan3A_111#15 : vector<16xf32> to vector<1x16xf32>
      tpu.vector_store %arg9[%swap3A_203, %swap3A_204], %swap3A_207 {strides = array<i32>} : memref<8x64xf32, #tpu.memory_space<vmem>>, vector<1x16xf32>,
      %swap3A_208 = arith.constant 4 : i32
      %swap3A_209 = arith.index_cast %swap3A_208 : i32 to index
      %swap3A_210 = arith.constant 0 : index
      %swap3A_211 = tpu.vector_load %arg9[%swap3A_209, %swap3A_210] {strides = array<i32>} : memref<8x64xf32, #tpu.memory_space<vmem>>, vector<1x16xf32>,
      %swap3A_212 = vector.shape_cast %swap3A_211 : vector<1x16xf32> to vector<16xf32>
      %swap3A_213 = vector.shape_cast %scan3A_111#16 : vector<16xf32> to vector<1x16xf32>
      tpu.vector_store %arg9[%swap3A_209, %swap3A_210], %swap3A_213 {strides = array<i32>} : memref<8x64xf32, #tpu.memory_space<vmem>>, vector<1x16xf32>,
      %swap3A_214 = arith.constant 4 : i32
      %swap3A_215 = arith.index_cast %swap3A_214 : i32 to index
      %swap3A_216 = arith.constant 16 : index
      %swap3A_217 = tpu.vector_load %arg9[%swap3A_215, %swap3A_216] {strides = array<i32>} : memref<8x64xf32, #tpu.memory_space<vmem>>, vector<1x16xf32>,
      %swap3A_218 = vector.shape_cast %swap3A_217 : vector<1x16xf32> to vector<16xf32>
      %swap3A_219 = vector.shape_cast %scan3A_111#17 : vector<16xf32> to vector<1x16xf32>
      tpu.vector_store %arg9[%swap3A_215, %swap3A_216], %swap3A_219 {strides = array<i32>} : memref<8x64xf32, #tpu.memory_space<vmem>>, vector<1x16xf32>,
      %swap3A_220 = arith.constant 4 : i32
      %swap3A_221 = arith.index_cast %swap3A_220 : i32 to index
      %swap3A_222 = arith.constant 32 : index
      %swap3A_223 = tpu.vector_load %arg9[%swap3A_221, %swap3A_222] {strides = array<i32>} : memref<8x64xf32, #tpu.memory_space<vmem>>, vector<1x16xf32>,
      %swap3A_224 = vector.shape_cast %swap3A_223 : vector<1x16xf32> to vector<16xf32>
      %swap3A_225 = vector.shape_cast %scan3A_111#18 : vector<16xf32> to vector<1x16xf32>
      tpu.vector_store %arg9[%swap3A_221, %swap3A_222], %swap3A_225 {strides = array<i32>} : memref<8x64xf32, #tpu.memory_space<vmem>>, vector<1x16xf32>,
      %swap3A_226 = arith.constant 4 : i32
      %swap3A_227 = arith.index_cast %swap3A_226 : i32 to index
      %swap3A_228 = arith.constant 48 : index
      %swap3A_229 = tpu.vector_load %arg9[%swap3A_227, %swap3A_228] {strides = array<i32>} : memref<8x64xf32, #tpu.memory_space<vmem>>, vector<1x16xf32>,
      %swap3A_230 = vector.shape_cast %swap3A_229 : vector<1x16xf32> to vector<16xf32>
      %swap3A_231 = vector.shape_cast %scan3A_111#19 : vector<16xf32> to vector<1x16xf32>
      tpu.vector_store %arg9[%swap3A_227, %swap3A_228], %swap3A_231 {strides = array<i32>} : memref<8x64xf32, #tpu.memory_space<vmem>>, vector<1x16xf32>,
      %swap3A_232 = arith.constant 5 : i32
      %swap3A_233 = arith.index_cast %swap3A_232 : i32 to index
      %swap3A_234 = arith.constant 0 : index
      %swap3A_235 = tpu.vector_load %arg9[%swap3A_233, %swap3A_234] {strides = array<i32>} : memref<8x64xf32, #tpu.memory_space<vmem>>, vector<1x16xf32>,
      %swap3A_236 = vector.shape_cast %swap3A_235 : vector<1x16xf32> to vector<16xf32>
      %swap3A_237 = vector.shape_cast %scan3A_111#20 : vector<16xf32> to vector<1x16xf32>
      tpu.vector_store %arg9[%swap3A_233, %swap3A_234], %swap3A_237 {strides = array<i32>} : memref<8x64xf32, #tpu.memory_space<vmem>>, vector<1x16xf32>,
      %swap3A_238 = arith.constant 5 : i32
      %swap3A_239 = arith.index_cast %swap3A_238 : i32 to index
      %swap3A_240 = arith.constant 16 : index
      %swap3A_241 = tpu.vector_load %arg9[%swap3A_239, %swap3A_240] {strides = array<i32>} : memref<8x64xf32, #tpu.memory_space<vmem>>, vector<1x16xf32>,
      %swap3A_242 = vector.shape_cast %swap3A_241 : vector<1x16xf32> to vector<16xf32>
      %swap3A_243 = vector.shape_cast %scan3A_111#21 : vector<16xf32> to vector<1x16xf32>
      tpu.vector_store %arg9[%swap3A_239, %swap3A_240], %swap3A_243 {strides = array<i32>} : memref<8x64xf32, #tpu.memory_space<vmem>>, vector<1x16xf32>,
      %swap3A_244 = arith.constant 5 : i32
      %swap3A_245 = arith.index_cast %swap3A_244 : i32 to index
      %swap3A_246 = arith.constant 32 : index
      %swap3A_247 = tpu.vector_load %arg9[%swap3A_245, %swap3A_246] {strides = array<i32>} : memref<8x64xf32, #tpu.memory_space<vmem>>, vector<1x16xf32>,
      %swap3A_248 = vector.shape_cast %swap3A_247 : vector<1x16xf32> to vector<16xf32>
      %swap3A_249 = vector.shape_cast %scan3A_111#22 : vector<16xf32> to vector<1x16xf32>
      tpu.vector_store %arg9[%swap3A_245, %swap3A_246], %swap3A_249 {strides = array<i32>} : memref<8x64xf32, #tpu.memory_space<vmem>>, vector<1x16xf32>,
      %swap3A_250 = arith.constant 5 : i32
      %swap3A_251 = arith.index_cast %swap3A_250 : i32 to index
      %swap3A_252 = arith.constant 48 : index
      %swap3A_253 = tpu.vector_load %arg9[%swap3A_251, %swap3A_252] {strides = array<i32>} : memref<8x64xf32, #tpu.memory_space<vmem>>, vector<1x16xf32>,
      %swap3A_254 = vector.shape_cast %swap3A_253 : vector<1x16xf32> to vector<16xf32>
      %swap3A_255 = vector.shape_cast %scan3A_111#23 : vector<16xf32> to vector<1x16xf32>
      tpu.vector_store %arg9[%swap3A_251, %swap3A_252], %swap3A_255 {strides = array<i32>} : memref<8x64xf32, #tpu.memory_space<vmem>>, vector<1x16xf32>,
      %swap3A_256 = arith.constant 6 : i32
      %swap3A_257 = arith.index_cast %swap3A_256 : i32 to index
      %swap3A_258 = arith.constant 0 : index
      %swap3A_259 = tpu.vector_load %arg9[%swap3A_257, %swap3A_258] {strides = array<i32>} : memref<8x64xf32, #tpu.memory_space<vmem>>, vector<1x16xf32>,
      %swap3A_260 = vector.shape_cast %swap3A_259 : vector<1x16xf32> to vector<16xf32>
      %swap3A_261 = vector.shape_cast %scan3A_111#24 : vector<16xf32> to vector<1x16xf32>
      tpu.vector_store %arg9[%swap3A_257, %swap3A_258], %swap3A_261 {strides = array<i32>} : memref<8x64xf32, #tpu.memory_space<vmem>>, vector<1x16xf32>,
      %swap3A_262 = arith.constant 6 : i32
      %swap3A_263 = arith.index_cast %swap3A_262 : i32 to index
      %swap3A_264 = arith.constant 16 : index
      %swap3A_265 = tpu.vector_load %arg9[%swap3A_263, %swap3A_264] {strides = array<i32>} : memref<8x64xf32, #tpu.memory_space<vmem>>, vector<1x16xf32>,
      %swap3A_266 = vector.shape_cast %swap3A_265 : vector<1x16xf32> to vector<16xf32>
      %swap3A_267 = vector.shape_cast %scan3A_111#25 : vector<16xf32> to vector<1x16xf32>
      tpu.vector_store %arg9[%swap3A_263, %swap3A_264], %swap3A_267 {strides = array<i32>} : memref<8x64xf32, #tpu.memory_space<vmem>>, vector<1x16xf32>,
      %swap3A_268 = arith.constant 6 : i32
      %swap3A_269 = arith.index_cast %swap3A_268 : i32 to index
      %swap3A_270 = arith.constant 32 : index
      %swap3A_271 = tpu.vector_load %arg9[%swap3A_269, %swap3A_270] {strides = array<i32>} : memref<8x64xf32, #tpu.memory_space<vmem>>, vector<1x16xf32>,
      %swap3A_272 = vector.shape_cast %swap3A_271 : vector<1x16xf32> to vector<16xf32>
      %swap3A_273 = vector.shape_cast %scan3A_111#26 : vector<16xf32> to vector<1x16xf32>
      tpu.vector_store %arg9[%swap3A_269, %swap3A_270], %swap3A_273 {strides = array<i32>} : memref<8x64xf32, #tpu.memory_space<vmem>>, vector<1x16xf32>,
      %swap3A_274 = arith.constant 6 : i32
      %swap3A_275 = arith.index_cast %swap3A_274 : i32 to index
      %swap3A_276 = arith.constant 48 : index
      %swap3A_277 = tpu.vector_load %arg9[%swap3A_275, %swap3A_276] {strides = array<i32>} : memref<8x64xf32, #tpu.memory_space<vmem>>, vector<1x16xf32>,
      %swap3A_278 = vector.shape_cast %swap3A_277 : vector<1x16xf32> to vector<16xf32>
      %swap3A_279 = vector.shape_cast %scan3A_111#27 : vector<16xf32> to vector<1x16xf32>
      tpu.vector_store %arg9[%swap3A_275, %swap3A_276], %swap3A_279 {strides = array<i32>} : memref<8x64xf32, #tpu.memory_space<vmem>>, vector<1x16xf32>,
      %swap3A_280 = arith.constant 7 : i32
      %swap3A_281 = arith.index_cast %swap3A_280 : i32 to index
      %swap3A_282 = arith.constant 0 : index
      %swap3A_283 = tpu.vector_load %arg9[%swap3A_281, %swap3A_282] {strides = array<i32>} : memref<8x64xf32, #tpu.memory_space<vmem>>, vector<1x16xf32>,
      %swap3A_284 = vector.shape_cast %swap3A_283 : vector<1x16xf32> to vector<16xf32>
      %swap3A_285 = vector.shape_cast %scan3A_111#28 : vector<16xf32> to vector<1x16xf32>
      tpu.vector_store %arg9[%swap3A_281, %swap3A_282], %swap3A_285 {strides = array<i32>} : memref<8x64xf32, #tpu.memory_space<vmem>>, vector<1x16xf32>,
      %swap3A_286 = arith.constant 7 : i32
      %swap3A_287 = arith.index_cast %swap3A_286 : i32 to index
      %swap3A_288 = arith.constant 16 : index
      %swap3A_289 = tpu.vector_load %arg9[%swap3A_287, %swap3A_288] {strides = array<i32>} : memref<8x64xf32, #tpu.memory_space<vmem>>, vector<1x16xf32>,
      %swap3A_290 = vector.shape_cast %swap3A_289 : vector<1x16xf32> to vector<16xf32>
      %swap3A_291 = vector.shape_cast %scan3A_111#29 : vector<16xf32> to vector<1x16xf32>
      tpu.vector_store %arg9[%swap3A_287, %swap3A_288], %swap3A_291 {strides = array<i32>} : memref<8x64xf32, #tpu.memory_space<vmem>>, vector<1x16xf32>,
      %swap3A_292 = arith.constant 7 : i32
      %swap3A_293 = arith.index_cast %swap3A_292 : i32 to index
      %swap3A_294 = arith.constant 32 : index
      %swap3A_295 = tpu.vector_load %arg9[%swap3A_293, %swap3A_294] {strides = array<i32>} : memref<8x64xf32, #tpu.memory_space<vmem>>, vector<1x16xf32>,
      %swap3A_296 = vector.shape_cast %swap3A_295 : vector<1x16xf32> to vector<16xf32>
      %swap3A_297 = vector.shape_cast %scan3A_111#30 : vector<16xf32> to vector<1x16xf32>
      tpu.vector_store %arg9[%swap3A_293, %swap3A_294], %swap3A_297 {strides = array<i32>} : memref<8x64xf32, #tpu.memory_space<vmem>>, vector<1x16xf32>,
      %swap3A_298 = arith.constant 7 : i32
      %swap3A_299 = arith.index_cast %swap3A_298 : i32 to index
      %swap3A_300 = arith.constant 48 : index
      %swap3A_301 = tpu.vector_load %arg9[%swap3A_299, %swap3A_300] {strides = array<i32>} : memref<8x64xf32, #tpu.memory_space<vmem>>, vector<1x16xf32>,
      %swap3A_302 = vector.shape_cast %swap3A_301 : vector<1x16xf32> to vector<16xf32>
      %swap3A_303 = vector.shape_cast %scan3A_111#31 : vector<16xf32> to vector<1x16xf32>
      tpu.vector_store %arg9[%swap3A_299, %swap3A_300], %swap3A_303 {strides = array<i32>} : memref<8x64xf32, #tpu.memory_space<vmem>>, vector<1x16xf32>,
      %mul3A_304 = arith.constant 8 : i32
      %mul3A_305 = arith.muli %mul3A_27, %mul3A_304 : i32
      %add3A_306 = arith.addi %mul3A_2, %mul3A_305 : i32
      %dma_start3A_307 = arith.constant 0 : i32
      %dma_start3A_308 = tpu.memref_slice %arg5[%add3A_306, %dma_start3A_307] : memref<16384x64xf32, #tpu.memory_space<hbm>> -> memref<8x64xf32, #tpu.memory_space<hbm>>
      %dma_start3A_309 = arith.constant 0 : i32
      %dma_start3A_310 = tpu.memref_slice %arg5[%add3A_306, %dma_start3A_309] : memref<16384x64xf32, #tpu.memory_space<hbm>> -> memref<8x64xf32, #tpu.memory_space<hbm>>
      tpu.enqueue_dma source(%arg9 : memref<8x64xf32, #tpu.memory_space<vmem>>) target(%dma_start3A_310 : memref<8x64xf32, #tpu.memory_space<hbm>>) target_semaphore(%arg13 : memref<!tpu.dma_semaphore, #tpu.memory_space<semaphore_mem>>)
      %add3A_311 = arith.constant 2 : i32
      %add3A_312 = arith.addi %mul3A_27, %add3A_311 : i32
      %lt3A = arith.constant 64 : i32
      %lt3A_313 = arith.cmpi slt, %add3A_312, %lt3A : i32
      %convert_element_type3A_314 = arith.extui %lt3A_313 : i1 to i32
      %cond3A_315 = arith.constant 0 : i32
      %cond3A_316 = arith.cmpi ne, %convert_element_type3A_314, %cond3A_315 : i32
      scf.if %cond3A_316 {
        %add3A_601 = arith.constant 2 : i32
        %add3A_602 = arith.addi %mul3A_27, %add3A_601 : i32
        %mul3A_603 = arith.constant 400 : i32
        %mul3A_604 = arith.muli %add3A_602, %mul3A_603 : i32
        %dma_start3A_605 = tpu.memref_slice %arg6[%mul3A_604] : memref<25600xi32, #tpu.memory_space<vmem>> -> memref<400xi32, #tpu.memory_space<vmem>>
        %dma_start3A_606 = arith.constant 0 : i32
        %dma_start3A_607 = arith.constant 0 : i32
        %dma_start3A_608 = tpu.memref_slice %arg3[%dma_start3A_606, %dma_start3A_607] : memref<1000000x64xf32, #tpu.memory_space<hbm>> -> memref<1000000x64xf32, #tpu.memory_space<hbm>>
        tpu.enqueue_indirect_dma source(%dma_start3A_608 : memref<1000000x64xf32, #tpu.memory_space<hbm>>) target(%arg7 : memref<400x64xf32, #tpu.memory_space<vmem>>) offsets(%dma_start3A_605 : memref<400xi32, #tpu.memory_space<vmem>>) semaphore(%arg11 : memref<!tpu.dma_semaphore, #tpu.memory_space<semaphore_mem>>)
      } else {
      }
      %add3A_317 = arith.constant 1 : i32
      %add3A_318 = arith.addi %mul3A_27, %add3A_317 : i32
      %mul3A_319 = arith.constant 400 : i32
      %mul3A_320 = arith.muli %add3A_318, %mul3A_319 : i32
      %dma_wait3A_321 = tpu.memref_slice %arg6[%mul3A_320] : memref<25600xi32, #tpu.memory_space<vmem>> -> memref<400xi32, #tpu.memory_space<vmem>>
      %dma_wait3A_322 = arith.constant 0 : i32
      %dma_wait3A_323 = arith.constant 0 : i32
      %dma_wait3A_324 = tpu.memref_slice %arg3[%dma_wait3A_322, %dma_wait3A_323] : memref<1000000x64xf32, #tpu.memory_space<hbm>> -> memref<1000000x64xf32, #tpu.memory_space<hbm>>
      tpu.wait_indirect_dma semaphore(%arg12 : memref<!tpu.dma_semaphore, #tpu.memory_space<semaphore_mem>>) src(%dma_wait3A_324 : memref<1000000x64xf32, #tpu.memory_space<hbm>>) dst(%arg8 : memref<400x64xf32, #tpu.memory_space<vmem>>)
      %add3A_325 = arith.constant 1 : i32
      %add3A_326 = arith.addi %mul3A_27, %add3A_325 : i32
      %ge3A_327 = arith.constant 2 : i32
      %ge3A_328 = arith.cmpi sge, %add3A_326, %ge3A_327 : i32
      %convert_element_type3A_329 = arith.extui %ge3A_328 : i1 to i32
      %cond3A_330 = arith.constant 0 : i32
      %cond3A_331 = arith.cmpi ne, %convert_element_type3A_329, %cond3A_330 : i32
      scf.if %cond3A_331 {
        %sub3A = arith.constant 2 : i32
        %sub3A_601 = arith.subi %add3A_326, %sub3A : i32
        %mul3A_602 = arith.constant 8 : i32
        %mul3A_603 = arith.muli %sub3A_601, %mul3A_602 : i32
        %add3A_604 = arith.addi %mul3A_2, %mul3A_603 : i32
        %dma_wait3A_605 = arith.constant 0 : i32
        %dma_wait3A_606 = tpu.memref_slice %arg5[%add3A_604, %dma_wait3A_605] : memref<16384x64xf32, #tpu.memory_space<hbm>> -> memref<8x64xf32, #tpu.memory_space<hbm>>
        %dma_wait3A_607 = arith.constant 0 : i32
        %dma_wait3A_608 = tpu.memref_slice %arg5[%add3A_604, %dma_wait3A_607] : memref<16384x64xf32, #tpu.memory_space<hbm>> -> memref<8x64xf32, #tpu.memory_space<hbm>>
        tpu.wait_dma2 semaphore(%arg14 : memref<!tpu.dma_semaphore, #tpu.memory_space<semaphore_mem>>) src(%arg10 : memref<8x64xf32, #tpu.memory_space<vmem>>) dst(%dma_wait3A_608 : memref<8x64xf32, #tpu.memory_space<hbm>>)
      } else {
      }
      %broadcast_in_dim3A_332 = arith.constant 0.000000e+00 : f32
      %broadcast_in_dim3A_333 = vector.broadcast %broadcast_in_dim3A_332 : f32 to vector<16xf32>
      %broadcast_in_dim3A_334 = arith.constant 0.000000e+00 : f32
      %broadcast_in_dim3A_335 = vector.broadcast %broadcast_in_dim3A_334 : f32 to vector<16xf32>
      %broadcast_in_dim3A_336 = arith.constant 0.000000e+00 : f32
      %broadcast_in_dim3A_337 = vector.broadcast %broadcast_in_dim3A_336 : f32 to vector<16xf32>
      %broadcast_in_dim3A_338 = arith.constant 0.000000e+00 : f32
      %broadcast_in_dim3A_339 = vector.broadcast %broadcast_in_dim3A_338 : f32 to vector<16xf32>
      %broadcast_in_dim3A_340 = arith.constant 0.000000e+00 : f32
      %broadcast_in_dim3A_341 = vector.broadcast %broadcast_in_dim3A_340 : f32 to vector<16xf32>
      %broadcast_in_dim3A_342 = arith.constant 0.000000e+00 : f32
      %broadcast_in_dim3A_343 = vector.broadcast %broadcast_in_dim3A_342 : f32 to vector<16xf32>
      %broadcast_in_dim3A_344 = arith.constant 0.000000e+00 : f32
      %broadcast_in_dim3A_345 = vector.broadcast %broadcast_in_dim3A_344 : f32 to vector<16xf32>
      %broadcast_in_dim3A_346 = arith.constant 0.000000e+00 : f32
      %broadcast_in_dim3A_347 = vector.broadcast %broadcast_in_dim3A_346 : f32 to vector<16xf32>
      %broadcast_in_dim3A_348 = arith.constant 0.000000e+00 : f32
      %broadcast_in_dim3A_349 = vector.broadcast %broadcast_in_dim3A_348 : f32 to vector<16xf32>
      %broadcast_in_dim3A_350 = arith.constant 0.000000e+00 : f32
      %broadcast_in_dim3A_351 = vector.broadcast %broadcast_in_dim3A_350 : f32 to vector<16xf32>
      %broadcast_in_dim3A_352 = arith.constant 0.000000e+00 : f32
      %broadcast_in_dim3A_353 = vector.broadcast %broadcast_in_dim3A_352 : f32 to vector<16xf32>
      %broadcast_in_dim3A_354 = arith.constant 0.000000e+00 : f32
      %broadcast_in_dim3A_355 = vector.broadcast %broadcast_in_dim3A_354 : f32 to vector<16xf32>
      %broadcast_in_dim3A_356 = arith.constant 0.000000e+00 : f32
      %broadcast_in_dim3A_357 = vector.broadcast %broadcast_in_dim3A_356 : f32 to vector<16xf32>
      %broadcast_in_dim3A_358 = arith.constant 0.000000e+00 : f32
      %broadcast_in_dim3A_359 = vector.broadcast %broadcast_in_dim3A_358 : f32 to vector<16xf32>
      %broadcast_in_dim3A_360 = arith.constant 0.000000e+00 : f32
      %broadcast_in_dim3A_361 = vector.broadcast %broadcast_in_dim3A_360 : f32 to vector<16xf32>
      %broadcast_in_dim3A_362 = arith.constant 0.000000e+00 : f32
      %broadcast_in_dim3A_363 = vector.broadcast %broadcast_in_dim3A_362 : f32 to vector<16xf32>
      %broadcast_in_dim3A_364 = arith.constant 0.000000e+00 : f32
      %broadcast_in_dim3A_365 = vector.broadcast %broadcast_in_dim3A_364 : f32 to vector<16xf32>
      %broadcast_in_dim3A_366 = arith.constant 0.000000e+00 : f32
      %broadcast_in_dim3A_367 = vector.broadcast %broadcast_in_dim3A_366 : f32 to vector<16xf32>
      %broadcast_in_dim3A_368 = arith.constant 0.000000e+00 : f32
      %broadcast_in_dim3A_369 = vector.broadcast %broadcast_in_dim3A_368 : f32 to vector<16xf32>
      %broadcast_in_dim3A_370 = arith.constant 0.000000e+00 : f32
      %broadcast_in_dim3A_371 = vector.broadcast %broadcast_in_dim3A_370 : f32 to vector<16xf32>
      %broadcast_in_dim3A_372 = arith.constant 0.000000e+00 : f32
      %broadcast_in_dim3A_373 = vector.broadcast %broadcast_in_dim3A_372 : f32 to vector<16xf32>
      %broadcast_in_dim3A_374 = arith.constant 0.000000e+00 : f32
      %broadcast_in_dim3A_375 = vector.broadcast %broadcast_in_dim3A_374 : f32 to vector<16xf32>
      %broadcast_in_dim3A_376 = arith.constant 0.000000e+00 : f32
      %broadcast_in_dim3A_377 = vector.broadcast %broadcast_in_dim3A_376 : f32 to vector<16xf32>
      %broadcast_in_dim3A_378 = arith.constant 0.000000e+00 : f32
      %broadcast_in_dim3A_379 = vector.broadcast %broadcast_in_dim3A_378 : f32 to vector<16xf32>
      %broadcast_in_dim3A_380 = arith.constant 0.000000e+00 : f32
      %broadcast_in_dim3A_381 = vector.broadcast %broadcast_in_dim3A_380 : f32 to vector<16xf32>
      %broadcast_in_dim3A_382 = arith.constant 0.000000e+00 : f32
      %broadcast_in_dim3A_383 = vector.broadcast %broadcast_in_dim3A_382 : f32 to vector<16xf32>
      %broadcast_in_dim3A_384 = arith.constant 0.000000e+00 : f32
      %broadcast_in_dim3A_385 = vector.broadcast %broadcast_in_dim3A_384 : f32 to vector<16xf32>
      %broadcast_in_dim3A_386 = arith.constant 0.000000e+00 : f32
      %broadcast_in_dim3A_387 = vector.broadcast %broadcast_in_dim3A_386 : f32 to vector<16xf32>
      %broadcast_in_dim3A_388 = arith.constant 0.000000e+00 : f32
      %broadcast_in_dim3A_389 = vector.broadcast %broadcast_in_dim3A_388 : f32 to vector<16xf32>
      %broadcast_in_dim3A_390 = arith.constant 0.000000e+00 : f32
      %broadcast_in_dim3A_391 = vector.broadcast %broadcast_in_dim3A_390 : f32 to vector<16xf32>
      %broadcast_in_dim3A_392 = arith.constant 0.000000e+00 : f32
      %broadcast_in_dim3A_393 = vector.broadcast %broadcast_in_dim3A_392 : f32 to vector<16xf32>
      %broadcast_in_dim3A_394 = arith.constant 0.000000e+00 : f32
      %broadcast_in_dim3A_395 = vector.broadcast %broadcast_in_dim3A_394 : f32 to vector<16xf32>
      %scan3A_396 = arith.constant 0 : i32
      %scan3A_397 = arith.constant 50 : i32
      %scan3A_398 = arith.addi %scan3A_396, %scan3A_397 : i32
      %scan3A_399 = arith.constant 1 : i32
      %scan3A_400:32 = scf.for %scan3A_601 = %scan3A_396 to %scan3A_398 step %scan3A_399 iter_args(%scan3A_602 = %broadcast_in_dim3A_333, %scan3A_603 = %broadcast_in_dim3A_335, %scan3A_604 = %broadcast_in_dim3A_337, %scan3A_605 = %broadcast_in_dim3A_339, %scan3A_606 = %broadcast_in_dim3A_341, %scan3A_607 = %broadcast_in_dim3A_343, %scan3A_608 = %broadcast_in_dim3A_345, %scan3A_609 = %broadcast_in_dim3A_347, %scan3A_610 = %broadcast_in_dim3A_349, %scan3A_611 = %broadcast_in_dim3A_351, %scan3A_612 = %broadcast_in_dim3A_353, %scan3A_613 = %broadcast_in_dim3A_355, %scan3A_614 = %broadcast_in_dim3A_357, %scan3A_615 = %broadcast_in_dim3A_359, %scan3A_616 = %broadcast_in_dim3A_361, %scan3A_617 = %broadcast_in_dim3A_363, %scan3A_618 = %broadcast_in_dim3A_365, %scan3A_619 = %broadcast_in_dim3A_367, %scan3A_620 = %broadcast_in_dim3A_369, %scan3A_621 = %broadcast_in_dim3A_371, %scan3A_622 = %broadcast_in_dim3A_373, %scan3A_623 = %broadcast_in_dim3A_375, %scan3A_624 = %broadcast_in_dim3A_377, %scan3A_625 = %broadcast_in_dim3A_379, %scan3A_626 = %broadcast_in_dim3A_381, %scan3A_627 = %broadcast_in_dim3A_383, %scan3A_628 = %broadcast_in_dim3A_385, %scan3A_629 = %broadcast_in_dim3A_387, %scan3A_630 = %broadcast_in_dim3A_389, %scan3A_631 = %broadcast_in_dim3A_391, %scan3A_632 = %broadcast_in_dim3A_393, %scan3A_633 = %broadcast_in_dim3A_395) -> (vector<16xf32>, vector<16xf32>, vector<16xf32>, vector<16xf32>, vector<16xf32>, vector<16xf32>, vector<16xf32>, vector<16xf32>, vector<16xf32>, vector<16xf32>, vector<16xf32>, vector<16xf32>, vector<16xf32>, vector<16xf32>, vector<16xf32>, vector<16xf32>, vector<16xf32>, vector<16xf32>, vector<16xf32>, vector<16xf32>, vector<16xf32>, vector<16xf32>, vector<16xf32>, vector<16xf32>, vector<16xf32>, vector<16xf32>, vector<16xf32>, vector<16xf32>, vector<16xf32>, vector<16xf32>, vector<16xf32>, vector<16xf32>)  : i32 {
        %add3A_634 = arith.constant 0 : i32
        %add3A_635 = arith.addi %add3A_634, %scan3A_601 : i32
        %get3A = arith.index_cast %add3A_635 : i32 to index
        %get3A_636 = arith.constant 0 : index
        %get3A_637 = tpu.vector_load %arg8[%get3A, %get3A_636] {strides = array<i32>} : memref<400x64xf32, #tpu.memory_space<vmem>>, vector<1x16xf32>,
        %get3A_638 = vector.shape_cast %get3A_637 : vector<1x16xf32> to vector<16xf32>
        %add3A_639 = arith.addf %scan3A_602, %get3A_638 : vector<16xf32>
        %get3A_640 = arith.index_cast %add3A_635 : i32 to index
        %get3A_641 = arith.constant 16 : index
        %get3A_642 = tpu.vector_load %arg8[%get3A_640, %get3A_641] {strides = array<i32>} : memref<400x64xf32, #tpu.memory_space<vmem>>, vector<1x16xf32>,
        %get3A_643 = vector.shape_cast %get3A_642 : vector<1x16xf32> to vector<16xf32>
        %add3A_644 = arith.addf %scan3A_603, %get3A_643 : vector<16xf32>
        %get3A_645 = arith.index_cast %add3A_635 : i32 to index
        %get3A_646 = arith.constant 32 : index
        %get3A_647 = tpu.vector_load %arg8[%get3A_645, %get3A_646] {strides = array<i32>} : memref<400x64xf32, #tpu.memory_space<vmem>>, vector<1x16xf32>,
        %get3A_648 = vector.shape_cast %get3A_647 : vector<1x16xf32> to vector<16xf32>
        %add3A_649 = arith.addf %scan3A_604, %get3A_648 : vector<16xf32>
        %get3A_650 = arith.index_cast %add3A_635 : i32 to index
        %get3A_651 = arith.constant 48 : index
        %get3A_652 = tpu.vector_load %arg8[%get3A_650, %get3A_651] {strides = array<i32>} : memref<400x64xf32, #tpu.memory_space<vmem>>, vector<1x16xf32>,
        %get3A_653 = vector.shape_cast %get3A_652 : vector<1x16xf32> to vector<16xf32>
        %add3A_654 = arith.addf %scan3A_605, %get3A_653 : vector<16xf32>
        %add3A_655 = arith.constant 50 : i32
        %add3A_656 = arith.addi %add3A_655, %scan3A_601 : i32
        %get3A_657 = arith.index_cast %add3A_656 : i32 to index
        %get3A_658 = arith.constant 0 : index
        %get3A_659 = tpu.vector_load %arg8[%get3A_657, %get3A_658] {strides = array<i32>} : memref<400x64xf32, #tpu.memory_space<vmem>>, vector<1x16xf32>,
        %get3A_660 = vector.shape_cast %get3A_659 : vector<1x16xf32> to vector<16xf32>
        %add3A_661 = arith.addf %scan3A_606, %get3A_660 : vector<16xf32>
        %get3A_662 = arith.index_cast %add3A_656 : i32 to index
        %get3A_663 = arith.constant 16 : index
        %get3A_664 = tpu.vector_load %arg8[%get3A_662, %get3A_663] {strides = array<i32>} : memref<400x64xf32, #tpu.memory_space<vmem>>, vector<1x16xf32>,
        %get3A_665 = vector.shape_cast %get3A_664 : vector<1x16xf32> to vector<16xf32>
        %add3A_666 = arith.addf %scan3A_607, %get3A_665 : vector<16xf32>
        %get3A_667 = arith.index_cast %add3A_656 : i32 to index
        %get3A_668 = arith.constant 32 : index
        %get3A_669 = tpu.vector_load %arg8[%get3A_667, %get3A_668] {strides = array<i32>} : memref<400x64xf32, #tpu.memory_space<vmem>>, vector<1x16xf32>,
        %get3A_670 = vector.shape_cast %get3A_669 : vector<1x16xf32> to vector<16xf32>
        %add3A_671 = arith.addf %scan3A_608, %get3A_670 : vector<16xf32>
        %get3A_672 = arith.index_cast %add3A_656 : i32 to index
        %get3A_673 = arith.constant 48 : index
        %get3A_674 = tpu.vector_load %arg8[%get3A_672, %get3A_673] {strides = array<i32>} : memref<400x64xf32, #tpu.memory_space<vmem>>, vector<1x16xf32>,
        %get3A_675 = vector.shape_cast %get3A_674 : vector<1x16xf32> to vector<16xf32>
        %add3A_676 = arith.addf %scan3A_609, %get3A_675 : vector<16xf32>
        %add3A_677 = arith.constant 100 : i32
        %add3A_678 = arith.addi %add3A_677, %scan3A_601 : i32
        %get3A_679 = arith.index_cast %add3A_678 : i32 to index
        %get3A_680 = arith.constant 0 : index
        %get3A_681 = tpu.vector_load %arg8[%get3A_679, %get3A_680] {strides = array<i32>} : memref<400x64xf32, #tpu.memory_space<vmem>>, vector<1x16xf32>,
        %get3A_682 = vector.shape_cast %get3A_681 : vector<1x16xf32> to vector<16xf32>
        %add3A_683 = arith.addf %scan3A_610, %get3A_682 : vector<16xf32>
        %get3A_684 = arith.index_cast %add3A_678 : i32 to index
        %get3A_685 = arith.constant 16 : index
        %get3A_686 = tpu.vector_load %arg8[%get3A_684, %get3A_685] {strides = array<i32>} : memref<400x64xf32, #tpu.memory_space<vmem>>, vector<1x16xf32>,
        %get3A_687 = vector.shape_cast %get3A_686 : vector<1x16xf32> to vector<16xf32>
        %add3A_688 = arith.addf %scan3A_611, %get3A_687 : vector<16xf32>
        %get3A_689 = arith.index_cast %add3A_678 : i32 to index
        %get3A_690 = arith.constant 32 : index
        %get3A_691 = tpu.vector_load %arg8[%get3A_689, %get3A_690] {strides = array<i32>} : memref<400x64xf32, #tpu.memory_space<vmem>>, vector<1x16xf32>,
        %get3A_692 = vector.shape_cast %get3A_691 : vector<1x16xf32> to vector<16xf32>
        %add3A_693 = arith.addf %scan3A_612, %get3A_692 : vector<16xf32>
        %get3A_694 = arith.index_cast %add3A_678 : i32 to index
        %get3A_695 = arith.constant 48 : index
        %get3A_696 = tpu.vector_load %arg8[%get3A_694, %get3A_695] {strides = array<i32>} : memref<400x64xf32, #tpu.memory_space<vmem>>, vector<1x16xf32>,
        %get3A_697 = vector.shape_cast %get3A_696 : vector<1x16xf32> to vector<16xf32>
        %add3A_698 = arith.addf %scan3A_613, %get3A_697 : vector<16xf32>
        %add3A_699 = arith.constant 150 : i32
        %add3A_700 = arith.addi %add3A_699, %scan3A_601 : i32
        %get3A_701 = arith.index_cast %add3A_700 : i32 to index
        %get3A_702 = arith.constant 0 : index
        %get3A_703 = tpu.vector_load %arg8[%get3A_701, %get3A_702] {strides = array<i32>} : memref<400x64xf32, #tpu.memory_space<vmem>>, vector<1x16xf32>,
        %get3A_704 = vector.shape_cast %get3A_703 : vector<1x16xf32> to vector<16xf32>
        %add3A_705 = arith.addf %scan3A_614, %get3A_704 : vector<16xf32>
        %get3A_706 = arith.index_cast %add3A_700 : i32 to index
        %get3A_707 = arith.constant 16 : index
        %get3A_708 = tpu.vector_load %arg8[%get3A_706, %get3A_707] {strides = array<i32>} : memref<400x64xf32, #tpu.memory_space<vmem>>, vector<1x16xf32>,
        %get3A_709 = vector.shape_cast %get3A_708 : vector<1x16xf32> to vector<16xf32>
        %add3A_710 = arith.addf %scan3A_615, %get3A_709 : vector<16xf32>
        %get3A_711 = arith.index_cast %add3A_700 : i32 to index
        %get3A_712 = arith.constant 32 : index
        %get3A_713 = tpu.vector_load %arg8[%get3A_711, %get3A_712] {strides = array<i32>} : memref<400x64xf32, #tpu.memory_space<vmem>>, vector<1x16xf32>,
        %get3A_714 = vector.shape_cast %get3A_713 : vector<1x16xf32> to vector<16xf32>
        %add3A_715 = arith.addf %scan3A_616, %get3A_714 : vector<16xf32>
        %get3A_716 = arith.index_cast %add3A_700 : i32 to index
        %get3A_717 = arith.constant 48 : index
        %get3A_718 = tpu.vector_load %arg8[%get3A_716, %get3A_717] {strides = array<i32>} : memref<400x64xf32, #tpu.memory_space<vmem>>, vector<1x16xf32>,
        %get3A_719 = vector.shape_cast %get3A_718 : vector<1x16xf32> to vector<16xf32>
        %add3A_720 = arith.addf %scan3A_617, %get3A_719 : vector<16xf32>
        %add3A_721 = arith.constant 200 : i32
        %add3A_722 = arith.addi %add3A_721, %scan3A_601 : i32
        %get3A_723 = arith.index_cast %add3A_722 : i32 to index
        %get3A_724 = arith.constant 0 : index
        %get3A_725 = tpu.vector_load %arg8[%get3A_723, %get3A_724] {strides = array<i32>} : memref<400x64xf32, #tpu.memory_space<vmem>>, vector<1x16xf32>,
        %get3A_726 = vector.shape_cast %get3A_725 : vector<1x16xf32> to vector<16xf32>
        %add3A_727 = arith.addf %scan3A_618, %get3A_726 : vector<16xf32>
        %get3A_728 = arith.index_cast %add3A_722 : i32 to index
        %get3A_729 = arith.constant 16 : index
        %get3A_730 = tpu.vector_load %arg8[%get3A_728, %get3A_729] {strides = array<i32>} : memref<400x64xf32, #tpu.memory_space<vmem>>, vector<1x16xf32>,
        %get3A_731 = vector.shape_cast %get3A_730 : vector<1x16xf32> to vector<16xf32>
        %add3A_732 = arith.addf %scan3A_619, %get3A_731 : vector<16xf32>
        %get3A_733 = arith.index_cast %add3A_722 : i32 to index
        %get3A_734 = arith.constant 32 : index
        %get3A_735 = tpu.vector_load %arg8[%get3A_733, %get3A_734] {strides = array<i32>} : memref<400x64xf32, #tpu.memory_space<vmem>>, vector<1x16xf32>,
        %get3A_736 = vector.shape_cast %get3A_735 : vector<1x16xf32> to vector<16xf32>
        %add3A_737 = arith.addf %scan3A_620, %get3A_736 : vector<16xf32>
        %get3A_738 = arith.index_cast %add3A_722 : i32 to index
        %get3A_739 = arith.constant 48 : index
        %get3A_740 = tpu.vector_load %arg8[%get3A_738, %get3A_739] {strides = array<i32>} : memref<400x64xf32, #tpu.memory_space<vmem>>, vector<1x16xf32>,
        %get3A_741 = vector.shape_cast %get3A_740 : vector<1x16xf32> to vector<16xf32>
        %add3A_742 = arith.addf %scan3A_621, %get3A_741 : vector<16xf32>
        %add3A_743 = arith.constant 250 : i32
        %add3A_744 = arith.addi %add3A_743, %scan3A_601 : i32
        %get3A_745 = arith.index_cast %add3A_744 : i32 to index
        %get3A_746 = arith.constant 0 : index
        %get3A_747 = tpu.vector_load %arg8[%get3A_745, %get3A_746] {strides = array<i32>} : memref<400x64xf32, #tpu.memory_space<vmem>>, vector<1x16xf32>,
        %get3A_748 = vector.shape_cast %get3A_747 : vector<1x16xf32> to vector<16xf32>
        %add3A_749 = arith.addf %scan3A_622, %get3A_748 : vector<16xf32>
        %get3A_750 = arith.index_cast %add3A_744 : i32 to index
        %get3A_751 = arith.constant 16 : index
        %get3A_752 = tpu.vector_load %arg8[%get3A_750, %get3A_751] {strides = array<i32>} : memref<400x64xf32, #tpu.memory_space<vmem>>, vector<1x16xf32>,
        %get3A_753 = vector.shape_cast %get3A_752 : vector<1x16xf32> to vector<16xf32>
        %add3A_754 = arith.addf %scan3A_623, %get3A_753 : vector<16xf32>
        %get3A_755 = arith.index_cast %add3A_744 : i32 to index
        %get3A_756 = arith.constant 32 : index
        %get3A_757 = tpu.vector_load %arg8[%get3A_755, %get3A_756] {strides = array<i32>} : memref<400x64xf32, #tpu.memory_space<vmem>>, vector<1x16xf32>,
        %get3A_758 = vector.shape_cast %get3A_757 : vector<1x16xf32> to vector<16xf32>
        %add3A_759 = arith.addf %scan3A_624, %get3A_758 : vector<16xf32>
        %get3A_760 = arith.index_cast %add3A_744 : i32 to index
        %get3A_761 = arith.constant 48 : index
        %get3A_762 = tpu.vector_load %arg8[%get3A_760, %get3A_761] {strides = array<i32>} : memref<400x64xf32, #tpu.memory_space<vmem>>, vector<1x16xf32>,
        %get3A_763 = vector.shape_cast %get3A_762 : vector<1x16xf32> to vector<16xf32>
        %add3A_764 = arith.addf %scan3A_625, %get3A_763 : vector<16xf32>
        %add3A_765 = arith.constant 300 : i32
        %add3A_766 = arith.addi %add3A_765, %scan3A_601 : i32
        %get3A_767 = arith.index_cast %add3A_766 : i32 to index
        %get3A_768 = arith.constant 0 : index
        %get3A_769 = tpu.vector_load %arg8[%get3A_767, %get3A_768] {strides = array<i32>} : memref<400x64xf32, #tpu.memory_space<vmem>>, vector<1x16xf32>,
        %get3A_770 = vector.shape_cast %get3A_769 : vector<1x16xf32> to vector<16xf32>
        %add3A_771 = arith.addf %scan3A_626, %get3A_770 : vector<16xf32>
        %get3A_772 = arith.index_cast %add3A_766 : i32 to index
        %get3A_773 = arith.constant 16 : index
        %get3A_774 = tpu.vector_load %arg8[%get3A_772, %get3A_773] {strides = array<i32>} : memref<400x64xf32, #tpu.memory_space<vmem>>, vector<1x16xf32>,
        %get3A_775 = vector.shape_cast %get3A_774 : vector<1x16xf32> to vector<16xf32>
        %add3A_776 = arith.addf %scan3A_627, %get3A_775 : vector<16xf32>
        %get3A_777 = arith.index_cast %add3A_766 : i32 to index
        %get3A_778 = arith.constant 32 : index
        %get3A_779 = tpu.vector_load %arg8[%get3A_777, %get3A_778] {strides = array<i32>} : memref<400x64xf32, #tpu.memory_space<vmem>>, vector<1x16xf32>,
        %get3A_780 = vector.shape_cast %get3A_779 : vector<1x16xf32> to vector<16xf32>
        %add3A_781 = arith.addf %scan3A_628, %get3A_780 : vector<16xf32>
        %get3A_782 = arith.index_cast %add3A_766 : i32 to index
        %get3A_783 = arith.constant 48 : index
        %get3A_784 = tpu.vector_load %arg8[%get3A_782, %get3A_783] {strides = array<i32>} : memref<400x64xf32, #tpu.memory_space<vmem>>, vector<1x16xf32>,
        %get3A_785 = vector.shape_cast %get3A_784 : vector<1x16xf32> to vector<16xf32>
        %add3A_786 = arith.addf %scan3A_629, %get3A_785 : vector<16xf32>
        %add3A_787 = arith.constant 350 : i32
        %add3A_788 = arith.addi %add3A_787, %scan3A_601 : i32
        %get3A_789 = arith.index_cast %add3A_788 : i32 to index
        %get3A_790 = arith.constant 0 : index
        %get3A_791 = tpu.vector_load %arg8[%get3A_789, %get3A_790] {strides = array<i32>} : memref<400x64xf32, #tpu.memory_space<vmem>>, vector<1x16xf32>,
        %get3A_792 = vector.shape_cast %get3A_791 : vector<1x16xf32> to vector<16xf32>
        %add3A_793 = arith.addf %scan3A_630, %get3A_792 : vector<16xf32>
        %get3A_794 = arith.index_cast %add3A_788 : i32 to index
        %get3A_795 = arith.constant 16 : index
        %get3A_796 = tpu.vector_load %arg8[%get3A_794, %get3A_795] {strides = array<i32>} : memref<400x64xf32, #tpu.memory_space<vmem>>, vector<1x16xf32>,
        %get3A_797 = vector.shape_cast %get3A_796 : vector<1x16xf32> to vector<16xf32>
        %add3A_798 = arith.addf %scan3A_631, %get3A_797 : vector<16xf32>
        %get3A_799 = arith.index_cast %add3A_788 : i32 to index
        %get3A_800 = arith.constant 32 : index
        %get3A_801 = tpu.vector_load %arg8[%get3A_799, %get3A_800] {strides = array<i32>} : memref<400x64xf32, #tpu.memory_space<vmem>>, vector<1x16xf32>,
        %get3A_802 = vector.shape_cast %get3A_801 : vector<1x16xf32> to vector<16xf32>
        %add3A_803 = arith.addf %scan3A_632, %get3A_802 : vector<16xf32>
        %get3A_804 = arith.index_cast %add3A_788 : i32 to index
        %get3A_805 = arith.constant 48 : index
        %get3A_806 = tpu.vector_load %arg8[%get3A_804, %get3A_805] {strides = array<i32>} : memref<400x64xf32, #tpu.memory_space<vmem>>, vector<1x16xf32>,
        %get3A_807 = vector.shape_cast %get3A_806 : vector<1x16xf32> to vector<16xf32>
        %add3A_808 = arith.addf %scan3A_633, %get3A_807 : vector<16xf32>
        scf.yield %add3A_639, %add3A_644, %add3A_649, %add3A_654, %add3A_661, %add3A_666, %add3A_671, %add3A_676, %add3A_683, %add3A_688, %add3A_693, %add3A_698, %add3A_705, %add3A_710, %add3A_715, %add3A_720, %add3A_727, %add3A_732, %add3A_737, %add3A_742, %add3A_749, %add3A_754, %add3A_759, %add3A_764, %add3A_771, %add3A_776, %add3A_781, %add3A_786, %add3A_793, %add3A_798, %add3A_803, %add3A_808 : vector<16xf32>, vector<16xf32>, vector<16xf32>, vector<16xf32>, vector<16xf32>, vector<16xf32>, vector<16xf32>, vector<16xf32>, vector<16xf32>, vector<16xf32>, vector<16xf32>, vector<16xf32>, vector<16xf32>, vector<16xf32>, vector<16xf32>, vector<16xf32>, vector<16xf32>, vector<16xf32>, vector<16xf32>, vector<16xf32>, vector<16xf32>, vector<16xf32>, vector<16xf32>, vector<16xf32>, vector<16xf32>, vector<16xf32>, vector<16xf32>, vector<16xf32>, vector<16xf32>, vector<16xf32>, vector<16xf32>, vector<16xf32>
      }
      %scan3A_401 = arith.constant 50 : i32
      %swap3A_402 = arith.constant 0 : i32
      %swap3A_403 = arith.index_cast %swap3A_402 : i32 to index
      %swap3A_404 = arith.constant 0 : index
      %swap3A_405 = tpu.vector_load %arg10[%swap3A_403, %swap3A_404] {strides = array<i32>} : memref<8x64xf32, #tpu.memory_space<vmem>>, vector<1x16xf32>,
      %swap3A_406 = vector.shape_cast %swap3A_405 : vector<1x16xf32> to vector<16xf32>
      %swap3A_407 = vector.shape_cast %scan3A_400#0 : vector<16xf32> to vector<1x16xf32>
      tpu.vector_store %arg10[%swap3A_403, %swap3A_404], %swap3A_407 {strides = array<i32>} : memref<8x64xf32, #tpu.memory_space<vmem>>, vector<1x16xf32>,
      %swap3A_408 = arith.constant 0 : i32
      %swap3A_409 = arith.index_cast %swap3A_408 : i32 to index
      %swap3A_410 = arith.constant 16 : index
      %swap3A_411 = tpu.vector_load %arg10[%swap3A_409, %swap3A_410] {strides = array<i32>} : memref<8x64xf32, #tpu.memory_space<vmem>>, vector<1x16xf32>,
      %swap3A_412 = vector.shape_cast %swap3A_411 : vector<1x16xf32> to vector<16xf32>
      %swap3A_413 = vector.shape_cast %scan3A_400#1 : vector<16xf32> to vector<1x16xf32>
      tpu.vector_store %arg10[%swap3A_409, %swap3A_410], %swap3A_413 {strides = array<i32>} : memref<8x64xf32, #tpu.memory_space<vmem>>, vector<1x16xf32>,
      %swap3A_414 = arith.constant 0 : i32
      %swap3A_415 = arith.index_cast %swap3A_414 : i32 to index
      %swap3A_416 = arith.constant 32 : index
      %swap3A_417 = tpu.vector_load %arg10[%swap3A_415, %swap3A_416] {strides = array<i32>} : memref<8x64xf32, #tpu.memory_space<vmem>>, vector<1x16xf32>,
      %swap3A_418 = vector.shape_cast %swap3A_417 : vector<1x16xf32> to vector<16xf32>
      %swap3A_419 = vector.shape_cast %scan3A_400#2 : vector<16xf32> to vector<1x16xf32>
      tpu.vector_store %arg10[%swap3A_415, %swap3A_416], %swap3A_419 {strides = array<i32>} : memref<8x64xf32, #tpu.memory_space<vmem>>, vector<1x16xf32>,
      %swap3A_420 = arith.constant 0 : i32
      %swap3A_421 = arith.index_cast %swap3A_420 : i32 to index
      %swap3A_422 = arith.constant 48 : index
      %swap3A_423 = tpu.vector_load %arg10[%swap3A_421, %swap3A_422] {strides = array<i32>} : memref<8x64xf32, #tpu.memory_space<vmem>>, vector<1x16xf32>,
      %swap3A_424 = vector.shape_cast %swap3A_423 : vector<1x16xf32> to vector<16xf32>
      %swap3A_425 = vector.shape_cast %scan3A_400#3 : vector<16xf32> to vector<1x16xf32>
      tpu.vector_store %arg10[%swap3A_421, %swap3A_422], %swap3A_425 {strides = array<i32>} : memref<8x64xf32, #tpu.memory_space<vmem>>, vector<1x16xf32>,
      %swap3A_426 = arith.constant 1 : i32
      %swap3A_427 = arith.index_cast %swap3A_426 : i32 to index
      %swap3A_428 = arith.constant 0 : index
      %swap3A_429 = tpu.vector_load %arg10[%swap3A_427, %swap3A_428] {strides = array<i32>} : memref<8x64xf32, #tpu.memory_space<vmem>>, vector<1x16xf32>,
      %swap3A_430 = vector.shape_cast %swap3A_429 : vector<1x16xf32> to vector<16xf32>
      %swap3A_431 = vector.shape_cast %scan3A_400#4 : vector<16xf32> to vector<1x16xf32>
      tpu.vector_store %arg10[%swap3A_427, %swap3A_428], %swap3A_431 {strides = array<i32>} : memref<8x64xf32, #tpu.memory_space<vmem>>, vector<1x16xf32>,
      %swap3A_432 = arith.constant 1 : i32
      %swap3A_433 = arith.index_cast %swap3A_432 : i32 to index
      %swap3A_434 = arith.constant 16 : index
      %swap3A_435 = tpu.vector_load %arg10[%swap3A_433, %swap3A_434] {strides = array<i32>} : memref<8x64xf32, #tpu.memory_space<vmem>>, vector<1x16xf32>,
      %swap3A_436 = vector.shape_cast %swap3A_435 : vector<1x16xf32> to vector<16xf32>
      %swap3A_437 = vector.shape_cast %scan3A_400#5 : vector<16xf32> to vector<1x16xf32>
      tpu.vector_store %arg10[%swap3A_433, %swap3A_434], %swap3A_437 {strides = array<i32>} : memref<8x64xf32, #tpu.memory_space<vmem>>, vector<1x16xf32>,
      %swap3A_438 = arith.constant 1 : i32
      %swap3A_439 = arith.index_cast %swap3A_438 : i32 to index
      %swap3A_440 = arith.constant 32 : index
      %swap3A_441 = tpu.vector_load %arg10[%swap3A_439, %swap3A_440] {strides = array<i32>} : memref<8x64xf32, #tpu.memory_space<vmem>>, vector<1x16xf32>,
      %swap3A_442 = vector.shape_cast %swap3A_441 : vector<1x16xf32> to vector<16xf32>
      %swap3A_443 = vector.shape_cast %scan3A_400#6 : vector<16xf32> to vector<1x16xf32>
      tpu.vector_store %arg10[%swap3A_439, %swap3A_440], %swap3A_443 {strides = array<i32>} : memref<8x64xf32, #tpu.memory_space<vmem>>, vector<1x16xf32>,
      %swap3A_444 = arith.constant 1 : i32
      %swap3A_445 = arith.index_cast %swap3A_444 : i32 to index
      %swap3A_446 = arith.constant 48 : index
      %swap3A_447 = tpu.vector_load %arg10[%swap3A_445, %swap3A_446] {strides = array<i32>} : memref<8x64xf32, #tpu.memory_space<vmem>>, vector<1x16xf32>,
      %swap3A_448 = vector.shape_cast %swap3A_447 : vector<1x16xf32> to vector<16xf32>
      %swap3A_449 = vector.shape_cast %scan3A_400#7 : vector<16xf32> to vector<1x16xf32>
      tpu.vector_store %arg10[%swap3A_445, %swap3A_446], %swap3A_449 {strides = array<i32>} : memref<8x64xf32, #tpu.memory_space<vmem>>, vector<1x16xf32>,
      %swap3A_450 = arith.constant 2 : i32
      %swap3A_451 = arith.index_cast %swap3A_450 : i32 to index
      %swap3A_452 = arith.constant 0 : index
      %swap3A_453 = tpu.vector_load %arg10[%swap3A_451, %swap3A_452] {strides = array<i32>} : memref<8x64xf32, #tpu.memory_space<vmem>>, vector<1x16xf32>,
      %swap3A_454 = vector.shape_cast %swap3A_453 : vector<1x16xf32> to vector<16xf32>
      %swap3A_455 = vector.shape_cast %scan3A_400#8 : vector<16xf32> to vector<1x16xf32>
      tpu.vector_store %arg10[%swap3A_451, %swap3A_452], %swap3A_455 {strides = array<i32>} : memref<8x64xf32, #tpu.memory_space<vmem>>, vector<1x16xf32>,
      %swap3A_456 = arith.constant 2 : i32
      %swap3A_457 = arith.index_cast %swap3A_456 : i32 to index
      %swap3A_458 = arith.constant 16 : index
      %swap3A_459 = tpu.vector_load %arg10[%swap3A_457, %swap3A_458] {strides = array<i32>} : memref<8x64xf32, #tpu.memory_space<vmem>>, vector<1x16xf32>,
      %swap3A_460 = vector.shape_cast %swap3A_459 : vector<1x16xf32> to vector<16xf32>
      %swap3A_461 = vector.shape_cast %scan3A_400#9 : vector<16xf32> to vector<1x16xf32>
      tpu.vector_store %arg10[%swap3A_457, %swap3A_458], %swap3A_461 {strides = array<i32>} : memref<8x64xf32, #tpu.memory_space<vmem>>, vector<1x16xf32>,
      %swap3A_462 = arith.constant 2 : i32
      %swap3A_463 = arith.index_cast %swap3A_462 : i32 to index
      %swap3A_464 = arith.constant 32 : index
      %swap3A_465 = tpu.vector_load %arg10[%swap3A_463, %swap3A_464] {strides = array<i32>} : memref<8x64xf32, #tpu.memory_space<vmem>>, vector<1x16xf32>,
      %swap3A_466 = vector.shape_cast %swap3A_465 : vector<1x16xf32> to vector<16xf32>
      %swap3A_467 = vector.shape_cast %scan3A_400#10 : vector<16xf32> to vector<1x16xf32>
      tpu.vector_store %arg10[%swap3A_463, %swap3A_464], %swap3A_467 {strides = array<i32>} : memref<8x64xf32, #tpu.memory_space<vmem>>, vector<1x16xf32>,
      %swap3A_468 = arith.constant 2 : i32
      %swap3A_469 = arith.index_cast %swap3A_468 : i32 to index
      %swap3A_470 = arith.constant 48 : index
      %swap3A_471 = tpu.vector_load %arg10[%swap3A_469, %swap3A_470] {strides = array<i32>} : memref<8x64xf32, #tpu.memory_space<vmem>>, vector<1x16xf32>,
      %swap3A_472 = vector.shape_cast %swap3A_471 : vector<1x16xf32> to vector<16xf32>
      %swap3A_473 = vector.shape_cast %scan3A_400#11 : vector<16xf32> to vector<1x16xf32>
      tpu.vector_store %arg10[%swap3A_469, %swap3A_470], %swap3A_473 {strides = array<i32>} : memref<8x64xf32, #tpu.memory_space<vmem>>, vector<1x16xf32>,
      %swap3A_474 = arith.constant 3 : i32
      %swap3A_475 = arith.index_cast %swap3A_474 : i32 to index
      %swap3A_476 = arith.constant 0 : index
      %swap3A_477 = tpu.vector_load %arg10[%swap3A_475, %swap3A_476] {strides = array<i32>} : memref<8x64xf32, #tpu.memory_space<vmem>>, vector<1x16xf32>,
      %swap3A_478 = vector.shape_cast %swap3A_477 : vector<1x16xf32> to vector<16xf32>
      %swap3A_479 = vector.shape_cast %scan3A_400#12 : vector<16xf32> to vector<1x16xf32>
      tpu.vector_store %arg10[%swap3A_475, %swap3A_476], %swap3A_479 {strides = array<i32>} : memref<8x64xf32, #tpu.memory_space<vmem>>, vector<1x16xf32>,
      %swap3A_480 = arith.constant 3 : i32
      %swap3A_481 = arith.index_cast %swap3A_480 : i32 to index
      %swap3A_482 = arith.constant 16 : index
      %swap3A_483 = tpu.vector_load %arg10[%swap3A_481, %swap3A_482] {strides = array<i32>} : memref<8x64xf32, #tpu.memory_space<vmem>>, vector<1x16xf32>,
      %swap3A_484 = vector.shape_cast %swap3A_483 : vector<1x16xf32> to vector<16xf32>
      %swap3A_485 = vector.shape_cast %scan3A_400#13 : vector<16xf32> to vector<1x16xf32>
      tpu.vector_store %arg10[%swap3A_481, %swap3A_482], %swap3A_485 {strides = array<i32>} : memref<8x64xf32, #tpu.memory_space<vmem>>, vector<1x16xf32>,
      %swap3A_486 = arith.constant 3 : i32
      %swap3A_487 = arith.index_cast %swap3A_486 : i32 to index
      %swap3A_488 = arith.constant 32 : index
      %swap3A_489 = tpu.vector_load %arg10[%swap3A_487, %swap3A_488] {strides = array<i32>} : memref<8x64xf32, #tpu.memory_space<vmem>>, vector<1x16xf32>,
      %swap3A_490 = vector.shape_cast %swap3A_489 : vector<1x16xf32> to vector<16xf32>
      %swap3A_491 = vector.shape_cast %scan3A_400#14 : vector<16xf32> to vector<1x16xf32>
      tpu.vector_store %arg10[%swap3A_487, %swap3A_488], %swap3A_491 {strides = array<i32>} : memref<8x64xf32, #tpu.memory_space<vmem>>, vector<1x16xf32>,
      %swap3A_492 = arith.constant 3 : i32
      %swap3A_493 = arith.index_cast %swap3A_492 : i32 to index
      %swap3A_494 = arith.constant 48 : index
      %swap3A_495 = tpu.vector_load %arg10[%swap3A_493, %swap3A_494] {strides = array<i32>} : memref<8x64xf32, #tpu.memory_space<vmem>>, vector<1x16xf32>,
      %swap3A_496 = vector.shape_cast %swap3A_495 : vector<1x16xf32> to vector<16xf32>
      %swap3A_497 = vector.shape_cast %scan3A_400#15 : vector<16xf32> to vector<1x16xf32>
      tpu.vector_store %arg10[%swap3A_493, %swap3A_494], %swap3A_497 {strides = array<i32>} : memref<8x64xf32, #tpu.memory_space<vmem>>, vector<1x16xf32>,
      %swap3A_498 = arith.constant 4 : i32
      %swap3A_499 = arith.index_cast %swap3A_498 : i32 to index
      %swap3A_500 = arith.constant 0 : index
      %swap3A_501 = tpu.vector_load %arg10[%swap3A_499, %swap3A_500] {strides = array<i32>} : memref<8x64xf32, #tpu.memory_space<vmem>>, vector<1x16xf32>,
      %swap3A_502 = vector.shape_cast %swap3A_501 : vector<1x16xf32> to vector<16xf32>
      %swap3A_503 = vector.shape_cast %scan3A_400#16 : vector<16xf32> to vector<1x16xf32>
      tpu.vector_store %arg10[%swap3A_499, %swap3A_500], %swap3A_503 {strides = array<i32>} : memref<8x64xf32, #tpu.memory_space<vmem>>, vector<1x16xf32>,
      %swap3A_504 = arith.constant 4 : i32
      %swap3A_505 = arith.index_cast %swap3A_504 : i32 to index
      %swap3A_506 = arith.constant 16 : index
      %swap3A_507 = tpu.vector_load %arg10[%swap3A_505, %swap3A_506] {strides = array<i32>} : memref<8x64xf32, #tpu.memory_space<vmem>>, vector<1x16xf32>,
      %swap3A_508 = vector.shape_cast %swap3A_507 : vector<1x16xf32> to vector<16xf32>
      %swap3A_509 = vector.shape_cast %scan3A_400#17 : vector<16xf32> to vector<1x16xf32>
      tpu.vector_store %arg10[%swap3A_505, %swap3A_506], %swap3A_509 {strides = array<i32>} : memref<8x64xf32, #tpu.memory_space<vmem>>, vector<1x16xf32>,
      %swap3A_510 = arith.constant 4 : i32
      %swap3A_511 = arith.index_cast %swap3A_510 : i32 to index
      %swap3A_512 = arith.constant 32 : index
      %swap3A_513 = tpu.vector_load %arg10[%swap3A_511, %swap3A_512] {strides = array<i32>} : memref<8x64xf32, #tpu.memory_space<vmem>>, vector<1x16xf32>,
      %swap3A_514 = vector.shape_cast %swap3A_513 : vector<1x16xf32> to vector<16xf32>
      %swap3A_515 = vector.shape_cast %scan3A_400#18 : vector<16xf32> to vector<1x16xf32>
      tpu.vector_store %arg10[%swap3A_511, %swap3A_512], %swap3A_515 {strides = array<i32>} : memref<8x64xf32, #tpu.memory_space<vmem>>, vector<1x16xf32>,
      %swap3A_516 = arith.constant 4 : i32
      %swap3A_517 = arith.index_cast %swap3A_516 : i32 to index
      %swap3A_518 = arith.constant 48 : index
      %swap3A_519 = tpu.vector_load %arg10[%swap3A_517, %swap3A_518] {strides = array<i32>} : memref<8x64xf32, #tpu.memory_space<vmem>>, vector<1x16xf32>,
      %swap3A_520 = vector.shape_cast %swap3A_519 : vector<1x16xf32> to vector<16xf32>
      %swap3A_521 = vector.shape_cast %scan3A_400#19 : vector<16xf32> to vector<1x16xf32>
      tpu.vector_store %arg10[%swap3A_517, %swap3A_518], %swap3A_521 {strides = array<i32>} : memref<8x64xf32, #tpu.memory_space<vmem>>, vector<1x16xf32>,
      %swap3A_522 = arith.constant 5 : i32
      %swap3A_523 = arith.index_cast %swap3A_522 : i32 to index
      %swap3A_524 = arith.constant 0 : index
      %swap3A_525 = tpu.vector_load %arg10[%swap3A_523, %swap3A_524] {strides = array<i32>} : memref<8x64xf32, #tpu.memory_space<vmem>>, vector<1x16xf32>,
      %swap3A_526 = vector.shape_cast %swap3A_525 : vector<1x16xf32> to vector<16xf32>
      %swap3A_527 = vector.shape_cast %scan3A_400#20 : vector<16xf32> to vector<1x16xf32>
      tpu.vector_store %arg10[%swap3A_523, %swap3A_524], %swap3A_527 {strides = array<i32>} : memref<8x64xf32, #tpu.memory_space<vmem>>, vector<1x16xf32>,
      %swap3A_528 = arith.constant 5 : i32
      %swap3A_529 = arith.index_cast %swap3A_528 : i32 to index
      %swap3A_530 = arith.constant 16 : index
      %swap3A_531 = tpu.vector_load %arg10[%swap3A_529, %swap3A_530] {strides = array<i32>} : memref<8x64xf32, #tpu.memory_space<vmem>>, vector<1x16xf32>,
      %swap3A_532 = vector.shape_cast %swap3A_531 : vector<1x16xf32> to vector<16xf32>
      %swap3A_533 = vector.shape_cast %scan3A_400#21 : vector<16xf32> to vector<1x16xf32>
      tpu.vector_store %arg10[%swap3A_529, %swap3A_530], %swap3A_533 {strides = array<i32>} : memref<8x64xf32, #tpu.memory_space<vmem>>, vector<1x16xf32>,
      %swap3A_534 = arith.constant 5 : i32
      %swap3A_535 = arith.index_cast %swap3A_534 : i32 to index
      %swap3A_536 = arith.constant 32 : index
      %swap3A_537 = tpu.vector_load %arg10[%swap3A_535, %swap3A_536] {strides = array<i32>} : memref<8x64xf32, #tpu.memory_space<vmem>>, vector<1x16xf32>,
      %swap3A_538 = vector.shape_cast %swap3A_537 : vector<1x16xf32> to vector<16xf32>
      %swap3A_539 = vector.shape_cast %scan3A_400#22 : vector<16xf32> to vector<1x16xf32>
      tpu.vector_store %arg10[%swap3A_535, %swap3A_536], %swap3A_539 {strides = array<i32>} : memref<8x64xf32, #tpu.memory_space<vmem>>, vector<1x16xf32>,
      %swap3A_540 = arith.constant 5 : i32
      %swap3A_541 = arith.index_cast %swap3A_540 : i32 to index
      %swap3A_542 = arith.constant 48 : index
      %swap3A_543 = tpu.vector_load %arg10[%swap3A_541, %swap3A_542] {strides = array<i32>} : memref<8x64xf32, #tpu.memory_space<vmem>>, vector<1x16xf32>,
      %swap3A_544 = vector.shape_cast %swap3A_543 : vector<1x16xf32> to vector<16xf32>
      %swap3A_545 = vector.shape_cast %scan3A_400#23 : vector<16xf32> to vector<1x16xf32>
      tpu.vector_store %arg10[%swap3A_541, %swap3A_542], %swap3A_545 {strides = array<i32>} : memref<8x64xf32, #tpu.memory_space<vmem>>, vector<1x16xf32>,
      %swap3A_546 = arith.constant 6 : i32
      %swap3A_547 = arith.index_cast %swap3A_546 : i32 to index
      %swap3A_548 = arith.constant 0 : index
      %swap3A_549 = tpu.vector_load %arg10[%swap3A_547, %swap3A_548] {strides = array<i32>} : memref<8x64xf32, #tpu.memory_space<vmem>>, vector<1x16xf32>,
      %swap3A_550 = vector.shape_cast %swap3A_549 : vector<1x16xf32> to vector<16xf32>
      %swap3A_551 = vector.shape_cast %scan3A_400#24 : vector<16xf32> to vector<1x16xf32>
      tpu.vector_store %arg10[%swap3A_547, %swap3A_548], %swap3A_551 {strides = array<i32>} : memref<8x64xf32, #tpu.memory_space<vmem>>, vector<1x16xf32>,
      %swap3A_552 = arith.constant 6 : i32
      %swap3A_553 = arith.index_cast %swap3A_552 : i32 to index
      %swap3A_554 = arith.constant 16 : index
      %swap3A_555 = tpu.vector_load %arg10[%swap3A_553, %swap3A_554] {strides = array<i32>} : memref<8x64xf32, #tpu.memory_space<vmem>>, vector<1x16xf32>,
      %swap3A_556 = vector.shape_cast %swap3A_555 : vector<1x16xf32> to vector<16xf32>
      %swap3A_557 = vector.shape_cast %scan3A_400#25 : vector<16xf32> to vector<1x16xf32>
      tpu.vector_store %arg10[%swap3A_553, %swap3A_554], %swap3A_557 {strides = array<i32>} : memref<8x64xf32, #tpu.memory_space<vmem>>, vector<1x16xf32>,
      %swap3A_558 = arith.constant 6 : i32
      %swap3A_559 = arith.index_cast %swap3A_558 : i32 to index
      %swap3A_560 = arith.constant 32 : index
      %swap3A_561 = tpu.vector_load %arg10[%swap3A_559, %swap3A_560] {strides = array<i32>} : memref<8x64xf32, #tpu.memory_space<vmem>>, vector<1x16xf32>,
      %swap3A_562 = vector.shape_cast %swap3A_561 : vector<1x16xf32> to vector<16xf32>
      %swap3A_563 = vector.shape_cast %scan3A_400#26 : vector<16xf32> to vector<1x16xf32>
      tpu.vector_store %arg10[%swap3A_559, %swap3A_560], %swap3A_563 {strides = array<i32>} : memref<8x64xf32, #tpu.memory_space<vmem>>, vector<1x16xf32>,
      %swap3A_564 = arith.constant 6 : i32
      %swap3A_565 = arith.index_cast %swap3A_564 : i32 to index
      %swap3A_566 = arith.constant 48 : index
      %swap3A_567 = tpu.vector_load %arg10[%swap3A_565, %swap3A_566] {strides = array<i32>} : memref<8x64xf32, #tpu.memory_space<vmem>>, vector<1x16xf32>,
      %swap3A_568 = vector.shape_cast %swap3A_567 : vector<1x16xf32> to vector<16xf32>
      %swap3A_569 = vector.shape_cast %scan3A_400#27 : vector<16xf32> to vector<1x16xf32>
      tpu.vector_store %arg10[%swap3A_565, %swap3A_566], %swap3A_569 {strides = array<i32>} : memref<8x64xf32, #tpu.memory_space<vmem>>, vector<1x16xf32>,
      %swap3A_570 = arith.constant 7 : i32
      %swap3A_571 = arith.index_cast %swap3A_570 : i32 to index
      %swap3A_572 = arith.constant 0 : index
      %swap3A_573 = tpu.vector_load %arg10[%swap3A_571, %swap3A_572] {strides = array<i32>} : memref<8x64xf32, #tpu.memory_space<vmem>>, vector<1x16xf32>,
      %swap3A_574 = vector.shape_cast %swap3A_573 : vector<1x16xf32> to vector<16xf32>
      %swap3A_575 = vector.shape_cast %scan3A_400#28 : vector<16xf32> to vector<1x16xf32>
      tpu.vector_store %arg10[%swap3A_571, %swap3A_572], %swap3A_575 {strides = array<i32>} : memref<8x64xf32, #tpu.memory_space<vmem>>, vector<1x16xf32>,
      %swap3A_576 = arith.constant 7 : i32
      %swap3A_577 = arith.index_cast %swap3A_576 : i32 to index
      %swap3A_578 = arith.constant 16 : index
      %swap3A_579 = tpu.vector_load %arg10[%swap3A_577, %swap3A_578] {strides = array<i32>} : memref<8x64xf32, #tpu.memory_space<vmem>>, vector<1x16xf32>,
      %swap3A_580 = vector.shape_cast %swap3A_579 : vector<1x16xf32> to vector<16xf32>
      %swap3A_581 = vector.shape_cast %scan3A_400#29 : vector<16xf32> to vector<1x16xf32>
      tpu.vector_store %arg10[%swap3A_577, %swap3A_578], %swap3A_581 {strides = array<i32>} : memref<8x64xf32, #tpu.memory_space<vmem>>, vector<1x16xf32>,
      %swap3A_582 = arith.constant 7 : i32
      %swap3A_583 = arith.index_cast %swap3A_582 : i32 to index
      %swap3A_584 = arith.constant 32 : index
      %swap3A_585 = tpu.vector_load %arg10[%swap3A_583, %swap3A_584] {strides = array<i32>} : memref<8x64xf32, #tpu.memory_space<vmem>>, vector<1x16xf32>,
      %swap3A_586 = vector.shape_cast %swap3A_585 : vector<1x16xf32> to vector<16xf32>
      %swap3A_587 = vector.shape_cast %scan3A_400#30 : vector<16xf32> to vector<1x16xf32>
      tpu.vector_store %arg10[%swap3A_583, %swap3A_584], %swap3A_587 {strides = array<i32>} : memref<8x64xf32, #tpu.memory_space<vmem>>, vector<1x16xf32>,
      %swap3A_588 = arith.constant 7 : i32
      %swap3A_589 = arith.index_cast %swap3A_588 : i32 to index
      %swap3A_590 = arith.constant 48 : index
      %swap3A_591 = tpu.vector_load %arg10[%swap3A_589, %swap3A_590] {strides = array<i32>} : memref<8x64xf32, #tpu.memory_space<vmem>>, vector<1x16xf32>,
      %swap3A_592 = vector.shape_cast %swap3A_591 : vector<1x16xf32> to vector<16xf32>
      %swap3A_593 = vector.shape_cast %scan3A_400#31 : vector<16xf32> to vector<1x16xf32>
      tpu.vector_store %arg10[%swap3A_589, %swap3A_590], %swap3A_593 {strides = array<i32>} : memref<8x64xf32, #tpu.memory_space<vmem>>, vector<1x16xf32>,
      %mul3A_594 = arith.constant 8 : i32
      %mul3A_595 = arith.muli %add3A_326, %mul3A_594 : i32
      %add3A_596 = arith.addi %mul3A_2, %mul3A_595 : i32
      %dma_start3A_597 = arith.constant 0 : i32
      %dma_start3A_598 = tpu.memref_slice %arg5[%add3A_596, %dma_start3A_597] : memref<16384x64xf32, #tpu.memory_space<hbm>> -> memref<8x64xf32, #tpu.memory_space<hbm>>
      %dma_start3A_599 = arith.constant 0 : i32
      %dma_start3A_600 = tpu.memref_slice %arg5[%add3A_596, %dma_start3A_599] : memref<16384x64xf32, #tpu.memory_space<hbm>> -> memref<8x64xf32, #tpu.memory_space<hbm>>
      tpu.enqueue_dma source(%arg10 : memref<8x64xf32, #tpu.memory_space<vmem>>) target(%dma_start3A_600 : memref<8x64xf32, #tpu.memory_space<hbm>>) target_semaphore(%arg14 : memref<!tpu.dma_semaphore, #tpu.memory_space<semaphore_mem>>)
    }
    %scan3A_13 = arith.constant 32 : i32
    %add3A_14 = arith.constant 496 : i32
    %add3A_15 = arith.addi %mul3A_2, %add3A_14 : i32
    %dma_wait3A = arith.constant 0 : i32
    %dma_wait3A_16 = tpu.memref_slice %arg5[%add3A_15, %dma_wait3A] : memref<16384x64xf32, #tpu.memory_space<hbm>> -> memref<8x64xf32, #tpu.memory_space<hbm>>
    %dma_wait3A_17 = arith.constant 0 : i32
    %dma_wait3A_18 = tpu.memref_slice %arg5[%add3A_15, %dma_wait3A_17] : memref<16384x64xf32, #tpu.memory_space<hbm>> -> memref<8x64xf32, #tpu.memory_space<hbm>>
    tpu.wait_dma2 semaphore(%arg13 : memref<!tpu.dma_semaphore, #tpu.memory_space<semaphore_mem>>) src(%arg9 : memref<8x64xf32, #tpu.memory_space<vmem>>) dst(%dma_wait3A_18 : memref<8x64xf32, #tpu.memory_space<hbm>>)
    %add3A_19 = arith.constant 504 : i32
    %add3A_20 = arith.addi %mul3A_2, %add3A_19 : i32
    %dma_wait3A_21 = arith.constant 0 : i32
    %dma_wait3A_22 = tpu.memref_slice %arg5[%add3A_20, %dma_wait3A_21] : memref<16384x64xf32, #tpu.memory_space<hbm>> -> memref<8x64xf32, #tpu.memory_space<hbm>>
    %dma_wait3A_23 = arith.constant 0 : i32
    %dma_wait3A_24 = tpu.memref_slice %arg5[%add3A_20, %dma_wait3A_23] : memref<16384x64xf32, #tpu.memory_space<hbm>> -> memref<8x64xf32, #tpu.memory_space<hbm>>
    tpu.wait_dma2 semaphore(%arg14 : memref<!tpu.dma_semaphore, #tpu.memory_space<semaphore_mem>>) src(%arg10 : memref<8x64xf32, #tpu.memory_space<vmem>>) dst(%dma_wait3A_24 : memref<8x64xf32, #tpu.memory_space<hbm>>)
    return
  }
}

module attributes {stable_mosaic.version = 14 : i64} {
  func.func @_fence_body(%arg0: i32, %arg1: memref<1024xf32, #tpu.memory_space<vmem>>, %arg2: memref<1024xf32, #tpu.memory_space<vmem>>) attributes {dimension_semantics = [#tpu.dimension_semantics<arbitrary>], iteration_bounds = array<i64: 1>, scalar_prefetch = 0 : i64, scratch_operands = 0 : i64, tpu.core_type = #tpu.core_type<tc>, window_params = [{transform_indices = @transform_0, window_bounds = array<i64: 1024>}, {pipeline_mode = #tpu.pipeline_mode<synchronous>, transform_indices = @transform_1, window_bounds = array<i64: 1024>}]} {
    %get3A = arith.constant 0 : index
    %get3A_0 = vector.load %arg1[%get3A] : memref<1024xf32, #tpu.memory_space<vmem>>, vector<1024xf32>
    %swap3A = arith.constant 0 : index
    %swap3A_1 = vector.load %arg2[%swap3A] : memref<1024xf32, #tpu.memory_space<vmem>>, vector<1024xf32>
    tpu.vector_store %arg2[%swap3A], %get3A_0 {strides = array<i32>} : memref<1024xf32, #tpu.memory_space<vmem>>, vector<1024xf32>,
    return
  }
  func.func @transform_0(%arg0: i32) -> i32 {
    %c0_i32 = arith.constant 0 : i32
    %c0_i32_0 = arith.constant 0 : i32
    return %c0_i32 : i32
  }
  func.func @transform_1(%arg0: i32) -> i32 {
    %c0_i32 = arith.constant 0 : i32
    %c0_i32_0 = arith.constant 0 : i32
    return %c0_i32 : i32
  }
}

module attributes {stable_mosaic.version = 14 : i64} {
  func.func @_mm_body(%arg0: i32, %arg1: memref<2048x64xf32, #tpu.memory_space<vmem>>, %arg2: memref<64x64xf32, #tpu.memory_space<vmem>>, %arg3: memref<2048x64xf32, #tpu.memory_space<vmem>>) attributes {dimension_semantics = [#tpu.dimension_semantics<arbitrary>], iteration_bounds = array<i64: 8>, scalar_prefetch = 0 : i64, scratch_operands = 0 : i64, tpu.core_type = #tpu.core_type<tc>, window_params = [{transform_indices = @transform_0, window_bounds = array<i64: 2048, 64>}, {pipeline_mode = #tpu.pipeline_mode<synchronous>, transform_indices = @transform_1, window_bounds = array<i64: 64, 64>}, {transform_indices = @transform_2, window_bounds = array<i64: 2048, 64>}]} {
    %get3A = arith.constant 0 : index
    %get3A_0 = arith.constant 0 : index
    %get3A_1 = vector.load %arg1[%get3A, %get3A_0] : memref<2048x64xf32, #tpu.memory_space<vmem>>, vector<2048x64xf32>
    %get3A_2 = arith.constant 0 : index
    %get3A_3 = arith.constant 0 : index
    %get3A_4 = vector.load %arg2[%get3A_2, %get3A_3] : memref<64x64xf32, #tpu.memory_space<vmem>>, vector<64x64xf32>
    %dot_general3A = arith.constant dense<0.000000e+00> : vector<2048x64xf32>
    %dot_general3A_5 = tpu.matmul %get3A_1, %get3A_4, %dot_general3A {dimension_numbers = #tpu.dot_dimension_numbers<[1], [1], [0], [0], [0, 0, 1, 0], [], []>, transpose_lhs_hint = false} : vector<2048x64xf32>, vector<64x64xf32>, vector<2048x64xf32> -> vector<2048x64xf32>
    %swap3A = arith.constant 0 : index
    %swap3A_6 = arith.constant 0 : index
    %swap3A_7 = vector.load %arg3[%swap3A, %swap3A_6] : memref<2048x64xf32, #tpu.memory_space<vmem>>, vector<2048x64xf32>
    tpu.vector_store %arg3[%swap3A, %swap3A_6], %dot_general3A_5 {strides = array<i32>} : memref<2048x64xf32, #tpu.memory_space<vmem>>, vector<2048x64xf32>,
    return
  }
  func.func @transform_0(%arg0: i32) -> (i32, i32) {
    %c0_i32 = arith.constant 0 : i32
    %c0_i32_0 = arith.constant 0 : i32
    return %arg0, %c0_i32 : i32, i32
  }
  func.func @transform_1(%arg0: i32) -> (i32, i32) {
    %c0_i32 = arith.constant 0 : i32
    %c0_i32_0 = arith.constant 0 : i32
    %c0_i32_1 = arith.constant 0 : i32
    return %c0_i32, %c0_i32_0 : i32, i32
  }
  func.func @transform_2(%arg0: i32) -> (i32, i32) {
    %c0_i32 = arith.constant 0 : i32
    %c0_i32_0 = arith.constant 0 : i32
    return %arg0, %c0_i32 : i32, i32
  }
}

</mosaic_0001>

<sc_bundles>
// kernel: kernel.6.cloned.1.call-start
scs
__scs_entry_jumppad:
0x0: {  	(pc) =	sbr.rel $0x88, $3  }
0x1: {  	(tag) =	ssettag $0x0;
	lr =	simm.s32 $0x1  }
0x2: {  	[smem:$0x3F9E] =	sst lr;
	_ =	strace $0xD0000000  }
0x3: {  	_ = 	snop  }
0x4: {  	_ = 	snop  }
0x5: {  	_ = 	snop  }
0x6: {  	_ = 	snop  }
0x7: {  	_ = 	snop  }
__scs_overlays_trampoline_lowered:
0x8: {  	[smem:$0x3FAD] =	sst s0  }
0x9: {  	[smem:$0x3FAE] =	sst s1  }
0xa: {  	[smem:$0x3FAF] =	sst s2  }
0xb: {  	[smem:$0x3FB0] =	sst s3  }
0xc: {  	[smem:$0x3FB1] =	sst s4  }
0xd: {  	[smem:$0x3FB2] =	sst s5  }
0xe: {  	[smem:$0x3FB3] =	sst s6  }
0xf: {  	[smem:$0x3FB4] =	sst s7  }
0x10: {  	[smem:$0x3FB5] =	sst s8  }
0x11: {  	[smem:$0x3FB6] =	sst s9;
	s0 =	simm.s32 @!p0 $0x0  }
0x12: {  	s1 =	sld [smem:$0x3F9C];
	s0 =	simm.s32 @p0 $0x1  }
0x13: {  	[smem:$0x3FB7] =	sst s0;
	s0 =	simm.s32 @!p1 $0x0  }
0x14: {  	s2 =	sld [smem:$0x3F9B];
	s0 =	simm.s32 @p1 $0x1  }
0x15: {  	[smem:$0x3FB8] =	sst s0;
	s0 =	simm.s32 @!p2 $0x0  }
0x16: {  	s3 =	sld [smem:$0x3FDB];
	s0 =	simm.s32 @p2 $0x1  }
0x17: {  	s4 =	simm.s32 $0x1BF5;
	[smem:$0x3FBA] =	sst s0  }
0x18: {  	s0 =	sld [smem:$0x3F9D];
	_ =	swait.ge [sflag:s4], $0x0  }
0x19: {  	s7 =	sld [smem:$0x3F9E]  }
0x1a: {  	s8 =	sadd.s32 $0xFFFFE003, lr  }
0x1b: {  	s9 =	sadd.s32 $0xFFFFFEF7, lr;
	s5 =	simm.s32 $0xFFFFFFFF;
	p2 =	slt.u32 s8, $0xFFFFF086  }
0x1c: {  	p1 =	slt.u32 s9, $0xF7A;
	s5 =	simm.s32 @!p2 $0x0  }
0x1d: {  	s5 =	simm.s32 @p1 $0x1;
	p0 =	seq.s32 s7, s2  }
0x1e: {  	s7 =	smul.u32 @!p0 $0xF7A, s2;
	p2 =	seq.s32 @!p0 s5, $0x0  }
0x1f: {  	s9 =	smul.u32 $0xF7A, s1;
	s8 =	simm.s32 @!p0 $0x1BF5;
	p2 =	por !p2, p0  }
0x20: {  	[sflag:s8] =	ssyncset.s32 @!p0 $0xFFFFF086;
	s6 =	sadd.s32 @!p0 s3, s7;
	s7 =	simm.s32 @!p0 $0x108  }
0x21: {  	s3 =	sadd.s32 s3, s9;
	s6 =	sadd.s32 @!p0 $0x88, s6;
	s7 =	simm.s32 @p2 $0x1082  }
0x22: {  	[simem:s7], [sflag:s8] =	dma.local @!p0 [hbm:s6], $0xF7A  }
0x23: {  	s9 =	sor.u32 $0xD0000000, s2;
	s6 =	simm.s32 $0x108;
	_ =	swait.ge @!p0 [sflag:s8], $0x0  }
0x24: {  	s3 =	sadd.s32 $0x88, s3;
	s6 =	simm.s32 @!p1 $0x1082;
	[sflag:s4] =	ssyncset.s32 $0xFFFFF086  }
0x25: {  	[simem:s6], [sflag:s4] =	dma.local [hbm:s3], $0xF7A  }
0x26: {  	[smem:$0x3F9E] =	sst s1;
	(tag) =	ssettag s2;
	_ =	strace s9  }
0x27: {  	s1 =	sld [smem:$0x3FAE]  }
0x28: {  	s2 =	sld [smem:$0x3FAF]  }
0x29: {  	s4 =	sld [smem:$0x3FB1]  }
0x2a: {  	p0 =	seq.s32 s5, $0x0;
	s5 =	sld [smem:$0x3FB2]  }
0x2b: {  	s6 =	sld [smem:$0x3FB3]  }
0x2c: {  	s7 =	sld [smem:$0x3FB4]  }
0x2d: {  	s3 =	simm.s32 $0x108;
	s8 =	sld [smem:$0x3FB5]  }
0x2e: {  	s3 =	simm.s32 @!p0 $0x1082;
	s9 =	sld [smem:$0x3FB6]  }
0x2f: {  	lr =	sadd.s32 s0, s3;
	s0 =	sld [smem:$0x3FAD]  }
0x30: {  	s3 =	sld [smem:$0x3FB0]  }
0x31: {  	[smem:$0x3FB9] =	sst s10  }
0x32: {  	s10 =	sld [smem:$0x3FB7];
	_ =	sdelay $0x3  }
0x33: {  	p0 =	seq.s32 s10, $0x1;
	s10 =	sld [smem:$0x3FB9];
	_ =	sdelay $0x3  }
0x34: {  	[smem:$0x3FB9] =	sst s10  }
0x35: {  	s10 =	sld [smem:$0x3FB8];
	_ =	sdelay $0x3  }
0x36: {  	p1 =	seq.s32 s10, $0x1;
	s10 =	sld [smem:$0x3FB9];
	_ =	sdelay $0x3  }
0x37: {  	[smem:$0x3FB9] =	sst s10  }
0x38: {  	s10 =	sld [smem:$0x3FBA]  }
0x39: {  	_ = 	snop;
	(pc) =	sbr.ind lr, $3  }
0x3a: {  	_ = 	snop  }
0x3b: {  	_ = 	snop  }
0x3c: {  	p2 =	seq.s32 s10, $0x1;
	s10 =	sld [smem:$0x3FB9]  }
0x3d: {  	_ =	shalt  }
0x3e: {  	_ =	shalt  }
0x3f: {  	_ =	shalt  }
0x40: {  	_ =	shalt  }
0x41: {  	_ =	shalt  }
0x42: {  	_ =	shalt  }
0x43: {  	_ =	shalt  }
0x44: {  	_ =	shalt  }
0x45: {  	_ =	shalt  }
0x46: {  	_ =	shalt  }
0x47: {  	_ =	shalt  }
0x48: {  	_ =	shalt  }
0x49: {  	_ =	shalt  }
0x4a: {  	_ =	shalt  }
0x4b: {  	_ =	shalt  }
0x4c: {  	_ =	shalt  }
0x4d: {  	_ =	shalt  }
0x4e: {  	_ =	shalt  }
0x4f: {  	_ =	shalt  }
0x50: {  	_ =	shalt  }
0x51: {  	_ =	shalt  }
0x52: {  	_ =	shalt  }
0x53: {  	_ =	shalt  }
0x54: {  	_ =	shalt  }
0x55: {  	_ =	shalt  }
0x56: {  	_ =	shalt  }
0x57: {  	_ =	shalt  }
0x58: {  	_ =	shalt  }
0x59: {  	_ =	shalt  }
0x5a: {  	_ =	shalt  }
0x5b: {  	_ =	shalt  }
0x5c: {  	_ =	shalt  }
0x5d: {  	_ =	shalt  }
0x5e: {  	_ =	shalt  }
0x5f: {  	_ =	shalt  }
0x60: {  	_ =	shalt  }
0x61: {  	_ =	shalt  }
0x62: {  	_ =	shalt  }
0x63: {  	_ =	shalt  }
0x64: {  	_ =	shalt  }
0x65: {  	_ =	shalt  }
0x66: {  	_ =	shalt  }
0x67: {  	_ =	shalt  }
0x68: {  	_ =	shalt  }
0x69: {  	_ =	shalt  }
0x6a: {  	_ =	shalt  }
0x6b: {  	_ =	shalt  }
0x6c: {  	_ =	shalt  }
0x6d: {  	_ =	shalt  }
0x6e: {  	_ =	shalt  }
0x6f: {  	_ =	shalt  }
0x70: {  	_ =	shalt  }
0x71: {  	_ =	shalt  }
0x72: {  	_ =	shalt  }
0x73: {  	_ =	shalt  }
0x74: {  	_ =	shalt  }
0x75: {  	_ =	shalt  }
0x76: {  	_ =	shalt  }
0x77: {  	_ =	shalt  }
0x78: {  	_ =	shalt  }
0x79: {  	_ =	shalt  }
0x7a: {  	_ =	shalt  }
0x7b: {  	_ =	shalt  }
0x7c: {  	_ =	shalt  }
0x7d: {  	_ =	shalt  }
0x7e: {  	_ =	shalt  }
0x7f: {  	_ =	shalt  }
0x80: {  	_ =	shalt  }
0x81: {  	_ =	shalt  }
0x82: {  	_ =	shalt  }
0x83: {  	_ =	shalt  }
0x84: {  	_ =	shalt  }
0x85: {  	_ =	shalt  }
0x86: {  	_ =	shalt  }
0x87: {  	_ =	shalt  }
.Lfunc_end0:
.L_simem_size_0:
called_computation_lowered:
.L_overlay_start_0:
0x88: {  	s2 =	sld [smem:$0x3FD9]  }
0x89: {  	s3 =	sld [smem:$0x3FFE];
	_ =	sdelay $0x1  }
0x8a: {  	s1 =	srdreg.scid  }
0x8b: {  	s0 =	sand.u32 $0x1, s1  }
0x8c: {  	s17 =	sshll.u32 s0, $0xA;
	s2 =	sadd.s32 s3, s2  }
0x8d: {  	s2 =	sadd.s32 s2, s17  }
0x8e: {  	[smem:$0x3FC5] =	sst s2  }
0x8f: {  	_ = 	snop  }
0x90: {  	s2 =	sld [smem:$0x3FC8]  }
0x91: {  	s18 =	sld [smem:$0x3FD0];
	(tm) =	ssettm $0x1  }
0x92: {  	s4 =	sld [smem:$0x3FFB];
	_ =	sdelay $0x3  }
0x93: {  	_ =	strace s4  }
0x94: {  	s4 =	sld [smem:$0x3FFC];
	_ =	sdelay $0x3  }
0x95: {  	_ =	strace s4  }
0x96: {  	s4 =	sld [smem:$0x3FFD];
	_ =	sdelay $0x3  }
0x97: {  	_ =	strace s4  }
0x98: {  	_ =	strace $0x8FFFFFFF  }
0x99: {  	s19 =	sld [smem:$0x3FDB];
	_ =	sdelay $0x1  }
0x9a: {  	s5 =	simm.s32 $_scs_section_size  }
0x9b: {  	s6 =	simm.s32 $_size__tile_overlayer_lowered;
	s7 =	simm.s32 $_tile_overlayer_lowered  }
0x9c: {  	s22 =	simm.s32 $0x1BFF;
	s21 =	sshll.u32 s7, $0x1;
	s4 =	sadd.s32 s5, s19  }
0x9d: {  	s8 =	simm.s32 $0x0;
	s20 =	sshll.u32 s6, $0x1;
	s6 =	sadd.s32 s21, s4  }
0x9e: {  	[timem:s8], [sflag:s22] =	dma.local [hbm:s6], s20  }
0x9f: {  	_ =	swait.ge [sflag:s22], s20  }
0xa0: {  	s5 =	ssub.s32 $0x0, s20;
	[sflag:s22] =	ssyncset.done $0x0  }
0xa1: {  	[sflag:s22] =	ssyncadd.s32 s5;
	_ =	sdelay $0x1  }
0xa2: {  	s23 =	simm.s32 $0x1B8B  }
0xa3: {  	_ =	swait.ge [sflag:s23], $0x1  }
0xa4: {  	[sflag:s23] =	ssyncset.done $0x0  }
0xa5: {  	s25 =	simm.s32 $0x1B8E;
	s24 =	sld [smem:$0x3FFE];
	[sflag:s23] =	ssyncadd.s32 $0xFFFFFFFF  }
0xa6: {  	s26 =	simm.s32 $execute0_lowered;
	[smem:$0x3FD2] =	sst s25  }
0xa7: {  	s6 =	sshll.u32 s26, $0x1;
	_ =	strace $0x80000046;
	[dreg:$0x1] =	wrdreg $0xFFFFFFFF  }
0xa8: {  	s28 =	simm.s32 $_size_execute0_lowered;
	s4 =	sadd.s32 s4, s6;
	[dreg:$0x0] =	wrdreg $0x0  }
0xa9: {  	s6 =	sshll.u32 s28, $0x1;
	[dreg:$0x2] =	wrdreg s4  }
0xaa: {  	[dreg:$0x3] =	wrdreg s6  }
0xab: {  	[dreg:$0x4] =	wrdreg $0xC0  }
0xac: {  	_ =	task [dreg:s8], $0x5FFFF  }
0xad: {  	[dreg:$0x1] =	wrdreg $0xFFFFFFFF  }
0xae: {  	[dreg:$0x0] =	wrdreg $0x60  }
0xaf: {  	[dreg:$0x2] =	wrdreg s2  }
0xb0: {  	[dreg:$0x3] =	wrdreg s18  }
0xb1: {  	[dreg:$0x4] =	wrdreg s24  }
0xb2: {  	[dreg:$0x5] =	wrdreg $0x9  }
0xb3: {  	_ =	task.clear_ibuf [dreg:s8], $0x6FFFF;
	_ =	strace $0x90000046  }
0xb4: {  	s29 =	simm.s32 $0x9;
	_ =	strace $0x80000048  }
0xb5: {  	_ =	swait.ge [sflag:s29], $0x1  }
0xb6: {  	[sflag:s29] =	ssyncadd.s32 $0xFFFFFFFF  }
0xb7: {  	_ =	strace $0x90000048  }
0xb8: {  	_ =	sfence  }
0xb9: {  	s30 =	sld [smem:$0x0];
	_ =	sdelay $0x2  }
0xba: {  	s31 =	sshll.u32 s1, $0xD;
	s1 =	sshrl.u32 s1, $0x2  }
0xbb: {  	s3 =	sand.u32 $0x4000, s31;
	s1 =	sadd.s32 s1, s30  }
0xbc: {  	s0 =	sor.u32 s3, s0;
	s1 =	sshll.u32 s1, $0x11  }
0xbd: {  	s0 =	sor.u32 s1, s0  }
0xbe: {  	s0 =	sadd.s32 $0x8F2B, s0  }
0xbf: {  	[sflag:s0] =	ssyncadd.remote.s32 $0x1  }
0xc0: {  	_ =	sfence.sel $0xFFFF  }
0xc1: {  	[dreg:$0x0] =	wrdreg $0xFFFFFFFF;
	(pc) =	sbr.abs _section_cstart, $3  }
0xc2: {  	[dreg:$0x1] =	wrdreg $0xFFFFFFFF  }
0xc3: {  	_ =	task.clear_ibuf [dreg:s8], $0x2FFFF;
	_ =	strace $0x9FFFFFFF  }
0xc4: {  	(tm) =	ssettm $0x7FFFFFFF  }
0xc5: {  	_ =	shalt  }
tec
execute0_lowered:
.L_overlay_start_1:
0x0: {  	(tag) =	ssettag $0x1  }
0x1: {  	v0 =	vimm.s32 $0xC28140;
	vm5 =	vcmask $0x300;
	v1 =	vimm.s32 $0x10F  }
0x2: {  	vm7 =	vcmask $0x704;
	vm0 =	vcmask $0xB00;
	vm8 =	vcmask $0xB08  }
0x3: {  	vm9 =	vcmask $0xF0C;
	vm10 =	vcmask $0x1310;
	vm6 =	vcmask $0x1714  }
0x4: {  	vm4 =	vcmask $0x1B18;
	vm3 =	vcmask $0x1F1C;
	vm2 =	vcmask $0x2320  }
0x5: {  	vm1 =	vcmask $0x2724;
	v2 =	vimm.s32 $0xBCE8D4C;
	vm11 =	vcmask $0x3B2C  }
0x6: {  	v4 =	vimm.s32 $0x18F;
	v5 =	vimm.s32 $0x4B0ACD8C;
	vm12 =	vcmask $0x3728  }
0x7: {  	v6 =	vimm.s32 $0x8B4A09CC;
	vm13 =	vcmask $0x3324;
	v7 =	vimm.s32 $0xCB8A4908  }
0x8: {  	vm14 =	vcmask $0x2F20;
	v8 =	vimm.s32 $0x24F;
	vm15 =	vcmask $0x2B1C  }
0x9: {  	v9 =	vimm.s32 $0x4F;
	v10 =	vimm.s32 $0x28F;
	v11 =	vimm.s32 $0xCF8E4D0C  }
0xa: {  	v12 =	vimm.s32 $0x100;
	v13 =	vimm.s32 $0x874605C8;
	v14 =	vimm.s32 $0x2CF  }
0xb: {  	v15 =	vimm.s32 $0x30F;
	v16 =	vimm.s32 $0x3C68544;
	v17 =	vimm.s32 $0x38F  }
0xc: {  	v24 =	vimm.s32 $0x98765432;
	v26 =	vimm.s32 $0xA9876543;
	v27 =	vimm.s32 $0x3210FEDC  }
0xd: {  	v28 =	vimm.s32 $0xBA987654;
	v29 =	vimm.s32 $0xFEDCBA98;
	v30 =	vimm.s32 $0x76543210  }
0xe: {  	v32 =	vimm.s32 $0x43210FED;
	v0 =	vunpack.c.0.s8.s32 v0;
	v1 =	vsel vm5, $0x140, v1  }
0xf: {  	v2 =	vunpack.c.0.s8.s32 v2;
	v4 =	vsel vm5, $0x1C0, v4;
	v5 =	vunpack.c.0.s8.s32 v5  }
0x10: {  	v6 =	vunpack.c.0.s8.s32 v6;
	v7 =	vunpack.c.0.s8.s32 v7;
	v8 =	vsel vm5, $0x280, v8  }
0x11: {  	v10 =	vsel vm5, $0x2C0, v10;
	v11 =	vunpack.c.0.s8.s32 v11;
	v12 =	vsel vm7, $0x141, v12  }
0x12: {  	v13 =	vunpack.c.0.s8.s32 v13;
	v14 =	vsel vm5, $0x300, v14;
	v15 =	vsel vm5, $0x340, v15  }
0x13: {  	v16 =	vunpack.c.0.s8.s32 v16;
	v17 =	vsel vm5, $0x3C0, v17;
	v26 =	vunpack.c.l.s4.s8 v26  }
0x14: {  	v27 =	vunpack.c.l.s4.s8 v27;
	v28 =	vunpack.c.l.s4.s8 v28;
	v29 =	vunpack.c.l.s4.s8 v29  }
0x15: {  	v30 =	vunpack.c.l.s4.s8 v30;
	v32 =	vunpack.c.l.s4.s8 v32;
	v1 =	vsel vm7, $0x181, v1  }
0x16: {  	v4 =	vsel vm7, $0x201, v4;
	v10 =	vsel vm7, $0x301, v10;
	v12 =	vsel vm8, $0x182, v12  }
0x17: {  	v15 =	vsel vm7, $0x381, v15;
	v0 =	vand.u32 $0xFF, v0;
	v2 =	vand.u32 $0xFF, v2  }
0x18: {  	v10 =	vsel vm8, $0x342, v10;
	v12 =	vsel vm9, $0x1C3, v12;
	v13 =	vand.u32 $0xFF, v13  }
0x19: {  	v11 =	vand.u32 $0xFF, v11;
	v26 =	vunpack.c.0.s8.s32 v26;
	v27 =	vunpack.c.0.s8.s32 v27  }
0x1a: {  	v28 =	vunpack.c.0.s8.s32 v28;
	v29 =	vunpack.c.0.s8.s32 v29;
	v30 =	vunpack.c.0.s8.s32 v30  }
0x1b: {  	v32 =	vunpack.c.0.s8.s32 v32;
	v3 =	vnsel vm0, $0xF, v0;
	v0 =	vsel vm8, $0x1C2, v1  }
0x1c: {  	v1 =	vimm.s32 $0x14F;
	vm0 =	vcmask $0x2B28;
	v10 =	vsel vm9, $0x383, v10  }
0x1d: {  	v12 =	vsel vm10, $0x204, v12;
	v0 =	vsel vm9, $0x203, v0;
	v1 =	vsel vm5, $0x180, v1  }
0x1e: {  	v3 =	vsel vm9, $0x103, v3;
	v10 =	vsel vm10, $0x3C4, v10;
	v12 =	vsel vm6, $0x245, v12  }
0x1f: {  	v33 =	vcombine.low v28, v27;
	v29 =	vand.u32 $0xF, v29;
	v60 =	vcombine.low v27, v28  }
0x20: {  	v0 =	vsel vm10, $0x244, v0;
	v1 =	vsel vm7, $0x1C1, v1;
	v3 =	vsel vm10, $0x144, v3  }
0x21: {  	v12 =	vsel vm4, $0x286, v12;
	v0 =	vsel vm6, $0x285, v0;
	v1 =	vsel vm8, $0x202, v1  }
0x22: {  	v3 =	vsel vm6, $0x185, v3;
	v19 =	vsel vm3, $0x2C7, v12;
	v0 =	vsel vm4, $0x2C6, v0  }
0x23: {  	v1 =	vsel vm9, $0x243, v1;
	v3 =	vsel vm4, $0x1C6, v3;
	v0 =	vsel vm3, $0x307, v0  }
0x24: {  	v1 =	vsel vm10, $0x284, v1;
	v3 =	vsel vm3, $0x207, v3;
	v0 =	vsel vm2, $0x348, v0  }
0x25: {  	v1 =	vsel vm6, $0x2C5, v1;
	v3 =	vsel vm2, $0x248, v3;
	v0 =	vsel vm1, $0x389, v0  }
0x26: {  	v1 =	vsel vm4, $0x306, v1;
	v3 =	vsel vm1, $0x289, v3;
	v0 =	vsel vm0, $0x3CA, v0  }
0x27: {  	v1 =	vsel vm3, $0x347, v1;
	v0 =	vsel vm11, v2, v0;
	v2 =	vsel vm8, $0x242, v4  }
0x28: {  	v3 =	vsel vm0, $0x2CA, v3;
	v1 =	vsel vm2, $0x388, v1;
	v2 =	vsel vm9, $0x283, v2  }
0x29: {  	v4 =	vand.u32 $0xFF, v5;
	v5 =	vimm.s32 $0x1CF;
	v2 =	vsel vm10, $0x2C4, v2  }
0x2a: {  	vm11 =	vcmask $0x1304;
	v5 =	vsel vm5, $0x200, v5;
	v2 =	vsel vm6, $0x305, v2  }
0x2b: {  	v1 =	vsel vm1, $0x3C9, v1;
	v5 =	vsel vm7, $0x241, v5;
	v2 =	vsel vm4, $0x346, v2  }
0x2c: {  	v4 =	vsel vm12, v4, v1;
	vm12 =	vcmask $0x2718;
	v1 =	vsel vm3, $0x387, v2  }
0x2d: {  	v2 =	vsel vm8, $0x282, v5;
	v5 =	vand.u32 $0xFF, v6;
	v6 =	vimm.s32 $0x20F  }
0x2e: {  	v1 =	vsel vm2, $0x3C8, v1;
	v2 =	vsel vm9, $0x2C3, v2;
	v6 =	vsel vm5, $0x240, v6  }
0x2f: {  	v2 =	vsel vm10, $0x304, v2;
	v6 =	vsel vm7, $0x281, v6;
	v1 =	vsel vm13, v5, v1  }
0x30: {  	vm13 =	vcmask $0x2314;
	v2 =	vsel vm6, $0x345, v2;
	v5 =	vsel vm8, $0x2C2, v6  }
0x31: {  	v6 =	vand.u32 $0xFF, v7;
	v7 =	vimm.s32 $0x7CA8948;
	v10 =	vsel vm13, v13, v10  }
0x32: {  	v13 =	vsel vm7, $0x341, v14;
	v14 =	vimm.s32 $0xC7864504;
	vm13 =	vcmask $0x3330  }
0x33: {  	v2 =	vsel vm4, $0x386, v2;
	v5 =	vsel vm9, $0x303, v5;
	v7 =	vunpack.c.0.s8.s32 v7  }
0x34: {  	v13 =	vsel vm8, $0x382, v13;
	v14 =	vunpack.c.0.s8.s32 v14;
	v10 =	vsel vm1, $0x109, v10  }
0x35: {  	v2 =	vsel vm3, $0x3C7, v2;
	v5 =	vsel vm10, $0x344, v5;
	v13 =	vsel vm9, $0x3C3, v13  }
0x36: {  	v10 =	vsel vm0, $0x14A, v10;
	v5 =	vsel vm6, $0x385, v5;
	v2 =	vsel vm14, v6, v2  }
0x37: {  	v6 =	vsel vm7, $0x2C1, v8;
	v7 =	vand.u32 $0xFF, v7;
	v8 =	vimm.s32 $0x4706C988  }
0x38: {  	vm14 =	vcmask $0x1F10;
	v14 =	vand.u32 $0xFF, v14;
	v6 =	vsel vm8, $0x302, v6  }
0x39: {  	v5 =	vsel vm4, $0x3C6, v5;
	v8 =	vunpack.c.0.s8.s32 v8;
	v6 =	vsel vm9, $0x343, v6  }
0x3a: {  	v2 =	vsel vm13, $0x10C, v2;
	v5 =	vsel vm15, v7, v5;
	v6 =	vsel vm10, $0x384, v6  }
0x3b: {  	v7 =	vand.u32 $0xFF, v8;
	v8 =	vimm.s32 $0x8F;
	v6 =	vsel vm6, $0x3C5, v6  }
0x3c: {  	vm15 =	vcmask $0x1B0C;
	v8 =	vsel vm5, $0xC0, v8;
	v6 =	vsel vm12, v7, v6  }
0x3d: {  	v7 =	vsel vm5, $0x80, v9;
	v8 =	vsel vm7, $0x101, v8;
	v9 =	vimm.s32 $0x308  }
0x3e: {  	vm12 =	vcmask $0x2F2C;
	v7 =	vsel vm7, $0xC1, v7;
	v8 =	vsel vm8, $0x142, v8  }
0x3f: {  	v9 =	vsel vm7, $0x349, v9;
	v6 =	vsel vm0, $0x10A, v6;
	v3 =	vsel vm12, $0x30B, v3  }
0x40: {  	v5 =	vsel vm12, $0x10B, v5;
	v10 =	vsel vm12, $0x18B, v10;
	v7 =	vsel vm8, $0x102, v7  }
0x41: {  	v8 =	vsel vm9, $0x183, v8;
	v9 =	vsel vm8, $0x38A, v9;
	v6 =	vsel vm12, $0x14B, v6  }
0x42: {  	v3 =	vsel vm13, $0x34C, v3;
	v5 =	vsel vm13, $0x14C, v5;
	v10 =	vsel vm13, $0x1CC, v10  }
0x43: {  	v7 =	vsel vm9, $0x143, v7;
	v8 =	vsel vm10, $0x1C4, v8;
	v9 =	vsel vm9, $0x3CB, v9  }
0x44: {  	v6 =	vsel vm13, $0x18C, v6;
	v7 =	vsel vm10, $0x184, v7;
	v18 =	vsel vm14, v11, v9  }
0x45: {  	v9 =	vsel vm14, v14, v13;
	v11 =	vsel vm8, $0x3C2, v15;
	v13 =	vand.u32 $0xFF, v16  }
0x46: {  	v14 =	vimm.s32 $0x34F;
	v15 =	vimm.s32 $0x4302C584;
	v16 =	vimm.s32 $0x834201C4  }
0x47: {  	vm10 =	vcmask $0x1708;
	v8 =	vsel vm6, $0x205, v8;
	vm14 =	vcmask $0x3734  }
0x48: {  	v14 =	vsel vm5, $0x380, v14;
	v15 =	vunpack.c.0.s8.s32 v15;
	v16 =	vunpack.c.0.s8.s32 v16  }
0x49: {  	v11 =	vsel vm15, v13, v11;
	v7 =	vsel vm6, $0x1C5, v7;
	v8 =	vsel vm4, $0x246, v8  }
0x4a: {  	v9 =	vsel vm2, $0x108, v9;
	v3 =	vsel vm14, $0x38D, v3;
	v21 =	vsel vm14, $0x1CD, v6  }
0x4b: {  	vm15 =	vcmask $0x3B38;
	v14 =	vsel vm7, $0x3C1, v14;
	v7 =	vsel vm4, $0x206, v7  }
0x4c: {  	v8 =	vsel vm3, $0x287, v8;
	v11 =	vsel vm3, $0x107, v11;
	v9 =	vsel vm1, $0x149, v9  }
0x4d: {  	v15 =	vand.u32 $0xFF, v15;
	v16 =	vand.u32 $0xFF, v16;
	v7 =	vsel vm3, $0x247, v7  }
0x4e: {  	v8 =	vsel vm2, $0x2C8, v8;
	v11 =	vsel vm2, $0x148, v11;
	v9 =	vsel vm0, $0x18A, v9  }
0x4f: {  	v13 =	vsel vm10, v15, v14;
	v14 =	vsel vm11, v16, v17;
	v7 =	vsel vm2, $0x288, v7  }
0x50: {  	v8 =	vsel vm1, $0x309, v8;
	v11 =	vsel vm1, $0x189, v11;
	v15 =	vimm.s32 $0x87654321  }
0x51: {  	v9 =	vsel vm12, $0x1CB, v9;
	v16 =	vsel vm14, $0x14D, v2;
	v17 =	vsel vm14, $0x18D, v5  }
0x52: {  	v2 =	vsel vm15, $0x20E, v21;
	v21 =	vimm.s32 $0x210FEDCB;
	v14 =	vsel vm6, $0x105, v14  }
0x53: {  	v13 =	vsel vm4, $0x106, v13;
	v7 =	vsel vm1, $0x2C9, v7;
	v8 =	vsel vm0, $0x34A, v8  }
0x54: {  	v11 =	vsel vm0, $0x1CA, v11;
	v9 =	vsel vm13, $0x20C, v9;
	v21 =	vunpack.c.l.s4.s8 v21  }
0x55: {  	v14 =	vsel vm4, $0x146, v14;
	v12 =	vsel vm3, $0x147, v13;
	v7 =	vsel vm0, $0x30A, v7  }
0x56: {  	v8 =	vsel vm12, $0x38B, v8;
	v11 =	vsel vm12, $0x20B, v11;
	v22 =	vsel vm14, $0x24D, v9  }
0x57: {  	v13 =	vsel vm3, $0x187, v14;
	v12 =	vsel vm2, $0x188, v12;
	v14 =	vimm.s32 $0xFEDCBA9  }
0x58: {  	v7 =	vsel vm12, $0x34B, v7;
	v8 =	vsel vm13, $0x3CC, v8;
	v11 =	vsel vm13, $0x24C, v11  }
0x59: {  	v21 =	vunpack.c.0.s8.s32 v21;
	v12 =	vsel vm1, $0x1C9, v12;
	v14 =	vunpack.c.l.s4.s8 v14  }
0x5a: {  	v7 =	vsel vm13, $0x38C, v7;
	v8 =	vsel vm14, $0xD, v8;
	v11 =	vsel vm14, $0x28D, v11  }
0x5b: {  	v12 =	vsel vm0, $0x20A, v12;
	v7 =	vsel vm14, $0x3CD, v7;
	v37 =	vsel vm15, $0x4E, v8  }
0x5c: {  	v12 =	vsel vm12, $0x24B, v12;
	v20 =	vunpack.c.0.s8.s32 v14;
	v14 =	vunpack.c.l.s4.s8 v15  }
0x5d: {  	v15 =	vsel vm14, $0x10D, v1;
	v6 =	vsel vm15, $0xE, v7;
	v12 =	vsel vm13, $0x28C, v12  }
0x5e: {  	v12 =	vsel vm14, $0x2CD, v12;
	v23 =	vunpack.c.0.s8.s32 v14;
	v14 =	vimm.s32 $0x10FEDCBA  }
0x5f: {  	[tilespmem:$0x1FE40] =	vst v0;
	v8 =	vsel vm15, $0x14E, v15;
	v5 =	vsel vm15, $0x30E, v12;
	v15 =	vunpack.c.l.s4.s8 v14  }
0x60: {  	v7 =	vsel vm15, $0x10E, v4;
	v1 =	vsel vm15, $0x18E, v16;
	[tilespmem:$0x1FE70] =	vst v5;
	v5 =	vlaneseq.u32  }
0x61: {  	[tilespmem:$0x1FE60] =	vst v2;
	v4 =	vsel vm15, $0x2CE, v11;
	v11 =	vmul.u32 $0x80, v5;
	v5 =	vmul.u32 $0x41, v5  }
0x62: {  	s5 =	rddreg [dreg:$0x0];
	s4 =	simm.s32 $0x0;
	v2 =	vcombine.low v29, v30;
	v29 =	vimm.s32 $0x543210FE;
	v61 =	vsel vm15, $0x28E, v22;
	[tilespmem:$0x1FE50] =	vst v1  }
0x63: {  	[smem:$0x7FF] =	sst s4;
	v31 =	vcombine.low v26, v21;
	v35 =	vcombine.low v21, v26;
	v22 =	vunpack.c.0.s8.s32 v15;
	[tilespmem:$0x1FE80] =	vst v5;
	v15 =	vmovc v7  }
0x64: {  	s1 =	rddreg [dreg:$0x2];
	v21 =	vimm.s32 $0xEDCBA987;
	v1 =	vsel vm15, $0x1CE, v17;
	v17 =	vcombine.low v23, v20;
	_ =	strace $0x80000047;
	[tilespmem:$0x1FEE0] =	vst v15  }
0x65: {  	v30 =	vcombine.low v20, v23;
	v23 =	vunpack.c.l.s4.s8 v29;
	v29 =	vand.u32 $0xF, v33;
	[tilespmem:$0x1FEF0] =	vst v37  }
0x66: {  	v10 =	vsel vm14, $0x20D, v10;
	v13 =	vsel vm2, $0x1C8, v13;
	v21 =	vunpack.c.l.s4.s8 v21;
	[tilespmem:$0x1FF30] =	vst v29  }
0x67: {  	v62 =	vsel vm15, $0x24E, v10;
	v10 =	vcombine.low v19, v18;
	v13 =	vsel vm1, $0x209, v13;
	v14 =	vmovc v1;
	[tilespmem:$0x1FF50] =	vst v8  }
0x68: {  	v13 =	vsel vm0, $0x24A, v13;
	v36 =	vunpack.c.0.s8.s32 v21;
	v21 =	vand.u32 $0xF, v30;
	[tilespmem:$0x1FF70] =	vst v14  }
0x69: {  	v19 =	vimm.s32 $0xCBA98765;
	v16 =	vunpack.c.l.s4.s8 v24;
	v13 =	vsel vm12, $0x28B, v13;
	[tilespmem:$0x1FF90] =	vst v21  }
0x6a: {  	v34 =	vunpack.c.l.s4.s8 v19;
	v13 =	vsel vm13, $0x2CC, v13;
	v20 =	vimm.s32 $0xDCBA9876;
	[tilespmem:$0x1FFA0] =	vst v61  }
0x6b: {  	v24 =	vunpack.c.0.s8.s32 v16;
	v16 =	vand.u32 $0xF, v35;
	v20 =	vunpack.c.l.s4.s8 v20;
	[tilespmem:$0x1FFB0] =	vst v62  }
0x6c: {  	v9 =	vsel vm15, $0x3CE, v3;
	v13 =	vsel vm14, $0x30D, v13;
	v5 =	vand.u32 $0xF, v17;
	[tilespmem:$0x1FFC0] =	vst v16  }
0x6d: {  	v0 =	vsel vm15, $0x34E, v13;
	v25 =	vcombine.low v24, v22;
	v26 =	vmovc v5;
	v5 =	vand.u32 $0xF, v60;
	[tilespmem:$0x1FFF0] =	vst v11  }
0x6e: {  	v7 =	vcombine.low v22, v24;
	v22 =	vimm.s32 $0x6543210F;
	v24 =	vunpack.c.0.s8.s32 v34;
	v17 =	vmovc v4;
	[tilespmem:$0x1FF40] =	vst v5  }
0x6f: {  	s0 =	srdreg.scid;
	s2 =	stileid.u32;
	v1 =	vand.u32 $0xF, v31;
	v3 =	vunpack.c.0.s8.s32 v20;
	v22 =	vunpack.c.l.s4.s8 v22;
	v20 =	vmovc v0;
	[tilespmem:$0x1FFE0] =	vst v17  }
0x70: {  	s0 =	sand.u32 $0x1, s0;
	s2 =	sshll.u32 s2, $0x1;
	v4 =	vunpack.c.0.s8.s32 v23;
	v27 =	vcombine.low v24, v32;
	v13 =	vand.u32 $0xF, v25;
	[tilespmem:$0x1FEA0] =	vst v20  }
0x71: {  	s6 =	sor.u32 s0, s2;
	v32 =	vcombine.low v32, v24;
	v12 =	vand.u32 $0xF, v7;
	v28 =	vunpack.c.0.s8.s32 v22;
	[tilespmem:$0x1FF20] =	vst v13  }
0x72: {  	s15 =	simm.s32 $0x2000;
	s2 =	sshll.u32 s6, $0x7;
	v24 =	vcombine.low v3, v4;
	v31 =	vcombine.low v4, v3;
	[tilespmem:$0x1FF80] =	vst v12;
	v3 =	vand.u32 $0xF, v27  }
0x73: {  	s7 =	sadd.s32 $0xE00, s1;
	s1 =	sadd.s32 $0x7A1E00, s1;
	s2 =	sadd.s32 s5, s2;
	v7 =	vand.u32 $0xF, v32;
	[tilespmem:$0x1FF10] =	vst v3  }
0x74: {  	s0 =	ssub.s32 $0x2, s0;
	s30 =	sor.u32 $0x40, s6;
	[dreg:$0x5] =	wrdreg s2;
	v25 =	vcombine.low v36, v28;
	v0 =	vand.u32 $0xF, v31;
	[tilespmem:$0x1FF60] =	vst v7  }
0x75: {  	s3 =	sshrl.u32 s0, $0x1;
	s31 =	sor.u32 $0x60, s6;
	[dreg:$0x7] =	wrdreg s30;
	v63 =	vcombine.low v28, v36;
	v27 =	vmov v2;
	[tilespmem:$0x1FEB0] =	vst v0  }
.Ltmp0:
0x76: {  	s0 =	ssub.s32 s0, s3;
	[dreg:$0x8] =	wrdreg s31;
	v4 =	vand.u32 $0xF, v25;
	[tilespmem:$0x1FFD0] =	vst v27;
	(pc) =	sbr.rel .LBB2_1-.Ltmp0, $4  }
0x77: {  	s16 =	simm.s32 $0x1;
	s0 =	smax.u32 s0, $0x1;
	[dreg:$0x9] =	wrdreg s1;
	v2 =	vand.u32 $0xF, v24;
	v19 =	vand.u32 $0xF, v63;
	[tilespmem:$0x1FE90] =	vst v4  }
0x78: {  	s17 =	simm.s32 $0x4000;
	s18 =	simm.s32 $0x2;
	[dreg:$0xa] =	wrdreg s0;
	v28 =	vmov v1;
	[tilespmem:$0x1FEC0] =	vst v19  }
0x79: {  	s20 =	simm.s32 $0x6000;
	s2 =	sadd.s32 $0x1000, s2;
	[dreg:$0x4] =	wrdreg s6;
	[tilespmem:$0x1FF00] =	vst v28;
	v4 =	vmov v2  }
0x7a: {  	p0 =	sne.s32 s6, $0x1F;
	v18 =	vlaneseq.u32;
	s1 =	simm.s32 $0x0;
	[dreg:$0x6] =	wrdreg s2;
	v30 =	vmovc v3;
	v1 =	vmovc v6;
	v25 =	vmov v10;
	v2 =	vmov v37;
	[tilespmem:$0x1FED0] =	vst v4  }
.LBB2_12:
0x7b: {  	s0 =	simm.s32 $0x3  }
0x7c: {  	_ =	swait.ge [sflag:s0], $0x2000  }
0x7d: {  	[sflag:s0] =	ssyncset.done $0x0  }
0x7e: {  	s29 =	simm.s32 $0x4;
	[sflag:s0] =	ssyncadd.s32 $0xFFFFE000  }
0x7f: {  	_ =	swait.ge [sflag:s29], $0x2000  }
0x80: {  	[sflag:s29] =	ssyncset.done $0x0  }
0x81: {  	[sflag:s29] =	ssyncadd.s32 $0xFFFFE000  }
0x82: {  	s1 =	simm.s32 @!p0 $0x4000;
	s0 =	simm.s32 @!p0 $0x0;
	s2 =	rddreg [dreg:$0x1]  }
0x83: {  	[tilespmem:s1], [sflag:$0x5] =	stream.linear.gather @!p0 [hbm4b:s2+s0], $0x1000, $0x38;
	[tilespmem:$0x8000] =	vst v63  }
0x84: {  	s2 =	simm.s32 @!p0 $0x5  }
0x85: {  	_ =	swait.ge @!p0 [sflag:s2], $0x1000  }
0x86: {  	[sflag:s2] =	ssyncset.done @!p0 $0x0  }
0x87: {  	s3 =	rddreg [dreg:$0x9];
	[sflag:s2] =	ssyncadd.s32 @!p0 $0xFFFFF000  }
0x88: {  	[hbm4b:s3+s0] =	stream.linear.scatter @!p0 [tilespmem:s1], [sflag:$0x5], $0x1000, $0x38;
	[tilespmem:$0x8000] =	vst v63  }
0x89: {  	_ =	swait.ge @!p0 [sflag:s2], $0x1000  }
0x8a: {  	s30 =	rddreg [dreg:$0xb]  }
0x8b: {  	s31 =	rddreg [dreg:$0xa];
	s1 =	sadd.s32 $0x1, s30  }
0x8c: {  	p1 =	sne.s32 s1, s31  }
.Ltmp1:
0x8d: {  	_ = 	snop;
	(pc) =	sbr.rel @!p1 .LBB2_13-.Ltmp1, $4  }
0x8e: {  	_ = 	snop  }
0x8f: {  	v29 =	vld [tilespmem:$0x1FF30]  }
0x90: {  	v9 =	vmov v24;
	v13 =	vmov v30;
	[sflag:s2] =	ssyncset.done @!p0 $0x0;
	v30 =	vld [tilespmem:$0x1FF10]  }
0x91: {  	v1 =	vmovc v10;
	v2 =	vmovc v11;
	v15 =	vmov v63;
	v18 =	vlaneseq.u32;
	v11 =	vmov v31;
	v4 =	vld [tilespmem:$0x1FED0];
	[sflag:s2] =	ssyncadd.s32 @!p0 $0xFFFFF000  }
.LBB2_1:
0x92: {  	[dreg:$0xb] =	wrdreg s1  }
0x93: {  	s0 =	rddreg [dreg:$0x5];
	s30 =	simm.s32 $0x400;
	s2 =	simm.s32 $0x7A1400  }
0x94: {  	[tilespmem:s4], [sflag:$0x1] =	stream.strided.gather [hbm4b:s0+s30], $0x2000, s2, s30, $0x38;
	[tilespmem:$0x8000] =	vst v63  }
0x95: {  	s31 =	rddreg [dreg:$0x6];
	s23 =	simm.s32 $0x0  }
0x96: {  	[tilespmem:s15], [sflag:$0x2] =	stream.strided.gather [hbm4b:s31+s30], $0x2000, s2, s30, $0x38;
	[tilespmem:$0x8000] =	vst v63  }
.LBB2_2:
0x97: {  	s0 =	simm.s32 $0x0  }
0x98: {  	s1 =	sand.u32 $0x30, s0  }
0x99: {  	_ =	swait.ge [sflag:s16], $0x2000;
	v33 =	vmov s1  }
0x9a: {  	p1 =	seq.s32 s23, $0x0;
	[sflag:s16] =	ssyncset.done $0x0;
	v33 =	vshll.u32 v33, $0x7  }
0x9b: {  	s0 =	sand.u32 $0x40, s0;
	s2 =	simm.s32 @!p1 $0x3;
	[sflag:s16] =	ssyncadd.s32 $0xFFFFE000;
	v34 =	vor.u32 v11, v33  }
0x9c: {  	_ =	swait.ge @!p1 [sflag:s2], $0x2000;
	v36 =	vor.u32 s0, v34  }
0x9d: {  	v19 =	vld [tilespmem:$0x1FE80];
	v53 =	vor.u32 v18, v36;
	_ =	sdelay $0x2  }
0x9e: {  	s3 =	sshll.u32 s0, $0x6;
	[sflag:s2] =	ssyncset.done @!p1 $0x0  }
0x9f: {  	s30 =	sor.u32 s1, s3;
	[sflag:s2] =	ssyncadd.s32 @!p1 $0xFFFFE000  }
0xa0: {  	v38 =	vor.u32 s30, v19;
	v37 =	vld.idx.msk [tilespmem:v53+s4+$0x0], $0xffff  }
0xa1: {  	v39 =	vor.u32 v26, v36;
	_ =	sdelay $0x1  }
0xa2: {  	s5 =	sor.u32 $0x30, s0  }
0xa3: {  	s6 =	sor.u32 $0x20, s0;
	v33 =	vor.u32 s5, v34  }
0xa4: {  	v35 =	vor.u32 s6, v34;
	v40 =	vor.u32 v18, v33;
	[tilespmem:v38+s17+$0x0] =	vst.idx.msk $0xffff, v37  }
0xa5: {  	v55 =	vor.u32 s30, v9;
	v54 =	vor.u32 v18, v35;
	v38 =	vld.idx.msk [tilespmem:v39+s4+$0x0], $0xffff  }
0xa6: {  	v41 =	vor.u32 v13, v36  }
0xa7: {  	s0 =	sor.u32 $0x10, s0;
	s2 =	sshll.u32 s5, $0x6  }
0xa8: {  	s8 =	sshll.u32 s6, $0x6;
	v34 =	vor.u32 s0, v34;
	s26 =	sor.u32 s1, s2  }
0xa9: {  	s29 =	sor.u32 s1, s8;
	v42 =	vor.u32 v18, v34;
	v43 =	vor.u32 s26, v19;
	v40 =	vld.idx.msk [tilespmem:v40+s4+$0x0], $0xffff  }
0xaa: {  	v44 =	vor.u32 v26, v33;
	v45 =	vor.u32 s29, v19;
	v37 =	vld.idx.msk [tilespmem:v54+s4+$0x0], $0xffff;
	[tilespmem:v55+s17+$0x0] =	vst.idx.msk $0xffff, v38  }
0xab: {  	v57 =	vor.u32 s30, v1;
	v56 =	vor.u32 v26, v35;
	v39 =	vld.idx.msk [tilespmem:v41+s4+$0x0], $0xffff  }
0xac: {  	s0 =	sshll.u32 s0, $0x6;
	v46 =	vor.u32 v28, v36  }
0xad: {  	s28 =	sor.u32 s1, s0  }
0xae: {  	v47 =	vor.u32 s28, v19;
	v42 =	vld.idx.msk [tilespmem:v42+s4+$0x0], $0xffff;
	[tilespmem:v43+s17+$0x0] =	vst.idx.msk $0xffff, v40  }
0xaf: {  	v58 =	vor.u32 v26, v34;
	v59 =	vor.u32 s26, v9;
	v43 =	vld.idx.msk [tilespmem:v44+s4+$0x0], $0xffff;
	[tilespmem:v45+s17+$0x0] =	vst.idx.msk $0xffff, v37  }
0xb0: {  	v63 =	vor.u32 s29, v9;
	v60 =	vor.u32 v13, v33;
	v38 =	vld.idx.msk [tilespmem:v56+s4+$0x0], $0xffff;
	[tilespmem:v57+s17+$0x0] =	vst.idx.msk $0xffff, v39  }
0xb1: {  	v32 =	vor.u32 s30, v2;
	v0 =	vor.u32 v13, v35;
	v41 =	vld.idx.msk [tilespmem:v46+s4+$0x0], $0xffff  }
0xb2: {  	v48 =	vor.u32 v29, v36  }
0xb3: {  	[tilespmem:v47+s17+$0x0] =	vst.idx.msk $0xffff, v42  }
0xb4: {  	v49 =	vor.u32 s28, v9;
	v40 =	vld.idx.msk [tilespmem:v58+s4+$0x0], $0xffff;
	[tilespmem:v59+s17+$0x0] =	vst.idx.msk $0xffff, v43  }
0xb5: {  	v51 =	vor.u32 s26, v1;
	v37 =	vld.idx.msk [tilespmem:v60+s4+$0x0], $0xffff;
	[tilespmem:v63+s17+$0x0] =	vst.idx.msk $0xffff, v38  }
0xb6: {  	v50 =	vor.u32 v13, v34;
	v53 =	vor.u32 s29, v1;
	v39 =	vld.idx.msk [tilespmem:v0+s4+$0x0], $0xffff;
	[tilespmem:v32+s17+$0x0] =	vst.idx.msk $0xffff, v41  }
0xb7: {  	v55 =	vor.u32 s30, v25;
	v42 =	vld.idx.msk [tilespmem:v48+s4+$0x0], $0xffff;
	_ =	sdelay $0x1  }
0xb8: {  	[tilespmem:v49+s17+$0x0] =	vst.idx.msk $0xffff, v40  }
0xb9: {  	v52 =	vor.u32 v28, v33;
	[tilespmem:v51+s17+$0x0] =	vst.idx.msk $0xffff, v37  }
0xba: {  	v54 =	vor.u32 v28, v35;
	v43 =	vld.idx.msk [tilespmem:v50+s4+$0x0], $0xffff;
	v57 =	vor.u32 s28, v1;
	[tilespmem:v53+s17+$0x0] =	vst.idx.msk $0xffff, v39  }
0xbb: {  	v58 =	vor.u32 v28, v34;
	[tilespmem:v55+s17+$0x0] =	vst.idx.msk $0xffff, v42  }
0xbc: {  	v56 =	vor.u32 v30, v36;
	v20 =	vld [tilespmem:$0x1FE40];
	_ =	sdelay $0x1  }
0xbd: {  	v59 =	vor.u32 s26, v2;
	v38 =	vld.idx.msk [tilespmem:v52+s4+$0x0], $0xffff  }
0xbe: {  	v60 =	vor.u32 s29, v2;
	v39 =	vld.idx.msk [tilespmem:v54+s4+$0x0], $0xffff;
	[tilespmem:v57+s17+$0x0] =	vst.idx.msk $0xffff, v43  }
0xbf: {  	v52 =	vor.u32 s28, v2;
	v37 =	vld.idx.msk [tilespmem:v58+s4+$0x0], $0xffff  }
0xc0: {  	v40 =	vld.idx.msk [tilespmem:v56+s4+$0x0], $0xffff;
	v0 =	vor.u32 s30, v20;
	_ =	sdelay $0x1  }
0xc1: {  	[tilespmem:v59+s17+$0x0] =	vst.idx.msk $0xffff, v38  }
0xc2: {  	v48 =	vor.u32 v29, v33;
	[tilespmem:v60+s17+$0x0] =	vst.idx.msk $0xffff, v39  }
0xc3: {  	v63 =	vor.u32 v29, v35;
	[tilespmem:v52+s17+$0x0] =	vst.idx.msk $0xffff, v37  }
0xc4: {  	v32 =	vor.u32 v4, v36;
	[tilespmem:v0+s17+$0x0] =	vst.idx.msk $0xffff, v40  }
0xc5: {  	v0 =	vld [tilespmem:$0x1FE90];
	_ =	sdelay $0x1  }
0xc6: {  	v53 =	vor.u32 v29, v34;
	v54 =	vor.u32 s26, v25;
	v44 =	vld.idx.msk [tilespmem:v48+s4+$0x0], $0xffff  }
0xc7: {  	v55 =	vor.u32 v30, v33;
	v56 =	vor.u32 s29, v25;
	v39 =	vld.idx.msk [tilespmem:v63+s4+$0x0], $0xffff  }
0xc8: {  	v57 =	vor.u32 v30, v35;
	v59 =	vor.u32 s30, v15;
	v58 =	vld.idx.msk [tilespmem:v32+s4+$0x0], $0xffff  }
0xc9: {  	v60 =	vor.u32 v0, v36;
	_ =	sdelay $0x1  }
0xca: {  	v63 =	vor.u32 s28, v25;
	v38 =	vld.idx.msk [tilespmem:v53+s4+$0x0], $0xffff;
	[tilespmem:v54+s17+$0x0] =	vst.idx.msk $0xffff, v44  }
0xcb: {  	v53 =	vor.u32 s26, v20;
	[tilespmem:v56+s17+$0x0] =	vst.idx.msk $0xffff, v39;
	v52 =	vld.idx.msk [tilespmem:v55+s4+$0x0], $0xffff  }
0xcc: {  	v39 =	vld.idx.msk [tilespmem:v57+s4+$0x0], $0xffff;
	v55 =	vor.u32 s29, v20;
	[tilespmem:v59+s17+$0x0] =	vst.idx.msk $0xffff, v58  }
0xcd: {  	v32 =	vor.u32 v30, v34;
	v58 =	vor.u32 s30, v8;
	v42 =	vld.idx.msk [tilespmem:v60+s4+$0x0], $0xffff;
	_ =	sdelay $0x1  }
0xce: {  	v54 =	vor.u32 v4, v33;
	[tilespmem:v63+s17+$0x0] =	vst.idx.msk $0xffff, v38  }
0xcf: {  	s9 =	simm.s32 $0x8;
	v57 =	vor.u32 v4, v35;
	[tilespmem:v53+s17+$0x0] =	vst.idx.msk $0xffff, v52  }
0xd0: {  	s0 =	sand.u32 $0x30, s9;
	[tilespmem:v55+s17+$0x0] =	vst.idx.msk $0xffff, v39  }
0xd1: {  	v44 =	vld.idx.msk [tilespmem:v32+s4+$0x0], $0xffff;
	v60 =	vmov s0;
	[tilespmem:v58+s17+$0x0] =	vst.idx.msk $0xffff, v42  }
0xd2: {  	s8 =	simm.s32 $0x40;
	v63 =	vor.u32 s28, v20;
	v59 =	vor.u32 v27, v36;
	v37 =	vshll.u32 v60, $0x7;
	v10 =	vld [tilespmem:$0x1FE50]  }
0xd3: {  	s10 =	sand.u32 $0x40, s8;
	v56 =	vor.u32 s26, v15;
	v32 =	vor.u32 v4, v34;
	v47 =	vld.idx.msk [tilespmem:v54+s4+$0x0], $0xffff;
	v49 =	vor.u32 v11, v37  }
0xd4: {  	s11 =	sor.u32 $0x30, s10;
	v51 =	vor.u32 s29, v15;
	v50 =	vor.u32 v0, v33;
	v41 =	vld.idx.msk [tilespmem:v57+s4+$0x0], $0xffff;
	v37 =	vor.u32 s10, v49  }
0xd5: {  	s12 =	sor.u32 $0x10, s10;
	v38 =	vor.u32 s11, v49;
	v57 =	vor.u32 v18, v37  }
0xd6: {  	v39 =	vor.u32 s12, v49;
	v60 =	vor.u32 v18, v38  }
0xd7: {  	v52 =	vld.idx.msk [tilespmem:v59+s4+$0x0], $0xffff;
	[tilespmem:v63+s17+$0x0] =	vst.idx.msk $0xffff, v44;
	v63 =	vor.u32 v18, v39;
	v53 =	vor.u32 s30, v10  }
0xd8: {  	s1 =	sshll.u32 s10, $0x6;
	v59 =	vor.u32 v21, v36;
	[tilespmem:v56+s17+$0x0] =	vst.idx.msk $0xffff, v47;
	v45 =	vld.idx.msk [tilespmem:v32+s4+$0x0], $0xffff  }
0xd9: {  	s13 =	sshll.u32 s11, $0x6;
	s31 =	sor.u32 s0, s1;
	v58 =	vor.u32 v0, v35;
	[tilespmem:v51+s17+$0x0] =	vst.idx.msk $0xffff, v41;
	v51 =	vor.u32 s26, v8;
	v47 =	vld.idx.msk [tilespmem:v50+s4+$0x0], $0xffff  }
0xda: {  	s14 =	sshll.u32 s12, $0x6;
	s3 =	sor.u32 s0, s13;
	v50 =	vor.u32 s31, v19;
	v42 =	vld.idx.msk [tilespmem:v57+s4+$0x0], $0xffff  }
0xdb: {  	s2 =	sor.u32 s0, s14;
	v56 =	vor.u32 s3, v19;
	v46 =	vld.idx.msk [tilespmem:v60+s4+$0x0], $0xffff  }
0xdc: {  	s6 =	sor.u32 $0x20, s10;
	v41 =	vor.u32 v26, v37;
	v57 =	vor.u32 s2, v19;
	v48 =	vld.idx.msk [tilespmem:v63+s4+$0x0], $0xffff;
	[tilespmem:v53+s17+$0x0] =	vst.idx.msk $0xffff, v52  }
0xdd: {  	v54 =	vor.u32 s30, v14;
	v40 =	vor.u32 s6, v49;
	v32 =	vor.u32 v27, v33;
	v44 =	vld.idx.msk [tilespmem:v59+s4+$0x0], $0xffff  }
0xde: {  	v49 =	vor.u32 v18, v40;
	v43 =	vld.idx.msk [tilespmem:v58+s4+$0x0], $0xffff;
	[tilespmem:v51+s17+$0x0] =	vst.idx.msk $0xffff, v47;
	v59 =	vor.u32 s29, v8  }
0xdf: {  	[tilespmem:v50+s17+$0x0] =	vst.idx.msk $0xffff, v42  }
0xe0: {  	v58 =	vor.u32 v26, v38;
	[tilespmem:v56+s17+$0x0] =	vst.idx.msk $0xffff, v46  }
0xe1: {  	v60 =	vor.u32 v26, v39;
	v47 =	vor.u32 s31, v9;
	v42 =	vld.idx.msk [tilespmem:v41+s4+$0x0], $0xffff;
	[tilespmem:v57+s17+$0x0] =	vst.idx.msk $0xffff, v48  }
0xe2: {  	s19 =	sshll.u32 s6, $0x6;
	v52 =	vld.idx.msk [tilespmem:v32+s4+$0x0], $0xffff;
	v32 =	vor.u32 v13, v37;
	[tilespmem:v54+s17+$0x0] =	vst.idx.msk $0xffff, v44  }
0xe3: {  	s1 =	sor.u32 s0, s19;
	v49 =	vld.idx.msk [tilespmem:v49+s4+$0x0], $0xffff;
	v50 =	vor.u32 v27, v35;
	v54 =	vor.u32 s26, v10;
	[tilespmem:v59+s17+$0x0] =	vst.idx.msk $0xffff, v43  }
0xe4: {  	v55 =	vor.u32 v12, v36;
	v51 =	vor.u32 s1, v19;
	v11 =	vld [tilespmem:$0x1FE60]  }
0xe5: {  	v46 =	vld.idx.msk [tilespmem:v58+s4+$0x0], $0xffff;
	v53 =	vor.u32 v26, v40;
	v48 =	vor.u32 s3, v9  }
0xe6: {  	v58 =	vor.u32 v13, v38;
	v57 =	vld.idx.msk [tilespmem:v60+s4+$0x0], $0xffff;
	v43 =	vor.u32 s2, v9;
	[tilespmem:v47+s17+$0x0] =	vst.idx.msk $0xffff, v42  }
0xe7: {  	v56 =	vor.u32 v21, v33;
	v44 =	vld.idx.msk [tilespmem:v32+s4+$0x0], $0xffff;
	v32 =	vor.u32 s31, v1  }
0xe8: {  	v42 =	vld.idx.msk [tilespmem:v50+s4+$0x0], $0xffff;
	v50 =	vor.u32 s28, v15;
	[tilespmem:v54+s17+$0x0] =	vst.idx.msk $0xffff, v52;
	v52 =	vor.u32 v28, v37  }
0xe9: {  	v60 =	vor.u32 v13, v39;
	v55 =	vld.idx.msk [tilespmem:v55+s4+$0x0], $0xffff;
	[tilespmem:v51+s17+$0x0] =	vst.idx.msk $0xffff, v49;
	v59 =	vor.u32 s30, v11  }
0xea: {  	v49 =	vor.u32 v16, v36;
	[tilespmem:v48+s17+$0x0] =	vst.idx.msk $0xffff, v46;
	v51 =	vld.idx.msk [tilespmem:v53+s4+$0x0], $0xffff  }
0xeb: {  	v46 =	vor.u32 v0, v34;
	v53 =	vor.u32 s1, v9;
	[tilespmem:v43+s17+$0x0] =	vst.idx.msk $0xffff, v57;
	v43 =	vld.idx.msk [tilespmem:v58+s4+$0x0], $0xffff  }
0xec: {  	v63 =	vor.u32 v13, v40;
	v41 =	vor.u32 s29, v10;
	v48 =	vld.idx.msk [tilespmem:v56+s4+$0x0], $0xffff;
	[tilespmem:v32+s17+$0x0] =	vst.idx.msk $0xffff, v44  }
0xed: {  	v57 =	vor.u32 s3, v1;
	v58 =	vor.u32 v21, v35;
	[tilespmem:v50+s17+$0x0] =	vst.idx.msk $0xffff, v45;
	v45 =	vld.idx.msk [tilespmem:v52+s4+$0x0], $0xffff  }
0xee: {  	v47 =	vor.u32 v28, v38;
	v32 =	vor.u32 s2, v1;
	[tilespmem:v59+s17+$0x0] =	vst.idx.msk $0xffff, v55;
	v55 =	vld.idx.msk [tilespmem:v60+s4+$0x0], $0xffff  }
0xef: {  	v50 =	vor.u32 v28, v39;
	v52 =	vor.u32 s30, v62;
	v49 =	vld.idx.msk [tilespmem:v49+s4+$0x0], $0xffff  }
0xf0: {  	[tilespmem:v53+s17+$0x0] =	vst.idx.msk $0xffff, v51;
	v51 =	vor.u32 s31, v2;
	v53 =	vor.u32 v5, v36;
	v46 =	vld.idx.msk [tilespmem:v46+s4+$0x0], $0xffff  }
0xf1: {  	[tilespmem:v41+s17+$0x0] =	vst.idx.msk $0xffff, v42;
	v54 =	vld.idx.msk [tilespmem:v63+s4+$0x0], $0xffff;
	v59 =	vor.u32 v29, v37;
	v60 =	vor.u32 s28, v8  }
0xf2: {  	v42 =	vor.u32 s1, v1;
	v63 =	vor.u32 v27, v34;
	[tilespmem:v57+s17+$0x0] =	vst.idx.msk $0xffff, v43;
	v56 =	vld.idx.msk [tilespmem:v58+s4+$0x0], $0xffff  }
0xf3: {  	v47 =	vld.idx.msk [tilespmem:v47+s4+$0x0], $0xffff;
	[tilespmem:v32+s17+$0x0] =	vst.idx.msk $0xffff, v55;
	v32 =	vor.u32 v28, v40;
	v55 =	vor.u32 s29, v14  }
0xf4: {  	v57 =	vor.u32 s3, v2;
	v50 =	vld.idx.msk [tilespmem:v50+s4+$0x0], $0xffff;
	[tilespmem:v52+s17+$0x0] =	vst.idx.msk $0xffff, v49;
	v49 =	vor.u32 v12, v35  }
0xf5: {  	[tilespmem:v51+s17+$0x0] =	vst.idx.msk $0xffff, v45;
	v45 =	vor.u32 s2, v2;
	v51 =	vor.u32 v29, v38;
	v52 =	vld.idx.msk [tilespmem:v53+s4+$0x0], $0xffff  }
0xf6: {  	v58 =	vor.u32 v29, v39;
	[tilespmem:v60+s17+$0x0] =	vst.idx.msk $0xffff, v46;
	v53 =	vld.idx.msk [tilespmem:v59+s4+$0x0], $0xffff;
	v59 =	vor.u32 s30, v61  }
0xf7: {  	[tilespmem:v42+s17+$0x0] =	vst.idx.msk $0xffff, v54;
	v42 =	vor.u32 v7, v36;
	v46 =	vor.u32 s31, v25;
	v43 =	vld.idx.msk [tilespmem:v63+s4+$0x0], $0xffff  }
0xf8: {  	v41 =	vor.u32 v30, v37;
	v44 =	vld.idx.msk [tilespmem:v32+s4+$0x0], $0xffff;
	v32 =	vor.u32 s28, v10;
	[tilespmem:v55+s17+$0x0] =	vst.idx.msk $0xffff, v56  }
0xf9: {  	[tilespmem:v57+s17+$0x0] =	vst.idx.msk $0xffff, v47;
	v55 =	vor.u32 s1, v2;
	v56 =	vor.u32 v21, v34;
	v49 =	vld.idx.msk [tilespmem:v49+s4+$0x0], $0xffff  }
0xfa: {  	v63 =	vor.u32 v29, v40;
	[tilespmem:v45+s17+$0x0] =	vst.idx.msk $0xffff, v50;
	v50 =	vld.idx.msk [tilespmem:v51+s4+$0x0], $0xffff;
	v51 =	vor.u32 s29, v11  }
0xfb: {  	v57 =	vld.idx.msk [tilespmem:v58+s4+$0x0], $0xffff;
	v58 =	vor.u32 s3, v25;
	[tilespmem:v59+s17+$0x0] =	vst.idx.msk $0xffff, v52;
	v52 =	vor.u32 v16, v35  }
0xfc: {  	[tilespmem:v46+s17+$0x0] =	vst.idx.msk $0xffff, v53;
	v46 =	vor.u32 s2, v25;
	v53 =	vor.u32 v30, v38;
	v47 =	vld.idx.msk [tilespmem:v42+s4+$0x0], $0xffff  }
0xfd: {  	v54 =	vor.u32 v30, v39;
	v42 =	vld.idx.msk [tilespmem:v41+s4+$0x0], $0xffff;
	[tilespmem:v32+s17+$0x0] =	vst.idx.msk $0xffff, v43;
	v32 =	vor.u32 s26, v14  }
0xfe: {  	v41 =	vor.u32 s31, v20;
	[tilespmem:v55+s17+$0x0] =	vst.idx.msk $0xffff, v44;
	v55 =	vor.u32 v12, v33;
	v44 =	vld.idx.msk [tilespmem:v56+s4+$0x0], $0xffff  }
0xff: {  	v60 =	vor.u32 s28, v14;
	v56 =	vor.u32 v4, v37;
	v45 =	vld.idx.msk [tilespmem:v63+s4+$0x0], $0xffff;
	[tilespmem:v51+s17+$0x0] =	vst.idx.msk $0xffff, v49  }
0x100: {  	v49 =	vor.u32 s1, v25;
	v63 =	vor.u32 v12, v34;
	[tilespmem:v58+s17+$0x0] =	vst.idx.msk $0xffff, v50;
	v51 =	vld.idx.msk [tilespmem:v52+s4+$0x0], $0xffff  }
0x101: {  	[tilespmem:v46+s17+$0x0] =	vst.idx.msk $0xffff, v57;
	v46 =	vor.u32 v30, v40;
	v52 =	vld.idx.msk [tilespmem:v53+s4+$0x0], $0xffff;
	v53 =	vor.u32 s29, v62  }
0x102: {  	v57 =	vor.u32 s3, v20;
	v58 =	vor.u32 v5, v35;
	v54 =	vld.idx.msk [tilespmem:v54+s4+$0x0], $0xffff;
	[tilespmem:v32+s17+$0x0] =	vst.idx.msk $0xffff, v48  }
0x103: {  	[tilespmem:v41+s17+$0x0] =	vst.idx.msk $0xffff, v42;
	v42 =	vor.u32 s2, v20;
	v32 =	vor.u32 v4, v38;
	v48 =	vld.idx.msk [tilespmem:v55+s4+$0x0], $0xffff  }
0x104: {  	v41 =	vor.u32 s26, v11;
	v55 =	vld.idx.msk [tilespmem:v56+s4+$0x0], $0xffff;
	v56 =	vor.u32 v4, v39;
	[tilespmem:v60+s17+$0x0] =	vst.idx.msk $0xffff, v44  }
0x105: {  	v59 =	vor.u32 s31, v15;
	[tilespmem:v49+s17+$0x0] =	vst.idx.msk $0xffff, v45;
	v49 =	vor.u32 v16, v33;
	v50 =	vld.idx.msk [tilespmem:v63+s4+$0x0], $0xffff  }
0x106: {  	v14 =	vmov v0;
	v60 =	vor.u32 v0, v37;
	v46 =	vld.idx.msk [tilespmem:v46+s4+$0x0], $0xffff;
	[tilespmem:v53+s17+$0x0] =	vst.idx.msk $0xffff, v51  }
0x107: {  	v0 =	vmov v61;
	v61 =	vor.u32 s28, v11;
	[tilespmem:v57+s17+$0x0] =	vst.idx.msk $0xffff, v52;
	v52 =	vor.u32 v16, v34;
	v16 =	vld.idx.msk [tilespmem:v58+s4+$0x0], $0xffff  }
0x108: {  	v51 =	vor.u32 s1, v20;
	[tilespmem:v42+s17+$0x0] =	vst.idx.msk $0xffff, v54;
	v6 =	vld.idx.msk [tilespmem:v32+s4+$0x0], $0xffff  }
0x109: {  	v10 =	vmov v7;
	v54 =	vor.u32 v4, v40;
	v32 =	vor.u32 s29, v0;
	v45 =	vld.idx.msk [tilespmem:v56+s4+$0x0], $0xffff;
	[tilespmem:v41+s17+$0x0] =	vst.idx.msk $0xffff, v48  }
0x10a: {  	v11 =	vor.u32 v10, v35;
	v63 =	vor.u32 s3, v15;
	[tilespmem:v59+s17+$0x0] =	vst.idx.msk $0xffff, v55;
	v53 =	vld.idx.msk [tilespmem:v49+s4+$0x0], $0xffff  }
0x10b: {  	v56 =	vld.idx.msk [tilespmem:v60+s4+$0x0], $0xffff  }
0x10c: {  	v23 =	vor.u32 v5, v34;
	v19 =	vmov v8;
	v43 =	vor.u32 v5, v39;
	s5 =	rddreg [dreg:$0x4];
	v8 =	vld [tilespmem:$0x1FEB0];
	[tilespmem:v61+s17+$0x0] =	vst.idx.msk $0xffff, v50  }
0x10d: {  	s21 =	sshll.u32 s23, $0x6;
	v44 =	vor.u32 s29, v17;
	v58 =	vor.u32 v14, v38;
	s24 =	rddreg [dreg:$0x7];
	[tilespmem:v51+s17+$0x0] =	vst.idx.msk $0xffff, v46;
	v50 =	vld.idx.msk [tilespmem:v52+s4+$0x0], $0xffff  }
0x10e: {  	v7 =	vmovc v62;
	v62 =	vor.u32 s1, v15;
	v57 =	vor.u32 s30, v17;
	v41 =	vor.u32 s1, v17;
	s22 =	sor.u32 s5, s21;
	s25 =	rddreg [dreg:$0x8];
	v61 =	vld.idx.msk [tilespmem:v54+s4+$0x0], $0xffff;
	[tilespmem:v32+s17+$0x0] =	vst.idx.msk $0xffff, v16  }
0x10f: {  	v55 =	vor.u32 s26, v7;
	v59 =	vor.u32 v27, v37;
	v48 =	vor.u32 s28, v0;
	s11 =	smin.u32 s22, $0x1E83;
	s6 =	sor.u32 $0x20, s22;
	s12 =	sadd.s32 s24, s21;
	[tilespmem:v63+s17+$0x0] =	vst.idx.msk $0xffff, v6;
	v52 =	vld.idx.msk [tilespmem:v11+s4+$0x0], $0xffff  }
0x110: {  	v31 =	vmovc v2;
	v21 =	vmovc v15;
	v60 =	vor.u32 s31, v19;
	v51 =	vor.u32 v5, v33;
	v46 =	vor.u32 v10, v34;
	s24 =	smin.u32 s6, $0x1E83;
	s12 =	smin.u32 s12, $0x1E83;
	s0 =	sadd.s32 s25, s21;
	v19 =	vld [tilespmem:$0x1FE70]  }
0x111: {  	v54 =	vor.u32 s28, v7;
	s6 =	simm.s32 $0x4;
	s21 =	simm.s32 $0x10;
	v32 =	vmovc v17;
	v17 =	vmovc v1;
	s25 =	smin.u32 s0, $0x1E83;
	v5 =	vld [tilespmem:$0x1FEC0];
	v11 =	vmov v4;
	v49 =	vor.u32 v8, v36  }
.LBB2_3:
0x112: {  	v58 =	vld.idx.msk [tilespmem:v58+s4+$0x0], $0xffff  }
0x113: {  	v7 =	vld [tilespmem:$0x1FF60]  }
0x114: {  	v42 =	vld [tilespmem:$0x1FEB0]  }
0x115: {  	v22 =	vld [tilespmem:$0x1FF90]  }
0x116: {  	v0 =	vld [tilespmem:$0x1FFF0]  }
0x117: {  	v4 =	vld [tilespmem:$0x1FE50]  }
0x118: {  	v8 =	vld [tilespmem:$0x1FFA0]  }
0x119: {  	[tilespmem:v57+s17+$0x0] =	vst.idx.msk $0xffff, v47;
	v10 =	vld [tilespmem:$0x1FF50]  }
0x11a: {  	v20 =	vld [tilespmem:$0x1FF40];
	[tilespmem:v62+s17+$0x0] =	vst.idx.msk $0xffff, v61  }
0x11b: {  	v16 =	vld [tilespmem:$0x1FEA0];
	[tilespmem:v55+s17+$0x0] =	vst.idx.msk $0xffff, v53  }
0x11c: {  	s0 =	sand.u32 $0x30, s21;
	v47 =	vor.u32 v5, v36;
	v49 =	vld.idx.msk [tilespmem:v49+s4+$0x0], $0xffff;
	[tilespmem:v60+s17+$0x0] =	vst.idx.msk $0xffff, v56  }
0x11d: {  	v63 =	vor.u32 v14, v40;
	v3 =	vlaneseq.u32;
	v24 =	vld [tilespmem:$0x1FF70];
	v2 =	vmov s0;
	[tilespmem:v54+s17+$0x0] =	vst.idx.msk $0xffff, v50  }
0x11e: {  	s8 =	sadd.s32 $0x40, s8;
	v12 =	vld [tilespmem:$0x1FF80];
	v1 =	vshll.u32 v2, $0x7;
	v55 =	vor.u32 s30, v19;
	[tilespmem:v44+s17+$0x0] =	vst.idx.msk $0xffff, v52;
	v57 =	vor.u32 v7, v33  }
0x11f: {  	s13 =	sand.u32 $0x40, s8;
	v15 =	vor.u32 v42, v35;
	v53 =	vor.u32 v22, v37;
	v51 =	vld.idx.msk [tilespmem:v51+s4+$0x0], $0xffff;
	v56 =	vor.u32 v0, v1  }
0x120: {  	s22 =	sor.u32 $0x10, s13;
	s5 =	sor.u32 $0x30, s13;
	v59 =	vld.idx.msk [tilespmem:v59+s4+$0x0], $0xffff;
	v60 =	vor.u32 s31, v4;
	v50 =	vor.u32 s26, v8;
	v62 =	vor.u32 s3, v10  }
0x121: {  	v6 =	vmovc v14;
	v36 =	vmovc v37;
	s14 =	sor.u32 $0x20, s13;
	v0 =	vld.idx.msk [tilespmem:v23+s4+$0x0], $0xffff;
	v54 =	vor.u32 s22, v56;
	v14 =	vor.u32 s5, v56;
	v37 =	vor.u32 s13, v56  }
0x122: {  	v63 =	vld.idx.msk [tilespmem:v63+s4+$0x0], $0xffff;
	v56 =	vor.u32 s14, v56;
	v61 =	vor.u32 v3, v37;
	v52 =	vor.u32 v3, v54  }
0x123: {  	v1 =	vor.u32 v3, v56;
	[tilespmem:v55+s17+$0x0] =	vst.idx.msk $0xffff, v49;
	v49 =	vor.u32 v3, v14;
	v3 =	vld [tilespmem:$0x1FE80]  }
0x124: {  	v2 =	vor.u32 s1, v10;
	v15 =	vld.idx.msk [tilespmem:v15+s4+$0x0], $0xffff  }
0x125: {  	v55 =	vor.u32 s29, v19;
	v47 =	vld.idx.msk [tilespmem:v47+s4+$0x0], $0xffff;
	[tilespmem:v50+s17+$0x0] =	vst.idx.msk $0xffff, v51  }
0x126: {  	s9 =	sshll.u32 s13, $0x6;
	[tilespmem:v60+s17+$0x0] =	vst.idx.msk $0xffff, v59;
	v50 =	vor.u32 s30, v16;
	v51 =	vor.u32 v5, v35;
	v57 =	vld.idx.msk [tilespmem:v57+s4+$0x0], $0xffff  }
0x127: {  	s9 =	sor.u32 s0, s9;
	s30 =	smov.u32 s31;
	v59 =	vor.u32 s26, v32;
	v53 =	vld.idx.msk [tilespmem:v53+s4+$0x0], $0xffff;
	[tilespmem:v62+s17+$0x0] =	vst.idx.msk $0xffff, v58;
	v58 =	vor.u32 v27, v38  }
0x128: {  	s19 =	sshll.u32 s14, $0x6;
	v35 =	vmov v40;
	s31 =	smov.u32 s9;
	v40 =	vmov v56;
	[tilespmem:v48+s17+$0x0] =	vst.idx.msk $0xffff, v0;
	v56 =	vld.idx.msk [tilespmem:v61+s4+$0x0], $0xffff;
	v61 =	vor.u32 s30, v24  }
0x129: {  	s19 =	sor.u32 s0, s19;
	v1 =	vld.idx.msk [tilespmem:v1+s4+$0x0], $0xffff;
	[tilespmem:v2+s17+$0x0] =	vst.idx.msk $0xffff, v63;
	v60 =	vor.u32 s31, v3  }
0x12a: {  	v18 =	vld [tilespmem:$0x1FE60];
	v62 =	vor.u32 v12, v36;
	v63 =	vor.u32 s19, v3;
	[tilespmem:v55+s17+$0x0] =	vst.idx.msk $0xffff, v15  }
0x12b: {  	s10 =	sshll.u32 s22, $0x6;
	v0 =	vor.u32 v26, v37;
	v46 =	vld.idx.msk [tilespmem:v46+s4+$0x0], $0xffff;
	[tilespmem:v50+s17+$0x0] =	vst.idx.msk $0xffff, v47  }
0x12c: {  	s10 =	sor.u32 s0, s10;
	v47 =	vor.u32 s28, v32;
	v50 =	vld.idx.msk [tilespmem:v58+s4+$0x0], $0xffff;
	[tilespmem:v59+s17+$0x0] =	vst.idx.msk $0xffff, v57  }
0x12d: {  	v48 =	vor.u32 s10, v3;
	v15 =	vld.idx.msk [tilespmem:v52+s4+$0x0], $0xffff;
	[tilespmem:v61+s17+$0x0] =	vst.idx.msk $0xffff, v53  }
0x12e: {  	v55 =	vor.u32 v42, v34;
	v53 =	vor.u32 s3, v4;
	[tilespmem:v60+s17+$0x0] =	vst.idx.msk $0xffff, v56  }
0x12f: {  	s5 =	sshll.u32 s5, $0x6;
	v2 =	vor.u32 v26, v54;
	[tilespmem:v63+s17+$0x0] =	vst.idx.msk $0xffff, v1;
	v1 =	vor.u32 s30, v18;
	v59 =	vld.idx.msk [tilespmem:v62+s4+$0x0], $0xffff  }
0x130: {  	s0 =	sor.u32 s0, s5;
	v57 =	vor.u32 v42, v33;
	v60 =	vor.u32 s31, v9;
	v0 =	vld.idx.msk [tilespmem:v0+s4+$0x0], $0xffff  }
0x131: {  	v58 =	vor.u32 s0, v3;
	v49 =	vld.idx.msk [tilespmem:v49+s4+$0x0], $0xffff;
	v62 =	vor.u32 v13, v37;
	[tilespmem:v47+s17+$0x0] =	vst.idx.msk $0xffff, v46  }
0x132: {  	v23 =	vmov v43;
	v43 =	vor.u32 v20, v54;
	v46 =	vld.idx.msk [tilespmem:v51+s4+$0x0], $0xffff;
	[tilespmem:v48+s17+$0x0] =	vst.idx.msk $0xffff, v15  }
0x133: {  	v52 =	vor.u32 v26, v40;
	v56 =	vor.u32 v26, v14;
	v48 =	vld.idx.msk [tilespmem:v55+s4+$0x0], $0xffff;
	[tilespmem:v53+s17+$0x0] =	vst.idx.msk $0xffff, v50  }
0x134: {  	v61 =	vor.u32 v27, v35;
	v51 =	vor.u32 s29, v16;
	v2 =	vld.idx.msk [tilespmem:v2+s4+$0x0], $0xffff;
	[tilespmem:v1+s17+$0x0] =	vst.idx.msk $0xffff, v59  }
0x135: {  	v15 =	vor.u32 v13, v54;
	v50 =	vor.u32 s28, v19;
	v55 =	vor.u32 s26, v19;
	v53 =	vld.idx.msk [tilespmem:v57+s4+$0x0], $0xffff;
	[tilespmem:v60+s17+$0x0] =	vst.idx.msk $0xffff, v0  }
0x136: {  	[tilespmem:v58+s17+$0x0] =	vst.idx.msk $0xffff, v49;
	v49 =	vor.u32 v5, v34;
	v34 =	vmov v39;
	v39 =	vmov v54;
	v54 =	vld.idx.msk [tilespmem:v62+s4+$0x0], $0xffff  }
0x137: {  	v63 =	vor.u32 s10, v9;
	v62 =	vld [tilespmem:$0x1FFC0]  }
0x138: {  	v3 =	vor.u32 s0, v9;
	v57 =	vor.u32 v5, v33;
	v56 =	vld.idx.msk [tilespmem:v56+s4+$0x0], $0xffff  }
0x139: {  	v33 =	vmov v38;
	v59 =	vor.u32 v13, v14;
	v0 =	vld.idx.msk [tilespmem:v61+s4+$0x0], $0xffff;
	v60 =	vor.u32 s2, v21;
	[tilespmem:v51+s17+$0x0] =	vst.idx.msk $0xffff, v46  }
0x13a: {  	v1 =	vor.u32 v22, v38;
	v38 =	vmov v14;
	v14 =	vor.u32 s31, v17;
	v46 =	vld.idx.msk [tilespmem:v52+s4+$0x0], $0xffff;
	[tilespmem:v50+s17+$0x0] =	vst.idx.msk $0xffff, v48  }
0x13b: {  	v47 =	vor.u32 s19, v9;
	v49 =	vld.idx.msk [tilespmem:v49+s4+$0x0], $0xffff;
	[tilespmem:v55+s17+$0x0] =	vst.idx.msk $0xffff, v53  }
0x13c: {  	v61 =	vor.u32 s28, v16;
	[tilespmem:v63+s17+$0x0] =	vst.idx.msk $0xffff, v2;
	v63 =	vor.u32 s26, v16;
	v16 =	vld [tilespmem:$0x1FFB0];
	v48 =	vor.u32 v62, v36  }
0x13d: {  	s29 =	smov.u32 s1;
	v50 =	vor.u32 v28, v37;
	v51 =	vld.idx.msk [tilespmem:v57+s4+$0x0], $0xffff;
	[tilespmem:v3+s17+$0x0] =	vst.idx.msk $0xffff, v56  }
0x13e: {  	v58 =	vor.u32 v13, v40;
	s26 =	smov.u32 s3;
	s3 =	smov.u32 s0;
	v53 =	vld.idx.msk [tilespmem:v59+s4+$0x0], $0xffff;
	[tilespmem:v60+s17+$0x0] =	vst.idx.msk $0xffff, v45;
	v45 =	vor.u32 s29, v4  }
0x13f: {  	s28 =	smov.u32 s2;
	s2 =	smov.u32 s10;
	v3 =	vor.u32 v6, v34;
	[tilespmem:v14+s17+$0x0] =	vst.idx.msk $0xffff, v54;
	v14 =	vld.idx.msk [tilespmem:v15+s4+$0x0], $0xffff;
	v15 =	vor.u32 s3, v17  }
0x140: {  	v55 =	vor.u32 s2, v17;
	v1 =	vld.idx.msk [tilespmem:v1+s4+$0x0], $0xffff;
	v54 =	vor.u32 v22, v35;
	[tilespmem:v47+s17+$0x0] =	vst.idx.msk $0xffff, v46  }
0x141: {  	v46 =	vor.u32 v28, v38;
	v56 =	vor.u32 s30, v16;
	[tilespmem:v61+s17+$0x0] =	vst.idx.msk $0xffff, v49;
	v47 =	vld.idx.msk [tilespmem:v48+s4+$0x0], $0xffff  }
0x142: {  	v60 =	vor.u32 s31, v31;
	[tilespmem:v63+s17+$0x0] =	vst.idx.msk $0xffff, v51;
	v48 =	vld.idx.msk [tilespmem:v50+s4+$0x0], $0xffff;
	v50 =	vor.u32 v28, v39  }
0x143: {  	s1 =	smov.u32 s19;
	v61 =	vor.u32 v20, v36;
	v52 =	vld.idx.msk [tilespmem:v58+s4+$0x0], $0xffff;
	[tilespmem:v45+s17+$0x0] =	vst.idx.msk $0xffff, v0  }
0x144: {  	v3 =	vld.idx.msk [tilespmem:v3+s4+$0x0], $0xffff;
	v63 =	vor.u32 v29, v37;
	v0 =	vor.u32 s1, v17;
	[tilespmem:v15+s17+$0x0] =	vst.idx.msk $0xffff, v53  }
0x145: {  	v57 =	vor.u32 s28, v10;
	v45 =	vld.idx.msk [tilespmem:v54+s4+$0x0], $0xffff;
	[tilespmem:v55+s17+$0x0] =	vst.idx.msk $0xffff, v14;
	v14 =	vor.u32 v28, v40  }
0x146: {  	v53 =	vor.u32 s29, v24;
	v46 =	vld.idx.msk [tilespmem:v46+s4+$0x0], $0xffff;
	[tilespmem:v56+s17+$0x0] =	vst.idx.msk $0xffff, v47  }
0x147: {  	v15 =	vor.u32 v27, v34;
	v54 =	vor.u32 s3, v31;
	v50 =	vld.idx.msk [tilespmem:v50+s4+$0x0], $0xffff;
	[tilespmem:v60+s17+$0x0] =	vst.idx.msk $0xffff, v48  }
0x148: {  	v2 =	vor.u32 s2, v31;
	v47 =	vor.u32 v12, v35;
	v49 =	vld.idx.msk [tilespmem:v61+s4+$0x0], $0xffff  }
0x149: {  	[tilespmem:v0+s17+$0x0] =	vst.idx.msk $0xffff, v52;
	v60 =	vor.u32 v29, v38;
	v51 =	vld.idx.msk [tilespmem:v63+s4+$0x0], $0xffff;
	v63 =	vor.u32 s30, v8  }
0x14a: {  	[tilespmem:v57+s17+$0x0] =	vst.idx.msk $0xffff, v3;
	v3 =	vor.u32 s31, v25;
	v14 =	vld.idx.msk [tilespmem:v14+s4+$0x0], $0xffff;
	v61 =	vor.u32 v29, v39  }
0x14b: {  	v0 =	vor.u32 v7, v36;
	v57 =	vor.u32 s28, v4;
	[tilespmem:v53+s17+$0x0] =	vst.idx.msk $0xffff, v45;
	v4 =	vld [tilespmem:$0x1FE40]  }
0x14c: {  	v52 =	vor.u32 v30, v37;
	v15 =	vld.idx.msk [tilespmem:v15+s4+$0x0], $0xffff;
	[tilespmem:v54+s17+$0x0] =	vst.idx.msk $0xffff, v46  }
0x14d: {  	v45 =	vor.u32 s1, v31;
	v46 =	vor.u32 v22, v34;
	v53 =	vld.idx.msk [tilespmem:v47+s4+$0x0], $0xffff;
	[tilespmem:v2+s17+$0x0] =	vst.idx.msk $0xffff, v50  }
0x14e: {  	v2 =	vor.u32 v29, v40;
	v48 =	vld.idx.msk [tilespmem:v60+s4+$0x0], $0xffff;
	v60 =	vor.u32 s29, v18;
	[tilespmem:v63+s17+$0x0] =	vst.idx.msk $0xffff, v49  }
0x14f: {  	v54 =	vld.idx.msk [tilespmem:v61+s4+$0x0], $0xffff;
	v61 =	vor.u32 s3, v25;
	v49 =	vor.u32 v62, v35;
	[tilespmem:v3+s17+$0x0] =	vst.idx.msk $0xffff, v51  }
0x150: {  	v63 =	vor.u32 v30, v38;
	v3 =	vor.u32 s2, v25;
	v47 =	vld.idx.msk [tilespmem:v0+s4+$0x0], $0xffff  }
0x151: {  	[tilespmem:v57+s17+$0x0] =	vst.idx.msk $0xffff, v15;
	v15 =	vor.u32 s26, v24;
	v0 =	vld.idx.msk [tilespmem:v52+s4+$0x0], $0xffff;
	v52 =	vor.u32 v30, v39  }
0x152: {  	v56 =	vor.u32 s31, v4;
	[tilespmem:v45+s17+$0x0] =	vst.idx.msk $0xffff, v14;
	v45 =	vor.u32 v12, v33;
	v14 =	vld.idx.msk [tilespmem:v46+s4+$0x0], $0xffff  }
0x153: {  	v57 =	vor.u32 s28, v24;
	v46 =	vor.u32 v11, v37;
	v2 =	vld.idx.msk [tilespmem:v2+s4+$0x0], $0xffff;
	[tilespmem:v60+s17+$0x0] =	vst.idx.msk $0xffff, v53  }
0x154: {  	v60 =	vor.u32 s1, v25;
	[tilespmem:v61+s17+$0x0] =	vst.idx.msk $0xffff, v48;
	v61 =	vor.u32 v12, v34;
	v49 =	vld.idx.msk [tilespmem:v49+s4+$0x0], $0xffff  }
0x155: {  	[tilespmem:v3+s17+$0x0] =	vst.idx.msk $0xffff, v54;
	v3 =	vor.u32 v30, v40;
	v51 =	vld.idx.msk [tilespmem:v63+s4+$0x0], $0xffff;
	v63 =	vor.u32 s29, v16  }
0x156: {  	v55 =	vor.u32 v20, v35;
	v54 =	vor.u32 s3, v4;
	[tilespmem:v15+s17+$0x0] =	vst.idx.msk $0xffff, v1;
	v52 =	vld.idx.msk [tilespmem:v52+s4+$0x0], $0xffff  }
0x157: {  	v1 =	vor.u32 v11, v38;
	[tilespmem:v56+s17+$0x0] =	vst.idx.msk $0xffff, v0;
	v0 =	vor.u32 s2, v4;
	v15 =	vld.idx.msk [tilespmem:v45+s4+$0x0], $0xffff  }
0x158: {  	v45 =	vor.u32 v11, v39;
	[tilespmem:v57+s17+$0x0] =	vst.idx.msk $0xffff, v14;
	v14 =	vor.u32 s26, v18;
	v46 =	vld.idx.msk [tilespmem:v46+s4+$0x0], $0xffff  }
0x159: {  	v48 =	vor.u32 v62, v33;
	v56 =	vor.u32 s31, v21;
	[tilespmem:v60+s17+$0x0] =	vst.idx.msk $0xffff, v2;
	v2 =	vld.idx.msk [tilespmem:v61+s4+$0x0], $0xffff  }
0x15a: {  	v59 =	vor.u32 s28, v18;
	v50 =	vor.u32 v6, v37;
	v3 =	vld.idx.msk [tilespmem:v3+s4+$0x0], $0xffff;
	[tilespmem:v63+s17+$0x0] =	vst.idx.msk $0xffff, v49  }
0x15b: {  	v61 =	vor.u32 s1, v4;
	[tilespmem:v54+s17+$0x0] =	vst.idx.msk $0xffff, v51;
	v51 =	vor.u32 v62, v34;
	v62 =	vld.idx.msk [tilespmem:v55+s4+$0x0], $0xffff  }
0x15c: {  	s6 =	sadd.s32 $0x4, s6;
	[tilespmem:v0+s17+$0x0] =	vst.idx.msk $0xffff, v52;
	v0 =	vor.u32 v11, v40;
	v1 =	vld.idx.msk [tilespmem:v1+s4+$0x0], $0xffff;
	v52 =	vor.u32 s29, v8  }
0x15d: {  	p2 =	slt.u32 s6, $0x1C;
	v4 =	vor.u32 v7, v35;
	v63 =	vor.u32 s3, v21;
	[tilespmem:v14+s17+$0x0] =	vst.idx.msk $0xffff, v15;
	v45 =	vld.idx.msk [tilespmem:v45+s4+$0x0], $0xffff  }
.Ltmp2:
0x15e: {  	v44 =	vmov v41;
	v41 =	vor.u32 s19, v32;
	v58 =	vor.u32 v6, v38;
	[tilespmem:v56+s17+$0x0] =	vst.idx.msk $0xffff, v46;
	v53 =	vld.idx.msk [tilespmem:v48+s4+$0x0], $0xffff;
	(pc) =	sbr.rel @p2 .LBB2_3-.Ltmp2, $4  }
0x15f: {  	v57 =	vor.u32 s30, v32;
	v60 =	vor.u32 s31, v10;
	v49 =	vor.u32 v42, v36;
	v56 =	vld.idx.msk [tilespmem:v50+s4+$0x0], $0xffff;
	[tilespmem:v59+s17+$0x0] =	vst.idx.msk $0xffff, v2  }
0x160: {  	v54 =	vor.u32 s28, v16;
	v14 =	vmov v6;
	v55 =	vor.u32 s26, v16;
	[tilespmem:v61+s17+$0x0] =	vst.idx.msk $0xffff, v3;
	v50 =	vld.idx.msk [tilespmem:v51+s4+$0x0], $0xffff  }
0x161: {  	v46 =	vor.u32 v7, v34;
	v59 =	vor.u32 v27, v37;
	v61 =	vld.idx.msk [tilespmem:v0+s4+$0x0], $0xffff;
	[tilespmem:v52+s17+$0x0] =	vst.idx.msk $0xffff, v62  }
0x162: {  	s21 =	sadd.s32 $0x8, s21;
	v48 =	vor.u32 s28, v8;
	v51 =	vor.u32 v20, v33;
	v62 =	vor.u32 s1, v21;
	[tilespmem:v63+s17+$0x0] =	vst.idx.msk $0xffff, v1;
	v52 =	vld.idx.msk [tilespmem:v4+s4+$0x0], $0xffff  }
0x163: {  	_ =	sdelay $0x2  }
0x164: {  	v24 =	vld [tilespmem:$0x1FE80]  }
0x165: {  	v11 =	vld [tilespmem:$0x1FFF0];
	[tilespmem:v62+s17+$0x0] =	vst.idx.msk $0xffff, v61  }
0x166: {  	v0 =	vor.u32 v14, v40;
	v13 =	vld [tilespmem:$0x1FF50];
	_ =	sdelay $0x3  }
0x167: {  	v1 =	vor.u32 s2, v21  }
0x168: {  	v2 =	vor.u32 v14, v39;
	v0 =	vld.idx.msk [tilespmem:v0+s4+$0x0], $0xffff;
	v3 =	vor.u32 s1, v13;
	_ =	sdelay $0x2  }
0x169: {  	[tilespmem:v60+s17+$0x0] =	vst.idx.msk $0xffff, v56  }
0x16a: {  	[tilespmem:v1+s17+$0x0] =	vst.idx.msk $0xffff, v45  }
0x16b: {  	v2 =	vld.idx.msk [tilespmem:v2+s4+$0x0], $0xffff;
	[tilespmem:v3+s17+$0x0] =	vst.idx.msk $0xffff, v0  }
0x16c: {  	v4 =	vor.u32 s2, v13;
	v60 =	vld [tilespmem:$0x1FE50];
	_ =	sdelay $0x1  }
0x16d: {  	v14 =	vld.idx.msk [tilespmem:v58+s4+$0x0], $0xffff;
	v15 =	vor.u32 s3, v13;
	_ =	sdelay $0x2  }
0x16e: {  	v1 =	vor.u32 v27, v40;
	v0 =	vld.idx.msk [tilespmem:v59+s4+$0x0], $0xffff;
	[tilespmem:v4+s17+$0x0] =	vst.idx.msk $0xffff, v2;
	v3 =	vor.u32 s31, v60  }
0x16f: {  	v61 =	vld [tilespmem:$0x1FF90]  }
0x170: {  	v45 =	vor.u32 v27, v39;
	[tilespmem:v15+s17+$0x0] =	vst.idx.msk $0xffff, v14  }
0x171: {  	v42 =	vor.u32 v27, v38;
	[tilespmem:v57+s17+$0x0] =	vst.idx.msk $0xffff, v47  }
0x172: {  	[tilespmem:v55+s17+$0x0] =	vst.idx.msk $0xffff, v53  }
0x173: {  	v1 =	vld.idx.msk [tilespmem:v1+s4+$0x0], $0xffff;
	[tilespmem:v3+s17+$0x0] =	vst.idx.msk $0xffff, v0  }
0x174: {  	v4 =	vor.u32 s1, v60;
	v2 =	vor.u32 v61, v37;
	v7 =	vld [tilespmem:$0x1FF70]  }
0x175: {  	v15 =	vld.idx.msk [tilespmem:v45+s4+$0x0], $0xffff;
	v45 =	vor.u32 s2, v60  }
0x176: {  	v47 =	vld.idx.msk [tilespmem:v42+s4+$0x0], $0xffff;
	v63 =	vor.u32 s3, v60;
	_ =	sdelay $0x1  }
0x177: {  	v14 =	vor.u32 v61, v40  }
0x178: {  	v0 =	vld.idx.msk [tilespmem:v2+s4+$0x0], $0xffff;
	[tilespmem:v4+s17+$0x0] =	vst.idx.msk $0xffff, v1;
	v59 =	vor.u32 s31, v7  }
0x179: {  	v62 =	vmov v27;
	v27 =	vld [tilespmem:$0x1FF80];
	[tilespmem:v45+s17+$0x0] =	vst.idx.msk $0xffff, v15  }
0x17a: {  	v42 =	vor.u32 v61, v39;
	[tilespmem:v63+s17+$0x0] =	vst.idx.msk $0xffff, v47  }
0x17b: {  	v49 =	vld.idx.msk [tilespmem:v49+s4+$0x0], $0xffff;
	v58 =	vor.u32 v61, v38;
	[tilespmem:v54+s17+$0x0] =	vst.idx.msk $0xffff, v50  }
0x17c: {  	v3 =	vld.idx.msk [tilespmem:v14+s4+$0x0], $0xffff;
	[tilespmem:v44+s17+$0x0] =	vst.idx.msk $0xffff, v52  }
0x17d: {  	v28 =	vld [tilespmem:$0x1FFA0];
	[tilespmem:v59+s17+$0x0] =	vst.idx.msk $0xffff, v0  }
0x17e: {  	v4 =	vor.u32 s1, v7;
	v1 =	vor.u32 v27, v37;
	v20 =	vld [tilespmem:$0x1FE60]  }
0x17f: {  	v15 =	vld.idx.msk [tilespmem:v42+s4+$0x0], $0xffff;
	v45 =	vor.u32 s2, v7  }
0x180: {  	v47 =	vld.idx.msk [tilespmem:v58+s4+$0x0], $0xffff;
	v50 =	vor.u32 s3, v7;
	v14 =	vor.u32 v27, v40  }
0x181: {  	v51 =	vld.idx.msk [tilespmem:v51+s4+$0x0], $0xffff;
	v54 =	vor.u32 s30, v19;
	v53 =	vor.u32 v27, v39  }
0x182: {  	v44 =	vor.u32 v27, v38;
	v63 =	vor.u32 s26, v28;
	v57 =	vld [tilespmem:$0x1FEB0]  }
0x183: {  	v1 =	vld.idx.msk [tilespmem:v1+s4+$0x0], $0xffff;
	[tilespmem:v4+s17+$0x0] =	vst.idx.msk $0xffff, v3;
	v59 =	vor.u32 s31, v20  }
0x184: {  	v22 =	vld [tilespmem:$0x1FFC0];
	[tilespmem:v45+s17+$0x0] =	vst.idx.msk $0xffff, v15  }
0x185: {  	v4 =	vld.idx.msk [tilespmem:v14+s4+$0x0], $0xffff;
	[tilespmem:v50+s17+$0x0] =	vst.idx.msk $0xffff, v47;
	v14 =	vor.u32 s1, v20  }
0x186: {  	[tilespmem:v54+s17+$0x0] =	vst.idx.msk $0xffff, v49;
	v45 =	vld.idx.msk [tilespmem:v53+s4+$0x0], $0xffff;
	v47 =	vor.u32 s2, v20  }
0x187: {  	[tilespmem:v63+s17+$0x0] =	vst.idx.msk $0xffff, v51;
	v44 =	vld.idx.msk [tilespmem:v44+s4+$0x0], $0xffff;
	v49 =	vor.u32 s3, v20  }
0x188: {  	v31 =	vmov v9;
	v9 =	vld.idx.msk [tilespmem:v23+s4+$0x0], $0xffff;
	v58 =	vor.u32 v57, v35;
	[tilespmem:v59+s17+$0x0] =	vst.idx.msk $0xffff, v1  }
0x189: {  	v56 =	vld [tilespmem:$0x1FF60]  }
0x18a: {  	v3 =	vor.u32 v22, v37;
	v23 =	vld [tilespmem:$0x1FFB0];
	[tilespmem:v14+s17+$0x0] =	vst.idx.msk $0xffff, v4  }
0x18b: {  	v15 =	vor.u32 v22, v40;
	v59 =	vld [tilespmem:$0x1FF40];
	[tilespmem:v47+s17+$0x0] =	vst.idx.msk $0xffff, v45  }
0x18c: {  	v42 =	vor.u32 v22, v39;
	[tilespmem:v49+s17+$0x0] =	vst.idx.msk $0xffff, v44  }
0x18d: {  	v63 =	vor.u32 v22, v38;
	v0 =	vld.idx.msk [tilespmem:v58+s4+$0x0], $0xffff;
	[tilespmem:v48+s17+$0x0] =	vst.idx.msk $0xffff, v9  }
0x18e: {  	v36 =	vor.u32 v5, v36;
	v52 =	vor.u32 s29, v19;
	v8 =	vld [tilespmem:$0x1FEA0]  }
0x18f: {  	v2 =	vld.idx.msk [tilespmem:v3+s4+$0x0], $0xffff;
	v55 =	vor.u32 v56, v33;
	v3 =	vor.u32 s31, v23  }
0x190: {  	v14 =	vld.idx.msk [tilespmem:v15+s4+$0x0], $0xffff;
	v15 =	vor.u32 s1, v23;
	v4 =	vor.u32 v59, v37  }
0x191: {  	v44 =	vld.idx.msk [tilespmem:v42+s4+$0x0], $0xffff;
	v42 =	vor.u32 s2, v23;
	v45 =	vor.u32 v59, v40  }
0x192: {  	v9 =	vld.idx.msk [tilespmem:v63+s4+$0x0], $0xffff;
	v63 =	vor.u32 s3, v23  }
0x193: {  	v36 =	vld.idx.msk [tilespmem:v36+s4+$0x0], $0xffff;
	[tilespmem:v52+s17+$0x0] =	vst.idx.msk $0xffff, v0;
	v54 =	vor.u32 v59, v38;
	v53 =	vor.u32 s30, v8  }
0x194: {  	v1 =	vld.idx.msk [tilespmem:v55+s4+$0x0], $0xffff;
	v55 =	vor.u32 s26, v32;
	[tilespmem:v3+s17+$0x0] =	vst.idx.msk $0xffff, v2  }
0x195: {  	v58 =	vor.u32 v5, v35;
	[tilespmem:v15+s17+$0x0] =	vst.idx.msk $0xffff, v14;
	v3 =	vld.idx.msk [tilespmem:v4+s4+$0x0], $0xffff;
	v4 =	vor.u32 s31, v28  }
0x196: {  	v35 =	vor.u32 s1, v28;
	v14 =	vor.u32 v56, v37;
	[tilespmem:v42+s17+$0x0] =	vst.idx.msk $0xffff, v44;
	v15 =	vld.idx.msk [tilespmem:v45+s4+$0x0], $0xffff  }
0x197: {  	v44 =	vor.u32 v56, v40;
	[tilespmem:v63+s17+$0x0] =	vst.idx.msk $0xffff, v9;
	v45 =	vor.u32 s2, v28;
	v9 =	vld.idx.msk [tilespmem:v43+s4+$0x0], $0xffff  }
0x198: {  	v63 =	vor.u32 s3, v28;
	v0 =	vld.idx.msk [tilespmem:v54+s4+$0x0], $0xffff;
	[tilespmem:v53+s17+$0x0] =	vst.idx.msk $0xffff, v36;
	v36 =	vor.u32 v56, v39  }
0x199: {  	v46 =	vld.idx.msk [tilespmem:v46+s4+$0x0], $0xffff;
	v52 =	vor.u32 s28, v32;
	v53 =	vor.u32 v56, v38;
	[tilespmem:v55+s17+$0x0] =	vst.idx.msk $0xffff, v1  }
0x19a: {  	v2 =	vld.idx.msk [tilespmem:v58+s4+$0x0], $0xffff;
	v54 =	vor.u32 v57, v34;
	v55 =	vor.u32 s29, v8;
	[tilespmem:v4+s17+$0x0] =	vst.idx.msk $0xffff, v3  }
0x19b: {  	v58 =	vor.u32 v57, v33;
	[tilespmem:v35+s17+$0x0] =	vst.idx.msk $0xffff, v15;
	v4 =	vld.idx.msk [tilespmem:v14+s4+$0x0], $0xffff;
	v14 =	vor.u32 s31, v32  }
0x19c: {  	v15 =	vor.u32 v57, v37;
	[tilespmem:v45+s17+$0x0] =	vst.idx.msk $0xffff, v9;
	v35 =	vld.idx.msk [tilespmem:v44+s4+$0x0], $0xffff  }
0x19d: {  	v9 =	vor.u32 v57, v40;
	[tilespmem:v63+s17+$0x0] =	vst.idx.msk $0xffff, v0;
	v63 =	vor.u32 s2, v32;
	v0 =	vld.idx.msk [tilespmem:v36+s4+$0x0], $0xffff  }
0x19e: {  	[tilespmem:v52+s17+$0x0] =	vst.idx.msk $0xffff, v46;
	v43 =	vor.u32 s3, v32;
	v1 =	vld.idx.msk [tilespmem:v53+s4+$0x0], $0xffff;
	v44 =	vor.u32 v57, v39  }
0x19f: {  	v51 =	vor.u32 s28, v19;
	v52 =	vor.u32 v57, v38;
	v50 =	vld.idx.msk [tilespmem:v54+s4+$0x0], $0xffff;
	[tilespmem:v55+s17+$0x0] =	vst.idx.msk $0xffff, v2  }
0x1a0: {  	v3 =	vld.idx.msk [tilespmem:v58+s4+$0x0], $0xffff;
	v54 =	vor.u32 v5, v34;
	v53 =	vor.u32 s26, v19;
	[tilespmem:v14+s17+$0x0] =	vst.idx.msk $0xffff, v4  }
0x1a1: {  	v4 =	vor.u32 v5, v33;
	[tilespmem:v41+s17+$0x0] =	vst.idx.msk $0xffff, v35;
	v14 =	vld.idx.msk [tilespmem:v15+s4+$0x0], $0xffff;
	v15 =	vor.u32 s31, v19  }
0x1a2: {  	v58 =	vor.u32 s1, v19;
	v55 =	vor.u32 v5, v37;
	[tilespmem:v63+s17+$0x0] =	vst.idx.msk $0xffff, v0;
	v35 =	vld.idx.msk [tilespmem:v9+s4+$0x0], $0xffff  }
0x1a3: {  	v49 =	vor.u32 s2, v19;
	v63 =	vor.u32 v5, v40;
	[tilespmem:v43+s17+$0x0] =	vst.idx.msk $0xffff, v1;
	v48 =	vld.idx.msk [tilespmem:v44+s4+$0x0], $0xffff  }
0x1a4: {  	[tilespmem:v51+s17+$0x0] =	vst.idx.msk $0xffff, v50;
	v50 =	vor.u32 s3, v19;
	v51 =	vor.u32 v5, v39;
	v2 =	vld.idx.msk [tilespmem:v52+s4+$0x0], $0xffff  }
0x1a5: {  	v34 =	vld.idx.msk [tilespmem:v54+s4+$0x0], $0xffff;
	[tilespmem:v53+s17+$0x0] =	vst.idx.msk $0xffff, v3;
	v53 =	vor.u32 v5, v38;
	v52 =	vor.u32 s28, v8  }
0x1a6: {  	v5 =	vor.u32 s26, v8;
	v4 =	vld.idx.msk [tilespmem:v4+s4+$0x0], $0xffff;
	[tilespmem:v15+s17+$0x0] =	vst.idx.msk $0xffff, v14  }
0x1a7: {  	v15 =	vor.u32 s31, v8;
	[tilespmem:v58+s17+$0x0] =	vst.idx.msk $0xffff, v35;
	v14 =	vld.idx.msk [tilespmem:v55+s4+$0x0], $0xffff  }
0x1a8: {  	v54 =	vor.u32 s1, v8;
	[tilespmem:v49+s17+$0x0] =	vst.idx.msk $0xffff, v48;
	v0 =	vld.idx.msk [tilespmem:v63+s4+$0x0], $0xffff  }
0x1a9: {  	[tilespmem:v50+s17+$0x0] =	vst.idx.msk $0xffff, v2;
	v1 =	vld.idx.msk [tilespmem:v51+s4+$0x0], $0xffff;
	v55 =	vor.u32 s2, v8  }
0x1aa: {  	[tilespmem:v52+s17+$0x0] =	vst.idx.msk $0xffff, v34;
	v58 =	vld.idx.msk [tilespmem:v53+s4+$0x0], $0xffff;
	v63 =	vor.u32 s3, v8  }
0x1ab: {  	p2 =	sne.s32 s23, $0x7A;
	[tilespmem:v5+s17+$0x0] =	vst.idx.msk $0xffff, v4  }
.Ltmp3:
0x1ac: {  	[tilespmem:v15+s17+$0x0] =	vst.idx.msk $0xffff, v14;
	(pc) =	sbr.rel @p2 .LBB2_6-.Ltmp3, $4  }
0x1ad: {  	[tilespmem:v54+s17+$0x0] =	vst.idx.msk $0xffff, v0  }
0x1ae: {  	s0 =	sshll.u32 s11, $0xA;
	[tilespmem:v55+s17+$0x0] =	vst.idx.msk $0xffff, v1  }
0x1af: {  	s0 =	sadd.s32 s7, s0;
	[tilespmem:v63+s17+$0x0] =	vst.idx.msk $0xffff, v58  }
0x1b0: {  	v21 =	vmovc v32;
	v9 =	vmov v13;
	v13 =	vmov v7;
	v54 =	vmov v20;
	[hbm4b:s0+s4] =	stream.linear.scatter [tilespmem:s17], [sflag:$0x3], $0x2000, $0x38;
	[tilespmem:$0x8000] =	vst v63  }
.Ltmp4:
0x1b1: {  	(pc) =	sbr.rel .LBB2_7-.Ltmp4, $4  }
0x1b2: {  	_ = 	snop  }
0x1b3: {  	_ =	swait.ge [sflag:s18], $0x2000  }
0x1b4: {  	[sflag:s18] =	ssyncset.done $0x0  }
0x1b5: {  	v8 =	vld [tilespmem:$0x1FE40];
	[sflag:s18] =	ssyncadd.s32 $0xFFFFE000  }
.LBB2_6:
0x1b6: {  	s0 =	sshll.u32 s12, $0x7;
	s1 =	rddreg [dreg:$0x0];
	s31 =	simm.s32 $0x400  }
.Ltmp5:
0x1b7: {  	s2 =	simm.s32 $0x7A1400;
	s0 =	sadd.s32 s1, s0;
	(pc) =	sbr.rel @p1 .LBB2_8-.Ltmp5, $4  }
0x1b8: {  	[tilespmem:s4], [sflag:$0x1] =	stream.strided.gather [hbm4b:s0+s31], $0x2000, s2, s31, $0x38;
	[tilespmem:$0x8000] =	vst v63  }
0x1b9: {  	_ =	swait.ge [sflag:s18], $0x2000  }
0x1ba: {  	[sflag:s18] =	ssyncset.done $0x0  }
0x1bb: {  	v8 =	vld [tilespmem:$0x1FE40];
	[sflag:s18] =	ssyncadd.s32 $0xFFFFE000  }
.LBB2_7:
0x1bc: {  	s0 =	simm.s32 $0x4  }
0x1bd: {  	_ =	swait.ge [sflag:s0], $0x2000  }
0x1be: {  	[sflag:s0] =	ssyncset.done $0x0  }
0x1bf: {  	[sflag:s0] =	ssyncadd.s32 $0xFFFFE000  }
.LBB2_8:
0x1c0: {  	s0 =	simm.s32 $0x0  }
0x1c1: {  	s1 =	sand.u32 $0x30, s0  }
0x1c2: {  	v0 =	vmov s1  }
0x1c3: {  	v0 =	vshll.u32 v0, $0x7  }
0x1c4: {  	s0 =	sand.u32 $0x40, s0;
	v0 =	vor.u32 v11, v0  }
0x1c5: {  	v45 =	vlaneseq.u32;
	v36 =	vor.u32 s0, v0  }
0x1c6: {  	v1 =	vor.u32 v45, v36;
	_ =	sdelay $0x2  }
0x1c7: {  	s2 =	sshll.u32 s0, $0x6  }
0x1c8: {  	s30 =	sor.u32 s1, s2  }
0x1c9: {  	v2 =	vor.u32 s30, v24;
	v1 =	vld.idx.msk [tilespmem:v1+s15+$0x0], $0xffff;
	_ =	sdelay $0x4  }
0x1ca: {  	v3 =	vor.u32 v26, v36;
	[tilespmem:v2+s20+$0x0] =	vst.idx.msk $0xffff, v1  }
0x1cb: {  	v19 =	vmov v31;
	v58 =	vor.u32 s30, v31;
	v31 =	vld [tilespmem:$0x1FF20]  }
0x1cc: {  	s11 =	sor.u32 $0x30, s0  }
0x1cd: {  	s3 =	sor.u32 $0x20, s0;
	v7 =	vor.u32 s11, v0  }
0x1ce: {  	v35 =	vor.u32 s3, v0;
	v4 =	vor.u32 v45, v7  }
0x1cf: {  	v55 =	vor.u32 v45, v35;
	v2 =	vld.idx.msk [tilespmem:v3+s15+$0x0], $0xffff  }
0x1d0: {  	v14 =	vor.u32 v31, v36  }
0x1d1: {  	s2 =	sshll.u32 s11, $0x6  }
0x1d2: {  	s12 =	sshll.u32 s3, $0x6;
	s26 =	sor.u32 s1, s2  }
0x1d3: {  	s29 =	sor.u32 s1, s12;
	s0 =	sor.u32 $0x10, s0;
	v15 =	vor.u32 s26, v24;
	v4 =	vld.idx.msk [tilespmem:v4+s15+$0x0], $0xffff  }
0x1d4: {  	v38 =	vor.u32 s29, v24;
	v34 =	vor.u32 s0, v0;
	v1 =	vld.idx.msk [tilespmem:v55+s15+$0x0], $0xffff;
	[tilespmem:v58+s20+$0x0] =	vst.idx.msk $0xffff, v2  }
0x1d5: {  	v32 =	vor.u32 s30, v17;
	v0 =	vor.u32 v45, v34;
	v3 =	vld.idx.msk [tilespmem:v14+s15+$0x0], $0xffff  }
0x1d6: {  	v18 =	vld [tilespmem:$0x1FF00];
	_ =	sdelay $0x1  }
0x1d7: {  	[tilespmem:v15+s20+$0x0] =	vst.idx.msk $0xffff, v4  }
0x1d8: {  	v37 =	vor.u32 v26, v7;
	s0 =	sshll.u32 s0, $0x6;
	[tilespmem:v38+s20+$0x0] =	vst.idx.msk $0xffff, v1  }
0x1d9: {  	v63 =	vor.u32 v26, v35;
	s28 =	sor.u32 s1, s0;
	v0 =	vld.idx.msk [tilespmem:v0+s15+$0x0], $0xffff;
	[tilespmem:v32+s20+$0x0] =	vst.idx.msk $0xffff, v3  }
0x1da: {  	v20 =	vmov v17;
	v40 =	vor.u32 s28, v24;
	v39 =	vor.u32 v18, v36;
	v17 =	vld [tilespmem:$0x1FEF0]  }
0x1db: {  	v33 =	vor.u32 v26, v34;
	_ =	sdelay $0x1  }
0x1dc: {  	v44 =	vor.u32 s26, v19;
	v15 =	vld.idx.msk [tilespmem:v37+s15+$0x0], $0xffff  }
0x1dd: {  	v47 =	vor.u32 s29, v19;
	v46 =	vor.u32 v31, v7;
	v2 =	vld.idx.msk [tilespmem:v63+s15+$0x0], $0xffff  }
0x1de: {  	v48 =	vor.u32 v31, v35;
	v14 =	vld.idx.msk [tilespmem:v39+s15+$0x0], $0xffff;
	[tilespmem:v40+s20+$0x0] =	vst.idx.msk $0xffff, v0;
	v49 =	vor.u32 s30, v17  }
0x1df: {  	v50 =	vor.u32 v29, v36;
	v51 =	vor.u32 s28, v19;
	v4 =	vld.idx.msk [tilespmem:v33+s15+$0x0], $0xffff  }
0x1e0: {  	v52 =	vor.u32 v31, v34  }
0x1e1: {  	[tilespmem:v44+s20+$0x0] =	vst.idx.msk $0xffff, v15  }
0x1e2: {  	v53 =	vor.u32 s26, v20;
	[tilespmem:v47+s20+$0x0] =	vst.idx.msk $0xffff, v2;
	v1 =	vld.idx.msk [tilespmem:v46+s15+$0x0], $0xffff  }
0x1e3: {  	v58 =	vor.u32 s29, v20;
	v55 =	vor.u32 v18, v7;
	v3 =	vld.idx.msk [tilespmem:v48+s15+$0x0], $0xffff;
	[tilespmem:v49+s20+$0x0] =	vst.idx.msk $0xffff, v14  }
0x1e4: {  	v63 =	vor.u32 v18, v35;
	v32 =	vor.u32 s30, v25;
	[tilespmem:v51+s20+$0x0] =	vst.idx.msk $0xffff, v4;
	v0 =	vld.idx.msk [tilespmem:v50+s15+$0x0], $0xffff  }
0x1e5: {  	v44 =	vor.u32 s28, v20;
	v33 =	vor.u32 v30, v36;
	v15 =	vld.idx.msk [tilespmem:v52+s15+$0x0], $0xffff;
	_ =	sdelay $0x1  }
0x1e6: {  	[tilespmem:v53+s20+$0x0] =	vst.idx.msk $0xffff, v1  }
0x1e7: {  	v47 =	vor.u32 s26, v17;
	[tilespmem:v58+s20+$0x0] =	vst.idx.msk $0xffff, v3;
	v2 =	vld.idx.msk [tilespmem:v55+s15+$0x0], $0xffff  }
0x1e8: {  	v46 =	vor.u32 v18, v34;
	v48 =	vor.u32 s29, v17;
	v3 =	vld.idx.msk [tilespmem:v63+s15+$0x0], $0xffff;
	[tilespmem:v32+s20+$0x0] =	vst.idx.msk $0xffff, v0  }
0x1e9: {  	v50 =	vor.u32 s30, v8;
	[tilespmem:v44+s20+$0x0] =	vst.idx.msk $0xffff, v15;
	v4 =	vld.idx.msk [tilespmem:v33+s15+$0x0], $0xffff  }
0x1ea: {  	v10 =	vmov v30;
	v30 =	vld [tilespmem:$0x1FED0]  }
0x1eb: {  	v49 =	vor.u32 v29, v35  }
0x1ec: {  	[tilespmem:v47+s20+$0x0] =	vst.idx.msk $0xffff, v2  }
0x1ed: {  	v41 =	vor.u32 v29, v7;
	v52 =	vor.u32 s28, v17;
	v1 =	vld.idx.msk [tilespmem:v46+s15+$0x0], $0xffff;
	[tilespmem:v48+s20+$0x0] =	vst.idx.msk $0xffff, v3  }
0x1ee: {  	v53 =	vor.u32 v29, v34;
	[tilespmem:v50+s20+$0x0] =	vst.idx.msk $0xffff, v4  }
0x1ef: {  	v51 =	vor.u32 v30, v36;
	v12 =	vld [tilespmem:$0x1FEE0]  }
0x1f0: {  	v63 =	vor.u32 s29, v25;
	v0 =	vld.idx.msk [tilespmem:v49+s15+$0x0], $0xffff  }
0x1f1: {  	v32 =	vor.u32 v10, v35  }
0x1f2: {  	v55 =	vor.u32 s26, v25;
	v37 =	vld.idx.msk [tilespmem:v41+s15+$0x0], $0xffff;
	[tilespmem:v52+s20+$0x0] =	vst.idx.msk $0xffff, v1  }
0x1f3: {  	v58 =	vor.u32 v10, v7;
	v47 =	vor.u32 s28, v25;
	v2 =	vld.idx.msk [tilespmem:v53+s15+$0x0], $0xffff  }
0x1f4: {  	v48 =	vor.u32 v10, v34;
	v33 =	vld.idx.msk [tilespmem:v51+s15+$0x0], $0xffff;
	v44 =	vor.u32 s30, v12  }
0x1f5: {  	v46 =	vor.u32 v6, v36;
	[tilespmem:v63+s20+$0x0] =	vst.idx.msk $0xffff, v0  }
0x1f6: {  	v52 =	vor.u32 s29, v8;
	v0 =	vld.idx.msk [tilespmem:v32+s15+$0x0], $0xffff  }
0x1f7: {  	[tilespmem:v55+s20+$0x0] =	vst.idx.msk $0xffff, v37;
	v53 =	vor.u32 v30, v35  }
0x1f8: {  	s13 =	simm.s32 $0x8;
	v50 =	vor.u32 s26, v8;
	v49 =	vld.idx.msk [tilespmem:v58+s15+$0x0], $0xffff;
	[tilespmem:v47+s20+$0x0] =	vst.idx.msk $0xffff, v2  }
0x1f9: {  	s0 =	sand.u32 $0x30, s13;
	v42 =	vor.u32 s28, v8;
	v51 =	vor.u32 v30, v7;
	v38 =	vld.idx.msk [tilespmem:v48+s15+$0x0], $0xffff;
	[tilespmem:v44+s20+$0x0] =	vst.idx.msk $0xffff, v33  }
0x1fa: {  	v55 =	vor.u32 s30, v9;
	v63 =	vmov s0;
	v1 =	vld.idx.msk [tilespmem:v46+s15+$0x0], $0xffff  }
0x1fb: {  	v16 =	vmov v11;
	s8 =	simm.s32 $0x40;
	v58 =	vor.u32 v62, v36;
	v15 =	vshll.u32 v63, $0x7;
	[tilespmem:v52+s20+$0x0] =	vst.idx.msk $0xffff, v0  }
0x1fc: {  	s14 =	sand.u32 $0x40, s8;
	v32 =	vor.u32 v30, v34;
	v15 =	vor.u32 v16, v15;
	v0 =	vld.idx.msk [tilespmem:v53+s15+$0x0], $0xffff;
	v48 =	vor.u32 s29, v12  }
0x1fd: {  	v37 =	vor.u32 s14, v15;
	[tilespmem:v50+s20+$0x0] =	vst.idx.msk $0xffff, v49;
	v50 =	vor.u32 v6, v35  }
0x1fe: {  	s19 =	sor.u32 $0x30, s14;
	v49 =	vor.u32 v45, v37;
	v40 =	vld.idx.msk [tilespmem:v51+s15+$0x0], $0xffff;
	v33 =	vor.u32 s26, v12;
	[tilespmem:v42+s20+$0x0] =	vst.idx.msk $0xffff, v38  }
0x1ff: {  	v43 =	vor.u32 v6, v7;
	v38 =	vor.u32 s19, v15;
	[tilespmem:v55+s20+$0x0] =	vst.idx.msk $0xffff, v1  }
0x200: {  	s5 =	sor.u32 $0x10, s14;
	v51 =	vor.u32 s30, v60;
	v53 =	vor.u32 v45, v38;
	v2 =	vld.idx.msk [tilespmem:v58+s15+$0x0], $0xffff  }
0x201: {  	s1 =	sshll.u32 s14, $0x6;
	v39 =	vor.u32 s5, v15;
	v52 =	vor.u32 v61, v36;
	[tilespmem:v48+s20+$0x0] =	vst.idx.msk $0xffff, v0;
	v44 =	vld.idx.msk [tilespmem:v32+s15+$0x0], $0xffff  }
0x202: {  	s6 =	sor.u32 $0x20, s14;
	s3 =	sor.u32 s0, s1;
	v4 =	vld.idx.msk [tilespmem:v50+s15+$0x0], $0xffff;
	v55 =	vor.u32 v45, v39  }
0x203: {  	s21 =	sshll.u32 s19, $0x6;
	[tilespmem:v33+s20+$0x0] =	vst.idx.msk $0xffff, v40;
	v40 =	vor.u32 s6, v15;
	v33 =	vor.u32 s3, v24;
	v1 =	vld.idx.msk [tilespmem:v49+s15+$0x0], $0xffff  }
0x204: {  	s2 =	sor.u32 s0, s21;
	v63 =	vor.u32 v26, v37;
	v43 =	vld.idx.msk [tilespmem:v43+s15+$0x0], $0xffff;
	v0 =	vor.u32 v45, v40;
	v58 =	vor.u32 s26, v9  }
0x205: {  	v11 =	vmov v6;
	s5 =	sshll.u32 s5, $0x6;
	v6 =	vor.u32 v59, v34;
	v49 =	vor.u32 s2, v24;
	v48 =	vld.idx.msk [tilespmem:v53+s15+$0x0], $0xffff;
	[tilespmem:v51+s20+$0x0] =	vst.idx.msk $0xffff, v2  }
0x206: {  	s31 =	sor.u32 s0, s5;
	v46 =	vor.u32 s30, v13;
	v32 =	vor.u32 v62, v7;
	v14 =	vld.idx.msk [tilespmem:v52+s15+$0x0], $0xffff;
	[tilespmem:$0x1FE30] =	vst v6  }
0x207: {  	s22 =	sshll.u32 s6, $0x6;
	v50 =	vor.u32 s31, v24;
	v51 =	vor.u32 v26, v38;
	v15 =	vld.idx.msk [tilespmem:v55+s15+$0x0], $0xffff  }
0x208: {  	s1 =	sor.u32 s0, s22;
	v47 =	vor.u32 v27, v36;
	v52 =	vor.u32 s29, v9;
	[tilespmem:v33+s20+$0x0] =	vst.idx.msk $0xffff, v1  }
0x209: {  	v53 =	vor.u32 v26, v39;
	v0 =	vld.idx.msk [tilespmem:v0+s15+$0x0], $0xffff;
	[tilespmem:v58+s20+$0x0] =	vst.idx.msk $0xffff, v43;
	v43 =	vor.u32 s1, v24  }
0x20a: {  	v3 =	vor.u32 v62, v35;
	v2 =	vor.u32 s3, v19;
	[tilespmem:v49+s20+$0x0] =	vst.idx.msk $0xffff, v48;
	v1 =	vld.idx.msk [tilespmem:v63+s15+$0x0], $0xffff  }
0x20b: {  	v41 =	vor.u32 s26, v60;
	v45 =	vor.u32 v26, v40;
	v42 =	vld.idx.msk [tilespmem:v32+s15+$0x0], $0xffff;
	[tilespmem:v46+s20+$0x0] =	vst.idx.msk $0xffff, v14  }
0x20c: {  	v33 =	vor.u32 v31, v37;
	v58 =	vor.u32 s2, v19;
	[tilespmem:v50+s20+$0x0] =	vst.idx.msk $0xffff, v15;
	v15 =	vld.idx.msk [tilespmem:v51+s15+$0x0], $0xffff  }
0x20d: {  	[tilespmem:v52+s20+$0x0] =	vst.idx.msk $0xffff, v4;
	v52 =	vor.u32 s30, v54;
	v47 =	vld.idx.msk [tilespmem:v47+s15+$0x0], $0xffff  }
0x20e: {  	v63 =	vor.u32 v31, v38;
	v4 =	vor.u32 s31, v19;
	[tilespmem:v43+s20+$0x0] =	vst.idx.msk $0xffff, v0;
	v50 =	vld.idx.msk [tilespmem:v53+s15+$0x0], $0xffff  }
0x20f: {  	v14 =	vor.u32 s28, v12;
	[tilespmem:v2+s20+$0x0] =	vst.idx.msk $0xffff, v1;
	v1 =	vld.idx.msk [tilespmem:v3+s15+$0x0], $0xffff;
	v3 =	vor.u32 v22, v36  }
0x210: {  	v55 =	vor.u32 s1, v19;
	v32 =	vor.u32 v31, v39;
	[tilespmem:v41+s20+$0x0] =	vst.idx.msk $0xffff, v42;
	v42 =	vld.idx.msk [tilespmem:v45+s15+$0x0], $0xffff  }
0x211: {  	v49 =	vor.u32 v61, v7;
	v0 =	vld.idx.msk [tilespmem:v33+s15+$0x0], $0xffff;
	v33 =	vor.u32 s3, v20;
	[tilespmem:v58+s20+$0x0] =	vst.idx.msk $0xffff, v15  }
0x212: {  	v48 =	vor.u32 v31, v40;
	[tilespmem:v52+s20+$0x0] =	vst.idx.msk $0xffff, v47  }
0x213: {  	v43 =	vor.u32 v18, v37;
	[tilespmem:v4+s20+$0x0] =	vst.idx.msk $0xffff, v50;
	v4 =	vld.idx.msk [tilespmem:v63+s15+$0x0], $0xffff;
	v63 =	vor.u32 s29, v60  }
0x214: {  	[tilespmem:v14+s20+$0x0] =	vst.idx.msk $0xffff, v44;
	v44 =	vor.u32 s30, v23;
	v58 =	vor.u32 v11, v34;
	v3 =	vld.idx.msk [tilespmem:v3+s15+$0x0], $0xffff  }
0x215: {  	v51 =	vor.u32 v61, v35;
	[tilespmem:v55+s20+$0x0] =	vst.idx.msk $0xffff, v42;
	v47 =	vld.idx.msk [tilespmem:v32+s15+$0x0], $0xffff;
	v32 =	vor.u32 s2, v20  }
0x216: {  	v45 =	vor.u32 v59, v36;
	v46 =	vld.idx.msk [tilespmem:v49+s15+$0x0], $0xffff;
	[tilespmem:v33+s20+$0x0] =	vst.idx.msk $0xffff, v0;
	v33 =	vor.u32 s31, v20  }
0x217: {  	v2 =	vor.u32 v18, v38;
	v48 =	vld.idx.msk [tilespmem:v48+s15+$0x0], $0xffff  }
0x218: {  	v42 =	vor.u32 s3, v17;
	v14 =	vld.idx.msk [tilespmem:v43+s15+$0x0], $0xffff;
	v43 =	vor.u32 v18, v39;
	[tilespmem:v63+s20+$0x0] =	vst.idx.msk $0xffff, v1  }
0x219: {  	v16 =	vor.u32 s28, v9;
	v15 =	vld.idx.msk [tilespmem:v58+s15+$0x0], $0xffff;
	v58 =	vor.u32 v29, v37;
	[tilespmem:v44+s20+$0x0] =	vst.idx.msk $0xffff, v3  }
0x21a: {  	v63 =	vor.u32 s1, v20;
	[tilespmem:v32+s20+$0x0] =	vst.idx.msk $0xffff, v4;
	v32 =	vor.u32 v62, v34;
	v49 =	vld.idx.msk [tilespmem:v51+s15+$0x0], $0xffff  }
0x21b: {  	[tilespmem:v33+s20+$0x0] =	vst.idx.msk $0xffff, v47;
	v33 =	vor.u32 v18, v40;
	v47 =	vor.u32 s29, v13;
	v44 =	vld.idx.msk [tilespmem:v45+s15+$0x0], $0xffff  }
0x21c: {  	v6 =	vor.u32 v56, v35;
	v50 =	vor.u32 s2, v17;
	v3 =	vor.u32 v27, v35;
	v2 =	vld.idx.msk [tilespmem:v2+s15+$0x0], $0xffff  }
0x21d: {  	v43 =	vld.idx.msk [tilespmem:v43+s15+$0x0], $0xffff;
	[tilespmem:v42+s20+$0x0] =	vst.idx.msk $0xffff, v14;
	v14 =	vor.u32 s31, v17;
	v42 =	vor.u32 v29, v38  }
0x21e: {  	v52 =	vor.u32 s30, v28;
	v45 =	vld.idx.msk [tilespmem:v58+s15+$0x0], $0xffff;
	v58 =	vor.u32 v29, v39;
	[tilespmem:v16+s20+$0x0] =	vst.idx.msk $0xffff, v15  }
0x21f: {  	v5 =	vmov v62;
	v62 =	vor.u32 s3, v25;
	[tilespmem:v63+s20+$0x0] =	vst.idx.msk $0xffff, v48;
	v63 =	vor.u32 v56, v36;
	v4 =	vld.idx.msk [tilespmem:v32+s15+$0x0], $0xffff  }
0x220: {  	v32 =	vor.u32 v10, v37;
	v0 =	vld.idx.msk [tilespmem:v33+s15+$0x0], $0xffff;
	v33 =	vor.u32 s28, v60;
	[tilespmem:v47+s20+$0x0] =	vst.idx.msk $0xffff, v49  }
0x221: {  	v49 =	vor.u32 s1, v17;
	[tilespmem:v50+s20+$0x0] =	vst.idx.msk $0xffff, v2;
	v2 =	vor.u32 v61, v34;
	v3 =	vld.idx.msk [tilespmem:v3+s15+$0x0], $0xffff  }
0x222: {  	[tilespmem:v14+s20+$0x0] =	vst.idx.msk $0xffff, v43;
	v14 =	vor.u32 v29, v40;
	v43 =	vor.u32 s29, v54;
	v42 =	vld.idx.msk [tilespmem:v42+s15+$0x0], $0xffff  }
0x223: {  	[tilespmem:v52+s20+$0x0] =	vst.idx.msk $0xffff, v44;
	v60 =	vor.u32 v22, v35;
	v50 =	vld.idx.msk [tilespmem:v58+s15+$0x0], $0xffff;
	v58 =	vor.u32 s2, v25  }
0x224: {  	v61 =	vor.u32 s31, v25;
	[tilespmem:v62+s20+$0x0] =	vst.idx.msk $0xffff, v45;
	v62 =	vor.u32 v10, v38;
	v47 =	vld.idx.msk [tilespmem:v63+s15+$0x0], $0xffff  }
0x225: {  	v63 =	vor.u32 v10, v39;
	v1 =	vld.idx.msk [tilespmem:v32+s15+$0x0], $0xffff;
	[tilespmem:v33+s20+$0x0] =	vst.idx.msk $0xffff, v4;
	v32 =	vor.u32 s26, v13  }
0x226: {  	v33 =	vor.u32 s3, v8;
	[tilespmem:v49+s20+$0x0] =	vst.idx.msk $0xffff, v0;
	v0 =	vld.idx.msk [tilespmem:v2+s15+$0x0], $0xffff;
	v2 =	vor.u32 v27, v7  }
0x227: {  	v53 =	vor.u32 s28, v13;
	v49 =	vor.u32 v30, v37;
	v14 =	vld.idx.msk [tilespmem:v14+s15+$0x0], $0xffff;
	[tilespmem:v43+s20+$0x0] =	vst.idx.msk $0xffff, v3  }
0x228: {  	v3 =	vor.u32 s1, v25;
	v43 =	vld.idx.msk [tilespmem:v60+s15+$0x0], $0xffff;
	[tilespmem:v58+s20+$0x0] =	vst.idx.msk $0xffff, v42;
	v42 =	vor.u32 v27, v34  }
0x229: {  	[tilespmem:v61+s20+$0x0] =	vst.idx.msk $0xffff, v50;
	v58 =	vor.u32 v10, v40;
	v61 =	vor.u32 s29, v23;
	v60 =	vld.idx.msk [tilespmem:v62+s15+$0x0], $0xffff  }
0x22a: {  	v41 =	vor.u32 s26, v54;
	v48 =	vld.idx.msk [tilespmem:v63+s15+$0x0], $0xffff;
	v62 =	vor.u32 s2, v8;
	v63 =	vor.u32 v59, v35;
	[tilespmem:v32+s20+$0x0] =	vst.idx.msk $0xffff, v46  }
0x22b: {  	v55 =	vor.u32 s28, v54;
	[tilespmem:v33+s20+$0x0] =	vst.idx.msk $0xffff, v1;
	v32 =	vor.u32 s31, v8;
	v33 =	vor.u32 v30, v38;
	v2 =	vld.idx.msk [tilespmem:v2+s15+$0x0], $0xffff  }
0x22c: {  	v51 =	vor.u32 v57, v36;
	v46 =	vld.idx.msk [tilespmem:v49+s15+$0x0], $0xffff;
	v49 =	vor.u32 v30, v39;
	[tilespmem:v53+s20+$0x0] =	vst.idx.msk $0xffff, v0  }
0x22d: {  	v57 =	vor.u32 s30, v21;
	v52 =	vor.u32 s3, v12;
	[tilespmem:v3+s20+$0x0] =	vst.idx.msk $0xffff, v14;
	v14 =	vor.u32 v22, v7;
	v3 =	vld.idx.msk [tilespmem:v42+s15+$0x0], $0xffff  }
0x22e: {  	v13 =	vor.u32 v22, v34;
	v53 =	vor.u32 v11, v37;
	v15 =	vld.idx.msk [tilespmem:v58+s15+$0x0], $0xffff;
	[tilespmem:v61+s20+$0x0] =	vst.idx.msk $0xffff, v43  }
0x22f: {  	v44 =	vmovc v7;
	v22 =	vor.u32 s1, v21;
	v7 =	vmov v56;
	v58 =	vor.u32 s1, v8;
	[tilespmem:v62+s20+$0x0] =	vst.idx.msk $0xffff, v60;
	v16 =	vld.idx.msk [tilespmem:v63+s15+$0x0], $0xffff  }
0x230: {  	v43 =	vor.u32 s29, v21;
	[tilespmem:v32+s20+$0x0] =	vst.idx.msk $0xffff, v48;
	v32 =	vor.u32 v30, v40;
	v4 =	vld.idx.msk [tilespmem:v33+s15+$0x0], $0xffff;
	v33 =	vor.u32 s29, v28  }
0x231: {  	v61 =	vor.u32 v11, v38;
	v11 =	vmov v17;
	v63 =	vor.u32 s2, v12;
	v45 =	vld.idx.msk [tilespmem:v49+s15+$0x0], $0xffff;
	[tilespmem:v41+s20+$0x0] =	vst.idx.msk $0xffff, v2  }
0x232: {  	v62 =	vor.u32 s1, v12;
	v48 =	vor.u32 s28, v28;
	v41 =	vor.u32 v59, v39;
	[tilespmem:v52+s20+$0x0] =	vst.idx.msk $0xffff, v46;
	v54 =	vld.idx.msk [tilespmem:v14+s15+$0x0], $0xffff  }
0x233: {  	v28 =	vmov v18;
	v52 =	vor.u32 v59, v44;
	v59 =	vor.u32 s3, v9;
	v56 =	vld.idx.msk [tilespmem:v53+s15+$0x0], $0xffff;
	[tilespmem:v55+s20+$0x0] =	vst.idx.msk $0xffff, v3  }
0x234: {  	v46 =	vor.u32 v7, v34;
	v9 =	vmov v19;
	v53 =	vor.u32 s28, v23;
	[tilespmem:v58+s20+$0x0] =	vst.idx.msk $0xffff, v15;
	v49 =	vld.idx.msk [tilespmem:v13+s15+$0x0], $0xffff  }
0x235: {  	v55 =	vor.u32 s26, v23;
	v58 =	vor.u32 v5, v37;
	v23 =	vmov v26;
	v60 =	vld.idx.msk [tilespmem:v32+s15+$0x0], $0xffff;
	[tilespmem:v33+s20+$0x0] =	vst.idx.msk $0xffff, v16  }
0x236: {  	s11 =	simm.s32 $0x10;
	s6 =	simm.s32 $0x4;
	v26 =	vmovc v31;
	v31 =	vmov v30;
	v30 =	vmov v10;
	v10 =	vmov v20;
	[tilespmem:v63+s20+$0x0] =	vst.idx.msk $0xffff, v4;
	v50 =	vld.idx.msk [tilespmem:v6+s15+$0x0], $0xffff  }
.LBB2_9:
0x237: {  	_ =	sdelay $0x1  }
0x238: {  	v0 =	vld.idx.msk [tilespmem:v61+s15+$0x0], $0xffff  }
0x239: {  	v13 =	vld [tilespmem:$0x1FEC0]  }
0x23a: {  	v27 =	vld [tilespmem:$0x1FF60]  }
0x23b: {  	v33 =	vld [tilespmem:$0x1FE90]  }
0x23c: {  	v21 =	vld [tilespmem:$0x1FEB0]  }
0x23d: {  	v7 =	vld [tilespmem:$0x1FF90]  }
0x23e: {  	v5 =	vld [tilespmem:$0x1FFF0]  }
0x23f: {  	v32 =	vld [tilespmem:$0x1FE50]  }
0x240: {  	v17 =	vld [tilespmem:$0x1FFA0]  }
0x241: {  	v42 =	vld [tilespmem:$0x1FF50]  }
0x242: {  	v19 =	vld [tilespmem:$0x1FFE0]  }
0x243: {  	v18 =	vmov v22;
	v22 =	vld [tilespmem:$0x1FEA0]  }
0x244: {  	[tilespmem:v62+s20+$0x0] =	vst.idx.msk $0xffff, v60;
	v62 =	vld [tilespmem:$0x1FE30]  }
0x245: {  	[tilespmem:v57+s20+$0x0] =	vst.idx.msk $0xffff, v47;
	v12 =	vmov v44;
	v2 =	vor.u32 v27, v44;
	v44 =	vld [tilespmem:$0x1FE70]  }
0x246: {  	v20 =	vld [tilespmem:$0x1FFD0];
	[tilespmem:v55+s20+$0x0] =	vst.idx.msk $0xffff, v54  }
0x247: {  	v14 =	vld.idx.msk [tilespmem:v51+s15+$0x0], $0xffff;
	[tilespmem:v59+s20+$0x0] =	vst.idx.msk $0xffff, v56;
	v4 =	vor.u32 v33, v40  }
0x248: {  	[tilespmem:v53+s20+$0x0] =	vst.idx.msk $0xffff, v49;
	v52 =	vld.idx.msk [tilespmem:v52+s15+$0x0], $0xffff;
	v49 =	vor.u32 s26, v17  }
0x249: {  	s0 =	sand.u32 $0x30, s11;
	v54 =	vld.idx.msk [tilespmem:v58+s15+$0x0], $0xffff;
	v58 =	vor.u32 s2, v42  }
0x24a: {  	s8 =	sadd.s32 $0x40, s8;
	v3 =	vmov s0;
	[tilespmem:v43+s20+$0x0] =	vst.idx.msk $0xffff, v50;
	v63 =	vmovc v41;
	v41 =	vld [tilespmem:$0x1FF40];
	v15 =	vor.u32 v21, v35;
	v51 =	vor.u32 s30, v44  }
0x24b: {  	s5 =	sand.u32 $0x40, s8;
	v3 =	vshll.u32 v3, $0x7;
	v1 =	vor.u32 v13, v36;
	v47 =	vor.u32 v7, v37;
	[tilespmem:$0x1FE30] =	vst v63;
	v63 =	vld [tilespmem:$0x1FF70]  }
0x24c: {  	s9 =	sor.u32 $0x10, s5;
	v3 =	vor.u32 v5, v3;
	v55 =	vor.u32 s3, v32;
	v61 =	vor.u32 s1, v42;
	v4 =	vld.idx.msk [tilespmem:v4+s15+$0x0], $0xffff  }
0x24d: {  	v6 =	vlaneseq.u32;
	s10 =	sor.u32 $0x20, s5;
	s14 =	sor.u32 $0x30, s5;
	v36 =	vmovc v37;
	v53 =	vor.u32 s9, v3;
	v37 =	vor.u32 s5, v3;
	[tilespmem:v49+s20+$0x0] =	vst.idx.msk $0xffff, v52;
	v59 =	vld.idx.msk [tilespmem:v62+s15+$0x0], $0xffff  }
0x24e: {  	v56 =	vor.u32 s14, v3;
	v3 =	vor.u32 s10, v3;
	v57 =	vor.u32 v6, v37;
	v2 =	vld.idx.msk [tilespmem:v2+s15+$0x0], $0xffff;
	[tilespmem:v58+s20+$0x0] =	vst.idx.msk $0xffff, v0  }
0x24f: {  	v60 =	vor.u32 v6, v3;
	[tilespmem:v51+s20+$0x0] =	vst.idx.msk $0xffff, v14;
	v14 =	vld.idx.msk [tilespmem:v15+s15+$0x0], $0xffff;
	v15 =	vor.u32 v41, v53  }
0x250: {  	v50 =	vor.u32 v6, v53;
	[tilespmem:$0x1FE20] =	vst v15;
	v1 =	vld.idx.msk [tilespmem:v1+s15+$0x0], $0xffff  }
0x251: {  	v16 =	vor.u32 s26, v19;
	v0 =	vor.u32 v20, v38;
	v15 =	vor.u32 v6, v56;
	[tilespmem:v55+s20+$0x0] =	vst.idx.msk $0xffff, v54;
	v6 =	vld [tilespmem:$0x1FF80]  }
0x252: {  	s12 =	sshll.u32 s5, $0x6;
	v49 =	vor.u32 s30, v22;
	s30 =	smov.u32 s3;
	v47 =	vld.idx.msk [tilespmem:v47+s15+$0x0], $0xffff  }
0x253: {  	s12 =	sor.u32 s0, s12;
	v52 =	vor.u32 v13, v35;
	v35 =	vmovc v40;
	v40 =	vmov v3;
	v3 =	vld.idx.msk [tilespmem:v57+s15+$0x0], $0xffff;
	v57 =	vor.u32 s30, v63  }
0x254: {  	s22 =	sshll.u32 s10, $0x6;
	s3 =	smov.u32 s12;
	v60 =	vld.idx.msk [tilespmem:v60+s15+$0x0], $0xffff;
	v51 =	vor.u32 s29, v44;
	[tilespmem:v61+s20+$0x0] =	vst.idx.msk $0xffff, v4  }
0x255: {  	s21 =	sor.u32 s0, s22;
	v5 =	vld [tilespmem:$0x1FFC0];
	v55 =	vor.u32 s3, v24;
	[tilespmem:v48+s20+$0x0] =	vst.idx.msk $0xffff, v59  }
0x256: {  	v61 =	vor.u32 s21, v24;
	v48 =	vor.u32 v23, v37;
	v0 =	vld.idx.msk [tilespmem:v0+s15+$0x0], $0xffff;
	[tilespmem:v16+s20+$0x0] =	vst.idx.msk $0xffff, v2  }
0x257: {  	s13 =	sshll.u32 s9, $0x6;
	v46 =	vld.idx.msk [tilespmem:v46+s15+$0x0], $0xffff;
	v58 =	vor.u32 v6, v36;
	[tilespmem:v49+s20+$0x0] =	vst.idx.msk $0xffff, v1;
	v1 =	vor.u32 s28, v19  }
0x258: {  	s19 =	sor.u32 s0, s13;
	s22 =	sshll.u32 s14, $0x6;
	v16 =	vld [tilespmem:$0x1FE60];
	[tilespmem:v57+s20+$0x0] =	vst.idx.msk $0xffff, v47;
	v47 =	vor.u32 s2, v32  }
0x259: {  	s0 =	sor.u32 s0, s22;
	v59 =	vor.u32 s19, v24;
	v2 =	vor.u32 v21, v12;
	[tilespmem:v51+s20+$0x0] =	vst.idx.msk $0xffff, v14;
	v14 =	vld.idx.msk [tilespmem:v50+s15+$0x0], $0xffff  }
0x25a: {  	v51 =	vor.u32 s0, v24;
	v15 =	vld.idx.msk [tilespmem:v15+s15+$0x0], $0xffff;
	[tilespmem:v55+s20+$0x0] =	vst.idx.msk $0xffff, v3  }
0x25b: {  	v49 =	vor.u32 v21, v34;
	[tilespmem:v61+s20+$0x0] =	vst.idx.msk $0xffff, v60;
	v48 =	vld.idx.msk [tilespmem:v48+s15+$0x0], $0xffff  }
0x25c: {  	v4 =	vor.u32 v23, v53;
	v54 =	vld.idx.msk [tilespmem:v58+s15+$0x0], $0xffff;
	[tilespmem:v1+s20+$0x0] =	vst.idx.msk $0xffff, v46  }
0x25d: {  	v57 =	vor.u32 s30, v16;
	v1 =	vld.idx.msk [tilespmem:v52+s15+$0x0], $0xffff;
	[tilespmem:v47+s20+$0x0] =	vst.idx.msk $0xffff, v0  }
0x25e: {  	v3 =	vor.u32 v23, v56;
	v55 =	vor.u32 s3, v9;
	[tilespmem:v59+s20+$0x0] =	vst.idx.msk $0xffff, v14;
	v2 =	vld.idx.msk [tilespmem:v2+s15+$0x0], $0xffff  }
0x25f: {  	v58 =	vor.u32 v20, v35;
	v52 =	vor.u32 s29, v22;
	[tilespmem:v51+s20+$0x0] =	vst.idx.msk $0xffff, v15;
	v51 =	vor.u32 v13, v12;
	v12 =	vld [tilespmem:$0x1FEE0]  }
0x260: {  	v60 =	vor.u32 v26, v37;
	v0 =	vor.u32 s28, v44;
	v49 =	vld.idx.msk [tilespmem:v49+s15+$0x0], $0xffff  }
0x261: {  	v50 =	vor.u32 v23, v40;
	v47 =	vor.u32 s26, v44;
	v4 =	vld.idx.msk [tilespmem:v4+s15+$0x0], $0xffff  }
0x262: {  	v62 =	vor.u32 s0, v9;
	v61 =	vor.u32 s19, v9;
	v15 =	vor.u32 v13, v34;
	v13 =	vld [tilespmem:$0x1FFB0];
	[tilespmem:v57+s20+$0x0] =	vst.idx.msk $0xffff, v54  }
0x263: {  	v14 =	vor.u32 v26, v53;
	v44 =	vmov v38;
	v34 =	vmov v39;
	v3 =	vld.idx.msk [tilespmem:v3+s15+$0x0], $0xffff;
	[tilespmem:v55+s20+$0x0] =	vst.idx.msk $0xffff, v48  }
0x264: {  	v39 =	vmov v53;
	v48 =	vld.idx.msk [tilespmem:v58+s15+$0x0], $0xffff;
	v55 =	vor.u32 v26, v56;
	[tilespmem:v52+s20+$0x0] =	vst.idx.msk $0xffff, v1;
	v57 =	vor.u32 s31, v12  }
0x265: {  	v54 =	vor.u32 v7, v38;
	v38 =	vmov v56;
	v56 =	vor.u32 s3, v10;
	v53 =	vld.idx.msk [tilespmem:v60+s15+$0x0], $0xffff;
	[tilespmem:v0+s20+$0x0] =	vst.idx.msk $0xffff, v49  }
0x266: {  	v46 =	vor.u32 s21, v9;
	v50 =	vld.idx.msk [tilespmem:v50+s15+$0x0], $0xffff;
	[tilespmem:v47+s20+$0x0] =	vst.idx.msk $0xffff, v2  }
0x267: {  	v0 =	vor.u32 v5, v36;
	v60 =	vor.u32 s28, v22;
	v15 =	vld.idx.msk [tilespmem:v15+s15+$0x0], $0xffff;
	[tilespmem:v61+s20+$0x0] =	vst.idx.msk $0xffff, v4  }
0x268: {  	s29 =	smov.u32 s1;
	v59 =	vor.u32 v26, v40;
	v47 =	vld.idx.msk [tilespmem:v51+s15+$0x0], $0xffff;
	v61 =	vor.u32 s26, v22;
	[tilespmem:v62+s20+$0x0] =	vst.idx.msk $0xffff, v3  }
0x269: {  	v2 =	vor.u32 v28, v37;
	s26 =	smov.u32 s2;
	s2 =	smov.u32 s0;
	v52 =	vld.idx.msk [tilespmem:v55+s15+$0x0], $0xffff;
	[tilespmem:v57+s20+$0x0] =	vst.idx.msk $0xffff, v45;
	v45 =	vor.u32 s29, v32  }
0x26a: {  	s28 =	smov.u32 s31;
	s31 =	smov.u32 s19;
	[tilespmem:v56+s20+$0x0] =	vst.idx.msk $0xffff, v53;
	v1 =	vld.idx.msk [tilespmem:v14+s15+$0x0], $0xffff;
	v14 =	vor.u32 s2, v10  }
0x26b: {  	v58 =	vor.u32 v33, v34;
	v51 =	vld.idx.msk [tilespmem:v54+s15+$0x0], $0xffff;
	v54 =	vor.u32 s31, v10;
	[tilespmem:v46+s20+$0x0] =	vst.idx.msk $0xffff, v50  }
0x26c: {  	s1 =	smov.u32 s21;
	v55 =	vor.u32 s30, v13;
	v53 =	vor.u32 v7, v35;
	v0 =	vld.idx.msk [tilespmem:v0+s15+$0x0], $0xffff;
	[tilespmem:v60+s20+$0x0] =	vst.idx.msk $0xffff, v15  }
0x26d: {  	v43 =	vor.u32 s21, v19;
	v46 =	vor.u32 v28, v38;
	v57 =	vor.u32 s1, v10;
	[tilespmem:v61+s20+$0x0] =	vst.idx.msk $0xffff, v47;
	v62 =	vld.idx.msk [tilespmem:v59+s15+$0x0], $0xffff  }
0x26e: {  	v4 =	vor.u32 s3, v11;
	v50 =	vor.u32 v28, v39;
	v2 =	vld.idx.msk [tilespmem:v2+s15+$0x0], $0xffff;
	[tilespmem:v45+s20+$0x0] =	vst.idx.msk $0xffff, v48  }
0x26f: {  	v22 =	vmov v43;
	v59 =	vor.u32 v28, v40;
	[tilespmem:v14+s20+$0x0] =	vst.idx.msk $0xffff, v52  }
0x270: {  	v43 =	vmov v18;
	v18 =	vor.u32 s28, v42;
	v60 =	vor.u32 v41, v36;
	v3 =	vld.idx.msk [tilespmem:v58+s15+$0x0], $0xffff;
	[tilespmem:v54+s20+$0x0] =	vst.idx.msk $0xffff, v1  }
0x271: {  	v61 =	vor.u32 v29, v37;
	v48 =	vld.idx.msk [tilespmem:v53+s15+$0x0], $0xffff;
	v52 =	vor.u32 s29, v63;
	[tilespmem:v55+s20+$0x0] =	vst.idx.msk $0xffff, v0  }
0x272: {  	v58 =	vor.u32 v20, v34;
	v53 =	vor.u32 s2, v11;
	[tilespmem:v57+s20+$0x0] =	vst.idx.msk $0xffff, v62;
	v46 =	vld.idx.msk [tilespmem:v46+s15+$0x0], $0xffff  }
0x273: {  	v0 =	vor.u32 v6, v35;
	v50 =	vld.idx.msk [tilespmem:v50+s15+$0x0], $0xffff;
	[tilespmem:v4+s20+$0x0] =	vst.idx.msk $0xffff, v2;
	v2 =	vor.u32 s31, v11  }
0x274: {  	v57 =	vor.u32 s1, v11;
	v4 =	vor.u32 v29, v38;
	v1 =	vld.idx.msk [tilespmem:v59+s15+$0x0], $0xffff  }
0x275: {  	v54 =	vor.u32 v29, v39;
	[tilespmem:v18+s20+$0x0] =	vst.idx.msk $0xffff, v3;
	v15 =	vld.idx.msk [tilespmem:v60+s15+$0x0], $0xffff;
	v60 =	vor.u32 s30, v17  }
0x276: {  	v59 =	vor.u32 v29, v40;
	v47 =	vld.idx.msk [tilespmem:v61+s15+$0x0], $0xffff;
	v61 =	vor.u32 s3, v25;
	[tilespmem:v52+s20+$0x0] =	vst.idx.msk $0xffff, v48  }
0x277: {  	v62 =	vor.u32 v27, v36;
	v14 =	vld.idx.msk [tilespmem:v58+s15+$0x0], $0xffff;
	[tilespmem:v53+s20+$0x0] =	vst.idx.msk $0xffff, v46  }
0x278: {  	v32 =	vor.u32 s28, v32;
	v18 =	vor.u32 v30, v37;
	v0 =	vld.idx.msk [tilespmem:v0+s15+$0x0], $0xffff;
	[tilespmem:v2+s20+$0x0] =	vst.idx.msk $0xffff, v50  }
0x279: {  	v58 =	vor.u32 v7, v34;
	v50 =	vor.u32 s29, v16;
	[tilespmem:v57+s20+$0x0] =	vst.idx.msk $0xffff, v1;
	v4 =	vld.idx.msk [tilespmem:v4+s15+$0x0], $0xffff  }
0x27a: {  	v53 =	vor.u32 s2, v25;
	v52 =	vld.idx.msk [tilespmem:v54+s15+$0x0], $0xffff;
	[tilespmem:v60+s20+$0x0] =	vst.idx.msk $0xffff, v15;
	v15 =	vor.u32 v5, v35  }
0x27b: {  	v60 =	vor.u32 s31, v25;
	v2 =	vld.idx.msk [tilespmem:v59+s15+$0x0], $0xffff;
	[tilespmem:v61+s20+$0x0] =	vst.idx.msk $0xffff, v47  }
0x27c: {  	v57 =	vor.u32 s1, v25;
	v61 =	vor.u32 v30, v38;
	v47 =	vld.idx.msk [tilespmem:v62+s15+$0x0], $0xffff  }
0x27d: {  	[tilespmem:v32+s20+$0x0] =	vst.idx.msk $0xffff, v14;
	v45 =	vld.idx.msk [tilespmem:v18+s15+$0x0], $0xffff;
	v62 =	vor.u32 v30, v39;
	v18 =	vor.u32 s26, v63  }
0x27e: {  	v56 =	vor.u32 s28, v63;
	v32 =	vor.u32 s3, v8;
	v59 =	vor.u32 v30, v40;
	v1 =	vld.idx.msk [tilespmem:v58+s15+$0x0], $0xffff;
	[tilespmem:v50+s20+$0x0] =	vst.idx.msk $0xffff, v0  }
0x27f: {  	v48 =	vor.u32 v31, v37;
	v46 =	vor.u32 v6, v44;
	[tilespmem:v53+s20+$0x0] =	vst.idx.msk $0xffff, v4;
	v15 =	vld.idx.msk [tilespmem:v15+s15+$0x0], $0xffff  }
0x280: {  	v63 =	vor.u32 v41, v35;
	[tilespmem:v60+s20+$0x0] =	vst.idx.msk $0xffff, v52;
	v52 =	vor.u32 v41, v44;
	v41 =	vld [tilespmem:$0x1FE20]  }
0x281: {  	v58 =	vor.u32 v6, v34;
	[tilespmem:v57+s20+$0x0] =	vst.idx.msk $0xffff, v2;
	v60 =	vld.idx.msk [tilespmem:v61+s15+$0x0], $0xffff;
	v61 =	vor.u32 s29, v13  }
0x282: {  	v49 =	vld.idx.msk [tilespmem:v62+s15+$0x0], $0xffff;
	v62 =	vor.u32 s2, v8;
	[tilespmem:v18+s20+$0x0] =	vst.idx.msk $0xffff, v51  }
0x283: {  	v3 =	vld.idx.msk [tilespmem:v59+s15+$0x0], $0xffff;
	[tilespmem:v32+s20+$0x0] =	vst.idx.msk $0xffff, v45;
	v18 =	vor.u32 s31, v8;
	v32 =	vor.u32 v31, v38  }
0x284: {  	v51 =	vor.u32 v31, v39;
	[tilespmem:v56+s20+$0x0] =	vst.idx.msk $0xffff, v1;
	v1 =	vor.u32 s26, v16;
	v46 =	vld.idx.msk [tilespmem:v46+s15+$0x0], $0xffff  }
0x285: {  	v55 =	vor.u32 s3, v12;
	v2 =	vor.u32 v5, v44;
	v48 =	vld.idx.msk [tilespmem:v48+s15+$0x0], $0xffff  }
0x286: {  	v4 =	vor.u32 v33, v37;
	v0 =	vld.idx.msk [tilespmem:v58+s15+$0x0], $0xffff;
	v58 =	vor.u32 s28, v16;
	[tilespmem:v61+s20+$0x0] =	vst.idx.msk $0xffff, v15  }
0x287: {  	v50 =	vor.u32 v5, v34;
	v15 =	vor.u32 s1, v8;
	[tilespmem:v62+s20+$0x0] =	vst.idx.msk $0xffff, v60;
	v62 =	vld.idx.msk [tilespmem:v63+s15+$0x0], $0xffff  }
0x288: {  	s6 =	sadd.s32 $0x4, s6;
	v16 =	vor.u32 v31, v40;
	[tilespmem:v18+s20+$0x0] =	vst.idx.msk $0xffff, v49;
	v18 =	vld.idx.msk [tilespmem:v32+s15+$0x0], $0xffff;
	v32 =	vor.u32 s29, v17  }
0x289: {  	p1 =	slt.u32 s6, $0x1C;
	v7 =	vor.u32 v27, v35;
	v6 =	vor.u32 s2, v12;
	v45 =	vld.idx.msk [tilespmem:v51+s15+$0x0], $0xffff;
	[tilespmem:v1+s20+$0x0] =	vst.idx.msk $0xffff, v46  }
.Ltmp6:
0x28a: {  	[tilespmem:v55+s20+$0x0] =	vst.idx.msk $0xffff, v48;
	v54 =	vld.idx.msk [tilespmem:v2+s15+$0x0], $0xffff;
	(pc) =	sbr.rel @p1 .LBB2_9-.Ltmp6, $4  }
0x28b: {  	v57 =	vor.u32 s30, v19;
	v53 =	vor.u32 s28, v13;
	[tilespmem:v58+s20+$0x0] =	vst.idx.msk $0xffff, v0;
	v56 =	vld.idx.msk [tilespmem:v4+s15+$0x0], $0xffff  }
0x28c: {  	v61 =	vor.u32 v33, v38;
	v51 =	vor.u32 v21, v36;
	v49 =	vld.idx.msk [tilespmem:v50+s15+$0x0], $0xffff;
	[tilespmem:v15+s20+$0x0] =	vst.idx.msk $0xffff, v3  }
0x28d: {  	v59 =	vor.u32 s3, v42;
	v55 =	vor.u32 s26, v13;
	v58 =	vor.u32 v20, v37;
	v60 =	vld.idx.msk [tilespmem:v16+s15+$0x0], $0xffff;
	[tilespmem:v32+s20+$0x0] =	vst.idx.msk $0xffff, v62  }
0x28e: {  	s11 =	sadd.s32 $0x8, s11;
	v48 =	vor.u32 s28, v17;
	v46 =	vor.u32 v27, v34;
	v62 =	vor.u32 s1, v12;
	[tilespmem:v6+s20+$0x0] =	vst.idx.msk $0xffff, v18;
	v50 =	vld.idx.msk [tilespmem:v7+s15+$0x0], $0xffff  }
0x28f: {  	v2 =	vld [tilespmem:$0x1FE90];
	_ =	sdelay $0x2  }
0x290: {  	v1 =	vld [tilespmem:$0x1FEE0]  }
0x291: {  	v31 =	vld [tilespmem:$0x1FFF0];
	[tilespmem:v62+s20+$0x0] =	vst.idx.msk $0xffff, v60  }
0x292: {  	v13 =	vld [tilespmem:$0x1FF50];
	v0 =	vor.u32 v2, v40;
	_ =	sdelay $0x2  }
0x293: {  	v63 =	vmov v1;
	v1 =	vor.u32 s31, v1;
	_ =	sdelay $0x1  }
0x294: {  	v2 =	vor.u32 v2, v39;
	v3 =	vor.u32 s1, v13;
	v0 =	vld.idx.msk [tilespmem:v0+s15+$0x0], $0xffff;
	_ =	sdelay $0x2  }
0x295: {  	[tilespmem:v1+s20+$0x0] =	vst.idx.msk $0xffff, v45  }
0x296: {  	v27 =	vld [tilespmem:$0x1FFD0];
	[tilespmem:v59+s20+$0x0] =	vst.idx.msk $0xffff, v56  }
0x297: {  	v2 =	vld.idx.msk [tilespmem:v2+s15+$0x0], $0xffff;
	[tilespmem:v3+s20+$0x0] =	vst.idx.msk $0xffff, v0  }
0x298: {  	v4 =	vor.u32 s31, v13;
	v8 =	vld [tilespmem:$0x1FE50];
	_ =	sdelay $0x1  }
0x299: {  	v5 =	vld.idx.msk [tilespmem:v61+s15+$0x0], $0xffff;
	v6 =	vor.u32 s2, v13  }
0x29a: {  	v60 =	vor.u32 v27, v40  }
0x29b: {  	v7 =	vor.u32 v27, v39  }
0x29c: {  	v62 =	vld.idx.msk [tilespmem:v58+s15+$0x0], $0xffff;
	v14 =	vor.u32 v27, v38;
	[tilespmem:v4+s20+$0x0] =	vst.idx.msk $0xffff, v2;
	v3 =	vor.u32 s3, v8  }
0x29d: {  	v30 =	vmov v26;
	v26 =	vmov v23;
	v23 =	vld [tilespmem:$0x1FF90]  }
0x29e: {  	[tilespmem:v6+s20+$0x0] =	vst.idx.msk $0xffff, v5  }
0x29f: {  	[tilespmem:v57+s20+$0x0] =	vst.idx.msk $0xffff, v47;
	v1 =	vld.idx.msk [tilespmem:v60+s15+$0x0], $0xffff  }
0x2a0: {  	[tilespmem:v55+s20+$0x0] =	vst.idx.msk $0xffff, v54;
	v4 =	vor.u32 s1, v8;
	v6 =	vld.idx.msk [tilespmem:v7+s15+$0x0], $0xffff  }
0x2a1: {  	v7 =	vor.u32 s31, v8;
	v14 =	vld.idx.msk [tilespmem:v14+s15+$0x0], $0xffff;
	[tilespmem:v3+s20+$0x0] =	vst.idx.msk $0xffff, v62  }
0x2a2: {  	v15 =	vor.u32 s2, v8;
	v32 =	vor.u32 v23, v37;
	v20 =	vld [tilespmem:$0x1FF70]  }
0x2a3: {  	v5 =	vor.u32 v23, v40;
	_ =	sdelay $0x1  }
0x2a4: {  	v56 =	vld.idx.msk [tilespmem:v51+s15+$0x0], $0xffff;
	v33 =	vor.u32 v23, v39;
	[tilespmem:v4+s20+$0x0] =	vst.idx.msk $0xffff, v1  }
0x2a5: {  	v42 =	vor.u32 v23, v38;
	v12 =	vld [tilespmem:$0x1FF80];
	[tilespmem:v7+s20+$0x0] =	vst.idx.msk $0xffff, v6  }
0x2a6: {  	v0 =	vld.idx.msk [tilespmem:v32+s15+$0x0], $0xffff;
	[tilespmem:v15+s20+$0x0] =	vst.idx.msk $0xffff, v14;
	v2 =	vor.u32 s3, v20  }
0x2a7: {  	v3 =	vld.idx.msk [tilespmem:v5+s15+$0x0], $0xffff;
	[tilespmem:v53+s20+$0x0] =	vst.idx.msk $0xffff, v49  }
0x2a8: {  	v32 =	vld [tilespmem:$0x1FE70]  }
0x2a9: {  	v6 =	vld.idx.msk [tilespmem:v33+s15+$0x0], $0xffff  }
0x2aa: {  	v14 =	vld.idx.msk [tilespmem:v42+s15+$0x0], $0xffff;
	[tilespmem:v43+s20+$0x0] =	vst.idx.msk $0xffff, v50;
	v4 =	vor.u32 s1, v20;
	v54 =	vor.u32 v12, v37  }
0x2ab: {  	v61 =	vld [tilespmem:$0x1FFA0];
	v7 =	vor.u32 s31, v20;
	[tilespmem:v2+s20+$0x0] =	vst.idx.msk $0xffff, v0  }
0x2ac: {  	v15 =	vor.u32 s2, v20;
	v5 =	vor.u32 v12, v40;
	v8 =	vld [tilespmem:$0x1FE60]  }
0x2ad: {  	v59 =	vld.idx.msk [tilespmem:v52+s15+$0x0], $0xffff;
	v55 =	vor.u32 v12, v39;
	v57 =	vor.u32 s30, v32  }
0x2ae: {  	v29 =	vld [tilespmem:$0x1FEB0]  }
0x2af: {  	v1 =	vld.idx.msk [tilespmem:v54+s15+$0x0], $0xffff;
	[tilespmem:v4+s20+$0x0] =	vst.idx.msk $0xffff, v3  }
0x2b0: {  	v62 =	vor.u32 s26, v61;
	v16 =	vld [tilespmem:$0x1FFC0];
	[tilespmem:v7+s20+$0x0] =	vst.idx.msk $0xffff, v6  }
0x2b1: {  	v4 =	vld.idx.msk [tilespmem:v5+s15+$0x0], $0xffff;
	[tilespmem:v15+s20+$0x0] =	vst.idx.msk $0xffff, v14;
	v54 =	vor.u32 s3, v8  }
0x2b2: {  	[tilespmem:v57+s20+$0x0] =	vst.idx.msk $0xffff, v56;
	v7 =	vld.idx.msk [tilespmem:v55+s15+$0x0], $0xffff  }
0x2b3: {  	v5 =	vor.u32 s1, v8;
	v14 =	vor.u32 s31, v8;
	v55 =	vor.u32 s2, v8;
	v8 =	vld [tilespmem:$0x1FE30];
	_ =	sdelay $0x1  }
0x2b4: {  	v58 =	vor.u32 v12, v38;
	[tilespmem:v62+s20+$0x0] =	vst.idx.msk $0xffff, v59  }
0x2b5: {  	v19 =	vld [tilespmem:$0x1FEC0];
	[tilespmem:v54+s20+$0x0] =	vst.idx.msk $0xffff, v1  }
0x2b6: {  	v24 =	vmov v9;
	v53 =	vor.u32 v29, v35;
	v9 =	vld [tilespmem:$0x1FF60]  }
0x2b7: {  	v3 =	vor.u32 v16, v37;
	v62 =	vld [tilespmem:$0x1FFB0];
	[tilespmem:v5+s20+$0x0] =	vst.idx.msk $0xffff, v4  }
0x2b8: {  	v6 =	vor.u32 v16, v40;
	v18 =	vld [tilespmem:$0x1FF40]  }
0x2b9: {  	v15 =	vld.idx.msk [tilespmem:v58+s15+$0x0], $0xffff;
	v56 =	vor.u32 v16, v39  }
0x2ba: {  	v57 =	vor.u32 v16, v38;
	v8 =	vld.idx.msk [tilespmem:v8+s15+$0x0], $0xffff  }
0x2bb: {  	v58 =	vor.u32 s29, v32;
	v0 =	vld.idx.msk [tilespmem:v53+s15+$0x0], $0xffff  }
0x2bc: {  	v2 =	vld.idx.msk [tilespmem:v3+s15+$0x0], $0xffff;
	v3 =	vor.u32 s3, v62  }
0x2bd: {  	v5 =	vld.idx.msk [tilespmem:v6+s15+$0x0], $0xffff;
	[tilespmem:v14+s20+$0x0] =	vst.idx.msk $0xffff, v7;
	v6 =	vor.u32 s1, v62;
	v4 =	vor.u32 v18, v37  }
0x2be: {  	[tilespmem:v55+s20+$0x0] =	vst.idx.msk $0xffff, v15;
	v14 =	vld.idx.msk [tilespmem:v56+s15+$0x0], $0xffff;
	v15 =	vor.u32 s31, v62;
	v7 =	vor.u32 v18, v40  }
0x2bf: {  	[tilespmem:v48+s20+$0x0] =	vst.idx.msk $0xffff, v8;
	v8 =	vld.idx.msk [tilespmem:v57+s15+$0x0], $0xffff  }
0x2c0: {  	v36 =	vor.u32 v19, v36;
	v60 =	vor.u32 s2, v62;
	v21 =	vld [tilespmem:$0x1FEA0];
	[tilespmem:v58+s20+$0x0] =	vst.idx.msk $0xffff, v0  }
0x2c1: {  	v33 =	vmov v44;
	v49 =	vor.u32 v18, v38;
	v17 =	vld [tilespmem:$0x1FFE0];
	[tilespmem:v3+s20+$0x0] =	vst.idx.msk $0xffff, v2  }
0x2c2: {  	v59 =	vor.u32 v9, v33;
	[tilespmem:v6+s20+$0x0] =	vst.idx.msk $0xffff, v5;
	v3 =	vld.idx.msk [tilespmem:v4+s15+$0x0], $0xffff;
	v4 =	vor.u32 s3, v61  }
0x2c3: {  	[tilespmem:v15+s20+$0x0] =	vst.idx.msk $0xffff, v14;
	v6 =	vld.idx.msk [tilespmem:v7+s15+$0x0], $0xffff;
	v7 =	vor.u32 s1, v61  }
0x2c4: {  	v51 =	vor.u32 v19, v35;
	v15 =	vor.u32 s31, v61;
	v52 =	vld.idx.msk [tilespmem:v41+s15+$0x0], $0xffff  }
0x2c5: {  	v36 =	vld.idx.msk [tilespmem:v36+s15+$0x0], $0xffff;
	v5 =	vor.u32 v9, v37;
	[tilespmem:v60+s20+$0x0] =	vst.idx.msk $0xffff, v8;
	v48 =	vor.u32 s30, v21  }
0x2c6: {  	v14 =	vor.u32 v9, v40;
	v8 =	vor.u32 s2, v61;
	v0 =	vld.idx.msk [tilespmem:v49+s15+$0x0], $0xffff  }
0x2c7: {  	v53 =	vor.u32 v9, v39;
	v1 =	vld.idx.msk [tilespmem:v59+s15+$0x0], $0xffff;
	v50 =	vor.u32 s26, v17;
	[tilespmem:v4+s20+$0x0] =	vst.idx.msk $0xffff, v3  }
0x2c8: {  	v56 =	vor.u32 v9, v38;
	v54 =	vld.idx.msk [tilespmem:v46+s15+$0x0], $0xffff;
	v55 =	vor.u32 s28, v17;
	[tilespmem:v7+s20+$0x0] =	vst.idx.msk $0xffff, v6  }
0x2c9: {  	v57 =	vor.u32 v29, v34;
	v2 =	vld.idx.msk [tilespmem:v51+s15+$0x0], $0xffff;
	v58 =	vor.u32 s29, v21;
	[tilespmem:v15+s20+$0x0] =	vst.idx.msk $0xffff, v52  }
0x2ca: {  	v3 =	vor.u32 v29, v33;
	v4 =	vld.idx.msk [tilespmem:v5+s15+$0x0], $0xffff;
	v5 =	vor.u32 s3, v17;
	[tilespmem:v48+s20+$0x0] =	vst.idx.msk $0xffff, v36  }
0x2cb: {  	v6 =	vor.u32 v29, v37;
	v7 =	vld.idx.msk [tilespmem:v14+s15+$0x0], $0xffff;
	[tilespmem:v8+s20+$0x0] =	vst.idx.msk $0xffff, v0  }
0x2cc: {  	v15 =	vor.u32 s31, v17;
	v14 =	vor.u32 v29, v40;
	v59 =	vld.idx.msk [tilespmem:v53+s15+$0x0], $0xffff;
	[tilespmem:v50+s20+$0x0] =	vst.idx.msk $0xffff, v1  }
0x2cd: {  	v60 =	vor.u32 s2, v17;
	v48 =	vor.u32 v29, v39;
	[tilespmem:v55+s20+$0x0] =	vst.idx.msk $0xffff, v54;
	v1 =	vld.idx.msk [tilespmem:v56+s15+$0x0], $0xffff  }
0x2ce: {  	v49 =	vor.u32 s28, v32;
	[tilespmem:v58+s20+$0x0] =	vst.idx.msk $0xffff, v2;
	v50 =	vor.u32 v29, v38;
	v8 =	vld.idx.msk [tilespmem:v57+s15+$0x0], $0xffff  }
0x2cf: {  	v51 =	vor.u32 s26, v32;
	v52 =	vor.u32 v19, v34;
	v3 =	vld.idx.msk [tilespmem:v3+s15+$0x0], $0xffff;
	[tilespmem:v5+s20+$0x0] =	vst.idx.msk $0xffff, v4  }
0x2d0: {  	v4 =	vor.u32 v19, v33;
	[tilespmem:v22+s20+$0x0] =	vst.idx.msk $0xffff, v7;
	v5 =	vld.idx.msk [tilespmem:v6+s15+$0x0], $0xffff;
	v6 =	vor.u32 s3, v32  }
0x2d1: {  	v53 =	vor.u32 s1, v32;
	v7 =	vor.u32 v19, v37;
	[tilespmem:v15+s20+$0x0] =	vst.idx.msk $0xffff, v59;
	v14 =	vld.idx.msk [tilespmem:v14+s15+$0x0], $0xffff  }
0x2d2: {  	v54 =	vor.u32 v19, v40;
	v15 =	vor.u32 s31, v32;
	v55 =	vld.idx.msk [tilespmem:v48+s15+$0x0], $0xffff;
	[tilespmem:v60+s20+$0x0] =	vst.idx.msk $0xffff, v1  }
0x2d3: {  	v56 =	vor.u32 s2, v32;
	v57 =	vor.u32 v19, v39;
	[tilespmem:v49+s20+$0x0] =	vst.idx.msk $0xffff, v8;
	v2 =	vld.idx.msk [tilespmem:v50+s15+$0x0], $0xffff  }
0x2d4: {  	v58 =	vor.u32 v19, v38;
	v34 =	vld.idx.msk [tilespmem:v52+s15+$0x0], $0xffff;
	[tilespmem:v51+s20+$0x0] =	vst.idx.msk $0xffff, v3;
	v3 =	vor.u32 s28, v21  }
0x2d5: {  	v59 =	vor.u32 s26, v21;
	v4 =	vld.idx.msk [tilespmem:v4+s15+$0x0], $0xffff;
	[tilespmem:v6+s20+$0x0] =	vst.idx.msk $0xffff, v5  }
0x2d6: {  	v6 =	vor.u32 s3, v21;
	[tilespmem:v53+s20+$0x0] =	vst.idx.msk $0xffff, v14;
	v5 =	vld.idx.msk [tilespmem:v7+s15+$0x0], $0xffff  }
0x2d7: {  	[tilespmem:v15+s20+$0x0] =	vst.idx.msk $0xffff, v55;
	v0 =	vld.idx.msk [tilespmem:v54+s15+$0x0], $0xffff;
	v7 =	vor.u32 s1, v21  }
0x2d8: {  	v60 =	vor.u32 s31, v21;
	v1 =	vld.idx.msk [tilespmem:v57+s15+$0x0], $0xffff;
	[tilespmem:v56+s20+$0x0] =	vst.idx.msk $0xffff, v2  }
0x2d9: {  	v14 =	vor.u32 s2, v21;
	[tilespmem:v3+s20+$0x0] =	vst.idx.msk $0xffff, v34;
	v3 =	vld.idx.msk [tilespmem:v58+s15+$0x0], $0xffff  }
0x2da: {  	p1 =	seq.s32 s23, $0x7A;
	[tilespmem:v59+s20+$0x0] =	vst.idx.msk $0xffff, v4  }
.Ltmp7:
0x2db: {  	[tilespmem:v6+s20+$0x0] =	vst.idx.msk $0xffff, v5;
	(pc) =	sbr.rel @p1 .LBB2_12-.Ltmp7, $4  }
0x2dc: {  	[tilespmem:v7+s20+$0x0] =	vst.idx.msk $0xffff, v0  }
0x2dd: {  	s0 =	sshll.u32 s24, $0xA;
	[tilespmem:v60+s20+$0x0] =	vst.idx.msk $0xffff, v1  }
0x2de: {  	s0 =	sadd.s32 s7, s0;
	[tilespmem:v14+s20+$0x0] =	vst.idx.msk $0xffff, v3  }
0x2df: {  	v8 =	vmovc v13;
	v21 =	vmovc v23;
	v5 =	vmov v18;
	v7 =	vmov v9;
	v14 =	vmov v20;
	[hbm4b:s0+s4] =	stream.linear.scatter [tilespmem:s20], [sflag:$0x4], $0x2000, $0x38;
	[tilespmem:$0x8000] =	vst v63  }
.Ltmp8:
0x2e0: {  	(pc) =	sbr.rel .LBB2_2-.Ltmp8, $4  }
0x2e1: {  	_ = 	snop  }
0x2e2: {  	s0 =	sshll.u32 s25, $0x7;
	s1 =	rddreg [dreg:$0x0];
	s31 =	simm.s32 $0x400;
	v29 =	vld [tilespmem:$0x1FF30]  }
0x2e3: {  	s2 =	simm.s32 $0x7A1400;
	s23 =	sadd.s32 $0x1, s23;
	v9 =	vmov v24;
	v13 =	vmov v30;
	v30 =	vld [tilespmem:$0x1FF10];
	s0 =	sadd.s32 s1, s0  }
0x2e4: {  	v1 =	vmovc v10;
	v2 =	vmovc v11;
	v15 =	vmov v63;
	v18 =	vlaneseq.u32;
	v11 =	vmov v31;
	v4 =	vld [tilespmem:$0x1FED0];
	[tilespmem:s15], [sflag:$0x2] =	stream.strided.gather [hbm4b:s0+s31], $0x2000, s2, s31, $0x38  }
.LBB2_13:
0x2e5: {  	_ =	sfence.sel $0x180000  }
0x2e6: {  	[bflag:$0x0] =	sbarrier.arrive $0xFFFF  }
0x2e7: {  	_ =	strace $0x90000047  }
0x2e8: {  	s0 =	stileid.u32;
	[bflag:$0x2] =	sbarrier.arrive $0xFFFF  }
0x2e9: {  	p0 =	sne.s32 s0, $0x0;
	s0 =	rddreg [dreg:$0x3]  }
0x2ea: {  	s0 =	sadd.s32 @!p0 $0x100000, s0  }
0x2eb: {  	[sflag:s0] =	ssyncadd.tile.s32 @!p0 $0x1;
	_ =	shalt  }
.Lfunc_end2:
_tile_overlayer_lowered:
.L_overlay_start_2:
0x2ec: {  	(tag) =	ssettag $0x2  }
0x2ed: {  	s0 =	rddreg [dreg:$0x0];
	s2 =	stileid.u32  }
0x2ee: {  	s1 =	rddreg [dreg:$0x1];
	p0 =	sne.s32 s2, $0x0  }
0x2ef: {  	s3 =	rddreg [dreg:$0x2];
	[bflag:$0x3] =	sbarrier.arrive $0xFFFF;
	s2 =	simm.s32 @!p0 $0x1C05  }
0x2f0: {  	[timem:s3], [sflag:s2] =	dma.local @!p0 [hbm:s0], s1  }
0x2f1: {  	s0 =	simm.s32 @!p0 $0x5  }
0x2f2: {  	_ =	swait.ge @!p0 [sflag:s0], s1  }
0x2f3: {  	s1 =	ssub.s32 @!p0 $0x0, s1;
	[sflag:s0] =	ssyncset.done @!p0 $0x0  }
0x2f4: {  	[sflag:s0] =	ssyncadd.s32 @!p0 s1  }
0x2f5: {  	[bflag:$0x3] =	sbarrier.arrive $0xFFFF  }
0x2f6: {  	_ =	shalt  }

// kernel: kernel.9.cloned.1.call-start
scs
__scs_entry_jumppad:
0x0: {  	(pc) =	sbr.rel $0x88, $3  }
0x1: {  	(tag) =	ssettag $0x0;
	lr =	simm.s32 $0x1  }
0x2: {  	[smem:$0x3F9E] =	sst lr;
	_ =	strace $0xD0000000  }
0x3: {  	_ = 	snop  }
0x4: {  	_ = 	snop  }
0x5: {  	_ = 	snop  }
0x6: {  	_ = 	snop  }
0x7: {  	_ = 	snop  }
__scs_overlays_trampoline_lowered:
0x8: {  	[smem:$0x3FAD] =	sst s0  }
0x9: {  	[smem:$0x3FAE] =	sst s1  }
0xa: {  	[smem:$0x3FAF] =	sst s2  }
0xb: {  	[smem:$0x3FB0] =	sst s3  }
0xc: {  	[smem:$0x3FB1] =	sst s4  }
0xd: {  	[smem:$0x3FB2] =	sst s5  }
0xe: {  	[smem:$0x3FB3] =	sst s6  }
0xf: {  	[smem:$0x3FB4] =	sst s7  }
0x10: {  	[smem:$0x3FB5] =	sst s8  }
0x11: {  	[smem:$0x3FB6] =	sst s9;
	s0 =	simm.s32 @!p0 $0x0  }
0x12: {  	s1 =	sld [smem:$0x3F9C];
	s0 =	simm.s32 @p0 $0x1  }
0x13: {  	[smem:$0x3FB7] =	sst s0;
	s0 =	simm.s32 @!p1 $0x0  }
0x14: {  	s2 =	sld [smem:$0x3F9B];
	s0 =	simm.s32 @p1 $0x1  }
0x15: {  	[smem:$0x3FB8] =	sst s0;
	s0 =	simm.s32 @!p2 $0x0  }
0x16: {  	s3 =	sld [smem:$0x3FDB];
	s0 =	simm.s32 @p2 $0x1  }
0x17: {  	s4 =	simm.s32 $0x1BF5;
	[smem:$0x3FBA] =	sst s0  }
0x18: {  	s0 =	sld [smem:$0x3F9D];
	_ =	swait.ge [sflag:s4], $0x0  }
0x19: {  	s7 =	sld [smem:$0x3F9E]  }
0x1a: {  	s8 =	sadd.s32 $0xFFFFE003, lr  }
0x1b: {  	s9 =	sadd.s32 $0xFFFFFEF7, lr;
	s5 =	simm.s32 $0xFFFFFFFF;
	p2 =	slt.u32 s8, $0xFFFFF086  }
0x1c: {  	p1 =	slt.u32 s9, $0xF7A;
	s5 =	simm.s32 @!p2 $0x0  }
0x1d: {  	s5 =	simm.s32 @p1 $0x1;
	p0 =	seq.s32 s7, s2  }
0x1e: {  	s7 =	smul.u32 @!p0 $0xF7A, s2;
	p2 =	seq.s32 @!p0 s5, $0x0  }
0x1f: {  	s9 =	smul.u32 $0xF7A, s1;
	s8 =	simm.s32 @!p0 $0x1BF5;
	p2 =	por !p2, p0  }
0x20: {  	[sflag:s8] =	ssyncset.s32 @!p0 $0xFFFFF086;
	s6 =	sadd.s32 @!p0 s3, s7;
	s7 =	simm.s32 @!p0 $0x108  }
0x21: {  	s3 =	sadd.s32 s3, s9;
	s6 =	sadd.s32 @!p0 $0x88, s6;
	s7 =	simm.s32 @p2 $0x1082  }
0x22: {  	[simem:s7], [sflag:s8] =	dma.local @!p0 [hbm:s6], $0xF7A  }
0x23: {  	s9 =	sor.u32 $0xD0000000, s2;
	s6 =	simm.s32 $0x108;
	_ =	swait.ge @!p0 [sflag:s8], $0x0  }
0x24: {  	s3 =	sadd.s32 $0x88, s3;
	s6 =	simm.s32 @!p1 $0x1082;
	[sflag:s4] =	ssyncset.s32 $0xFFFFF086  }
0x25: {  	[simem:s6], [sflag:s4] =	dma.local [hbm:s3], $0xF7A  }
0x26: {  	[smem:$0x3F9E] =	sst s1;
	(tag) =	ssettag s2;
	_ =	strace s9  }
0x27: {  	s1 =	sld [smem:$0x3FAE]  }
0x28: {  	s2 =	sld [smem:$0x3FAF]  }
0x29: {  	s4 =	sld [smem:$0x3FB1]  }
0x2a: {  	p0 =	seq.s32 s5, $0x0;
	s5 =	sld [smem:$0x3FB2]  }
0x2b: {  	s6 =	sld [smem:$0x3FB3]  }
0x2c: {  	s7 =	sld [smem:$0x3FB4]  }
0x2d: {  	s3 =	simm.s32 $0x108;
	s8 =	sld [smem:$0x3FB5]  }
0x2e: {  	s3 =	simm.s32 @!p0 $0x1082;
	s9 =	sld [smem:$0x3FB6]  }
0x2f: {  	lr =	sadd.s32 s0, s3;
	s0 =	sld [smem:$0x3FAD]  }
0x30: {  	s3 =	sld [smem:$0x3FB0]  }
0x31: {  	[smem:$0x3FB9] =	sst s10  }
0x32: {  	s10 =	sld [smem:$0x3FB7];
	_ =	sdelay $0x3  }
0x33: {  	p0 =	seq.s32 s10, $0x1;
	s10 =	sld [smem:$0x3FB9];
	_ =	sdelay $0x3  }
0x34: {  	[smem:$0x3FB9] =	sst s10  }
0x35: {  	s10 =	sld [smem:$0x3FB8];
	_ =	sdelay $0x3  }
0x36: {  	p1 =	seq.s32 s10, $0x1;
	s10 =	sld [smem:$0x3FB9];
	_ =	sdelay $0x3  }
0x37: {  	[smem:$0x3FB9] =	sst s10  }
0x38: {  	s10 =	sld [smem:$0x3FBA]  }
0x39: {  	_ = 	snop;
	(pc) =	sbr.ind lr, $3  }
0x3a: {  	_ = 	snop  }
0x3b: {  	_ = 	snop  }
0x3c: {  	p2 =	seq.s32 s10, $0x1;
	s10 =	sld [smem:$0x3FB9]  }
0x3d: {  	_ =	shalt  }
0x3e: {  	_ =	shalt  }
0x3f: {  	_ =	shalt  }
0x40: {  	_ =	shalt  }
0x41: {  	_ =	shalt  }
0x42: {  	_ =	shalt  }
0x43: {  	_ =	shalt  }
0x44: {  	_ =	shalt  }
0x45: {  	_ =	shalt  }
0x46: {  	_ =	shalt  }
0x47: {  	_ =	shalt  }
0x48: {  	_ =	shalt  }
0x49: {  	_ =	shalt  }
0x4a: {  	_ =	shalt  }
0x4b: {  	_ =	shalt  }
0x4c: {  	_ =	shalt  }
0x4d: {  	_ =	shalt  }
0x4e: {  	_ =	shalt  }
0x4f: {  	_ =	shalt  }
0x50: {  	_ =	shalt  }
0x51: {  	_ =	shalt  }
0x52: {  	_ =	shalt  }
0x53: {  	_ =	shalt  }
0x54: {  	_ =	shalt  }
0x55: {  	_ =	shalt  }
0x56: {  	_ =	shalt  }
0x57: {  	_ =	shalt  }
0x58: {  	_ =	shalt  }
0x59: {  	_ =	shalt  }
0x5a: {  	_ =	shalt  }
0x5b: {  	_ =	shalt  }
0x5c: {  	_ =	shalt  }
0x5d: {  	_ =	shalt  }
0x5e: {  	_ =	shalt  }
0x5f: {  	_ =	shalt  }
0x60: {  	_ =	shalt  }
0x61: {  	_ =	shalt  }
0x62: {  	_ =	shalt  }
0x63: {  	_ =	shalt  }
0x64: {  	_ =	shalt  }
0x65: {  	_ =	shalt  }
0x66: {  	_ =	shalt  }
0x67: {  	_ =	shalt  }
0x68: {  	_ =	shalt  }
0x69: {  	_ =	shalt  }
0x6a: {  	_ =	shalt  }
0x6b: {  	_ =	shalt  }
0x6c: {  	_ =	shalt  }
0x6d: {  	_ =	shalt  }
0x6e: {  	_ =	shalt  }
0x6f: {  	_ =	shalt  }
0x70: {  	_ =	shalt  }
0x71: {  	_ =	shalt  }
0x72: {  	_ =	shalt  }
0x73: {  	_ =	shalt  }
0x74: {  	_ =	shalt  }
0x75: {  	_ =	shalt  }
0x76: {  	_ =	shalt  }
0x77: {  	_ =	shalt  }
0x78: {  	_ =	shalt  }
0x79: {  	_ =	shalt  }
0x7a: {  	_ =	shalt  }
0x7b: {  	_ =	shalt  }
0x7c: {  	_ =	shalt  }
0x7d: {  	_ =	shalt  }
0x7e: {  	_ =	shalt  }
0x7f: {  	_ =	shalt  }
0x80: {  	_ =	shalt  }
0x81: {  	_ =	shalt  }
0x82: {  	_ =	shalt  }
0x83: {  	_ =	shalt  }
0x84: {  	_ =	shalt  }
0x85: {  	_ =	shalt  }
0x86: {  	_ =	shalt  }
0x87: {  	_ =	shalt  }
.Lfunc_end0:
.L_simem_size_0:
called_computation.1_lowered:
.L_overlay_start_0:
0x88: {  	s2 =	sld [smem:$0x3FD9]  }
0x89: {  	s3 =	sld [smem:$0x3FFE];
	_ =	sdelay $0x1  }
0x8a: {  	s1 =	srdreg.scid  }
0x8b: {  	s0 =	sand.u32 $0x1, s1  }
0x8c: {  	s17 =	sshll.u32 s0, $0xA;
	s2 =	sadd.s32 s3, s2  }
0x8d: {  	s2 =	sadd.s32 s2, s17  }
0x8e: {  	[smem:$0x3FC5] =	sst s2  }
0x8f: {  	_ = 	snop  }
0x90: {  	s2 =	sld [smem:$0x3FD0];
	(tm) =	ssettm $0x1  }
0x91: {  	s18 =	sld [smem:$0x3FFB];
	_ =	sdelay $0x3  }
0x92: {  	_ =	strace s18  }
0x93: {  	s3 =	sld [smem:$0x3FFC];
	_ =	sdelay $0x3  }
0x94: {  	_ =	strace s3  }
0x95: {  	s3 =	sld [smem:$0x3FFD];
	_ =	sdelay $0x3  }
0x96: {  	_ =	strace s3  }
0x97: {  	_ =	strace $0x8FFFFFFF  }
0x98: {  	s19 =	sld [smem:$0x3FDB];
	_ =	sdelay $0x1  }
0x99: {  	s4 =	simm.s32 $_scs_section_size  }
0x9a: {  	s5 =	simm.s32 $_size__tile_overlayer_lowered;
	s6 =	simm.s32 $_tile_overlayer_lowered  }
0x9b: {  	s22 =	simm.s32 $0x1BFF;
	s21 =	sshll.u32 s6, $0x1;
	s3 =	sadd.s32 s4, s19  }
0x9c: {  	s7 =	simm.s32 $0x0;
	s20 =	sshll.u32 s5, $0x1;
	s5 =	sadd.s32 s21, s3  }
0x9d: {  	[timem:s7], [sflag:s22] =	dma.local [hbm:s5], s20  }
0x9e: {  	_ =	swait.ge [sflag:s22], s20  }
0x9f: {  	s4 =	ssub.s32 $0x0, s20;
	[sflag:s22] =	ssyncset.done $0x0  }
0xa0: {  	[sflag:s22] =	ssyncadd.s32 s4;
	_ =	sdelay $0x1  }
0xa1: {  	s23 =	simm.s32 $0x1B8B  }
0xa2: {  	_ =	swait.ge [sflag:s23], $0x1  }
0xa3: {  	[sflag:s23] =	ssyncset.done $0x0  }
0xa4: {  	s25 =	simm.s32 $0x1B8E;
	s24 =	sld [smem:$0x3FFE];
	[sflag:s23] =	ssyncadd.s32 $0xFFFFFFFF  }
0xa5: {  	s26 =	simm.s32 $execute0_lowered;
	[smem:$0x3FD2] =	sst s25  }
0xa6: {  	s5 =	sshll.u32 s26, $0x1;
	_ =	strace $0x80000049;
	[dreg:$0x1] =	wrdreg $0xFFFFFFFF  }
0xa7: {  	s28 =	simm.s32 $_size_execute0_lowered;
	s3 =	sadd.s32 s3, s5;
	[dreg:$0x0] =	wrdreg $0x0  }
0xa8: {  	s5 =	sshll.u32 s28, $0x1;
	[dreg:$0x2] =	wrdreg s3  }
0xa9: {  	[dreg:$0x3] =	wrdreg s5  }
0xaa: {  	[dreg:$0x4] =	wrdreg $0xC0  }
0xab: {  	_ =	task [dreg:s7], $0x5FFFF  }
0xac: {  	[dreg:$0x1] =	wrdreg $0xFFFFFFFF  }
0xad: {  	[dreg:$0x0] =	wrdreg $0x60  }
0xae: {  	[dreg:$0x2] =	wrdreg s24  }
0xaf: {  	[dreg:$0x3] =	wrdreg s2  }
0xb0: {  	[dreg:$0x4] =	wrdreg $0x9  }
0xb1: {  	_ =	task.clear_ibuf [dreg:s7], $0x5FFFF;
	_ =	strace $0x90000049  }
0xb2: {  	s29 =	simm.s32 $0x9;
	_ =	strace $0x8000004B  }
0xb3: {  	_ =	swait.ge [sflag:s29], $0x1  }
0xb4: {  	[sflag:s29] =	ssyncadd.s32 $0xFFFFFFFF  }
0xb5: {  	_ =	strace $0x9000004B  }
0xb6: {  	_ =	sfence  }
0xb7: {  	s30 =	sld [smem:$0x0];
	_ =	sdelay $0x2  }
0xb8: {  	s31 =	sshll.u32 s1, $0xD;
	s1 =	sshrl.u32 s1, $0x2  }
0xb9: {  	s3 =	sand.u32 $0x4000, s31;
	s1 =	sadd.s32 s1, s30  }
0xba: {  	s0 =	sor.u32 s3, s0;
	s1 =	sshll.u32 s1, $0x11  }
0xbb: {  	s0 =	sor.u32 s1, s0  }
0xbc: {  	s0 =	sadd.s32 $0x8F2B, s0  }
0xbd: {  	[sflag:s0] =	ssyncadd.remote.s32 $0x1  }
0xbe: {  	_ =	sfence.sel $0xFFFF  }
0xbf: {  	[dreg:$0x0] =	wrdreg $0xFFFFFFFF;
	(pc) =	sbr.abs _section_cstart, $3  }
0xc0: {  	[dreg:$0x1] =	wrdreg $0xFFFFFFFF  }
0xc1: {  	_ =	task.clear_ibuf [dreg:s7], $0x2FFFF;
	_ =	strace $0x9FFFFFFF  }
0xc2: {  	(tm) =	ssettm $0x7FFFFFFF  }
0xc3: {  	_ =	shalt  }
tec
execute0_lowered:
.L_overlay_start_1:
0x0: {  	(tag) =	ssettag $0x1  }
0x1: {  	s1 =	srdreg.scid;
	s3 =	rddreg [dreg:$0x0]  }
0x2: {  	s0 =	stileid.u32;
	s5 =	rddreg [dreg:$0x1];
	s2 =	simm.s32 $0x0  }
0x3: {  	s9 =	simm.s32 $0x6400;
	s10 =	simm.s32 $0xC800;
	s11 =	simm.s32 $0x1  }
0x4: {  	s12 =	simm.s32 $0x12C00;
	s13 =	simm.s32 $0x2;
	s14 =	simm.s32 $0x4  }
0x5: {  	s15 =	simm.s32 $0x12E00;
	s16 =	simm.s32 $0x3;
	s17 =	simm.s32 $0x0  }
0x6: {  	s4 =	sand.u32 $0x1, s1;
	s31 =	sshll.u32 s0, $0x1;
	s1 =	rddreg [dreg:$0x2]  }
0x7: {  	[smem:$0x7FF] =	sst s2;
	s6 =	sor.u32 s4, s31;
	s4 =	ssub.s32 $0x2, s4  }
0x8: {  	s7 =	smul.u32 $0xC80, s6;
	s8 =	sshrl.u32 s4, $0x1;
	s6 =	sshll.u32 s6, $0xC  }
0x9: {  	_ =	strace $0x8000004A;
	s8 =	ssub.s32 s4, s8;
	s5 =	sadd.s32 s5, s6  }
0xa: {  	s7 =	sadd.s32 s7, s3;
	s3 =	sadd.s32 $0xE00, s3;
	s6 =	smax.u32 s8, $0x1  }
0xb: {  	s8 =	simm.s32 $0x190;
	s4 =	sadd.s32 $0x7A2000, s7;
	s7 =	simm.s32 $0x5  }
.LBB2_1:
0xc: {  	[tilespmem:s2], [sflag:$0x5] =	stream.linear.gather [hbm4b:s4+s2], $0x6400, $0x38;
	[tilespmem:$0x13000] =	vst v63  }
0xd: {  	_ =	swait.ge [sflag:s7], $0x6400  }
0xe: {  	[sflag:s7] =	ssyncset.done $0x0  }
0xf: {  	s18 =	simm.s32 $0x0;
	[sflag:s7] =	ssyncadd.s32 $0xFFFF9C00  }
0x10: {  	[tilespmem:s9], [sflag:$0x1] =	stream.indirect.gather [hbm4b:s3+s8], $0x40, s2, s8, $0xb8;
	[tilespmem:$0x13000] =	vst v63  }
.LBB2_2:
0x11: {  	s19 =	sshllo.u32 s18, $0x1  }
0x12: {  	s20 =	smul.u32 $0x640, s19;
	_ =	sdelay $0x1  }
0x13: {  	s20 =	sshra.s32 s20, $0x2  }
0x14: {  	[tilespmem:s10], [sflag:$0x2] =	stream.indirect.gather [hbm4b:s3+s8], $0x40, s20, s8, $0xb8;
	[tilespmem:$0x13000] =	vst v63  }
0x15: {  	_ =	swait.ge [sflag:s11], $0x6400  }
0x16: {  	p0 =	seq.s32 s18, $0x0;
	[sflag:s11] =	ssyncset.done $0x0  }
0x17: {  	s20 =	simm.s32 @!p0 $0x3;
	[sflag:s11] =	ssyncadd.s32 $0xFFFF9C00  }
0x18: {  	_ =	swait.ge @!p0 [sflag:s20], $0x200  }
0x19: {  	[sflag:s20] =	ssyncset.done @!p0 $0x0  }
0x1a: {  	s22 =	simm.s32 $0x0;
	[sflag:s20] =	ssyncadd.s32 @!p0 $0xFFFFFE00  }
0x1b: {  	v0 =	vld [tilespmem:s22+$0xBBB0]  }
0x1c: {  	v2 =	vld [tilespmem:s22+$0x6400]  }
0x1d: {  	v3 =	vld [tilespmem:s22+$0x6410]  }
0x1e: {  	v4 =	vld [tilespmem:s22+$0x6420]  }
0x1f: {  	v5 =	vld [tilespmem:s22+$0x6430]  }
0x20: {  	v6 =	vld [tilespmem:s22+$0x7080]  }
0x21: {  	v7 =	vld [tilespmem:s22+$0x7090]  }
0x22: {  	v8 =	vld [tilespmem:s22+$0x70A0]  }
0x23: {  	v9 =	vld [tilespmem:s22+$0x70B0]  }
0x24: {  	v10 =	vld [tilespmem:s22+$0x7D00]  }
0x25: {  	v11 =	vld [tilespmem:s22+$0x7D10]  }
0x26: {  	v12 =	vld [tilespmem:s22+$0x7D20]  }
0x27: {  	v13 =	vld [tilespmem:s22+$0x7D30]  }
0x28: {  	v14 =	vld [tilespmem:s22+$0x8980]  }
0x29: {  	v15 =	vld [tilespmem:s22+$0x8990]  }
0x2a: {  	v16 =	vld [tilespmem:s22+$0x89A0]  }
0x2b: {  	v32 =	vld [tilespmem:s22+$0x89B0]  }
0x2c: {  	v1 =	vimm.f32 $0.0e+00;
	v33 =	vld [tilespmem:s22+$0x9600]  }
0x2d: {  	v34 =	vld [tilespmem:s22+$0x9610];
	v0 =	vadd.f32 v0, v1  }
0x2e: {  	v36 =	vld [tilespmem:s22+$0xAF10];
	v31 =	vadd.f32 v2, v1;
	v29 =	vadd.f32 v3, v1  }
0x2f: {  	v2 =	vld [tilespmem:s22+$0x9620];
	v30 =	vadd.f32 v4, v1;
	v27 =	vadd.f32 v5, v1  }
0x30: {  	v3 =	vld [tilespmem:s22+$0x9630];
	v28 =	vadd.f32 v6, v1;
	v25 =	vadd.f32 v7, v1  }
0x31: {  	v4 =	vld [tilespmem:s22+$0xA280];
	v26 =	vadd.f32 v8, v1;
	v23 =	vadd.f32 v9, v1  }
0x32: {  	v5 =	vld [tilespmem:s22+$0xA290];
	v24 =	vadd.f32 v10, v1;
	v21 =	vadd.f32 v11, v1  }
0x33: {  	v6 =	vld [tilespmem:s22+$0xA2A0];
	v22 =	vadd.f32 v12, v1;
	v19 =	vadd.f32 v13, v1  }
0x34: {  	v7 =	vld [tilespmem:s22+$0xA2B0];
	v20 =	vadd.f32 v14, v1;
	v17 =	vadd.f32 v15, v1  }
0x35: {  	v8 =	vld [tilespmem:s22+$0xAF00];
	v18 =	vadd.f32 v16, v1;
	v15 =	vadd.f32 v32, v1  }
0x36: {  	v16 =	vadd.f32 v33, v1;
	v14 =	vadd.f32 v34, v1  }
0x37: {  	v33 =	vld [tilespmem:s22+$0xAF20];
	v13 =	vadd.f32 v2, v1;
	v11 =	vadd.f32 v3, v1  }
0x38: {  	v34 =	vld [tilespmem:s22+$0xAF30];
	v12 =	vadd.f32 v4, v1;
	v9 =	vadd.f32 v5, v1  }
0x39: {  	v35 =	vld [tilespmem:s22+$0xBB80];
	v10 =	vadd.f32 v6, v1;
	v7 =	vadd.f32 v7, v1  }
0x3a: {  	v32 =	vld [tilespmem:s22+$0xBB90];
	v5 =	vadd.f32 v8, v1;
	v3 =	vadd.f32 v36, v1;
	v6 =	vimm.f32 $0.0e+00  }
0x3b: {  	s21 =	simm.s32 $0x200;
	s20 =	simm.s32 $0x40;
	v36 =	vld [tilespmem:s22+$0xBBA0];
	v8 =	vimm.f32 $0.0e+00;
	v4 =	vimm.f32 $0.0e+00;
	v2 =	vimm.f32 $0.0e+00  }
.LBB2_3:
0x3c: {  	p1 =	sne.s32 s21, $0x3100;
	v37 =	vld [tilespmem:s20+$0xBBB0];
	v1 =	vadd.f32 v33, v1  }
0x3d: {  	v33 =	vld [tilespmem:s20+$0x6400];
	v6 =	vadd.f32 v34, v6  }
0x3e: {  	v34 =	vld [tilespmem:s20+$0x6410];
	v8 =	vadd.f32 v35, v8  }
0x3f: {  	v35 =	vld [tilespmem:s20+$0x6420];
	v4 =	vadd.f32 v32, v4  }
0x40: {  	v32 =	vld [tilespmem:s20+$0x6430];
	v2 =	vadd.f32 v36, v2  }
0x41: {  	v36 =	vld [tilespmem:s20+$0x7080];
	v0 =	vadd.f32 v37, v0  }
0x42: {  	v31 =	vadd.f32 v33, v31;
	v33 =	vld [tilespmem:s20+$0x7090]  }
0x43: {  	v29 =	vadd.f32 v34, v29;
	v34 =	vld [tilespmem:s20+$0x70A0]  }
0x44: {  	v30 =	vadd.f32 v35, v30;
	v35 =	vld [tilespmem:s20+$0x70B0]  }
0x45: {  	v27 =	vadd.f32 v32, v27;
	v32 =	vld [tilespmem:s20+$0x7D00]  }
0x46: {  	v28 =	vadd.f32 v36, v28;
	v36 =	vld [tilespmem:s20+$0x7D10]  }
0x47: {  	v25 =	vadd.f32 v33, v25;
	v33 =	vld [tilespmem:s20+$0x7D20]  }
0x48: {  	v26 =	vadd.f32 v34, v26;
	v34 =	vld [tilespmem:s20+$0x7D30]  }
0x49: {  	v23 =	vadd.f32 v35, v23;
	v35 =	vld [tilespmem:s20+$0x8980]  }
0x4a: {  	v24 =	vadd.f32 v32, v24;
	v32 =	vld [tilespmem:s20+$0x8990]  }
0x4b: {  	v21 =	vadd.f32 v36, v21;
	v36 =	vld [tilespmem:s20+$0x89A0]  }
0x4c: {  	v22 =	vadd.f32 v33, v22;
	v33 =	vld [tilespmem:s20+$0x89B0]  }
0x4d: {  	v19 =	vadd.f32 v34, v19;
	v34 =	vld [tilespmem:s20+$0x9600]  }
0x4e: {  	v20 =	vadd.f32 v35, v20;
	v35 =	vld [tilespmem:s20+$0x9610]  }
0x4f: {  	v17 =	vadd.f32 v32, v17;
	v32 =	vld [tilespmem:s20+$0x9620]  }
0x50: {  	v18 =	vadd.f32 v36, v18;
	v36 =	vld [tilespmem:s20+$0x9630]  }
0x51: {  	v15 =	vadd.f32 v33, v15;
	v33 =	vld [tilespmem:s20+$0xA280]  }
0x52: {  	v16 =	vadd.f32 v34, v16;
	v34 =	vld [tilespmem:s20+$0xA290]  }
0x53: {  	v14 =	vadd.f32 v35, v14;
	v35 =	vld [tilespmem:s20+$0xA2A0]  }
0x54: {  	v13 =	vadd.f32 v32, v13;
	v32 =	vld [tilespmem:s20+$0xA2B0]  }
0x55: {  	v11 =	vadd.f32 v36, v11;
	v36 =	vld [tilespmem:s20+$0xAF00]  }
0x56: {  	v12 =	vadd.f32 v33, v12;
	v37 =	vld [tilespmem:s20+$0xAF10]  }
.Ltmp0:
0x57: {  	v9 =	vadd.f32 v34, v9;
	v33 =	vld [tilespmem:s20+$0xAF20];
	(pc) =	sbr.rel @p1 .LBB2_3-.Ltmp0, $4  }
0x58: {  	v10 =	vadd.f32 v35, v10;
	v34 =	vld [tilespmem:s20+$0xAF30]  }
0x59: {  	v7 =	vadd.f32 v32, v7;
	v35 =	vld [tilespmem:s20+$0xBB80]  }
0x5a: {  	v5 =	vadd.f32 v36, v5;
	v32 =	vld [tilespmem:s20+$0xBB90]  }
0x5b: {  	v3 =	vadd.f32 v37, v3;
	v36 =	vld [tilespmem:s20+$0xBBA0];
	s20 =	sshra.s32 s21, $0x2;
	s21 =	sadd.s32 $0x100, s21  }
0x5c: {  	v37 =	vld [tilespmem:s20+$0xBBB0]  }
0x5d: {  	v38 =	vld [tilespmem:s20+$0x6400]  }
0x5e: {  	v39 =	vld [tilespmem:s20+$0x6410]  }
0x5f: {  	v40 =	vld [tilespmem:s20+$0x6420]  }
0x60: {  	v41 =	vld [tilespmem:s20+$0x6430]  }
0x61: {  	v42 =	vld [tilespmem:s20+$0x7080]  }
0x62: {  	v43 =	vld [tilespmem:s20+$0x7090]  }
0x63: {  	v44 =	vld [tilespmem:s20+$0x70A0]  }
0x64: {  	v45 =	vld [tilespmem:s20+$0x70B0]  }
0x65: {  	v46 =	vld [tilespmem:s20+$0x7D00]  }
0x66: {  	v47 =	vld [tilespmem:s20+$0x7D10]  }
0x67: {  	v48 =	vld [tilespmem:s20+$0x7D20]  }
0x68: {  	v49 =	vld [tilespmem:s20+$0x7D30]  }
0x69: {  	v50 =	vld [tilespmem:s20+$0x8980]  }
0x6a: {  	v51 =	vld [tilespmem:s20+$0x8990]  }
0x6b: {  	v52 =	vld [tilespmem:s20+$0x89A0]  }
0x6c: {  	v53 =	vld [tilespmem:s20+$0x89B0]  }
0x6d: {  	v54 =	vld [tilespmem:s20+$0x9600]  }
0x6e: {  	v55 =	vld [tilespmem:s20+$0x9610]  }
0x6f: {  	v56 =	vld [tilespmem:s20+$0x9620]  }
0x70: {  	[tilespmem:$0x1FFF0] =	vst v37;
	v37 =	vld [tilespmem:s20+$0xAF20]  }
0x71: {  	v57 =	vld [tilespmem:s20+$0x9630]  }
0x72: {  	v58 =	vld [tilespmem:s20+$0xA280]  }
0x73: {  	v59 =	vld [tilespmem:s20+$0xA290]  }
0x74: {  	v60 =	vld [tilespmem:s20+$0xA2A0]  }
0x75: {  	[tilespmem:$0x1FFC0] =	vst v37;
	v37 =	vld [tilespmem:s20+$0xAF30]  }
0x76: {  	v61 =	vld [tilespmem:s20+$0xA2B0]  }
0x77: {  	v62 =	vld [tilespmem:s20+$0xAF00]  }
0x78: {  	v63 =	vld [tilespmem:s20+$0xAF10]  }
0x79: {  	v31 =	vadd.f32 v38, v31;
	v38 =	vld [tilespmem:s20+$0xBB90]  }
0x7a: {  	v29 =	vadd.f32 v39, v29;
	v39 =	vld [tilespmem:s20+$0xBBA0];
	[tilespmem:$0x1FFD0] =	vst v37  }
0x7b: {  	v30 =	vadd.f32 v40, v30;
	v37 =	vld [tilespmem:s20+$0xBB80];
	[tilespmem:$0x12C00] =	vst v31  }
0x7c: {  	v27 =	vadd.f32 v41, v27;
	[tilespmem:$0x12C10] =	vst v29  }
0x7d: {  	v28 =	vadd.f32 v42, v28;
	[tilespmem:$0x12C20] =	vst v30  }
0x7e: {  	v25 =	vadd.f32 v43, v25;
	[tilespmem:$0x12C30] =	vst v27  }
0x7f: {  	v26 =	vadd.f32 v44, v26;
	[tilespmem:$0x12C40] =	vst v28  }
0x80: {  	v23 =	vadd.f32 v45, v23;
	[tilespmem:$0x12C50] =	vst v25  }
0x81: {  	v24 =	vadd.f32 v46, v24;
	[tilespmem:$0x12C60] =	vst v26  }
0x82: {  	v21 =	vadd.f32 v47, v21;
	[tilespmem:$0x12C70] =	vst v23  }
0x83: {  	v22 =	vadd.f32 v48, v22;
	[tilespmem:$0x12C80] =	vst v24  }
0x84: {  	v19 =	vadd.f32 v49, v19;
	[tilespmem:$0x12C90] =	vst v21  }
0x85: {  	v20 =	vadd.f32 v50, v20;
	[tilespmem:$0x12CA0] =	vst v22  }
0x86: {  	v17 =	vadd.f32 v51, v17;
	[tilespmem:$0x12CB0] =	vst v19  }
0x87: {  	v18 =	vadd.f32 v52, v18;
	[tilespmem:$0x12CC0] =	vst v20  }
0x88: {  	v15 =	vadd.f32 v53, v15;
	[tilespmem:$0x12CD0] =	vst v17  }
0x89: {  	v16 =	vadd.f32 v54, v16;
	[tilespmem:$0x12CE0] =	vst v18  }
0x8a: {  	v14 =	vadd.f32 v55, v14;
	[tilespmem:$0x12CF0] =	vst v15  }
0x8b: {  	v13 =	vadd.f32 v56, v13;
	[tilespmem:$0x12D00] =	vst v16  }
0x8c: {  	v11 =	vadd.f32 v57, v11;
	[tilespmem:$0x12D10] =	vst v14  }
0x8d: {  	v12 =	vadd.f32 v58, v12;
	[tilespmem:$0x12D20] =	vst v13  }
0x8e: {  	v9 =	vadd.f32 v59, v9;
	[tilespmem:$0x12D30] =	vst v11  }
0x8f: {  	v10 =	vadd.f32 v60, v10;
	[tilespmem:$0x12D40] =	vst v12  }
0x90: {  	v7 =	vadd.f32 v61, v7;
	[tilespmem:$0x12D50] =	vst v9  }
0x91: {  	v3 =	vadd.f32 v63, v3;
	v63 =	vld [tilespmem:$0x1FFF0];
	[tilespmem:$0x12D60] =	vst v10  }
0x92: {  	v4 =	vadd.f32 v32, v4;
	v5 =	vadd.f32 v62, v5;
	v59 =	vld [tilespmem:$0x1FFC0];
	[tilespmem:$0x12D70] =	vst v7  }
0x93: {  	v2 =	vadd.f32 v36, v2;
	v60 =	vld [tilespmem:$0x1FFD0];
	[tilespmem:$0x1FFE0] =	vst v37  }
0x94: {  	v62 =	vadd.f32 v38, v4;
	[tilespmem:$0x12D80] =	vst v5;
	v61 =	vld [tilespmem:$0x1FFE0]  }
0x95: {  	v1 =	vadd.f32 v33, v1;
	v2 =	vadd.f32 v39, v2;
	[tilespmem:$0x12D90] =	vst v3  }
0x96: {  	v6 =	vadd.f32 v34, v6;
	v0 =	vadd.f32 v63, v0;
	[tilespmem:$0x12DD0] =	vst v62  }
0x97: {  	p1 =	sne.s32 s18, $0x1F;
	v58 =	vadd.f32 v35, v8;
	[tilespmem:$0x12DE0] =	vst v2;
	v1 =	vadd.f32 v59, v1  }
.Ltmp1:
0x98: {  	[tilespmem:$0x12DF0] =	vst v0;
	v5 =	vadd.f32 v60, v6;
	(pc) =	sbr.rel @p1 .LBB2_6-.Ltmp1, $4  }
0x99: {  	[tilespmem:$0x12DA0] =	vst v1;
	v3 =	vadd.f32 v61, v58  }
0x9a: {  	s31 =	sshll.u32 s18, $0x7;
	[tilespmem:$0x12DB0] =	vst v5  }
0x9b: {  	s20 =	sadd.s32 s31, s5;
	[tilespmem:$0x12DC0] =	vst v3  }
0x9c: {  	[hbm4b:s20+s2] =	stream.linear.scatter [tilespmem:s12], [sflag:$0x3], $0x200, $0x38;
	[tilespmem:$0x13000] =	vst v63  }
.Ltmp2:
0x9d: {  	(pc) =	sbr.rel .LBB2_7-.Ltmp2, $4  }
0x9e: {  	_ = 	snop  }
0x9f: {  	_ =	swait.ge [sflag:s13], $0x6400  }
0xa0: {  	[sflag:s13] =	ssyncset.done $0x0  }
0xa1: {  	[sflag:s13] =	ssyncadd.s32 $0xFFFF9C00  }
.LBB2_6:
0xa2: {  	s20 =	smul.u32 $0xC80, s18;
	_ =	sdelay $0x1  }
0xa3: {  	s20 =	sshra.s32 s20, $0x2  }
.Ltmp3:
0xa4: {  	s20 =	sadd.s32 $0x320, s20;
	(pc) =	sbr.rel @p0 .LBB2_8-.Ltmp3, $4  }
0xa5: {  	[tilespmem:s9], [sflag:$0x1] =	stream.indirect.gather [hbm4b:s3+s8], $0x40, s20, s8, $0xb8;
	[tilespmem:$0x13000] =	vst v63  }
0xa6: {  	_ =	swait.ge [sflag:s13], $0x6400  }
0xa7: {  	[sflag:s13] =	ssyncset.done $0x0  }
0xa8: {  	[sflag:s13] =	ssyncadd.s32 $0xFFFF9C00  }
.LBB2_7:
0xa9: {  	_ =	swait.ge [sflag:s14], $0x200  }
0xaa: {  	[sflag:s14] =	ssyncset.done $0x0  }
0xab: {  	[sflag:s14] =	ssyncadd.s32 $0xFFFFFE00  }
.LBB2_8:
0xac: {  	s22 =	simm.s32 $0x0  }
0xad: {  	v0 =	vld [tilespmem:s22+$0x11FB0]  }
0xae: {  	v2 =	vld [tilespmem:s22+$0xC800]  }
0xaf: {  	v3 =	vld [tilespmem:s22+$0xC810]  }
0xb0: {  	v4 =	vld [tilespmem:s22+$0xC820]  }
0xb1: {  	v5 =	vld [tilespmem:s22+$0xC830]  }
0xb2: {  	v6 =	vld [tilespmem:s22+$0xD480]  }
0xb3: {  	v7 =	vld [tilespmem:s22+$0xD490]  }
0xb4: {  	v8 =	vld [tilespmem:s22+$0xD4A0]  }
0xb5: {  	v9 =	vld [tilespmem:s22+$0xD4B0]  }
0xb6: {  	v10 =	vld [tilespmem:s22+$0xE100]  }
0xb7: {  	v11 =	vld [tilespmem:s22+$0xE110]  }
0xb8: {  	v12 =	vld [tilespmem:s22+$0xE120]  }
0xb9: {  	v13 =	vld [tilespmem:s22+$0xE130]  }
0xba: {  	v14 =	vld [tilespmem:s22+$0xED80]  }
0xbb: {  	v15 =	vld [tilespmem:s22+$0xED90]  }
0xbc: {  	v16 =	vld [tilespmem:s22+$0xEDA0]  }
0xbd: {  	v32 =	vld [tilespmem:s22+$0xEDB0]  }
0xbe: {  	v1 =	vimm.f32 $0.0e+00;
	v33 =	vld [tilespmem:s22+$0xFA00]  }
0xbf: {  	v34 =	vld [tilespmem:s22+$0xFA10];
	v0 =	vadd.f32 v0, v1  }
0xc0: {  	v36 =	vld [tilespmem:s22+$0x11310];
	v31 =	vadd.f32 v2, v1;
	v29 =	vadd.f32 v3, v1  }
0xc1: {  	v2 =	vld [tilespmem:s22+$0xFA20];
	v30 =	vadd.f32 v4, v1;
	v27 =	vadd.f32 v5, v1  }
0xc2: {  	v3 =	vld [tilespmem:s22+$0xFA30];
	v28 =	vadd.f32 v6, v1;
	v25 =	vadd.f32 v7, v1  }
0xc3: {  	v4 =	vld [tilespmem:s22+$0x10680];
	v26 =	vadd.f32 v8, v1;
	v23 =	vadd.f32 v9, v1  }
0xc4: {  	v5 =	vld [tilespmem:s22+$0x10690];
	v24 =	vadd.f32 v10, v1;
	v21 =	vadd.f32 v11, v1  }
0xc5: {  	v6 =	vld [tilespmem:s22+$0x106A0];
	v22 =	vadd.f32 v12, v1;
	v19 =	vadd.f32 v13, v1  }
0xc6: {  	v7 =	vld [tilespmem:s22+$0x106B0];
	v20 =	vadd.f32 v14, v1;
	v17 =	vadd.f32 v15, v1  }
0xc7: {  	v8 =	vld [tilespmem:s22+$0x11300];
	v18 =	vadd.f32 v16, v1;
	v15 =	vadd.f32 v32, v1  }
0xc8: {  	v16 =	vadd.f32 v33, v1;
	v14 =	vadd.f32 v34, v1  }
0xc9: {  	v33 =	vld [tilespmem:s22+$0x11320];
	v13 =	vadd.f32 v2, v1;
	v11 =	vadd.f32 v3, v1  }
0xca: {  	v34 =	vld [tilespmem:s22+$0x11330];
	v12 =	vadd.f32 v4, v1;
	v9 =	vadd.f32 v5, v1  }
0xcb: {  	v35 =	vld [tilespmem:s22+$0x11F80];
	v10 =	vadd.f32 v6, v1;
	v7 =	vadd.f32 v7, v1  }
0xcc: {  	v32 =	vld [tilespmem:s22+$0x11F90];
	v5 =	vadd.f32 v8, v1;
	v3 =	vadd.f32 v36, v1;
	v6 =	vimm.f32 $0.0e+00  }
0xcd: {  	s20 =	simm.s32 $0x40;
	s21 =	simm.s32 $0x200;
	v36 =	vld [tilespmem:s22+$0x11FA0];
	v8 =	vimm.f32 $0.0e+00;
	v4 =	vimm.f32 $0.0e+00;
	v2 =	vimm.f32 $0.0e+00  }
.LBB2_9:
0xce: {  	p0 =	sne.s32 s21, $0x3100;
	v37 =	vld [tilespmem:s20+$0x11FB0];
	v1 =	vadd.f32 v33, v1  }
0xcf: {  	v33 =	vld [tilespmem:s20+$0xC800];
	v6 =	vadd.f32 v34, v6  }
0xd0: {  	v34 =	vld [tilespmem:s20+$0xC810];
	v8 =	vadd.f32 v35, v8  }
0xd1: {  	v35 =	vld [tilespmem:s20+$0xC820];
	v4 =	vadd.f32 v32, v4  }
0xd2: {  	v32 =	vld [tilespmem:s20+$0xC830];
	v2 =	vadd.f32 v36, v2  }
0xd3: {  	v36 =	vld [tilespmem:s20+$0xD480];
	v0 =	vadd.f32 v37, v0  }
0xd4: {  	v31 =	vadd.f32 v33, v31;
	v33 =	vld [tilespmem:s20+$0xD490]  }
0xd5: {  	v29 =	vadd.f32 v34, v29;
	v34 =	vld [tilespmem:s20+$0xD4A0]  }
0xd6: {  	v30 =	vadd.f32 v35, v30;
	v35 =	vld [tilespmem:s20+$0xD4B0]  }
0xd7: {  	v27 =	vadd.f32 v32, v27;
	v32 =	vld [tilespmem:s20+$0xE100]  }
0xd8: {  	v28 =	vadd.f32 v36, v28;
	v36 =	vld [tilespmem:s20+$0xE110]  }
0xd9: {  	v25 =	vadd.f32 v33, v25;
	v33 =	vld [tilespmem:s20+$0xE120]  }
0xda: {  	v26 =	vadd.f32 v34, v26;
	v34 =	vld [tilespmem:s20+$0xE130]  }
0xdb: {  	v23 =	vadd.f32 v35, v23;
	v35 =	vld [tilespmem:s20+$0xED80]  }
0xdc: {  	v24 =	vadd.f32 v32, v24;
	v32 =	vld [tilespmem:s20+$0xED90]  }
0xdd: {  	v21 =	vadd.f32 v36, v21;
	v36 =	vld [tilespmem:s20+$0xEDA0]  }
0xde: {  	v22 =	vadd.f32 v33, v22;
	v33 =	vld [tilespmem:s20+$0xEDB0]  }
0xdf: {  	v19 =	vadd.f32 v34, v19;
	v34 =	vld [tilespmem:s20+$0xFA00]  }
0xe0: {  	v20 =	vadd.f32 v35, v20;
	v35 =	vld [tilespmem:s20+$0xFA10]  }
0xe1: {  	v17 =	vadd.f32 v32, v17;
	v32 =	vld [tilespmem:s20+$0xFA20]  }
0xe2: {  	v18 =	vadd.f32 v36, v18;
	v36 =	vld [tilespmem:s20+$0xFA30]  }
0xe3: {  	v15 =	vadd.f32 v33, v15;
	v33 =	vld [tilespmem:s20+$0x10680]  }
0xe4: {  	v16 =	vadd.f32 v34, v16;
	v34 =	vld [tilespmem:s20+$0x10690]  }
0xe5: {  	v14 =	vadd.f32 v35, v14;
	v35 =	vld [tilespmem:s20+$0x106A0]  }
0xe6: {  	v13 =	vadd.f32 v32, v13;
	v32 =	vld [tilespmem:s20+$0x106B0]  }
0xe7: {  	v11 =	vadd.f32 v36, v11;
	v36 =	vld [tilespmem:s20+$0x11300]  }
0xe8: {  	v12 =	vadd.f32 v33, v12;
	v37 =	vld [tilespmem:s20+$0x11310]  }
.Ltmp4:
0xe9: {  	v9 =	vadd.f32 v34, v9;
	v33 =	vld [tilespmem:s20+$0x11320];
	(pc) =	sbr.rel @p0 .LBB2_9-.Ltmp4, $4  }
0xea: {  	v10 =	vadd.f32 v35, v10;
	v34 =	vld [tilespmem:s20+$0x11330]  }
0xeb: {  	v7 =	vadd.f32 v32, v7;
	v35 =	vld [tilespmem:s20+$0x11F80]  }
0xec: {  	v5 =	vadd.f32 v36, v5;
	v32 =	vld [tilespmem:s20+$0x11F90]  }
0xed: {  	v3 =	vadd.f32 v37, v3;
	v36 =	vld [tilespmem:s20+$0x11FA0];
	s20 =	sshra.s32 s21, $0x2;
	s21 =	sadd.s32 $0x100, s21  }
0xee: {  	v37 =	vld [tilespmem:s20+$0x11FB0]  }
0xef: {  	v38 =	vld [tilespmem:s20+$0xC800]  }
0xf0: {  	v39 =	vld [tilespmem:s20+$0xC810]  }
0xf1: {  	v40 =	vld [tilespmem:s20+$0xC820]  }
0xf2: {  	v41 =	vld [tilespmem:s20+$0xC830]  }
0xf3: {  	v42 =	vld [tilespmem:s20+$0xD480]  }
0xf4: {  	v43 =	vld [tilespmem:s20+$0xD490]  }
0xf5: {  	v44 =	vld [tilespmem:s20+$0xD4A0]  }
0xf6: {  	v45 =	vld [tilespmem:s20+$0xD4B0]  }
0xf7: {  	v46 =	vld [tilespmem:s20+$0xE100]  }
0xf8: {  	v47 =	vld [tilespmem:s20+$0xE110]  }
0xf9: {  	v48 =	vld [tilespmem:s20+$0xE120]  }
0xfa: {  	v49 =	vld [tilespmem:s20+$0xE130]  }
0xfb: {  	v50 =	vld [tilespmem:s20+$0xED80]  }
0xfc: {  	v51 =	vld [tilespmem:s20+$0xED90]  }
0xfd: {  	v52 =	vld [tilespmem:s20+$0xEDA0]  }
0xfe: {  	v53 =	vld [tilespmem:s20+$0xEDB0]  }
0xff: {  	v54 =	vld [tilespmem:s20+$0xFA00]  }
0x100: {  	v55 =	vld [tilespmem:s20+$0xFA10]  }
0x101: {  	v56 =	vld [tilespmem:s20+$0xFA20]  }
0x102: {  	[tilespmem:$0x1FFB0] =	vst v37;
	v37 =	vld [tilespmem:s20+$0x11320]  }
0x103: {  	v57 =	vld [tilespmem:s20+$0xFA30]  }
0x104: {  	v58 =	vld [tilespmem:s20+$0x10680]  }
0x105: {  	v59 =	vld [tilespmem:s20+$0x10690]  }
0x106: {  	v60 =	vld [tilespmem:s20+$0x106A0]  }
0x107: {  	[tilespmem:$0x1FF80] =	vst v37;
	v37 =	vld [tilespmem:s20+$0x11330]  }
0x108: {  	v61 =	vld [tilespmem:s20+$0x106B0]  }
0x109: {  	v62 =	vld [tilespmem:s20+$0x11300]  }
0x10a: {  	v63 =	vld [tilespmem:s20+$0x11310]  }
0x10b: {  	v31 =	vadd.f32 v38, v31;
	v38 =	vld [tilespmem:s20+$0x11F90]  }
0x10c: {  	v29 =	vadd.f32 v39, v29;
	v39 =	vld [tilespmem:s20+$0x11FA0];
	[tilespmem:$0x1FF90] =	vst v37  }
0x10d: {  	v30 =	vadd.f32 v40, v30;
	v37 =	vld [tilespmem:s20+$0x11F80];
	[tilespmem:$0x12E00] =	vst v31  }
0x10e: {  	v27 =	vadd.f32 v41, v27;
	[tilespmem:$0x12E10] =	vst v29  }
0x10f: {  	v28 =	vadd.f32 v42, v28;
	[tilespmem:$0x12E20] =	vst v30  }
0x110: {  	v25 =	vadd.f32 v43, v25;
	[tilespmem:$0x12E30] =	vst v27  }
0x111: {  	v26 =	vadd.f32 v44, v26;
	[tilespmem:$0x12E40] =	vst v28  }
0x112: {  	v23 =	vadd.f32 v45, v23;
	[tilespmem:$0x12E50] =	vst v25  }
0x113: {  	v24 =	vadd.f32 v46, v24;
	[tilespmem:$0x12E60] =	vst v26  }
0x114: {  	v21 =	vadd.f32 v47, v21;
	[tilespmem:$0x12E70] =	vst v23  }
0x115: {  	v22 =	vadd.f32 v48, v22;
	[tilespmem:$0x12E80] =	vst v24  }
0x116: {  	v19 =	vadd.f32 v49, v19;
	[tilespmem:$0x12E90] =	vst v21  }
0x117: {  	v20 =	vadd.f32 v50, v20;
	[tilespmem:$0x12EA0] =	vst v22  }
0x118: {  	v17 =	vadd.f32 v51, v17;
	[tilespmem:$0x12EB0] =	vst v19  }
0x119: {  	v18 =	vadd.f32 v52, v18;
	[tilespmem:$0x12EC0] =	vst v20  }
0x11a: {  	v15 =	vadd.f32 v53, v15;
	[tilespmem:$0x12ED0] =	vst v17  }
0x11b: {  	v16 =	vadd.f32 v54, v16;
	[tilespmem:$0x12EE0] =	vst v18  }
0x11c: {  	v14 =	vadd.f32 v55, v14;
	[tilespmem:$0x12EF0] =	vst v15  }
0x11d: {  	v13 =	vadd.f32 v56, v13;
	[tilespmem:$0x12F00] =	vst v16  }
0x11e: {  	v11 =	vadd.f32 v57, v11;
	[tilespmem:$0x12F10] =	vst v14  }
0x11f: {  	v12 =	vadd.f32 v58, v12;
	[tilespmem:$0x12F20] =	vst v13  }
0x120: {  	v9 =	vadd.f32 v59, v9;
	[tilespmem:$0x12F30] =	vst v11  }
0x121: {  	v10 =	vadd.f32 v60, v10;
	[tilespmem:$0x12F40] =	vst v12  }
0x122: {  	v7 =	vadd.f32 v61, v7;
	[tilespmem:$0x12F50] =	vst v9  }
0x123: {  	v3 =	vadd.f32 v63, v3;
	v63 =	vld [tilespmem:$0x1FFB0];
	[tilespmem:$0x12F60] =	vst v10  }
0x124: {  	v4 =	vadd.f32 v32, v4;
	v5 =	vadd.f32 v62, v5;
	v59 =	vld [tilespmem:$0x1FF80];
	[tilespmem:$0x12F70] =	vst v7  }
0x125: {  	v2 =	vadd.f32 v36, v2;
	v60 =	vld [tilespmem:$0x1FF90];
	[tilespmem:$0x1FFA0] =	vst v37  }
0x126: {  	v62 =	vadd.f32 v38, v4;
	[tilespmem:$0x12F80] =	vst v5;
	v61 =	vld [tilespmem:$0x1FFA0]  }
0x127: {  	v1 =	vadd.f32 v33, v1;
	v2 =	vadd.f32 v39, v2;
	[tilespmem:$0x12F90] =	vst v3  }
0x128: {  	s18 =	sadd.s32 $0x1, s18;
	v6 =	vadd.f32 v34, v6;
	v0 =	vadd.f32 v63, v0;
	[tilespmem:$0x12FD0] =	vst v62  }
0x129: {  	p0 =	sne.s32 s18, $0x20;
	v58 =	vadd.f32 v35, v8;
	[tilespmem:$0x12FE0] =	vst v2;
	v1 =	vadd.f32 v59, v1  }
.Ltmp5:
0x12a: {  	[tilespmem:$0x12FF0] =	vst v0;
	v5 =	vadd.f32 v60, v6;
	(pc) =	sbr.rel @p0 .LBB2_2-.Ltmp5, $4  }
0x12b: {  	[tilespmem:$0x12FA0] =	vst v1;
	v3 =	vadd.f32 v61, v58  }
0x12c: {  	s19 =	sshll.u32 s19, $0x6;
	[tilespmem:$0x12FB0] =	vst v5  }
0x12d: {  	s19 =	sadd.s32 s19, s5;
	[tilespmem:$0x12FC0] =	vst v3  }
0x12e: {  	[hbm4b:s19+s2] =	stream.linear.scatter [tilespmem:s15], [sflag:$0x4], $0x200, $0x38;
	[tilespmem:$0x13000] =	vst v63  }
0x12f: {  	s17 =	sadd.s32 $0x1, s17  }
0x130: {  	_ =	swait.ge [sflag:s16], $0x200;
	p0 =	sne.s32 s17, s6  }
.Ltmp6:
0x131: {  	[sflag:s16] =	ssyncset.done $0x0;
	(pc) =	sbr.rel @p0 .LBB2_1-.Ltmp6, $4  }
0x132: {  	[sflag:s16] =	ssyncadd.s32 $0xFFFFFE00  }
0x133: {  	_ =	swait.ge [sflag:s14], $0x200  }
0x134: {  	[sflag:s14] =	ssyncset.done $0x0  }
0x135: {  	[sflag:s14] =	ssyncadd.s32 $0xFFFFFE00  }
0x136: {  	_ =	sfence.sel $0x180000  }
0x137: {  	[bflag:$0x0] =	sbarrier.arrive $0xFFFF  }
0x138: {  	p0 =	sne.s32 s0, $0x0;
	_ =	strace $0x9000004A  }
0x139: {  	s0 =	sadd.s32 @!p0 $0x100000, s1;
	[bflag:$0x2] =	sbarrier.arrive $0xFFFF  }
0x13a: {  	[sflag:s0] =	ssyncadd.tile.s32 @!p0 $0x1;
	_ =	shalt  }
.Lfunc_end2:
_tile_overlayer_lowered:
.L_overlay_start_2:
0x13b: {  	(tag) =	ssettag $0x2  }
0x13c: {  	s0 =	rddreg [dreg:$0x0];
	s2 =	stileid.u32  }
0x13d: {  	s1 =	rddreg [dreg:$0x1];
	p0 =	sne.s32 s2, $0x0  }
0x13e: {  	s3 =	rddreg [dreg:$0x2];
	[bflag:$0x3] =	sbarrier.arrive $0xFFFF;
	s2 =	simm.s32 @!p0 $0x1C05  }
0x13f: {  	[timem:s3], [sflag:s2] =	dma.local @!p0 [hbm:s0], s1  }
0x140: {  	s0 =	simm.s32 @!p0 $0x5  }
0x141: {  	_ =	swait.ge @!p0 [sflag:s0], s1  }
0x142: {  	s1 =	ssub.s32 @!p0 $0x0, s1;
	[sflag:s0] =	ssyncset.done @!p0 $0x0  }
0x143: {  	[sflag:s0] =	ssyncadd.s32 @!p0 s1  }
0x144: {  	[bflag:$0x3] =	sbarrier.arrive $0xFFFF  }
0x145: {  	_ =	shalt  }

</sc_bundles>
